<compile_context>
chip_gen: v7x
topology: tpu7x:2x2x1
jax: 0.10.2.dev20260603
libtpu: 0.0.44.dev20260713+nightly
codegen_flags: <defaults>
</compile_context>

<pallas_src>
import functools

import jax
import jax.numpy as jnp
import numpy as np
from jax import lax
from jax.experimental import pallas as pl
from jax.experimental.pallas import tpu as pltpu
from jax.experimental.pallas import tpu_sc as plsc

N = 10000
E = 320000
D = 128
H = 8
F1 = 8
HF = H * F1
C = 16

NC = 2
NS = 16
NW = NC * NS
EW = E // NW
CB1 = 400
CB2 = 1000
NCH1 = EW // CB1
NCH2 = EW // CB2
ZT = 10
ZR = N // ZT

_f32 = jnp.float32
_i32 = jnp.int32



def _dense1_body(x_ref, w1_ref, a1_ref, hcat_ref, acr_ref):
  h = jnp.dot(x_ref[...], w1_ref[...], preferred_element_type=_f32)
  ac = jnp.dot(h, a1_ref[...], preferred_element_type=_f32)
  hcat_ref[...] = jnp.concatenate([h, ac], axis=1)
  acr_ref[...] = jnp.concatenate([ac[:, 8:], ac[:, :8]], axis=1)


RB = 2000


def _dense2_body(p_ref, w2_ref, h2_ref):
  psum = p_ref[0] + p_ref[1]
  den8 = psum[:, HF:HF + 8]
  inv8 = 1.0 / (den8 + 1e-16)
  inv64 = jnp.concatenate(
      [jnp.broadcast_to(inv8[:, j:j + 1], (RB, F1)) for j in range(H)], axis=1)
  o = psum[:, :HF] * inv64
  he = jnp.where(o > 0, o, jnp.exp(o) - 1.0)
  h2_ref[...] = jnp.dot(he, w2_ref[...], preferred_element_type=_f32)


def _logit2_body(h2_ref, a2s_ref, a2d_ref, as_ref, ad_ref):
  h2 = h2_ref[...]
  as_ref[...] = jnp.dot(h2, a2s_ref[...], preferred_element_type=_f32).reshape(1, N)
  ad_ref[...] = jnp.dot(h2, a2d_ref[...], preferred_element_type=_f32).reshape(1, N)


def _final_body(p_ref, d_ref, out_ref):
  den = (d_ref[0] + d_ref[1]).reshape(N, 1)
  o = (p_ref[0] + p_ref[1]) / (den + 1e-16)
  y = jnp.where(o > 0, o, jnp.exp(o) - 1.0)
  m = jnp.max(y, axis=1, keepdims=True)
  sm = jnp.sum(jnp.exp(y - m), axis=1, keepdims=True)
  out_ref[...] = y - (m + jnp.log(sm))



def _wid_base():
  cid = lax.axis_index("c")
  sid = lax.axis_index("s")
  wid = sid * NC + cid
  return cid, sid, wid * EW


def _zero_shared(sid, z_hbm, shared_ref):
  @pl.when(sid < ZT)
  def _():
    r0 = sid * ZR
    pltpu.sync_copy(z_hbm.at[pl.ds(r0, ZR)], shared_ref.at[pl.ds(r0, ZR)])


def _dump_shared(cid, sid, shared_ref, out_hbm):
  @pl.when(sid < ZT)
  def _():
    r0 = sid * ZR
    pltpu.sync_copy(shared_ref.at[pl.ds(r0, ZR)], out_hbm.at[cid, pl.ds(r0, ZR)])


def _l1_body(se, de, hcat, acr, z80, outp,
             sidx, didx, gd, hrows, semg, semo, out_s):
  cid, sid, base = _wid_base()
  _zero_shared(sid, z80, out_s)
  plsc.subcore_barrier()

  def loads(g, k):
    cb = base + g * CB1
    pltpu.sync_copy(se.at[pl.ds(cb, CB1)], sidx.at[k])
    pltpu.sync_copy(de.at[pl.ds(cb, CB1)], didx.at[k])
    pltpu.make_async_copy(acr.at[didx.at[k]], gd.at[k], semg.at[k]).start()
    pltpu.make_async_copy(hcat.at[sidx.at[k]], hrows.at[k], semg.at[k]).start()

  def out_wait(k):
    pltpu.make_async_copy(hrows.at[k], out_s.at[pl.ds(0, CB1)], semo.at[k]).wait()

  def half(g, k):
    ng = g + 1

    @pl.when(ng < NCH1)
    def _():
      @pl.when(ng >= 2)
      def _():
        out_wait(k ^ 1)
      loads(ng, k ^ 1)

    @pl.when(g < NCH1)
    def _():
      pltpu.make_async_copy(acr.at[didx.at[k]], gd.at[k], semg.at[k]).wait()
      pltpu.make_async_copy(hcat.at[sidx.at[k]], hrows.at[k], semg.at[k]).wait()

      half_lane = jnp.where(lax.iota(_i32, 16) >= 8, 1, 0)

      def edge(b, carry):
        t = hrows[k, b, pl.ds(HF, 16)] + gd[k, b]
        w = jnp.exp(jnp.maximum(t, 0.2 * t))
        hrows[k, b, pl.ds(HF, 16)] = w
        for j in range(4):
          hv = hrows[k, b, pl.ds(16 * j, 16)]
          aexp = jnp.take_along_axis(w, half_lane + 2 * j, axis=0,
                                     mode="promise_in_bounds")
          hrows[k, b, pl.ds(16 * j, 16)] = hv * aexp
        return carry

      lax.fori_loop(0, CB1, edge, 0, unroll=4)
      pltpu.make_async_copy(hrows.at[k], out_s.at[didx.at[k]], semo.at[k]).start(add=True)

  loads(0, 0)

  def pair(i, _):
    half(2 * i, 0)
    half(2 * i + 1, 1)
    return 0

  lax.fori_loop(0, (NCH1 + 1) // 2, pair, 0)

  @pl.when(NCH1 >= 2)
  def _():
    out_wait((NCH1 - 2) % 2)
  out_wait((NCH1 - 1) % 2)

  plsc.subcore_barrier()
  _dump_shared(cid, sid, out_s, outp)


def _l2_body(se, de, a2s, a2d, h2, z1, z16, den2p, outp,
             asrc_t, adst_t, sidx, didx, hrows, wtmp, semg, semo, den2_s, out2_s):
  cid, sid, base = _wid_base()
  pltpu.sync_copy(a2s.at[0], asrc_t)
  pltpu.sync_copy(a2d.at[0], adst_t)
  _zero_shared(sid, z1, den2_s)
  _zero_shared(sid, z16, out2_s)
  plsc.subcore_barrier()

  def loads(g, k):
    cb = base + g * CB2
    pltpu.sync_copy(se.at[pl.ds(cb, CB2)], sidx.at[k])
    pltpu.sync_copy(de.at[pl.ds(cb, CB2)], didx.at[k])
    pltpu.make_async_copy(h2.at[sidx.at[k]], hrows.at[k], semg.at[k]).start()

  def out_wait(k):
    pltpu.make_async_copy(wtmp.at[k], den2_s.at[pl.ds(0, CB2)], semo.at[k]).wait()
    pltpu.make_async_copy(hrows.at[k], out2_s.at[pl.ds(0, CB2)], semo.at[k]).wait()

  def half(g, k):
    ng = g + 1

    @pl.when(ng < NCH2)
    def _():
      @pl.when(ng >= 2)
      def _():
        out_wait(k ^ 1)
      loads(ng, k ^ 1)

    @pl.when(g < NCH2)
    def _():
      pltpu.make_async_copy(h2.at[sidx.at[k]], hrows.at[k], semg.at[k]).wait()

      zv = jnp.where(lax.iota(_i32, 16) >= 16, 1, 0)

      def grp(kk, carry):
        sv = sidx[k, pl.ds(kk * 16, 16)]
        dv = didx[k, pl.ds(kk * 16, 16)]
        av = plsc.load_gather(asrc_t, [sv])
        bv = plsc.load_gather(adst_t, [dv])
        t = av + bv
        w2 = jnp.exp(jnp.maximum(t, 0.2 * t))
        wtmp[k, pl.ds(kk * 16, 16)] = w2
        for j in range(16):
          b = kk * 16 + j
          aj = jnp.take_along_axis(w2, zv + j, axis=0,
                                   mode="promise_in_bounds")
          hrows[k, b] = hrows[k, b] * aj
        return carry

      lax.fori_loop(0, CB2 // 16, grp, 0)
      pltpu.make_async_copy(wtmp.at[k], den2_s.at[didx.at[k]], semo.at[k]).start(add=True)
      pltpu.make_async_copy(hrows.at[k], out2_s.at[didx.at[k]], semo.at[k]).start(add=True)

  loads(0, 0)

  def pair(i, _):
    half(2 * i, 0)
    half(2 * i + 1, 1)
    return 0

  lax.fori_loop(0, (NCH2 + 1) // 2, pair, 0)

  @pl.when(NCH2 >= 2)
  def _():
    out_wait((NCH2 - 2) % 2)
  out_wait((NCH2 - 1) % 2)

  plsc.subcore_barrier()
  _dump_shared(cid, sid, den2_s, den2p)
  _dump_shared(cid, sid, out2_s, outp)



@jax.jit
def _run(x, src_e, dst_e, W1, A1, W2, a2sv, a2dv):
  mesh = plsc.VectorSubcoreMesh(core_axis_name="c", subcore_axis_name="s")
  sc_params = pltpu.CompilerParams(
      use_tc_tiling_on_sc=False, needs_layout_passes=False)

  hcat, acr = pl.pallas_call(
      _dense1_body,
      out_shape=[
          jax.ShapeDtypeStruct((N, HF + 16), _f32),
          jax.ShapeDtypeStruct((N, 16), _f32),
      ],
  )(x, W1, A1)

  z1 = jnp.zeros((N,), _f32)
  z16 = jnp.zeros((N, 16), _f32)
  z64 = jnp.zeros((N, HF), _f32)

  l1 = functools.partial(
      pl.kernel,
      out_type=[
          jax.ShapeDtypeStruct((NC, N, HF + 16), _f32),
      ],
      mesh=mesh,
      compiler_params=sc_params,
      scratch_types=[
          pltpu.VMEM((2, CB1), _i32),
          pltpu.VMEM((2, CB1), _i32),
          pltpu.VMEM((2, CB1, 16), _f32),
          pltpu.VMEM((2, CB1, HF + 16), _f32),
          pltpu.SemaphoreType.DMA((2,)),
          pltpu.SemaphoreType.DMA((2,)),
          pltpu.VMEM_SHARED((N, HF + 16), _f32),
      ],
  )(_l1_body)
  z80 = jnp.zeros((N, HF + 16), _f32)
  (out1p,) = l1(src_e, dst_e, hcat, acr, z80)

  h2 = pl.pallas_call(
      _dense2_body,
      grid=(N // RB,),
      in_specs=[
          pl.BlockSpec((NC, RB, HF + 16), lambda i: (0, i, 0)),
          pl.BlockSpec((HF, C), lambda i: (0, 0)),
      ],
      out_specs=pl.BlockSpec((RB, C), lambda i: (i, 0)),
      out_shape=jax.ShapeDtypeStruct((N, C), _f32),
  )(out1p, W2)
  a2sr, a2dr = pl.pallas_call(
      _logit2_body,
      out_shape=[
          jax.ShapeDtypeStruct((1, N), _f32),
          jax.ShapeDtypeStruct((1, N), _f32),
      ],
  )(h2, a2sv, a2dv)

  l2 = functools.partial(
      pl.kernel,
      out_type=[
          jax.ShapeDtypeStruct((NC, N), _f32),
          jax.ShapeDtypeStruct((NC, N, C), _f32),
      ],
      mesh=mesh,
      compiler_params=sc_params,
      scratch_types=[
          pltpu.VMEM((N,), _f32),
          pltpu.VMEM((N,), _f32),
          pltpu.VMEM((2, CB2), _i32),
          pltpu.VMEM((2, CB2), _i32),
          pltpu.VMEM((2, CB2, C), _f32),
          pltpu.VMEM((2, CB2), _f32),
          pltpu.SemaphoreType.DMA((2,)),
          pltpu.SemaphoreType.DMA((2,)),
          pltpu.VMEM_SHARED((N,), _f32),
          pltpu.VMEM_SHARED((N, C), _f32),
      ],
  )(_l2_body)
  den2p, out2p = l2(src_e, dst_e, a2sr, a2dr, h2, z1, z16)

  out = pl.pallas_call(
      _final_body,
      out_shape=jax.ShapeDtypeStruct((N, C), _f32),
  )(out2p, den2p)
  return out


def kernel(x, edge_index, W1, a1_src, a1_dst, W2, a2_src, a2_dst):
  mask = np.kron(np.eye(H, dtype=np.float32), np.ones((F1, 1), np.float32))
  A1 = jnp.concatenate(
      [mask * a1_src.reshape(-1)[:, None], mask * a1_dst.reshape(-1)[:, None]],
      axis=1)
  a2sv = a2_src.reshape(C)
  a2dv = a2_dst.reshape(C)
  edge_index = edge_index.astype(jnp.int32)
  return _run(x, edge_index[0], edge_index[1], W1, A1, W2, a2sv, a2dv)

# --- scband reference (transcript-rebuilt; emitter-appended) ---
"""Pipeline reference for scband-gatnet-7928509628646 (READ-ONLY COPY).

The authoritative reference and input builder live on the scoring server;
editing this copy changes nothing except your own understanding.
"""

import jax, jax.numpy as jnp
import numpy as np

N = 10000
E = 320000
D = 128
H = 8
F1 = 8
C = 16


def setup_inputs(seed: int = 0) -> dict:
    key = jax.random.key(seed)
    ks = jax.random.split(key, 8)
    x = jax.random.normal(ks[0], (N, D), dtype=jnp.float32)
    edge_index = jax.random.randint(ks[1], (2, E), 0, N)
    W1 = jax.random.normal(ks[2], (D, H * F1), dtype=jnp.float32) * 0.1
    a1_src = jax.random.normal(ks[3], (H, F1), dtype=jnp.float32) * 0.1
    a1_dst = jax.random.normal(ks[4], (H, F1), dtype=jnp.float32) * 0.1
    W2 = jax.random.normal(ks[5], (H * F1, 1 * C), dtype=jnp.float32) * 0.1
    a2_src = jax.random.normal(ks[6], (1, C), dtype=jnp.float32) * 0.1
    a2_dst = jax.random.normal(ks[7], (1, C), dtype=jnp.float32) * 0.1
    return {"x": x, "edge_index": edge_index, "W1": W1, "a1_src": a1_src,
            "a1_dst": a1_dst, "W2": W2, "a2_src": a2_src, "a2_dst": a2_dst}


def gat_layer(x, edge_index, W, a_src, a_dst, heads, fdim):
    n = x.shape[0]
    h = (x @ W).reshape(n, heads, fdim)
    src = edge_index[0]
    dst = edge_index[1]
    alpha_src = (h * a_src[None, :, :]).sum(-1)  # [N, H]
    alpha_dst = (h * a_dst[None, :, :]).sum(-1)  # [N, H]
    e = jax.nn.leaky_relu(alpha_src[src] + alpha_dst[dst], negative_slope=0.2)  # [E, H]
    m = jax.ops.segment_max(e, dst, num_segments=n)
    m = jnp.where(jnp.isfinite(m), m, 0.0)
    w = jnp.exp(e - jax.lax.stop_gradient(m)[dst])
    den = jax.ops.segment_sum(w, dst, num_segments=n)
    att = w / (den[dst] + 1e-16)  # [E, H]
    msg = h[src] * att[..., None]  # [E, H, F]
    out = jax.ops.segment_sum(msg, dst, num_segments=n)  # [N, H, F]
    return out.reshape(n, heads * fdim)


def reference(x, edge_index, W1, a1_src, a1_dst, W2, a2_src, a2_dst):
    # eval mode: dropout = identity
    h = gat_layer(x, edge_index, W1, a1_src, a1_dst, H, F1)
    h = jax.nn.elu(h)
    h = gat_layer(h, edge_index, W2, a2_src, a2_dst, 1, C)
    h = jax.nn.elu(h)
    return jax.nn.log_softmax(h, axis=1)

if __name__ == "__main__":
    import jax
    _d = setup_inputs()
    print(jax.jit(kernel)(*tuple(_d.values())))

</pallas_src>

<mosaic_0001>
#map = affine_map<(d0, d1) -> (0)>
#map1 = affine_map<(d0, d1) -> (0, 0)>
#map2 = affine_map<(d0, d1) -> (0, 0, 0)>
module attributes {stable_mosaic.version = 14 : i64} {
  func.func @_l1_body(%arg0: i32, %arg1: i32, %arg2: memref<320000xi32, #tpu.memory_space<hbm>>, %arg3: memref<320000xi32, #tpu.memory_space<hbm>>, %arg4: memref<10000x80xf32, #tpu.memory_space<hbm>>, %arg5: memref<10000x16xf32, #tpu.memory_space<hbm>>, %arg6: memref<10000x80xf32, #tpu.memory_space<hbm>>, %arg7: memref<2x10000x80xf32, #tpu.memory_space<hbm>>, %arg8: memref<2x400xi32, #tpu.memory_space<vmem>>, %arg9: memref<2x400xi32, #tpu.memory_space<vmem>>, %arg10: memref<2x400x16xf32, #tpu.memory_space<vmem>>, %arg11: memref<2x400x80xf32, #tpu.memory_space<vmem>>, %arg12: memref<2x!tpu.dma_semaphore, #tpu.memory_space<semaphore_mem>>, %arg13: memref<2x!tpu.dma_semaphore, #tpu.memory_space<semaphore_mem>>, %arg14: memref<10000x80xf32, #tpu.memory_space<vmem_shared>>) attributes {dimension_semantics = [#tpu.dimension_semantics<core_parallel>, #tpu.dimension_semantics<subcore_parallel>], iteration_bounds = array<i64: 2, 16>, scalar_prefetch = 0 : i64, scratch_operands = 7 : i64, tpu.core_type = #tpu.core_type<sc_vector_subcore>, window_params = [{transform_indices = #map}, {transform_indices = #map}, {transform_indices = #map1}, {transform_indices = #map1}, {transform_indices = #map1}, {transform_indices = #map2}]} {
    %mul3A = arith.constant 2 : i32
    %mul3A_0 = arith.muli %arg1, %mul3A : i32
    %add3A = arith.addi %mul3A_0, %arg0 : i32
    %mul3A_1 = arith.constant 10000 : i32
    %mul3A_2 = arith.muli %add3A, %mul3A_1 : i32
    %lt3A = arith.constant 10 : i32
    %lt3A_3 = arith.cmpi slt, %arg1, %lt3A : i32
    %convert_element_type3A = arith.extui %lt3A_3 : i1 to i32
    %cond3A = arith.constant 0 : i32
    %cond3A_4 = arith.cmpi ne, %convert_element_type3A, %cond3A : i32
    scf.if %cond3A_4 {
      %mul3A_84 = arith.constant 1000 : i32
      %mul3A_85 = arith.muli %arg1, %mul3A_84 : i32
      "tpu.region"() ({
        %run_scoped3A_86 = tpu.sem_alloc : memref<!tpu.dma_semaphore, #tpu.memory_space<semaphore_mem>>
        %dma_start3A_87 = arith.constant 0 : i32
        %dma_start3A_88 = tpu.memref_slice %arg14[%mul3A_85, %dma_start3A_87] : memref<10000x80xf32, #tpu.memory_space<vmem_shared>> -> memref<1000x80xf32, #tpu.memory_space<vmem_shared>>
        %dma_start3A_89 = arith.constant 0 : i32
        %dma_start3A_90 = tpu.memref_slice %arg6[%mul3A_85, %dma_start3A_89] : memref<10000x80xf32, #tpu.memory_space<hbm>> -> memref<1000x80xf32, #tpu.memory_space<hbm>>
        tpu.enqueue_dma source(%dma_start3A_90 : memref<1000x80xf32, #tpu.memory_space<hbm>>) target(%dma_start3A_88 : memref<1000x80xf32, #tpu.memory_space<vmem_shared>>) target_semaphore(%run_scoped3A_86 : memref<!tpu.dma_semaphore, #tpu.memory_space<semaphore_mem>>)
        %dma_wait3A_91 = arith.constant 0 : i32
        %dma_wait3A_92 = tpu.memref_slice %arg14[%mul3A_85, %dma_wait3A_91] : memref<10000x80xf32, #tpu.memory_space<vmem_shared>> -> memref<1000x80xf32, #tpu.memory_space<vmem_shared>>
        %dma_wait3A_93 = arith.constant 0 : i32
        %dma_wait3A_94 = tpu.memref_slice %arg6[%mul3A_85, %dma_wait3A_93] : memref<10000x80xf32, #tpu.memory_space<hbm>> -> memref<1000x80xf32, #tpu.memory_space<hbm>>
        tpu.wait_dma2 semaphore(%run_scoped3A_86 : memref<!tpu.dma_semaphore, #tpu.memory_space<semaphore_mem>>) src(%dma_wait3A_94 : memref<1000x80xf32, #tpu.memory_space<hbm>>) dst(%dma_wait3A_92 : memref<1000x80xf32, #tpu.memory_space<vmem_shared>>)
        tpu.yield
      }) : () -> ()
    } else {
    }
    %barrier3A = arith.constant 0 : index
    tpu.barrier barrier_id(%barrier3A)
    %add3A_5 = arith.constant 0 : i32
    %add3A_6 = arith.addi %mul3A_2, %add3A_5 : i32
    %run_scoped3A = arith.constant 0 : i32
    "tpu.region"() ({
      %run_scoped3A_84 = tpu.sem_alloc : memref<!tpu.dma_semaphore, #tpu.memory_space<semaphore_mem>>
      %dma_start3A_85 = arith.constant 0 : i32
      %dma_start3A_86 = tpu.memref_slice %arg8[%run_scoped3A, %dma_start3A_85] : memref<2x400xi32, #tpu.memory_space<vmem>> -> memref<1x400xi32, #tpu.memory_space<vmem>>
      %dma_start3A_87 = tpu.memref_squeeze %dma_start3A_86 : memref<1x400xi32, #tpu.memory_space<vmem>> -> memref<400xi32, #tpu.memory_space<vmem>>
      %dma_start3A_88 = tpu.memref_slice %arg2[%add3A_6] : memref<320000xi32, #tpu.memory_space<hbm>> -> memref<400xi32, #tpu.memory_space<hbm>>
      %dma_start3A_89 = arith.constant 0 : i32
      %dma_start3A_90 = tpu.memref_slice %arg8[%run_scoped3A, %dma_start3A_89] : memref<2x400xi32, #tpu.memory_space<vmem>> -> memref<1x400xi32, #tpu.memory_space<vmem>>
      %dma_start3A_91 = tpu.memref_squeeze %dma_start3A_90 : memref<1x400xi32, #tpu.memory_space<vmem>> -> memref<400xi32, #tpu.memory_space<vmem>>
      %dma_start3A_92 = tpu.memref_slice %arg2[%add3A_6] : memref<320000xi32, #tpu.memory_space<hbm>> -> memref<400xi32, #tpu.memory_space<hbm>>
      tpu.enqueue_dma source(%dma_start3A_92 : memref<400xi32, #tpu.memory_space<hbm>>) target(%dma_start3A_91 : memref<400xi32, #tpu.memory_space<vmem>>) target_semaphore(%run_scoped3A_84 : memref<!tpu.dma_semaphore, #tpu.memory_space<semaphore_mem>>)
      %dma_wait3A_93 = arith.constant 0 : i32
      %dma_wait3A_94 = tpu.memref_slice %arg8[%run_scoped3A, %dma_wait3A_93] : memref<2x400xi32, #tpu.memory_space<vmem>> -> memref<1x400xi32, #tpu.memory_space<vmem>>
      %dma_wait3A_95 = tpu.memref_squeeze %dma_wait3A_94 : memref<1x400xi32, #tpu.memory_space<vmem>> -> memref<400xi32, #tpu.memory_space<vmem>>
      %dma_wait3A_96 = tpu.memref_slice %arg2[%add3A_6] : memref<320000xi32, #tpu.memory_space<hbm>> -> memref<400xi32, #tpu.memory_space<hbm>>
      %dma_wait3A_97 = arith.constant 0 : i32
      %dma_wait3A_98 = tpu.memref_slice %arg8[%run_scoped3A, %dma_wait3A_97] : memref<2x400xi32, #tpu.memory_space<vmem>> -> memref<1x400xi32, #tpu.memory_space<vmem>>
      %dma_wait3A_99 = tpu.memref_squeeze %dma_wait3A_98 : memref<1x400xi32, #tpu.memory_space<vmem>> -> memref<400xi32, #tpu.memory_space<vmem>>
      %dma_wait3A_100 = tpu.memref_slice %arg2[%add3A_6] : memref<320000xi32, #tpu.memory_space<hbm>> -> memref<400xi32, #tpu.memory_space<hbm>>
      tpu.wait_dma2 semaphore(%run_scoped3A_84 : memref<!tpu.dma_semaphore, #tpu.memory_space<semaphore_mem>>) src(%dma_wait3A_100 : memref<400xi32, #tpu.memory_space<hbm>>) dst(%dma_wait3A_99 : memref<400xi32, #tpu.memory_space<vmem>>)
      tpu.yield
    }) : () -> ()
    %run_scoped3A_7 = arith.constant 0 : i32
    "tpu.region"() ({
      %run_scoped3A_84 = tpu.sem_alloc : memref<!tpu.dma_semaphore, #tpu.memory_space<semaphore_mem>>
      %dma_start3A_85 = arith.constant 0 : i32
      %dma_start3A_86 = tpu.memref_slice %arg9[%run_scoped3A_7, %dma_start3A_85] : memref<2x400xi32, #tpu.memory_space<vmem>> -> memref<1x400xi32, #tpu.memory_space<vmem>>
      %dma_start3A_87 = tpu.memref_squeeze %dma_start3A_86 : memref<1x400xi32, #tpu.memory_space<vmem>> -> memref<400xi32, #tpu.memory_space<vmem>>
      %dma_start3A_88 = tpu.memref_slice %arg3[%add3A_6] : memref<320000xi32, #tpu.memory_space<hbm>> -> memref<400xi32, #tpu.memory_space<hbm>>
      %dma_start3A_89 = arith.constant 0 : i32
      %dma_start3A_90 = tpu.memref_slice %arg9[%run_scoped3A_7, %dma_start3A_89] : memref<2x400xi32, #tpu.memory_space<vmem>> -> memref<1x400xi32, #tpu.memory_space<vmem>>
      %dma_start3A_91 = tpu.memref_squeeze %dma_start3A_90 : memref<1x400xi32, #tpu.memory_space<vmem>> -> memref<400xi32, #tpu.memory_space<vmem>>
      %dma_start3A_92 = tpu.memref_slice %arg3[%add3A_6] : memref<320000xi32, #tpu.memory_space<hbm>> -> memref<400xi32, #tpu.memory_space<hbm>>
      tpu.enqueue_dma source(%dma_start3A_92 : memref<400xi32, #tpu.memory_space<hbm>>) target(%dma_start3A_91 : memref<400xi32, #tpu.memory_space<vmem>>) target_semaphore(%run_scoped3A_84 : memref<!tpu.dma_semaphore, #tpu.memory_space<semaphore_mem>>)
      %dma_wait3A_93 = arith.constant 0 : i32
      %dma_wait3A_94 = tpu.memref_slice %arg9[%run_scoped3A_7, %dma_wait3A_93] : memref<2x400xi32, #tpu.memory_space<vmem>> -> memref<1x400xi32, #tpu.memory_space<vmem>>
      %dma_wait3A_95 = tpu.memref_squeeze %dma_wait3A_94 : memref<1x400xi32, #tpu.memory_space<vmem>> -> memref<400xi32, #tpu.memory_space<vmem>>
      %dma_wait3A_96 = tpu.memref_slice %arg3[%add3A_6] : memref<320000xi32, #tpu.memory_space<hbm>> -> memref<400xi32, #tpu.memory_space<hbm>>
      %dma_wait3A_97 = arith.constant 0 : i32
      %dma_wait3A_98 = tpu.memref_slice %arg9[%run_scoped3A_7, %dma_wait3A_97] : memref<2x400xi32, #tpu.memory_space<vmem>> -> memref<1x400xi32, #tpu.memory_space<vmem>>
      %dma_wait3A_99 = tpu.memref_squeeze %dma_wait3A_98 : memref<1x400xi32, #tpu.memory_space<vmem>> -> memref<400xi32, #tpu.memory_space<vmem>>
      %dma_wait3A_100 = tpu.memref_slice %arg3[%add3A_6] : memref<320000xi32, #tpu.memory_space<hbm>> -> memref<400xi32, #tpu.memory_space<hbm>>
      tpu.wait_dma2 semaphore(%run_scoped3A_84 : memref<!tpu.dma_semaphore, #tpu.memory_space<semaphore_mem>>) src(%dma_wait3A_100 : memref<400xi32, #tpu.memory_space<hbm>>) dst(%dma_wait3A_99 : memref<400xi32, #tpu.memory_space<vmem>>)
      tpu.yield
    }) : () -> ()
    %dma_start3A = arith.constant 0 : i32
    %dma_start3A_8 = arith.constant 0 : i32
    %dma_start3A_9 = arith.constant 0 : i32
    %dma_start3A_10 = arith.constant 0 : i32
    %dma_start3A_11 = arith.constant 0 : i32
    %dma_start3A_12 = tpu.memref_slice %arg10[%dma_start3A_8, %dma_start3A_10, %dma_start3A_11] : memref<2x400x16xf32, #tpu.memory_space<vmem>> -> memref<1x400x16xf32, #tpu.memory_space<vmem>>
    %dma_start3A_13 = tpu.memref_squeeze %dma_start3A_12 : memref<1x400x16xf32, #tpu.memory_space<vmem>> -> memref<400x16xf32, #tpu.memory_space<vmem>>
    %dma_start3A_14 = arith.constant 0 : i32
    %dma_start3A_15 = tpu.memref_slice %arg9[%dma_start3A, %dma_start3A_14] : memref<2x400xi32, #tpu.memory_space<vmem>> -> memref<1x400xi32, #tpu.memory_space<vmem>>
    %dma_start3A_16 = tpu.memref_squeeze %dma_start3A_15 : memref<1x400xi32, #tpu.memory_space<vmem>> -> memref<400xi32, #tpu.memory_space<vmem>>
    %dma_start3A_17 = arith.constant 0 : i32
    %dma_start3A_18 = arith.constant 0 : i32
    %dma_start3A_19 = tpu.memref_slice %arg5[%dma_start3A_17, %dma_start3A_18] : memref<10000x16xf32, #tpu.memory_space<hbm>> -> memref<10000x16xf32, #tpu.memory_space<hbm>>
    %dma_start3A_20 = tpu.memref_slice %arg12[%dma_start3A_9] : memref<2x!tpu.dma_semaphore, #tpu.memory_space<semaphore_mem>> -> memref<1x!tpu.dma_semaphore, #tpu.memory_space<semaphore_mem>>
    %dma_start3A_21 = tpu.memref_squeeze %dma_start3A_20 : memref<1x!tpu.dma_semaphore, #tpu.memory_space<semaphore_mem>> -> memref<!tpu.dma_semaphore, #tpu.memory_space<semaphore_mem>>
    tpu.enqueue_indirect_dma source(%dma_start3A_19 : memref<10000x16xf32, #tpu.memory_space<hbm>>) target(%dma_start3A_13 : memref<400x16xf32, #tpu.memory_space<vmem>>) offsets(%dma_start3A_16 : memref<400xi32, #tpu.memory_space<vmem>>) semaphore(%dma_start3A_21 : memref<!tpu.dma_semaphore, #tpu.memory_space<semaphore_mem>>)
    %dma_start3A_22 = arith.constant 0 : i32
    %dma_start3A_23 = arith.constant 0 : i32
    %dma_start3A_24 = arith.constant 0 : i32
    %dma_start3A_25 = arith.constant 0 : i32
    %dma_start3A_26 = arith.constant 0 : i32
    %dma_start3A_27 = tpu.memref_slice %arg11[%dma_start3A_23, %dma_start3A_25, %dma_start3A_26] : memref<2x400x80xf32, #tpu.memory_space<vmem>> -> memref<1x400x80xf32, #tpu.memory_space<vmem>>
    %dma_start3A_28 = tpu.memref_squeeze %dma_start3A_27 : memref<1x400x80xf32, #tpu.memory_space<vmem>> -> memref<400x80xf32, #tpu.memory_space<vmem>>
    %dma_start3A_29 = arith.constant 0 : i32
    %dma_start3A_30 = tpu.memref_slice %arg8[%dma_start3A_22, %dma_start3A_29] : memref<2x400xi32, #tpu.memory_space<vmem>> -> memref<1x400xi32, #tpu.memory_space<vmem>>
    %dma_start3A_31 = tpu.memref_squeeze %dma_start3A_30 : memref<1x400xi32, #tpu.memory_space<vmem>> -> memref<400xi32, #tpu.memory_space<vmem>>
    %dma_start3A_32 = arith.constant 0 : i32
    %dma_start3A_33 = arith.constant 0 : i32
    %dma_start3A_34 = tpu.memref_slice %arg4[%dma_start3A_32, %dma_start3A_33] : memref<10000x80xf32, #tpu.memory_space<hbm>> -> memref<10000x80xf32, #tpu.memory_space<hbm>>
    %dma_start3A_35 = tpu.memref_slice %arg12[%dma_start3A_24] : memref<2x!tpu.dma_semaphore, #tpu.memory_space<semaphore_mem>> -> memref<1x!tpu.dma_semaphore, #tpu.memory_space<semaphore_mem>>
    %dma_start3A_36 = tpu.memref_squeeze %dma_start3A_35 : memref<1x!tpu.dma_semaphore, #tpu.memory_space<semaphore_mem>> -> memref<!tpu.dma_semaphore, #tpu.memory_space<semaphore_mem>>
    tpu.enqueue_indirect_dma source(%dma_start3A_34 : memref<10000x80xf32, #tpu.memory_space<hbm>>) target(%dma_start3A_28 : memref<400x80xf32, #tpu.memory_space<vmem>>) offsets(%dma_start3A_31 : memref<400xi32, #tpu.memory_space<vmem>>) semaphore(%dma_start3A_36 : memref<!tpu.dma_semaphore, #tpu.memory_space<semaphore_mem>>)
    %scan3A = arith.constant 0 : i32
    %scan3A_37 = arith.constant 0 : i32
    %scan3A_38 = arith.constant 13 : i32
    %scan3A_39 = arith.addi %scan3A_37, %scan3A_38 : i32
    %scan3A_40 = arith.constant 1 : i32
    %scan3A_41 = scf.for %scan3A_84 = %scan3A_37 to %scan3A_39 step %scan3A_40 iter_args(%scan3A_85 = %scan3A) -> (i32)  : i32 {
      %mul3A_86 = arith.constant 2 : i32
      %mul3A_87 = arith.muli %mul3A_86, %scan3A_84 : i32
      %add3A_88 = arith.constant 1 : i32
      %add3A_89 = arith.addi %mul3A_87, %add3A_88 : i32
      %lt3A_90 = arith.constant 25 : i32
      %lt3A_91 = arith.cmpi slt, %add3A_89, %lt3A_90 : i32
      %convert_element_type3A_92 = arith.extui %lt3A_91 : i1 to i32
      %cond3A_93 = arith.constant 0 : i32
      %cond3A_94 = arith.cmpi ne, %convert_element_type3A_92, %cond3A_93 : i32
      scf.if %cond3A_94 {
        %ge3A = arith.constant 2 : i32
        %ge3A_117 = arith.cmpi sge, %add3A_89, %ge3A : i32
        %convert_element_type3A_118 = arith.extui %ge3A_117 : i1 to i32
        %cond3A_119 = arith.constant 0 : i32
        %cond3A_120 = arith.cmpi ne, %convert_element_type3A_118, %cond3A_119 : i32
        scf.if %cond3A_120 {
          %dma_wait3A_156 = arith.constant 1 : i32
          %dma_wait3A_157 = arith.constant 1 : i32
          %dma_wait3A_158 = arith.constant 0 : i32
          %dma_wait3A_159 = arith.constant 0 : i32
          %dma_wait3A_160 = tpu.memref_slice %arg11[%dma_wait3A_156, %dma_wait3A_158, %dma_wait3A_159] : memref<2x400x80xf32, #tpu.memory_space<vmem>> -> memref<1x400x80xf32, #tpu.memory_space<vmem>>
          %dma_wait3A_161 = tpu.memref_squeeze %dma_wait3A_160 : memref<1x400x80xf32, #tpu.memory_space<vmem>> -> memref<400x80xf32, #tpu.memory_space<vmem>>
          %dma_wait3A_162 = arith.constant 0 : i32
          %dma_wait3A_163 = arith.constant 0 : i32
          %dma_wait3A_164 = tpu.memref_slice %arg14[%dma_wait3A_162, %dma_wait3A_163] : memref<10000x80xf32, #tpu.memory_space<vmem_shared>> -> memref<400x80xf32, #tpu.memory_space<vmem_shared>>
          %dma_wait3A_165 = tpu.memref_slice %arg13[%dma_wait3A_157] : memref<2x!tpu.dma_semaphore, #tpu.memory_space<semaphore_mem>> -> memref<1x!tpu.dma_semaphore, #tpu.memory_space<semaphore_mem>>
          %dma_wait3A_166 = tpu.memref_squeeze %dma_wait3A_165 : memref<1x!tpu.dma_semaphore, #tpu.memory_space<semaphore_mem>> -> memref<!tpu.dma_semaphore, #tpu.memory_space<semaphore_mem>>
          %dma_wait3A_167 = arith.constant 0 : i32
          %dma_wait3A_168 = arith.constant 0 : i32
          %dma_wait3A_169 = tpu.memref_slice %arg14[%dma_wait3A_167, %dma_wait3A_168] : memref<10000x80xf32, #tpu.memory_space<vmem_shared>> -> memref<400x80xf32, #tpu.memory_space<vmem_shared>>
          %dma_wait3A_170 = arith.constant 0 : i32
          %dma_wait3A_171 = arith.constant 0 : i32
          %dma_wait3A_172 = tpu.memref_slice %arg11[%dma_wait3A_156, %dma_wait3A_170, %dma_wait3A_171] : memref<2x400x80xf32, #tpu.memory_space<vmem>> -> memref<1x400x80xf32, #tpu.memory_space<vmem>>
          %dma_wait3A_173 = tpu.memref_squeeze %dma_wait3A_172 : memref<1x400x80xf32, #tpu.memory_space<vmem>> -> memref<400x80xf32, #tpu.memory_space<vmem>>
          tpu.wait_dma2 semaphore(%dma_wait3A_166 : memref<!tpu.dma_semaphore, #tpu.memory_space<semaphore_mem>>) src(%dma_wait3A_173 : memref<400x80xf32, #tpu.memory_space<vmem>>) dst(%dma_wait3A_169 : memref<400x80xf32, #tpu.memory_space<vmem_shared>>)
        } else {
        }
        %mul3A_121 = arith.constant 400 : i32
        %mul3A_122 = arith.muli %add3A_89, %mul3A_121 : i32
        %add3A_123 = arith.addi %mul3A_2, %mul3A_122 : i32
        %run_scoped3A_124 = arith.constant 1 : i32
        "tpu.region"() ({
          %run_scoped3A_156 = tpu.sem_alloc : memref<!tpu.dma_semaphore, #tpu.memory_space<semaphore_mem>>
          %dma_start3A_157 = arith.constant 0 : i32
          %dma_start3A_158 = tpu.memref_slice %arg8[%run_scoped3A_124, %dma_start3A_157] : memref<2x400xi32, #tpu.memory_space<vmem>> -> memref<1x400xi32, #tpu.memory_space<vmem>>
          %dma_start3A_159 = tpu.memref_squeeze %dma_start3A_158 : memref<1x400xi32, #tpu.memory_space<vmem>> -> memref<400xi32, #tpu.memory_space<vmem>>
          %dma_start3A_160 = tpu.memref_slice %arg2[%add3A_123] : memref<320000xi32, #tpu.memory_space<hbm>> -> memref<400xi32, #tpu.memory_space<hbm>>
          %dma_start3A_161 = arith.constant 0 : i32
          %dma_start3A_162 = tpu.memref_slice %arg8[%run_scoped3A_124, %dma_start3A_161] : memref<2x400xi32, #tpu.memory_space<vmem>> -> memref<1x400xi32, #tpu.memory_space<vmem>>
          %dma_start3A_163 = tpu.memref_squeeze %dma_start3A_162 : memref<1x400xi32, #tpu.memory_space<vmem>> -> memref<400xi32, #tpu.memory_space<vmem>>
          %dma_start3A_164 = tpu.memref_slice %arg2[%add3A_123] : memref<320000xi32, #tpu.memory_space<hbm>> -> memref<400xi32, #tpu.memory_space<hbm>>
          tpu.enqueue_dma source(%dma_start3A_164 : memref<400xi32, #tpu.memory_space<hbm>>) target(%dma_start3A_163 : memref<400xi32, #tpu.memory_space<vmem>>) target_semaphore(%run_scoped3A_156 : memref<!tpu.dma_semaphore, #tpu.memory_space<semaphore_mem>>)
          %dma_wait3A_165 = arith.constant 0 : i32
          %dma_wait3A_166 = tpu.memref_slice %arg8[%run_scoped3A_124, %dma_wait3A_165] : memref<2x400xi32, #tpu.memory_space<vmem>> -> memref<1x400xi32, #tpu.memory_space<vmem>>
          %dma_wait3A_167 = tpu.memref_squeeze %dma_wait3A_166 : memref<1x400xi32, #tpu.memory_space<vmem>> -> memref<400xi32, #tpu.memory_space<vmem>>
          %dma_wait3A_168 = tpu.memref_slice %arg2[%add3A_123] : memref<320000xi32, #tpu.memory_space<hbm>> -> memref<400xi32, #tpu.memory_space<hbm>>
          %dma_wait3A_169 = arith.constant 0 : i32
          %dma_wait3A_170 = tpu.memref_slice %arg8[%run_scoped3A_124, %dma_wait3A_169] : memref<2x400xi32, #tpu.memory_space<vmem>> -> memref<1x400xi32, #tpu.memory_space<vmem>>
          %dma_wait3A_171 = tpu.memref_squeeze %dma_wait3A_170 : memref<1x400xi32, #tpu.memory_space<vmem>> -> memref<400xi32, #tpu.memory_space<vmem>>
          %dma_wait3A_172 = tpu.memref_slice %arg2[%add3A_123] : memref<320000xi32, #tpu.memory_space<hbm>> -> memref<400xi32, #tpu.memory_space<hbm>>
          tpu.wait_dma2 semaphore(%run_scoped3A_156 : memref<!tpu.dma_semaphore, #tpu.memory_space<semaphore_mem>>) src(%dma_wait3A_172 : memref<400xi32, #tpu.memory_space<hbm>>) dst(%dma_wait3A_171 : memref<400xi32, #tpu.memory_space<vmem>>)
          tpu.yield
        }) : () -> ()
        %run_scoped3A_125 = arith.constant 1 : i32
        "tpu.region"() ({
          %run_scoped3A_156 = tpu.sem_alloc : memref<!tpu.dma_semaphore, #tpu.memory_space<semaphore_mem>>
          %dma_start3A_157 = arith.constant 0 : i32
          %dma_start3A_158 = tpu.memref_slice %arg9[%run_scoped3A_125, %dma_start3A_157] : memref<2x400xi32, #tpu.memory_space<vmem>> -> memref<1x400xi32, #tpu.memory_space<vmem>>
          %dma_start3A_159 = tpu.memref_squeeze %dma_start3A_158 : memref<1x400xi32, #tpu.memory_space<vmem>> -> memref<400xi32, #tpu.memory_space<vmem>>
          %dma_start3A_160 = tpu.memref_slice %arg3[%add3A_123] : memref<320000xi32, #tpu.memory_space<hbm>> -> memref<400xi32, #tpu.memory_space<hbm>>
          %dma_start3A_161 = arith.constant 0 : i32
          %dma_start3A_162 = tpu.memref_slice %arg9[%run_scoped3A_125, %dma_start3A_161] : memref<2x400xi32, #tpu.memory_space<vmem>> -> memref<1x400xi32, #tpu.memory_space<vmem>>
          %dma_start3A_163 = tpu.memref_squeeze %dma_start3A_162 : memref<1x400xi32, #tpu.memory_space<vmem>> -> memref<400xi32, #tpu.memory_space<vmem>>
          %dma_start3A_164 = tpu.memref_slice %arg3[%add3A_123] : memref<320000xi32, #tpu.memory_space<hbm>> -> memref<400xi32, #tpu.memory_space<hbm>>
          tpu.enqueue_dma source(%dma_start3A_164 : memref<400xi32, #tpu.memory_space<hbm>>) target(%dma_start3A_163 : memref<400xi32, #tpu.memory_space<vmem>>) target_semaphore(%run_scoped3A_156 : memref<!tpu.dma_semaphore, #tpu.memory_space<semaphore_mem>>)
          %dma_wait3A_165 = arith.constant 0 : i32
          %dma_wait3A_166 = tpu.memref_slice %arg9[%run_scoped3A_125, %dma_wait3A_165] : memref<2x400xi32, #tpu.memory_space<vmem>> -> memref<1x400xi32, #tpu.memory_space<vmem>>
          %dma_wait3A_167 = tpu.memref_squeeze %dma_wait3A_166 : memref<1x400xi32, #tpu.memory_space<vmem>> -> memref<400xi32, #tpu.memory_space<vmem>>
          %dma_wait3A_168 = tpu.memref_slice %arg3[%add3A_123] : memref<320000xi32, #tpu.memory_space<hbm>> -> memref<400xi32, #tpu.memory_space<hbm>>
          %dma_wait3A_169 = arith.constant 0 : i32
          %dma_wait3A_170 = tpu.memref_slice %arg9[%run_scoped3A_125, %dma_wait3A_169] : memref<2x400xi32, #tpu.memory_space<vmem>> -> memref<1x400xi32, #tpu.memory_space<vmem>>
          %dma_wait3A_171 = tpu.memref_squeeze %dma_wait3A_170 : memref<1x400xi32, #tpu.memory_space<vmem>> -> memref<400xi32, #tpu.memory_space<vmem>>
          %dma_wait3A_172 = tpu.memref_slice %arg3[%add3A_123] : memref<320000xi32, #tpu.memory_space<hbm>> -> memref<400xi32, #tpu.memory_space<hbm>>
          tpu.wait_dma2 semaphore(%run_scoped3A_156 : memref<!tpu.dma_semaphore, #tpu.memory_space<semaphore_mem>>) src(%dma_wait3A_172 : memref<400xi32, #tpu.memory_space<hbm>>) dst(%dma_wait3A_171 : memref<400xi32, #tpu.memory_space<vmem>>)
          tpu.yield
        }) : () -> ()
        %dma_start3A_126 = arith.constant 1 : i32
        %dma_start3A_127 = arith.constant 1 : i32
        %dma_start3A_128 = arith.constant 1 : i32
        %dma_start3A_129 = arith.constant 0 : i32
        %dma_start3A_130 = arith.constant 0 : i32
        %dma_start3A_131 = tpu.memref_slice %arg10[%dma_start3A_127, %dma_start3A_129, %dma_start3A_130] : memref<2x400x16xf32, #tpu.memory_space<vmem>> -> memref<1x400x16xf32, #tpu.memory_space<vmem>>
        %dma_start3A_132 = tpu.memref_squeeze %dma_start3A_131 : memref<1x400x16xf32, #tpu.memory_space<vmem>> -> memref<400x16xf32, #tpu.memory_space<vmem>>
        %dma_start3A_133 = arith.constant 0 : i32
        %dma_start3A_134 = tpu.memref_slice %arg9[%dma_start3A_126, %dma_start3A_133] : memref<2x400xi32, #tpu.memory_space<vmem>> -> memref<1x400xi32, #tpu.memory_space<vmem>>
        %dma_start3A_135 = tpu.memref_squeeze %dma_start3A_134 : memref<1x400xi32, #tpu.memory_space<vmem>> -> memref<400xi32, #tpu.memory_space<vmem>>
        %dma_start3A_136 = arith.constant 0 : i32
        %dma_start3A_137 = arith.constant 0 : i32
        %dma_start3A_138 = tpu.memref_slice %arg5[%dma_start3A_136, %dma_start3A_137] : memref<10000x16xf32, #tpu.memory_space<hbm>> -> memref<10000x16xf32, #tpu.memory_space<hbm>>
        %dma_start3A_139 = tpu.memref_slice %arg12[%dma_start3A_128] : memref<2x!tpu.dma_semaphore, #tpu.memory_space<semaphore_mem>> -> memref<1x!tpu.dma_semaphore, #tpu.memory_space<semaphore_mem>>
        %dma_start3A_140 = tpu.memref_squeeze %dma_start3A_139 : memref<1x!tpu.dma_semaphore, #tpu.memory_space<semaphore_mem>> -> memref<!tpu.dma_semaphore, #tpu.memory_space<semaphore_mem>>
        tpu.enqueue_indirect_dma source(%dma_start3A_138 : memref<10000x16xf32, #tpu.memory_space<hbm>>) target(%dma_start3A_132 : memref<400x16xf32, #tpu.memory_space<vmem>>) offsets(%dma_start3A_135 : memref<400xi32, #tpu.memory_space<vmem>>) semaphore(%dma_start3A_140 : memref<!tpu.dma_semaphore, #tpu.memory_space<semaphore_mem>>)
        %dma_start3A_141 = arith.constant 1 : i32
        %dma_start3A_142 = arith.constant 1 : i32
        %dma_start3A_143 = arith.constant 1 : i32
        %dma_start3A_144 = arith.constant 0 : i32
        %dma_start3A_145 = arith.constant 0 : i32
        %dma_start3A_146 = tpu.memref_slice %arg11[%dma_start3A_142, %dma_start3A_144, %dma_start3A_145] : memref<2x400x80xf32, #tpu.memory_space<vmem>> -> memref<1x400x80xf32, #tpu.memory_space<vmem>>
        %dma_start3A_147 = tpu.memref_squeeze %dma_start3A_146 : memref<1x400x80xf32, #tpu.memory_space<vmem>> -> memref<400x80xf32, #tpu.memory_space<vmem>>
        %dma_start3A_148 = arith.constant 0 : i32
        %dma_start3A_149 = tpu.memref_slice %arg8[%dma_start3A_141, %dma_start3A_148] : memref<2x400xi32, #tpu.memory_space<vmem>> -> memref<1x400xi32, #tpu.memory_space<vmem>>
        %dma_start3A_150 = tpu.memref_squeeze %dma_start3A_149 : memref<1x400xi32, #tpu.memory_space<vmem>> -> memref<400xi32, #tpu.memory_space<vmem>>
        %dma_start3A_151 = arith.constant 0 : i32
        %dma_start3A_152 = arith.constant 0 : i32
        %dma_start3A_153 = tpu.memref_slice %arg4[%dma_start3A_151, %dma_start3A_152] : memref<10000x80xf32, #tpu.memory_space<hbm>> -> memref<10000x80xf32, #tpu.memory_space<hbm>>
        %dma_start3A_154 = tpu.memref_slice %arg12[%dma_start3A_143] : memref<2x!tpu.dma_semaphore, #tpu.memory_space<semaphore_mem>> -> memref<1x!tpu.dma_semaphore, #tpu.memory_space<semaphore_mem>>
        %dma_start3A_155 = tpu.memref_squeeze %dma_start3A_154 : memref<1x!tpu.dma_semaphore, #tpu.memory_space<semaphore_mem>> -> memref<!tpu.dma_semaphore, #tpu.memory_space<semaphore_mem>>
        tpu.enqueue_indirect_dma source(%dma_start3A_153 : memref<10000x80xf32, #tpu.memory_space<hbm>>) target(%dma_start3A_147 : memref<400x80xf32, #tpu.memory_space<vmem>>) offsets(%dma_start3A_150 : memref<400xi32, #tpu.memory_space<vmem>>) semaphore(%dma_start3A_155 : memref<!tpu.dma_semaphore, #tpu.memory_space<semaphore_mem>>)
      } else {
      }
      %lt3A_95 = arith.constant 25 : i32
      %lt3A_96 = arith.cmpi slt, %mul3A_87, %lt3A_95 : i32
      %convert_element_type3A_97 = arith.extui %lt3A_96 : i1 to i32
      %cond3A_98 = arith.constant 0 : i32
      %cond3A_99 = arith.cmpi ne, %convert_element_type3A_97, %cond3A_98 : i32
      scf.if %cond3A_99 {
        %dma_wait3A_117 = arith.constant 0 : i32
        %dma_wait3A_118 = arith.constant 0 : i32
        %dma_wait3A_119 = arith.constant 0 : i32
        %dma_wait3A_120 = arith.constant 0 : i32
        %dma_wait3A_121 = arith.constant 0 : i32
        %dma_wait3A_122 = tpu.memref_slice %arg10[%dma_wait3A_118, %dma_wait3A_120, %dma_wait3A_121] : memref<2x400x16xf32, #tpu.memory_space<vmem>> -> memref<1x400x16xf32, #tpu.memory_space<vmem>>
        %dma_wait3A_123 = tpu.memref_squeeze %dma_wait3A_122 : memref<1x400x16xf32, #tpu.memory_space<vmem>> -> memref<400x16xf32, #tpu.memory_space<vmem>>
        %dma_wait3A_124 = arith.constant 0 : i32
        %dma_wait3A_125 = tpu.memref_slice %arg9[%dma_wait3A_117, %dma_wait3A_124] : memref<2x400xi32, #tpu.memory_space<vmem>> -> memref<1x400xi32, #tpu.memory_space<vmem>>
        %dma_wait3A_126 = tpu.memref_squeeze %dma_wait3A_125 : memref<1x400xi32, #tpu.memory_space<vmem>> -> memref<400xi32, #tpu.memory_space<vmem>>
        %dma_wait3A_127 = arith.constant 0 : i32
        %dma_wait3A_128 = arith.constant 0 : i32
        %dma_wait3A_129 = tpu.memref_slice %arg5[%dma_wait3A_127, %dma_wait3A_128] : memref<10000x16xf32, #tpu.memory_space<hbm>> -> memref<10000x16xf32, #tpu.memory_space<hbm>>
        %dma_wait3A_130 = tpu.memref_slice %arg12[%dma_wait3A_119] : memref<2x!tpu.dma_semaphore, #tpu.memory_space<semaphore_mem>> -> memref<1x!tpu.dma_semaphore, #tpu.memory_space<semaphore_mem>>
        %dma_wait3A_131 = tpu.memref_squeeze %dma_wait3A_130 : memref<1x!tpu.dma_semaphore, #tpu.memory_space<semaphore_mem>> -> memref<!tpu.dma_semaphore, #tpu.memory_space<semaphore_mem>>
        tpu.wait_indirect_dma semaphore(%dma_wait3A_131 : memref<!tpu.dma_semaphore, #tpu.memory_space<semaphore_mem>>) src(%dma_wait3A_129 : memref<10000x16xf32, #tpu.memory_space<hbm>>) dst(%dma_wait3A_123 : memref<400x16xf32, #tpu.memory_space<vmem>>)
        %dma_wait3A_132 = arith.constant 0 : i32
        %dma_wait3A_133 = arith.constant 0 : i32
        %dma_wait3A_134 = arith.constant 0 : i32
        %dma_wait3A_135 = arith.constant 0 : i32
        %dma_wait3A_136 = arith.constant 0 : i32
        %dma_wait3A_137 = tpu.memref_slice %arg11[%dma_wait3A_133, %dma_wait3A_135, %dma_wait3A_136] : memref<2x400x80xf32, #tpu.memory_space<vmem>> -> memref<1x400x80xf32, #tpu.memory_space<vmem>>
        %dma_wait3A_138 = tpu.memref_squeeze %dma_wait3A_137 : memref<1x400x80xf32, #tpu.memory_space<vmem>> -> memref<400x80xf32, #tpu.memory_space<vmem>>
        %dma_wait3A_139 = arith.constant 0 : i32
        %dma_wait3A_140 = tpu.memref_slice %arg8[%dma_wait3A_132, %dma_wait3A_139] : memref<2x400xi32, #tpu.memory_space<vmem>> -> memref<1x400xi32, #tpu.memory_space<vmem>>
        %dma_wait3A_141 = tpu.memref_squeeze %dma_wait3A_140 : memref<1x400xi32, #tpu.memory_space<vmem>> -> memref<400xi32, #tpu.memory_space<vmem>>
        %dma_wait3A_142 = arith.constant 0 : i32
        %dma_wait3A_143 = arith.constant 0 : i32
        %dma_wait3A_144 = tpu.memref_slice %arg4[%dma_wait3A_142, %dma_wait3A_143] : memref<10000x80xf32, #tpu.memory_space<hbm>> -> memref<10000x80xf32, #tpu.memory_space<hbm>>
        %dma_wait3A_145 = tpu.memref_slice %arg12[%dma_wait3A_134] : memref<2x!tpu.dma_semaphore, #tpu.memory_space<semaphore_mem>> -> memref<1x!tpu.dma_semaphore, #tpu.memory_space<semaphore_mem>>
        %dma_wait3A_146 = tpu.memref_squeeze %dma_wait3A_145 : memref<1x!tpu.dma_semaphore, #tpu.memory_space<semaphore_mem>> -> memref<!tpu.dma_semaphore, #tpu.memory_space<semaphore_mem>>
        tpu.wait_indirect_dma semaphore(%dma_wait3A_146 : memref<!tpu.dma_semaphore, #tpu.memory_space<semaphore_mem>>) src(%dma_wait3A_144 : memref<10000x80xf32, #tpu.memory_space<hbm>>) dst(%dma_wait3A_138 : memref<400x80xf32, #tpu.memory_space<vmem>>)
        %iota3A = tpu.iota {dimensions = array<i32: 0>} : vector<16xi32>
        %ge3A = arith.constant 8 : i32
        %ge3A_147 = vector.broadcast %ge3A : i32 to vector<16xi32>
        %ge3A_148 = arith.cmpi sge, %iota3A, %ge3A_147 : vector<16xi32>
        %jit3A = arith.constant 1 : i32
        %jit3A_149 = arith.constant 0 : i32
        %broadcast_in_dim3A = vector.broadcast %jit3A : i32 to vector<16xi32>
        %broadcast_in_dim3A_150 = vector.broadcast %jit3A_149 : i32 to vector<16xi32>
        %select_n3A = arith.select %ge3A_148, %broadcast_in_dim3A, %broadcast_in_dim3A_150 : vector<16xi1>, vector<16xi32>
        %scan3A_151 = arith.constant 0 : i32
        %scan3A_152 = arith.constant 0 : i32
        %scan3A_153 = arith.constant 400 : i32
        %scan3A_154 = arith.addi %scan3A_152, %scan3A_153 : i32
        %scan3A_155 = arith.constant 4 : i32
        scf.for %scan3A_172 = %scan3A_152 to %scan3A_154 step %scan3A_155  : i32 {
          %get3A = arith.constant 0 : i32
          %get3A_173 = arith.index_cast %get3A : i32 to index
          %get3A_174 = arith.index_cast %scan3A_172 : i32 to index
          %get3A_175 = arith.constant 64 : index
          %get3A_176 = tpu.vector_load %arg11[%get3A_173, %get3A_174, %get3A_175] {strides = array<i32>} : memref<2x400x80xf32, #tpu.memory_space<vmem>>, vector<16xf32>,
          %get3A_177 = arith.constant 0 : i32
          %get3A_178 = arith.index_cast %get3A_177 : i32 to index
          %get3A_179 = arith.index_cast %scan3A_172 : i32 to index
          %get3A_180 = arith.constant 0 : index
          %get3A_181 = tpu.vector_load %arg10[%get3A_178, %get3A_179, %get3A_180] {strides = array<i32>} : memref<2x400x16xf32, #tpu.memory_space<vmem>>, vector<16xf32>,
          %add3A_182 = arith.addf %get3A_176, %get3A_181 : vector<16xf32>
          %mul3A_183 = arith.constant 2.000000e-01 : f32
          %mul3A_184 = vector.broadcast %mul3A_183 : f32 to vector<16xf32>
          %mul3A_185 = arith.mulf %mul3A_184, %add3A_182 : vector<16xf32>
          %max3A = arith.maximumf %add3A_182, %mul3A_185 : vector<16xf32>
          %exp3A = math.exp %max3A : vector<16xf32>
          %swap3A = arith.constant 0 : i32
          %swap3A_186 = arith.index_cast %swap3A : i32 to index
          %swap3A_187 = arith.index_cast %scan3A_172 : i32 to index
          %swap3A_188 = arith.constant 64 : index
          %swap3A_189 = tpu.vector_load %arg11[%swap3A_186, %swap3A_187, %swap3A_188] {strides = array<i32>} : memref<2x400x80xf32, #tpu.memory_space<vmem>>, vector<16xf32>,
          tpu.vector_store %arg11[%swap3A_186, %swap3A_187, %swap3A_188], %exp3A {strides = array<i32>} : memref<2x400x80xf32, #tpu.memory_space<vmem>>, vector<16xf32>,
          %get3A_190 = arith.constant 0 : i32
          %get3A_191 = arith.index_cast %get3A_190 : i32 to index
          %get3A_192 = arith.index_cast %scan3A_172 : i32 to index
          %get3A_193 = arith.constant 0 : index
          %get3A_194 = tpu.vector_load %arg11[%get3A_191, %get3A_192, %get3A_193] {strides = array<i32>} : memref<2x400x80xf32, #tpu.memory_space<vmem>>, vector<16xf32>,
          %add3A_195 = arith.constant 0 : i32
          %add3A_196 = vector.broadcast %add3A_195 : i32 to vector<16xi32>
          %add3A_197 = arith.addi %select_n3A, %add3A_196 : vector<16xi32>
          %reshape3A = vector.shape_cast %add3A_197 : vector<16xi32> to vector<16x1xi32>
          %gather3A = vector.shape_cast %reshape3A : vector<16x1xi32> to vector<16xi32>
          %gather3A_198 = tpu.dynamic_gather %exp3A[%gather3A] in [0] : vector<16xf32>, vector<16xi32> -> vector<16xf32>
          %mul3A_199 = arith.mulf %get3A_194, %gather3A_198 : vector<16xf32>
          %swap3A_200 = arith.constant 0 : i32
          %swap3A_201 = arith.index_cast %swap3A_200 : i32 to index
          %swap3A_202 = arith.index_cast %scan3A_172 : i32 to index
          %swap3A_203 = arith.constant 0 : index
          %swap3A_204 = tpu.vector_load %arg11[%swap3A_201, %swap3A_202, %swap3A_203] {strides = array<i32>} : memref<2x400x80xf32, #tpu.memory_space<vmem>>, vector<16xf32>,
          tpu.vector_store %arg11[%swap3A_201, %swap3A_202, %swap3A_203], %mul3A_199 {strides = array<i32>} : memref<2x400x80xf32, #tpu.memory_space<vmem>>, vector<16xf32>,
          %get3A_205 = arith.constant 0 : i32
          %get3A_206 = arith.index_cast %get3A_205 : i32 to index
          %get3A_207 = arith.index_cast %scan3A_172 : i32 to index
          %get3A_208 = arith.constant 16 : index
          %get3A_209 = tpu.vector_load %arg11[%get3A_206, %get3A_207, %get3A_208] {strides = array<i32>} : memref<2x400x80xf32, #tpu.memory_space<vmem>>, vector<16xf32>,
          %add3A_210 = arith.constant 2 : i32
          %add3A_211 = vector.broadcast %add3A_210 : i32 to vector<16xi32>
          %add3A_212 = arith.addi %select_n3A, %add3A_211 : vector<16xi32>
          %reshape3A_213 = vector.shape_cast %add3A_212 : vector<16xi32> to vector<16x1xi32>
          %gather3A_214 = vector.shape_cast %reshape3A_213 : vector<16x1xi32> to vector<16xi32>
          %gather3A_215 = tpu.dynamic_gather %exp3A[%gather3A_214] in [0] : vector<16xf32>, vector<16xi32> -> vector<16xf32>
          %mul3A_216 = arith.mulf %get3A_209, %gather3A_215 : vector<16xf32>
          %swap3A_217 = arith.constant 0 : i32
          %swap3A_218 = arith.index_cast %swap3A_217 : i32 to index
          %swap3A_219 = arith.index_cast %scan3A_172 : i32 to index
          %swap3A_220 = arith.constant 16 : index
          %swap3A_221 = tpu.vector_load %arg11[%swap3A_218, %swap3A_219, %swap3A_220] {strides = array<i32>} : memref<2x400x80xf32, #tpu.memory_space<vmem>>, vector<16xf32>,
          tpu.vector_store %arg11[%swap3A_218, %swap3A_219, %swap3A_220], %mul3A_216 {strides = array<i32>} : memref<2x400x80xf32, #tpu.memory_space<vmem>>, vector<16xf32>,
          %get3A_222 = arith.constant 0 : i32
          %get3A_223 = arith.index_cast %get3A_222 : i32 to index
          %get3A_224 = arith.index_cast %scan3A_172 : i32 to index
          %get3A_225 = arith.constant 32 : index
          %get3A_226 = tpu.vector_load %arg11[%get3A_223, %get3A_224, %get3A_225] {strides = array<i32>} : memref<2x400x80xf32, #tpu.memory_space<vmem>>, vector<16xf32>,
          %add3A_227 = arith.constant 4 : i32
          %add3A_228 = vector.broadcast %add3A_227 : i32 to vector<16xi32>
          %add3A_229 = arith.addi %select_n3A, %add3A_228 : vector<16xi32>
          %reshape3A_230 = vector.shape_cast %add3A_229 : vector<16xi32> to vector<16x1xi32>
          %gather3A_231 = vector.shape_cast %reshape3A_230 : vector<16x1xi32> to vector<16xi32>
          %gather3A_232 = tpu.dynamic_gather %exp3A[%gather3A_231] in [0] : vector<16xf32>, vector<16xi32> -> vector<16xf32>
          %mul3A_233 = arith.mulf %get3A_226, %gather3A_232 : vector<16xf32>
          %swap3A_234 = arith.constant 0 : i32
          %swap3A_235 = arith.index_cast %swap3A_234 : i32 to index
          %swap3A_236 = arith.index_cast %scan3A_172 : i32 to index
          %swap3A_237 = arith.constant 32 : index
          %swap3A_238 = tpu.vector_load %arg11[%swap3A_235, %swap3A_236, %swap3A_237] {strides = array<i32>} : memref<2x400x80xf32, #tpu.memory_space<vmem>>, vector<16xf32>,
          tpu.vector_store %arg11[%swap3A_235, %swap3A_236, %swap3A_237], %mul3A_233 {strides = array<i32>} : memref<2x400x80xf32, #tpu.memory_space<vmem>>, vector<16xf32>,
          %get3A_239 = arith.constant 0 : i32
          %get3A_240 = arith.index_cast %get3A_239 : i32 to index
          %get3A_241 = arith.index_cast %scan3A_172 : i32 to index
          %get3A_242 = arith.constant 48 : index
          %get3A_243 = tpu.vector_load %arg11[%get3A_240, %get3A_241, %get3A_242] {strides = array<i32>} : memref<2x400x80xf32, #tpu.memory_space<vmem>>, vector<16xf32>,
          %add3A_244 = arith.constant 6 : i32
          %add3A_245 = vector.broadcast %add3A_244 : i32 to vector<16xi32>
          %add3A_246 = arith.addi %select_n3A, %add3A_245 : vector<16xi32>
          %reshape3A_247 = vector.shape_cast %add3A_246 : vector<16xi32> to vector<16x1xi32>
          %gather3A_248 = vector.shape_cast %reshape3A_247 : vector<16x1xi32> to vector<16xi32>
          %gather3A_249 = tpu.dynamic_gather %exp3A[%gather3A_248] in [0] : vector<16xf32>, vector<16xi32> -> vector<16xf32>
          %mul3A_250 = arith.mulf %get3A_243, %gather3A_249 : vector<16xf32>
          %swap3A_251 = arith.constant 0 : i32
          %swap3A_252 = arith.index_cast %swap3A_251 : i32 to index
          %swap3A_253 = arith.index_cast %scan3A_172 : i32 to index
          %swap3A_254 = arith.constant 48 : index
          %swap3A_255 = tpu.vector_load %arg11[%swap3A_252, %swap3A_253, %swap3A_254] {strides = array<i32>} : memref<2x400x80xf32, #tpu.memory_space<vmem>>, vector<16xf32>,
          tpu.vector_store %arg11[%swap3A_252, %swap3A_253, %swap3A_254], %mul3A_250 {strides = array<i32>} : memref<2x400x80xf32, #tpu.memory_space<vmem>>, vector<16xf32>,
          %scan3A_256 = arith.constant 1 : i32
          %scan3A_257 = arith.addi %scan3A_172, %scan3A_256 : i32
          %get3A_258 = arith.constant 0 : i32
          %get3A_259 = arith.index_cast %get3A_258 : i32 to index
          %get3A_260 = arith.index_cast %scan3A_257 : i32 to index
          %get3A_261 = arith.constant 64 : index
          %get3A_262 = tpu.vector_load %arg11[%get3A_259, %get3A_260, %get3A_261] {strides = array<i32>} : memref<2x400x80xf32, #tpu.memory_space<vmem>>, vector<16xf32>,
          %get3A_263 = arith.constant 0 : i32
          %get3A_264 = arith.index_cast %get3A_263 : i32 to index
          %get3A_265 = arith.index_cast %scan3A_257 : i32 to index
          %get3A_266 = arith.constant 0 : index
          %get3A_267 = tpu.vector_load %arg10[%get3A_264, %get3A_265, %get3A_266] {strides = array<i32>} : memref<2x400x16xf32, #tpu.memory_space<vmem>>, vector<16xf32>,
          %add3A_268 = arith.addf %get3A_262, %get3A_267 : vector<16xf32>
          %mul3A_269 = arith.constant 2.000000e-01 : f32
          %mul3A_270 = vector.broadcast %mul3A_269 : f32 to vector<16xf32>
          %mul3A_271 = arith.mulf %mul3A_270, %add3A_268 : vector<16xf32>
          %max3A_272 = arith.maximumf %add3A_268, %mul3A_271 : vector<16xf32>
          %exp3A_273 = math.exp %max3A_272 : vector<16xf32>
          %swap3A_274 = arith.constant 0 : i32
          %swap3A_275 = arith.index_cast %swap3A_274 : i32 to index
          %swap3A_276 = arith.index_cast %scan3A_257 : i32 to index
          %swap3A_277 = arith.constant 64 : index
          %swap3A_278 = tpu.vector_load %arg11[%swap3A_275, %swap3A_276, %swap3A_277] {strides = array<i32>} : memref<2x400x80xf32, #tpu.memory_space<vmem>>, vector<16xf32>,
          tpu.vector_store %arg11[%swap3A_275, %swap3A_276, %swap3A_277], %exp3A_273 {strides = array<i32>} : memref<2x400x80xf32, #tpu.memory_space<vmem>>, vector<16xf32>,
          %get3A_279 = arith.constant 0 : i32
          %get3A_280 = arith.index_cast %get3A_279 : i32 to index
          %get3A_281 = arith.index_cast %scan3A_257 : i32 to index
          %get3A_282 = arith.constant 0 : index
          %get3A_283 = tpu.vector_load %arg11[%get3A_280, %get3A_281, %get3A_282] {strides = array<i32>} : memref<2x400x80xf32, #tpu.memory_space<vmem>>, vector<16xf32>,
          %add3A_284 = arith.constant 0 : i32
          %add3A_285 = vector.broadcast %add3A_284 : i32 to vector<16xi32>
          %add3A_286 = arith.addi %select_n3A, %add3A_285 : vector<16xi32>
          %reshape3A_287 = vector.shape_cast %add3A_286 : vector<16xi32> to vector<16x1xi32>
          %gather3A_288 = vector.shape_cast %reshape3A_287 : vector<16x1xi32> to vector<16xi32>
          %gather3A_289 = tpu.dynamic_gather %exp3A_273[%gather3A_288] in [0] : vector<16xf32>, vector<16xi32> -> vector<16xf32>
          %mul3A_290 = arith.mulf %get3A_283, %gather3A_289 : vector<16xf32>
          %swap3A_291 = arith.constant 0 : i32
          %swap3A_292 = arith.index_cast %swap3A_291 : i32 to index
          %swap3A_293 = arith.index_cast %scan3A_257 : i32 to index
          %swap3A_294 = arith.constant 0 : index
          %swap3A_295 = tpu.vector_load %arg11[%swap3A_292, %swap3A_293, %swap3A_294] {strides = array<i32>} : memref<2x400x80xf32, #tpu.memory_space<vmem>>, vector<16xf32>,
          tpu.vector_store %arg11[%swap3A_292, %swap3A_293, %swap3A_294], %mul3A_290 {strides = array<i32>} : memref<2x400x80xf32, #tpu.memory_space<vmem>>, vector<16xf32>,
          %get3A_296 = arith.constant 0 : i32
          %get3A_297 = arith.index_cast %get3A_296 : i32 to index
          %get3A_298 = arith.index_cast %scan3A_257 : i32 to index
          %get3A_299 = arith.constant 16 : index
          %get3A_300 = tpu.vector_load %arg11[%get3A_297, %get3A_298, %get3A_299] {strides = array<i32>} : memref<2x400x80xf32, #tpu.memory_space<vmem>>, vector<16xf32>,
          %add3A_301 = arith.constant 2 : i32
          %add3A_302 = vector.broadcast %add3A_301 : i32 to vector<16xi32>
          %add3A_303 = arith.addi %select_n3A, %add3A_302 : vector<16xi32>
          %reshape3A_304 = vector.shape_cast %add3A_303 : vector<16xi32> to vector<16x1xi32>
          %gather3A_305 = vector.shape_cast %reshape3A_304 : vector<16x1xi32> to vector<16xi32>
          %gather3A_306 = tpu.dynamic_gather %exp3A_273[%gather3A_305] in [0] : vector<16xf32>, vector<16xi32> -> vector<16xf32>
          %mul3A_307 = arith.mulf %get3A_300, %gather3A_306 : vector<16xf32>
          %swap3A_308 = arith.constant 0 : i32
          %swap3A_309 = arith.index_cast %swap3A_308 : i32 to index
          %swap3A_310 = arith.index_cast %scan3A_257 : i32 to index
          %swap3A_311 = arith.constant 16 : index
          %swap3A_312 = tpu.vector_load %arg11[%swap3A_309, %swap3A_310, %swap3A_311] {strides = array<i32>} : memref<2x400x80xf32, #tpu.memory_space<vmem>>, vector<16xf32>,
          tpu.vector_store %arg11[%swap3A_309, %swap3A_310, %swap3A_311], %mul3A_307 {strides = array<i32>} : memref<2x400x80xf32, #tpu.memory_space<vmem>>, vector<16xf32>,
          %get3A_313 = arith.constant 0 : i32
          %get3A_314 = arith.index_cast %get3A_313 : i32 to index
          %get3A_315 = arith.index_cast %scan3A_257 : i32 to index
          %get3A_316 = arith.constant 32 : index
          %get3A_317 = tpu.vector_load %arg11[%get3A_314, %get3A_315, %get3A_316] {strides = array<i32>} : memref<2x400x80xf32, #tpu.memory_space<vmem>>, vector<16xf32>,
          %add3A_318 = arith.constant 4 : i32
          %add3A_319 = vector.broadcast %add3A_318 : i32 to vector<16xi32>
          %add3A_320 = arith.addi %select_n3A, %add3A_319 : vector<16xi32>
          %reshape3A_321 = vector.shape_cast %add3A_320 : vector<16xi32> to vector<16x1xi32>
          %gather3A_322 = vector.shape_cast %reshape3A_321 : vector<16x1xi32> to vector<16xi32>
          %gather3A_323 = tpu.dynamic_gather %exp3A_273[%gather3A_322] in [0] : vector<16xf32>, vector<16xi32> -> vector<16xf32>
          %mul3A_324 = arith.mulf %get3A_317, %gather3A_323 : vector<16xf32>
          %swap3A_325 = arith.constant 0 : i32
          %swap3A_326 = arith.index_cast %swap3A_325 : i32 to index
          %swap3A_327 = arith.index_cast %scan3A_257 : i32 to index
          %swap3A_328 = arith.constant 32 : index
          %swap3A_329 = tpu.vector_load %arg11[%swap3A_326, %swap3A_327, %swap3A_328] {strides = array<i32>} : memref<2x400x80xf32, #tpu.memory_space<vmem>>, vector<16xf32>,
          tpu.vector_store %arg11[%swap3A_326, %swap3A_327, %swap3A_328], %mul3A_324 {strides = array<i32>} : memref<2x400x80xf32, #tpu.memory_space<vmem>>, vector<16xf32>,
          %get3A_330 = arith.constant 0 : i32
          %get3A_331 = arith.index_cast %get3A_330 : i32 to index
          %get3A_332 = arith.index_cast %scan3A_257 : i32 to index
          %get3A_333 = arith.constant 48 : index
          %get3A_334 = tpu.vector_load %arg11[%get3A_331, %get3A_332, %get3A_333] {strides = array<i32>} : memref<2x400x80xf32, #tpu.memory_space<vmem>>, vector<16xf32>,
          %add3A_335 = arith.constant 6 : i32
          %add3A_336 = vector.broadcast %add3A_335 : i32 to vector<16xi32>
          %add3A_337 = arith.addi %select_n3A, %add3A_336 : vector<16xi32>
          %reshape3A_338 = vector.shape_cast %add3A_337 : vector<16xi32> to vector<16x1xi32>
          %gather3A_339 = vector.shape_cast %reshape3A_338 : vector<16x1xi32> to vector<16xi32>
          %gather3A_340 = tpu.dynamic_gather %exp3A_273[%gather3A_339] in [0] : vector<16xf32>, vector<16xi32> -> vector<16xf32>
          %mul3A_341 = arith.mulf %get3A_334, %gather3A_340 : vector<16xf32>
          %swap3A_342 = arith.constant 0 : i32
          %swap3A_343 = arith.index_cast %swap3A_342 : i32 to index
          %swap3A_344 = arith.index_cast %scan3A_257 : i32 to index
          %swap3A_345 = arith.constant 48 : index
          %swap3A_346 = tpu.vector_load %arg11[%swap3A_343, %swap3A_344, %swap3A_345] {strides = array<i32>} : memref<2x400x80xf32, #tpu.memory_space<vmem>>, vector<16xf32>,
          tpu.vector_store %arg11[%swap3A_343, %swap3A_344, %swap3A_345], %mul3A_341 {strides = array<i32>} : memref<2x400x80xf32, #tpu.memory_space<vmem>>, vector<16xf32>,
          %scan3A_347 = arith.constant 2 : i32
          %scan3A_348 = arith.addi %scan3A_172, %scan3A_347 : i32
          %get3A_349 = arith.constant 0 : i32
          %get3A_350 = arith.index_cast %get3A_349 : i32 to index
          %get3A_351 = arith.index_cast %scan3A_348 : i32 to index
          %get3A_352 = arith.constant 64 : index
          %get3A_353 = tpu.vector_load %arg11[%get3A_350, %get3A_351, %get3A_352] {strides = array<i32>} : memref<2x400x80xf32, #tpu.memory_space<vmem>>, vector<16xf32>,
          %get3A_354 = arith.constant 0 : i32
          %get3A_355 = arith.index_cast %get3A_354 : i32 to index
          %get3A_356 = arith.index_cast %scan3A_348 : i32 to index
          %get3A_357 = arith.constant 0 : index
          %get3A_358 = tpu.vector_load %arg10[%get3A_355, %get3A_356, %get3A_357] {strides = array<i32>} : memref<2x400x16xf32, #tpu.memory_space<vmem>>, vector<16xf32>,
          %add3A_359 = arith.addf %get3A_353, %get3A_358 : vector<16xf32>
          %mul3A_360 = arith.constant 2.000000e-01 : f32
          %mul3A_361 = vector.broadcast %mul3A_360 : f32 to vector<16xf32>
          %mul3A_362 = arith.mulf %mul3A_361, %add3A_359 : vector<16xf32>
          %max3A_363 = arith.maximumf %add3A_359, %mul3A_362 : vector<16xf32>
          %exp3A_364 = math.exp %max3A_363 : vector<16xf32>
          %swap3A_365 = arith.constant 0 : i32
          %swap3A_366 = arith.index_cast %swap3A_365 : i32 to index
          %swap3A_367 = arith.index_cast %scan3A_348 : i32 to index
          %swap3A_368 = arith.constant 64 : index
          %swap3A_369 = tpu.vector_load %arg11[%swap3A_366, %swap3A_367, %swap3A_368] {strides = array<i32>} : memref<2x400x80xf32, #tpu.memory_space<vmem>>, vector<16xf32>,
          tpu.vector_store %arg11[%swap3A_366, %swap3A_367, %swap3A_368], %exp3A_364 {strides = array<i32>} : memref<2x400x80xf32, #tpu.memory_space<vmem>>, vector<16xf32>,
          %get3A_370 = arith.constant 0 : i32
          %get3A_371 = arith.index_cast %get3A_370 : i32 to index
          %get3A_372 = arith.index_cast %scan3A_348 : i32 to index
          %get3A_373 = arith.constant 0 : index
          %get3A_374 = tpu.vector_load %arg11[%get3A_371, %get3A_372, %get3A_373] {strides = array<i32>} : memref<2x400x80xf32, #tpu.memory_space<vmem>>, vector<16xf32>,
          %add3A_375 = arith.constant 0 : i32
          %add3A_376 = vector.broadcast %add3A_375 : i32 to vector<16xi32>
          %add3A_377 = arith.addi %select_n3A, %add3A_376 : vector<16xi32>
          %reshape3A_378 = vector.shape_cast %add3A_377 : vector<16xi32> to vector<16x1xi32>
          %gather3A_379 = vector.shape_cast %reshape3A_378 : vector<16x1xi32> to vector<16xi32>
          %gather3A_380 = tpu.dynamic_gather %exp3A_364[%gather3A_379] in [0] : vector<16xf32>, vector<16xi32> -> vector<16xf32>
          %mul3A_381 = arith.mulf %get3A_374, %gather3A_380 : vector<16xf32>
          %swap3A_382 = arith.constant 0 : i32
          %swap3A_383 = arith.index_cast %swap3A_382 : i32 to index
          %swap3A_384 = arith.index_cast %scan3A_348 : i32 to index
          %swap3A_385 = arith.constant 0 : index
          %swap3A_386 = tpu.vector_load %arg11[%swap3A_383, %swap3A_384, %swap3A_385] {strides = array<i32>} : memref<2x400x80xf32, #tpu.memory_space<vmem>>, vector<16xf32>,
          tpu.vector_store %arg11[%swap3A_383, %swap3A_384, %swap3A_385], %mul3A_381 {strides = array<i32>} : memref<2x400x80xf32, #tpu.memory_space<vmem>>, vector<16xf32>,
          %get3A_387 = arith.constant 0 : i32
          %get3A_388 = arith.index_cast %get3A_387 : i32 to index
          %get3A_389 = arith.index_cast %scan3A_348 : i32 to index
          %get3A_390 = arith.constant 16 : index
          %get3A_391 = tpu.vector_load %arg11[%get3A_388, %get3A_389, %get3A_390] {strides = array<i32>} : memref<2x400x80xf32, #tpu.memory_space<vmem>>, vector<16xf32>,
          %add3A_392 = arith.constant 2 : i32
          %add3A_393 = vector.broadcast %add3A_392 : i32 to vector<16xi32>
          %add3A_394 = arith.addi %select_n3A, %add3A_393 : vector<16xi32>
          %reshape3A_395 = vector.shape_cast %add3A_394 : vector<16xi32> to vector<16x1xi32>
          %gather3A_396 = vector.shape_cast %reshape3A_395 : vector<16x1xi32> to vector<16xi32>
          %gather3A_397 = tpu.dynamic_gather %exp3A_364[%gather3A_396] in [0] : vector<16xf32>, vector<16xi32> -> vector<16xf32>
          %mul3A_398 = arith.mulf %get3A_391, %gather3A_397 : vector<16xf32>
          %swap3A_399 = arith.constant 0 : i32
          %swap3A_400 = arith.index_cast %swap3A_399 : i32 to index
          %swap3A_401 = arith.index_cast %scan3A_348 : i32 to index
          %swap3A_402 = arith.constant 16 : index
          %swap3A_403 = tpu.vector_load %arg11[%swap3A_400, %swap3A_401, %swap3A_402] {strides = array<i32>} : memref<2x400x80xf32, #tpu.memory_space<vmem>>, vector<16xf32>,
          tpu.vector_store %arg11[%swap3A_400, %swap3A_401, %swap3A_402], %mul3A_398 {strides = array<i32>} : memref<2x400x80xf32, #tpu.memory_space<vmem>>, vector<16xf32>,
          %get3A_404 = arith.constant 0 : i32
          %get3A_405 = arith.index_cast %get3A_404 : i32 to index
          %get3A_406 = arith.index_cast %scan3A_348 : i32 to index
          %get3A_407 = arith.constant 32 : index
          %get3A_408 = tpu.vector_load %arg11[%get3A_405, %get3A_406, %get3A_407] {strides = array<i32>} : memref<2x400x80xf32, #tpu.memory_space<vmem>>, vector<16xf32>,
          %add3A_409 = arith.constant 4 : i32
          %add3A_410 = vector.broadcast %add3A_409 : i32 to vector<16xi32>
          %add3A_411 = arith.addi %select_n3A, %add3A_410 : vector<16xi32>
          %reshape3A_412 = vector.shape_cast %add3A_411 : vector<16xi32> to vector<16x1xi32>
          %gather3A_413 = vector.shape_cast %reshape3A_412 : vector<16x1xi32> to vector<16xi32>
          %gather3A_414 = tpu.dynamic_gather %exp3A_364[%gather3A_413] in [0] : vector<16xf32>, vector<16xi32> -> vector<16xf32>
          %mul3A_415 = arith.mulf %get3A_408, %gather3A_414 : vector<16xf32>
          %swap3A_416 = arith.constant 0 : i32
          %swap3A_417 = arith.index_cast %swap3A_416 : i32 to index
          %swap3A_418 = arith.index_cast %scan3A_348 : i32 to index
          %swap3A_419 = arith.constant 32 : index
          %swap3A_420 = tpu.vector_load %arg11[%swap3A_417, %swap3A_418, %swap3A_419] {strides = array<i32>} : memref<2x400x80xf32, #tpu.memory_space<vmem>>, vector<16xf32>,
          tpu.vector_store %arg11[%swap3A_417, %swap3A_418, %swap3A_419], %mul3A_415 {strides = array<i32>} : memref<2x400x80xf32, #tpu.memory_space<vmem>>, vector<16xf32>,
          %get3A_421 = arith.constant 0 : i32
          %get3A_422 = arith.index_cast %get3A_421 : i32 to index
          %get3A_423 = arith.index_cast %scan3A_348 : i32 to index
          %get3A_424 = arith.constant 48 : index
          %get3A_425 = tpu.vector_load %arg11[%get3A_422, %get3A_423, %get3A_424] {strides = array<i32>} : memref<2x400x80xf32, #tpu.memory_space<vmem>>, vector<16xf32>,
          %add3A_426 = arith.constant 6 : i32
          %add3A_427 = vector.broadcast %add3A_426 : i32 to vector<16xi32>
          %add3A_428 = arith.addi %select_n3A, %add3A_427 : vector<16xi32>
          %reshape3A_429 = vector.shape_cast %add3A_428 : vector<16xi32> to vector<16x1xi32>
          %gather3A_430 = vector.shape_cast %reshape3A_429 : vector<16x1xi32> to vector<16xi32>
          %gather3A_431 = tpu.dynamic_gather %exp3A_364[%gather3A_430] in [0] : vector<16xf32>, vector<16xi32> -> vector<16xf32>
          %mul3A_432 = arith.mulf %get3A_425, %gather3A_431 : vector<16xf32>
          %swap3A_433 = arith.constant 0 : i32
          %swap3A_434 = arith.index_cast %swap3A_433 : i32 to index
          %swap3A_435 = arith.index_cast %scan3A_348 : i32 to index
          %swap3A_436 = arith.constant 48 : index
          %swap3A_437 = tpu.vector_load %arg11[%swap3A_434, %swap3A_435, %swap3A_436] {strides = array<i32>} : memref<2x400x80xf32, #tpu.memory_space<vmem>>, vector<16xf32>,
          tpu.vector_store %arg11[%swap3A_434, %swap3A_435, %swap3A_436], %mul3A_432 {strides = array<i32>} : memref<2x400x80xf32, #tpu.memory_space<vmem>>, vector<16xf32>,
          %scan3A_438 = arith.constant 3 : i32
          %scan3A_439 = arith.addi %scan3A_172, %scan3A_438 : i32
          %get3A_440 = arith.constant 0 : i32
          %get3A_441 = arith.index_cast %get3A_440 : i32 to index
          %get3A_442 = arith.index_cast %scan3A_439 : i32 to index
          %get3A_443 = arith.constant 64 : index
          %get3A_444 = tpu.vector_load %arg11[%get3A_441, %get3A_442, %get3A_443] {strides = array<i32>} : memref<2x400x80xf32, #tpu.memory_space<vmem>>, vector<16xf32>,
          %get3A_445 = arith.constant 0 : i32
          %get3A_446 = arith.index_cast %get3A_445 : i32 to index
          %get3A_447 = arith.index_cast %scan3A_439 : i32 to index
          %get3A_448 = arith.constant 0 : index
          %get3A_449 = tpu.vector_load %arg10[%get3A_446, %get3A_447, %get3A_448] {strides = array<i32>} : memref<2x400x16xf32, #tpu.memory_space<vmem>>, vector<16xf32>,
          %add3A_450 = arith.addf %get3A_444, %get3A_449 : vector<16xf32>
          %mul3A_451 = arith.constant 2.000000e-01 : f32
          %mul3A_452 = vector.broadcast %mul3A_451 : f32 to vector<16xf32>
          %mul3A_453 = arith.mulf %mul3A_452, %add3A_450 : vector<16xf32>
          %max3A_454 = arith.maximumf %add3A_450, %mul3A_453 : vector<16xf32>
          %exp3A_455 = math.exp %max3A_454 : vector<16xf32>
          %swap3A_456 = arith.constant 0 : i32
          %swap3A_457 = arith.index_cast %swap3A_456 : i32 to index
          %swap3A_458 = arith.index_cast %scan3A_439 : i32 to index
          %swap3A_459 = arith.constant 64 : index
          %swap3A_460 = tpu.vector_load %arg11[%swap3A_457, %swap3A_458, %swap3A_459] {strides = array<i32>} : memref<2x400x80xf32, #tpu.memory_space<vmem>>, vector<16xf32>,
          tpu.vector_store %arg11[%swap3A_457, %swap3A_458, %swap3A_459], %exp3A_455 {strides = array<i32>} : memref<2x400x80xf32, #tpu.memory_space<vmem>>, vector<16xf32>,
          %get3A_461 = arith.constant 0 : i32
          %get3A_462 = arith.index_cast %get3A_461 : i32 to index
          %get3A_463 = arith.index_cast %scan3A_439 : i32 to index
          %get3A_464 = arith.constant 0 : index
          %get3A_465 = tpu.vector_load %arg11[%get3A_462, %get3A_463, %get3A_464] {strides = array<i32>} : memref<2x400x80xf32, #tpu.memory_space<vmem>>, vector<16xf32>,
          %add3A_466 = arith.constant 0 : i32
          %add3A_467 = vector.broadcast %add3A_466 : i32 to vector<16xi32>
          %add3A_468 = arith.addi %select_n3A, %add3A_467 : vector<16xi32>
          %reshape3A_469 = vector.shape_cast %add3A_468 : vector<16xi32> to vector<16x1xi32>
          %gather3A_470 = vector.shape_cast %reshape3A_469 : vector<16x1xi32> to vector<16xi32>
          %gather3A_471 = tpu.dynamic_gather %exp3A_455[%gather3A_470] in [0] : vector<16xf32>, vector<16xi32> -> vector<16xf32>
          %mul3A_472 = arith.mulf %get3A_465, %gather3A_471 : vector<16xf32>
          %swap3A_473 = arith.constant 0 : i32
          %swap3A_474 = arith.index_cast %swap3A_473 : i32 to index
          %swap3A_475 = arith.index_cast %scan3A_439 : i32 to index
          %swap3A_476 = arith.constant 0 : index
          %swap3A_477 = tpu.vector_load %arg11[%swap3A_474, %swap3A_475, %swap3A_476] {strides = array<i32>} : memref<2x400x80xf32, #tpu.memory_space<vmem>>, vector<16xf32>,
          tpu.vector_store %arg11[%swap3A_474, %swap3A_475, %swap3A_476], %mul3A_472 {strides = array<i32>} : memref<2x400x80xf32, #tpu.memory_space<vmem>>, vector<16xf32>,
          %get3A_478 = arith.constant 0 : i32
          %get3A_479 = arith.index_cast %get3A_478 : i32 to index
          %get3A_480 = arith.index_cast %scan3A_439 : i32 to index
          %get3A_481 = arith.constant 16 : index
          %get3A_482 = tpu.vector_load %arg11[%get3A_479, %get3A_480, %get3A_481] {strides = array<i32>} : memref<2x400x80xf32, #tpu.memory_space<vmem>>, vector<16xf32>,
          %add3A_483 = arith.constant 2 : i32
          %add3A_484 = vector.broadcast %add3A_483 : i32 to vector<16xi32>
          %add3A_485 = arith.addi %select_n3A, %add3A_484 : vector<16xi32>
          %reshape3A_486 = vector.shape_cast %add3A_485 : vector<16xi32> to vector<16x1xi32>
          %gather3A_487 = vector.shape_cast %reshape3A_486 : vector<16x1xi32> to vector<16xi32>
          %gather3A_488 = tpu.dynamic_gather %exp3A_455[%gather3A_487] in [0] : vector<16xf32>, vector<16xi32> -> vector<16xf32>
          %mul3A_489 = arith.mulf %get3A_482, %gather3A_488 : vector<16xf32>
          %swap3A_490 = arith.constant 0 : i32
          %swap3A_491 = arith.index_cast %swap3A_490 : i32 to index
          %swap3A_492 = arith.index_cast %scan3A_439 : i32 to index
          %swap3A_493 = arith.constant 16 : index
          %swap3A_494 = tpu.vector_load %arg11[%swap3A_491, %swap3A_492, %swap3A_493] {strides = array<i32>} : memref<2x400x80xf32, #tpu.memory_space<vmem>>, vector<16xf32>,
          tpu.vector_store %arg11[%swap3A_491, %swap3A_492, %swap3A_493], %mul3A_489 {strides = array<i32>} : memref<2x400x80xf32, #tpu.memory_space<vmem>>, vector<16xf32>,
          %get3A_495 = arith.constant 0 : i32
          %get3A_496 = arith.index_cast %get3A_495 : i32 to index
          %get3A_497 = arith.index_cast %scan3A_439 : i32 to index
          %get3A_498 = arith.constant 32 : index
          %get3A_499 = tpu.vector_load %arg11[%get3A_496, %get3A_497, %get3A_498] {strides = array<i32>} : memref<2x400x80xf32, #tpu.memory_space<vmem>>, vector<16xf32>,
          %add3A_500 = arith.constant 4 : i32
          %add3A_501 = vector.broadcast %add3A_500 : i32 to vector<16xi32>
          %add3A_502 = arith.addi %select_n3A, %add3A_501 : vector<16xi32>
          %reshape3A_503 = vector.shape_cast %add3A_502 : vector<16xi32> to vector<16x1xi32>
          %gather3A_504 = vector.shape_cast %reshape3A_503 : vector<16x1xi32> to vector<16xi32>
          %gather3A_505 = tpu.dynamic_gather %exp3A_455[%gather3A_504] in [0] : vector<16xf32>, vector<16xi32> -> vector<16xf32>
          %mul3A_506 = arith.mulf %get3A_499, %gather3A_505 : vector<16xf32>
          %swap3A_507 = arith.constant 0 : i32
          %swap3A_508 = arith.index_cast %swap3A_507 : i32 to index
          %swap3A_509 = arith.index_cast %scan3A_439 : i32 to index
          %swap3A_510 = arith.constant 32 : index
          %swap3A_511 = tpu.vector_load %arg11[%swap3A_508, %swap3A_509, %swap3A_510] {strides = array<i32>} : memref<2x400x80xf32, #tpu.memory_space<vmem>>, vector<16xf32>,
          tpu.vector_store %arg11[%swap3A_508, %swap3A_509, %swap3A_510], %mul3A_506 {strides = array<i32>} : memref<2x400x80xf32, #tpu.memory_space<vmem>>, vector<16xf32>,
          %get3A_512 = arith.constant 0 : i32
          %get3A_513 = arith.index_cast %get3A_512 : i32 to index
          %get3A_514 = arith.index_cast %scan3A_439 : i32 to index
          %get3A_515 = arith.constant 48 : index
          %get3A_516 = tpu.vector_load %arg11[%get3A_513, %get3A_514, %get3A_515] {strides = array<i32>} : memref<2x400x80xf32, #tpu.memory_space<vmem>>, vector<16xf32>,
          %add3A_517 = arith.constant 6 : i32
          %add3A_518 = vector.broadcast %add3A_517 : i32 to vector<16xi32>
          %add3A_519 = arith.addi %select_n3A, %add3A_518 : vector<16xi32>
          %reshape3A_520 = vector.shape_cast %add3A_519 : vector<16xi32> to vector<16x1xi32>
          %gather3A_521 = vector.shape_cast %reshape3A_520 : vector<16x1xi32> to vector<16xi32>
          %gather3A_522 = tpu.dynamic_gather %exp3A_455[%gather3A_521] in [0] : vector<16xf32>, vector<16xi32> -> vector<16xf32>
          %mul3A_523 = arith.mulf %get3A_516, %gather3A_522 : vector<16xf32>
          %swap3A_524 = arith.constant 0 : i32
          %swap3A_525 = arith.index_cast %swap3A_524 : i32 to index
          %swap3A_526 = arith.index_cast %scan3A_439 : i32 to index
          %swap3A_527 = arith.constant 48 : index
          %swap3A_528 = tpu.vector_load %arg11[%swap3A_525, %swap3A_526, %swap3A_527] {strides = array<i32>} : memref<2x400x80xf32, #tpu.memory_space<vmem>>, vector<16xf32>,
          tpu.vector_store %arg11[%swap3A_525, %swap3A_526, %swap3A_527], %mul3A_523 {strides = array<i32>} : memref<2x400x80xf32, #tpu.memory_space<vmem>>, vector<16xf32>,
        }
        %scan3A_156 = arith.constant 400 : i32
        %dma_start3A_157 = arith.constant 0 : i32
        %dma_start3A_158 = arith.constant 0 : i32
        %dma_start3A_159 = arith.constant 0 : i32
        %dma_start3A_160 = arith.constant 0 : i32
        %dma_start3A_161 = arith.constant 0 : i32
        %dma_start3A_162 = tpu.memref_slice %arg11[%dma_start3A_157, %dma_start3A_160, %dma_start3A_161] : memref<2x400x80xf32, #tpu.memory_space<vmem>> -> memref<1x400x80xf32, #tpu.memory_space<vmem>>
        %dma_start3A_163 = tpu.memref_squeeze %dma_start3A_162 : memref<1x400x80xf32, #tpu.memory_space<vmem>> -> memref<400x80xf32, #tpu.memory_space<vmem>>
        %dma_start3A_164 = arith.constant 0 : i32
        %dma_start3A_165 = tpu.memref_slice %arg9[%dma_start3A_158, %dma_start3A_164] : memref<2x400xi32, #tpu.memory_space<vmem>> -> memref<1x400xi32, #tpu.memory_space<vmem>>
        %dma_start3A_166 = tpu.memref_squeeze %dma_start3A_165 : memref<1x400xi32, #tpu.memory_space<vmem>> -> memref<400xi32, #tpu.memory_space<vmem>>
        %dma_start3A_167 = arith.constant 0 : i32
        %dma_start3A_168 = arith.constant 0 : i32
        %dma_start3A_169 = tpu.memref_slice %arg14[%dma_start3A_167, %dma_start3A_168] : memref<10000x80xf32, #tpu.memory_space<vmem_shared>> -> memref<10000x80xf32, #tpu.memory_space<vmem_shared>>
        %dma_start3A_170 = tpu.memref_slice %arg13[%dma_start3A_159] : memref<2x!tpu.dma_semaphore, #tpu.memory_space<semaphore_mem>> -> memref<1x!tpu.dma_semaphore, #tpu.memory_space<semaphore_mem>>
        %dma_start3A_171 = tpu.memref_squeeze %dma_start3A_170 : memref<1x!tpu.dma_semaphore, #tpu.memory_space<semaphore_mem>> -> memref<!tpu.dma_semaphore, #tpu.memory_space<semaphore_mem>>
        tpu.enqueue_indirect_dma source(%dma_start3A_163 : memref<400x80xf32, #tpu.memory_space<vmem>>) target(%dma_start3A_169 : memref<10000x80xf32, #tpu.memory_space<vmem_shared>>) offsets(%dma_start3A_166 : memref<400xi32, #tpu.memory_space<vmem>>) semaphore(%dma_start3A_171 : memref<!tpu.dma_semaphore, #tpu.memory_space<semaphore_mem>>) {add = true}
      } else {
      }
      %mul3A_100 = arith.constant 2 : i32
      %mul3A_101 = arith.muli %mul3A_100, %scan3A_84 : i32
      %add3A_102 = arith.constant 1 : i32
      %add3A_103 = arith.addi %mul3A_101, %add3A_102 : i32
      %add3A_104 = arith.constant 1 : i32
      %add3A_105 = arith.addi %add3A_103, %add3A_104 : i32
      %lt3A_106 = arith.constant 25 : i32
      %lt3A_107 = arith.cmpi slt, %add3A_105, %lt3A_106 : i32
      %convert_element_type3A_108 = arith.extui %lt3A_107 : i1 to i32
      %cond3A_109 = arith.constant 0 : i32
      %cond3A_110 = arith.cmpi ne, %convert_element_type3A_108, %cond3A_109 : i32
      scf.if %cond3A_110 {
        %ge3A = arith.constant 2 : i32
        %ge3A_117 = arith.cmpi sge, %add3A_105, %ge3A : i32
        %convert_element_type3A_118 = arith.extui %ge3A_117 : i1 to i32
        %cond3A_119 = arith.constant 0 : i32
        %cond3A_120 = arith.cmpi ne, %convert_element_type3A_118, %cond3A_119 : i32
        scf.if %cond3A_120 {
          %dma_wait3A_156 = arith.constant 0 : i32
          %dma_wait3A_157 = arith.constant 0 : i32
          %dma_wait3A_158 = arith.constant 0 : i32
          %dma_wait3A_159 = arith.constant 0 : i32
          %dma_wait3A_160 = tpu.memref_slice %arg11[%dma_wait3A_156, %dma_wait3A_158, %dma_wait3A_159] : memref<2x400x80xf32, #tpu.memory_space<vmem>> -> memref<1x400x80xf32, #tpu.memory_space<vmem>>
          %dma_wait3A_161 = tpu.memref_squeeze %dma_wait3A_160 : memref<1x400x80xf32, #tpu.memory_space<vmem>> -> memref<400x80xf32, #tpu.memory_space<vmem>>
          %dma_wait3A_162 = arith.constant 0 : i32
          %dma_wait3A_163 = arith.constant 0 : i32
          %dma_wait3A_164 = tpu.memref_slice %arg14[%dma_wait3A_162, %dma_wait3A_163] : memref<10000x80xf32, #tpu.memory_space<vmem_shared>> -> memref<400x80xf32, #tpu.memory_space<vmem_shared>>
          %dma_wait3A_165 = tpu.memref_slice %arg13[%dma_wait3A_157] : memref<2x!tpu.dma_semaphore, #tpu.memory_space<semaphore_mem>> -> memref<1x!tpu.dma_semaphore, #tpu.memory_space<semaphore_mem>>
          %dma_wait3A_166 = tpu.memref_squeeze %dma_wait3A_165 : memref<1x!tpu.dma_semaphore, #tpu.memory_space<semaphore_mem>> -> memref<!tpu.dma_semaphore, #tpu.memory_space<semaphore_mem>>
          %dma_wait3A_167 = arith.constant 0 : i32
          %dma_wait3A_168 = arith.constant 0 : i32
          %dma_wait3A_169 = tpu.memref_slice %arg14[%dma_wait3A_167, %dma_wait3A_168] : memref<10000x80xf32, #tpu.memory_space<vmem_shared>> -> memref<400x80xf32, #tpu.memory_space<vmem_shared>>
          %dma_wait3A_170 = arith.constant 0 : i32
          %dma_wait3A_171 = arith.constant 0 : i32
          %dma_wait3A_172 = tpu.memref_slice %arg11[%dma_wait3A_156, %dma_wait3A_170, %dma_wait3A_171] : memref<2x400x80xf32, #tpu.memory_space<vmem>> -> memref<1x400x80xf32, #tpu.memory_space<vmem>>
          %dma_wait3A_173 = tpu.memref_squeeze %dma_wait3A_172 : memref<1x400x80xf32, #tpu.memory_space<vmem>> -> memref<400x80xf32, #tpu.memory_space<vmem>>
          tpu.wait_dma2 semaphore(%dma_wait3A_166 : memref<!tpu.dma_semaphore, #tpu.memory_space<semaphore_mem>>) src(%dma_wait3A_173 : memref<400x80xf32, #tpu.memory_space<vmem>>) dst(%dma_wait3A_169 : memref<400x80xf32, #tpu.memory_space<vmem_shared>>)
        } else {
        }
        %mul3A_121 = arith.constant 400 : i32
        %mul3A_122 = arith.muli %add3A_105, %mul3A_121 : i32
        %add3A_123 = arith.addi %mul3A_2, %mul3A_122 : i32
        %run_scoped3A_124 = arith.constant 0 : i32
        "tpu.region"() ({
          %run_scoped3A_156 = tpu.sem_alloc : memref<!tpu.dma_semaphore, #tpu.memory_space<semaphore_mem>>
          %dma_start3A_157 = arith.constant 0 : i32
          %dma_start3A_158 = tpu.memref_slice %arg8[%run_scoped3A_124, %dma_start3A_157] : memref<2x400xi32, #tpu.memory_space<vmem>> -> memref<1x400xi32, #tpu.memory_space<vmem>>
          %dma_start3A_159 = tpu.memref_squeeze %dma_start3A_158 : memref<1x400xi32, #tpu.memory_space<vmem>> -> memref<400xi32, #tpu.memory_space<vmem>>
          %dma_start3A_160 = tpu.memref_slice %arg2[%add3A_123] : memref<320000xi32, #tpu.memory_space<hbm>> -> memref<400xi32, #tpu.memory_space<hbm>>
          %dma_start3A_161 = arith.constant 0 : i32
          %dma_start3A_162 = tpu.memref_slice %arg8[%run_scoped3A_124, %dma_start3A_161] : memref<2x400xi32, #tpu.memory_space<vmem>> -> memref<1x400xi32, #tpu.memory_space<vmem>>
          %dma_start3A_163 = tpu.memref_squeeze %dma_start3A_162 : memref<1x400xi32, #tpu.memory_space<vmem>> -> memref<400xi32, #tpu.memory_space<vmem>>
          %dma_start3A_164 = tpu.memref_slice %arg2[%add3A_123] : memref<320000xi32, #tpu.memory_space<hbm>> -> memref<400xi32, #tpu.memory_space<hbm>>
          tpu.enqueue_dma source(%dma_start3A_164 : memref<400xi32, #tpu.memory_space<hbm>>) target(%dma_start3A_163 : memref<400xi32, #tpu.memory_space<vmem>>) target_semaphore(%run_scoped3A_156 : memref<!tpu.dma_semaphore, #tpu.memory_space<semaphore_mem>>)
          %dma_wait3A_165 = arith.constant 0 : i32
          %dma_wait3A_166 = tpu.memref_slice %arg8[%run_scoped3A_124, %dma_wait3A_165] : memref<2x400xi32, #tpu.memory_space<vmem>> -> memref<1x400xi32, #tpu.memory_space<vmem>>
          %dma_wait3A_167 = tpu.memref_squeeze %dma_wait3A_166 : memref<1x400xi32, #tpu.memory_space<vmem>> -> memref<400xi32, #tpu.memory_space<vmem>>
          %dma_wait3A_168 = tpu.memref_slice %arg2[%add3A_123] : memref<320000xi32, #tpu.memory_space<hbm>> -> memref<400xi32, #tpu.memory_space<hbm>>
          %dma_wait3A_169 = arith.constant 0 : i32
          %dma_wait3A_170 = tpu.memref_slice %arg8[%run_scoped3A_124, %dma_wait3A_169] : memref<2x400xi32, #tpu.memory_space<vmem>> -> memref<1x400xi32, #tpu.memory_space<vmem>>
          %dma_wait3A_171 = tpu.memref_squeeze %dma_wait3A_170 : memref<1x400xi32, #tpu.memory_space<vmem>> -> memref<400xi32, #tpu.memory_space<vmem>>
          %dma_wait3A_172 = tpu.memref_slice %arg2[%add3A_123] : memref<320000xi32, #tpu.memory_space<hbm>> -> memref<400xi32, #tpu.memory_space<hbm>>
          tpu.wait_dma2 semaphore(%run_scoped3A_156 : memref<!tpu.dma_semaphore, #tpu.memory_space<semaphore_mem>>) src(%dma_wait3A_172 : memref<400xi32, #tpu.memory_space<hbm>>) dst(%dma_wait3A_171 : memref<400xi32, #tpu.memory_space<vmem>>)
          tpu.yield
        }) : () -> ()
        %run_scoped3A_125 = arith.constant 0 : i32
        "tpu.region"() ({
          %run_scoped3A_156 = tpu.sem_alloc : memref<!tpu.dma_semaphore, #tpu.memory_space<semaphore_mem>>
          %dma_start3A_157 = arith.constant 0 : i32
          %dma_start3A_158 = tpu.memref_slice %arg9[%run_scoped3A_125, %dma_start3A_157] : memref<2x400xi32, #tpu.memory_space<vmem>> -> memref<1x400xi32, #tpu.memory_space<vmem>>
          %dma_start3A_159 = tpu.memref_squeeze %dma_start3A_158 : memref<1x400xi32, #tpu.memory_space<vmem>> -> memref<400xi32, #tpu.memory_space<vmem>>
          %dma_start3A_160 = tpu.memref_slice %arg3[%add3A_123] : memref<320000xi32, #tpu.memory_space<hbm>> -> memref<400xi32, #tpu.memory_space<hbm>>
          %dma_start3A_161 = arith.constant 0 : i32
          %dma_start3A_162 = tpu.memref_slice %arg9[%run_scoped3A_125, %dma_start3A_161] : memref<2x400xi32, #tpu.memory_space<vmem>> -> memref<1x400xi32, #tpu.memory_space<vmem>>
          %dma_start3A_163 = tpu.memref_squeeze %dma_start3A_162 : memref<1x400xi32, #tpu.memory_space<vmem>> -> memref<400xi32, #tpu.memory_space<vmem>>
          %dma_start3A_164 = tpu.memref_slice %arg3[%add3A_123] : memref<320000xi32, #tpu.memory_space<hbm>> -> memref<400xi32, #tpu.memory_space<hbm>>
          tpu.enqueue_dma source(%dma_start3A_164 : memref<400xi32, #tpu.memory_space<hbm>>) target(%dma_start3A_163 : memref<400xi32, #tpu.memory_space<vmem>>) target_semaphore(%run_scoped3A_156 : memref<!tpu.dma_semaphore, #tpu.memory_space<semaphore_mem>>)
          %dma_wait3A_165 = arith.constant 0 : i32
          %dma_wait3A_166 = tpu.memref_slice %arg9[%run_scoped3A_125, %dma_wait3A_165] : memref<2x400xi32, #tpu.memory_space<vmem>> -> memref<1x400xi32, #tpu.memory_space<vmem>>
          %dma_wait3A_167 = tpu.memref_squeeze %dma_wait3A_166 : memref<1x400xi32, #tpu.memory_space<vmem>> -> memref<400xi32, #tpu.memory_space<vmem>>
          %dma_wait3A_168 = tpu.memref_slice %arg3[%add3A_123] : memref<320000xi32, #tpu.memory_space<hbm>> -> memref<400xi32, #tpu.memory_space<hbm>>
          %dma_wait3A_169 = arith.constant 0 : i32
          %dma_wait3A_170 = tpu.memref_slice %arg9[%run_scoped3A_125, %dma_wait3A_169] : memref<2x400xi32, #tpu.memory_space<vmem>> -> memref<1x400xi32, #tpu.memory_space<vmem>>
          %dma_wait3A_171 = tpu.memref_squeeze %dma_wait3A_170 : memref<1x400xi32, #tpu.memory_space<vmem>> -> memref<400xi32, #tpu.memory_space<vmem>>
          %dma_wait3A_172 = tpu.memref_slice %arg3[%add3A_123] : memref<320000xi32, #tpu.memory_space<hbm>> -> memref<400xi32, #tpu.memory_space<hbm>>
          tpu.wait_dma2 semaphore(%run_scoped3A_156 : memref<!tpu.dma_semaphore, #tpu.memory_space<semaphore_mem>>) src(%dma_wait3A_172 : memref<400xi32, #tpu.memory_space<hbm>>) dst(%dma_wait3A_171 : memref<400xi32, #tpu.memory_space<vmem>>)
          tpu.yield
        }) : () -> ()
        %dma_start3A_126 = arith.constant 0 : i32
        %dma_start3A_127 = arith.constant 0 : i32
        %dma_start3A_128 = arith.constant 0 : i32
        %dma_start3A_129 = arith.constant 0 : i32
        %dma_start3A_130 = arith.constant 0 : i32
        %dma_start3A_131 = tpu.memref_slice %arg10[%dma_start3A_127, %dma_start3A_129, %dma_start3A_130] : memref<2x400x16xf32, #tpu.memory_space<vmem>> -> memref<1x400x16xf32, #tpu.memory_space<vmem>>
        %dma_start3A_132 = tpu.memref_squeeze %dma_start3A_131 : memref<1x400x16xf32, #tpu.memory_space<vmem>> -> memref<400x16xf32, #tpu.memory_space<vmem>>
        %dma_start3A_133 = arith.constant 0 : i32
        %dma_start3A_134 = tpu.memref_slice %arg9[%dma_start3A_126, %dma_start3A_133] : memref<2x400xi32, #tpu.memory_space<vmem>> -> memref<1x400xi32, #tpu.memory_space<vmem>>
        %dma_start3A_135 = tpu.memref_squeeze %dma_start3A_134 : memref<1x400xi32, #tpu.memory_space<vmem>> -> memref<400xi32, #tpu.memory_space<vmem>>
        %dma_start3A_136 = arith.constant 0 : i32
        %dma_start3A_137 = arith.constant 0 : i32
        %dma_start3A_138 = tpu.memref_slice %arg5[%dma_start3A_136, %dma_start3A_137] : memref<10000x16xf32, #tpu.memory_space<hbm>> -> memref<10000x16xf32, #tpu.memory_space<hbm>>
        %dma_start3A_139 = tpu.memref_slice %arg12[%dma_start3A_128] : memref<2x!tpu.dma_semaphore, #tpu.memory_space<semaphore_mem>> -> memref<1x!tpu.dma_semaphore, #tpu.memory_space<semaphore_mem>>
        %dma_start3A_140 = tpu.memref_squeeze %dma_start3A_139 : memref<1x!tpu.dma_semaphore, #tpu.memory_space<semaphore_mem>> -> memref<!tpu.dma_semaphore, #tpu.memory_space<semaphore_mem>>
        tpu.enqueue_indirect_dma source(%dma_start3A_138 : memref<10000x16xf32, #tpu.memory_space<hbm>>) target(%dma_start3A_132 : memref<400x16xf32, #tpu.memory_space<vmem>>) offsets(%dma_start3A_135 : memref<400xi32, #tpu.memory_space<vmem>>) semaphore(%dma_start3A_140 : memref<!tpu.dma_semaphore, #tpu.memory_space<semaphore_mem>>)
        %dma_start3A_141 = arith.constant 0 : i32
        %dma_start3A_142 = arith.constant 0 : i32
        %dma_start3A_143 = arith.constant 0 : i32
        %dma_start3A_144 = arith.constant 0 : i32
        %dma_start3A_145 = arith.constant 0 : i32
        %dma_start3A_146 = tpu.memref_slice %arg11[%dma_start3A_142, %dma_start3A_144, %dma_start3A_145] : memref<2x400x80xf32, #tpu.memory_space<vmem>> -> memref<1x400x80xf32, #tpu.memory_space<vmem>>
        %dma_start3A_147 = tpu.memref_squeeze %dma_start3A_146 : memref<1x400x80xf32, #tpu.memory_space<vmem>> -> memref<400x80xf32, #tpu.memory_space<vmem>>
        %dma_start3A_148 = arith.constant 0 : i32
        %dma_start3A_149 = tpu.memref_slice %arg8[%dma_start3A_141, %dma_start3A_148] : memref<2x400xi32, #tpu.memory_space<vmem>> -> memref<1x400xi32, #tpu.memory_space<vmem>>
        %dma_start3A_150 = tpu.memref_squeeze %dma_start3A_149 : memref<1x400xi32, #tpu.memory_space<vmem>> -> memref<400xi32, #tpu.memory_space<vmem>>
        %dma_start3A_151 = arith.constant 0 : i32
        %dma_start3A_152 = arith.constant 0 : i32
        %dma_start3A_153 = tpu.memref_slice %arg4[%dma_start3A_151, %dma_start3A_152] : memref<10000x80xf32, #tpu.memory_space<hbm>> -> memref<10000x80xf32, #tpu.memory_space<hbm>>
        %dma_start3A_154 = tpu.memref_slice %arg12[%dma_start3A_143] : memref<2x!tpu.dma_semaphore, #tpu.memory_space<semaphore_mem>> -> memref<1x!tpu.dma_semaphore, #tpu.memory_space<semaphore_mem>>
        %dma_start3A_155 = tpu.memref_squeeze %dma_start3A_154 : memref<1x!tpu.dma_semaphore, #tpu.memory_space<semaphore_mem>> -> memref<!tpu.dma_semaphore, #tpu.memory_space<semaphore_mem>>
        tpu.enqueue_indirect_dma source(%dma_start3A_153 : memref<10000x80xf32, #tpu.memory_space<hbm>>) target(%dma_start3A_147 : memref<400x80xf32, #tpu.memory_space<vmem>>) offsets(%dma_start3A_150 : memref<400xi32, #tpu.memory_space<vmem>>) semaphore(%dma_start3A_155 : memref<!tpu.dma_semaphore, #tpu.memory_space<semaphore_mem>>)
      } else {
      }
      %lt3A_111 = arith.constant 25 : i32
      %lt3A_112 = arith.cmpi slt, %add3A_103, %lt3A_111 : i32
      %convert_element_type3A_113 = arith.extui %lt3A_112 : i1 to i32
      %cond3A_114 = arith.constant 0 : i32
      %cond3A_115 = arith.cmpi ne, %convert_element_type3A_113, %cond3A_114 : i32
      scf.if %cond3A_115 {
        %dma_wait3A_117 = arith.constant 1 : i32
        %dma_wait3A_118 = arith.constant 1 : i32
        %dma_wait3A_119 = arith.constant 1 : i32
        %dma_wait3A_120 = arith.constant 0 : i32
        %dma_wait3A_121 = arith.constant 0 : i32
        %dma_wait3A_122 = tpu.memref_slice %arg10[%dma_wait3A_118, %dma_wait3A_120, %dma_wait3A_121] : memref<2x400x16xf32, #tpu.memory_space<vmem>> -> memref<1x400x16xf32, #tpu.memory_space<vmem>>
        %dma_wait3A_123 = tpu.memref_squeeze %dma_wait3A_122 : memref<1x400x16xf32, #tpu.memory_space<vmem>> -> memref<400x16xf32, #tpu.memory_space<vmem>>
        %dma_wait3A_124 = arith.constant 0 : i32
        %dma_wait3A_125 = tpu.memref_slice %arg9[%dma_wait3A_117, %dma_wait3A_124] : memref<2x400xi32, #tpu.memory_space<vmem>> -> memref<1x400xi32, #tpu.memory_space<vmem>>
        %dma_wait3A_126 = tpu.memref_squeeze %dma_wait3A_125 : memref<1x400xi32, #tpu.memory_space<vmem>> -> memref<400xi32, #tpu.memory_space<vmem>>
        %dma_wait3A_127 = arith.constant 0 : i32
        %dma_wait3A_128 = arith.constant 0 : i32
        %dma_wait3A_129 = tpu.memref_slice %arg5[%dma_wait3A_127, %dma_wait3A_128] : memref<10000x16xf32, #tpu.memory_space<hbm>> -> memref<10000x16xf32, #tpu.memory_space<hbm>>
        %dma_wait3A_130 = tpu.memref_slice %arg12[%dma_wait3A_119] : memref<2x!tpu.dma_semaphore, #tpu.memory_space<semaphore_mem>> -> memref<1x!tpu.dma_semaphore, #tpu.memory_space<semaphore_mem>>
        %dma_wait3A_131 = tpu.memref_squeeze %dma_wait3A_130 : memref<1x!tpu.dma_semaphore, #tpu.memory_space<semaphore_mem>> -> memref<!tpu.dma_semaphore, #tpu.memory_space<semaphore_mem>>
        tpu.wait_indirect_dma semaphore(%dma_wait3A_131 : memref<!tpu.dma_semaphore, #tpu.memory_space<semaphore_mem>>) src(%dma_wait3A_129 : memref<10000x16xf32, #tpu.memory_space<hbm>>) dst(%dma_wait3A_123 : memref<400x16xf32, #tpu.memory_space<vmem>>)
        %dma_wait3A_132 = arith.constant 1 : i32
        %dma_wait3A_133 = arith.constant 1 : i32
        %dma_wait3A_134 = arith.constant 1 : i32
        %dma_wait3A_135 = arith.constant 0 : i32
        %dma_wait3A_136 = arith.constant 0 : i32
        %dma_wait3A_137 = tpu.memref_slice %arg11[%dma_wait3A_133, %dma_wait3A_135, %dma_wait3A_136] : memref<2x400x80xf32, #tpu.memory_space<vmem>> -> memref<1x400x80xf32, #tpu.memory_space<vmem>>
        %dma_wait3A_138 = tpu.memref_squeeze %dma_wait3A_137 : memref<1x400x80xf32, #tpu.memory_space<vmem>> -> memref<400x80xf32, #tpu.memory_space<vmem>>
        %dma_wait3A_139 = arith.constant 0 : i32
        %dma_wait3A_140 = tpu.memref_slice %arg8[%dma_wait3A_132, %dma_wait3A_139] : memref<2x400xi32, #tpu.memory_space<vmem>> -> memref<1x400xi32, #tpu.memory_space<vmem>>
        %dma_wait3A_141 = tpu.memref_squeeze %dma_wait3A_140 : memref<1x400xi32, #tpu.memory_space<vmem>> -> memref<400xi32, #tpu.memory_space<vmem>>
        %dma_wait3A_142 = arith.constant 0 : i32
        %dma_wait3A_143 = arith.constant 0 : i32
        %dma_wait3A_144 = tpu.memref_slice %arg4[%dma_wait3A_142, %dma_wait3A_143] : memref<10000x80xf32, #tpu.memory_space<hbm>> -> memref<10000x80xf32, #tpu.memory_space<hbm>>
        %dma_wait3A_145 = tpu.memref_slice %arg12[%dma_wait3A_134] : memref<2x!tpu.dma_semaphore, #tpu.memory_space<semaphore_mem>> -> memref<1x!tpu.dma_semaphore, #tpu.memory_space<semaphore_mem>>
        %dma_wait3A_146 = tpu.memref_squeeze %dma_wait3A_145 : memref<1x!tpu.dma_semaphore, #tpu.memory_space<semaphore_mem>> -> memref<!tpu.dma_semaphore, #tpu.memory_space<semaphore_mem>>
        tpu.wait_indirect_dma semaphore(%dma_wait3A_146 : memref<!tpu.dma_semaphore, #tpu.memory_space<semaphore_mem>>) src(%dma_wait3A_144 : memref<10000x80xf32, #tpu.memory_space<hbm>>) dst(%dma_wait3A_138 : memref<400x80xf32, #tpu.memory_space<vmem>>)
        %iota3A = tpu.iota {dimensions = array<i32: 0>} : vector<16xi32>
        %ge3A = arith.constant 8 : i32
        %ge3A_147 = vector.broadcast %ge3A : i32 to vector<16xi32>
        %ge3A_148 = arith.cmpi sge, %iota3A, %ge3A_147 : vector<16xi32>
        %jit3A = arith.constant 1 : i32
        %jit3A_149 = arith.constant 0 : i32
        %broadcast_in_dim3A = vector.broadcast %jit3A : i32 to vector<16xi32>
        %broadcast_in_dim3A_150 = vector.broadcast %jit3A_149 : i32 to vector<16xi32>
        %select_n3A = arith.select %ge3A_148, %broadcast_in_dim3A, %broadcast_in_dim3A_150 : vector<16xi1>, vector<16xi32>
        %scan3A_151 = arith.constant 0 : i32
        %scan3A_152 = arith.constant 0 : i32
        %scan3A_153 = arith.constant 400 : i32
        %scan3A_154 = arith.addi %scan3A_152, %scan3A_153 : i32
        %scan3A_155 = arith.constant 4 : i32
        scf.for %scan3A_172 = %scan3A_152 to %scan3A_154 step %scan3A_155  : i32 {
          %get3A = arith.constant 1 : i32
          %get3A_173 = arith.index_cast %get3A : i32 to index
          %get3A_174 = arith.index_cast %scan3A_172 : i32 to index
          %get3A_175 = arith.constant 64 : index
          %get3A_176 = tpu.vector_load %arg11[%get3A_173, %get3A_174, %get3A_175] {strides = array<i32>} : memref<2x400x80xf32, #tpu.memory_space<vmem>>, vector<16xf32>,
          %get3A_177 = arith.constant 1 : i32
          %get3A_178 = arith.index_cast %get3A_177 : i32 to index
          %get3A_179 = arith.index_cast %scan3A_172 : i32 to index
          %get3A_180 = arith.constant 0 : index
          %get3A_181 = tpu.vector_load %arg10[%get3A_178, %get3A_179, %get3A_180] {strides = array<i32>} : memref<2x400x16xf32, #tpu.memory_space<vmem>>, vector<16xf32>,
          %add3A_182 = arith.addf %get3A_176, %get3A_181 : vector<16xf32>
          %mul3A_183 = arith.constant 2.000000e-01 : f32
          %mul3A_184 = vector.broadcast %mul3A_183 : f32 to vector<16xf32>
          %mul3A_185 = arith.mulf %mul3A_184, %add3A_182 : vector<16xf32>
          %max3A = arith.maximumf %add3A_182, %mul3A_185 : vector<16xf32>
          %exp3A = math.exp %max3A : vector<16xf32>
          %swap3A = arith.constant 1 : i32
          %swap3A_186 = arith.index_cast %swap3A : i32 to index
          %swap3A_187 = arith.index_cast %scan3A_172 : i32 to index
          %swap3A_188 = arith.constant 64 : index
          %swap3A_189 = tpu.vector_load %arg11[%swap3A_186, %swap3A_187, %swap3A_188] {strides = array<i32>} : memref<2x400x80xf32, #tpu.memory_space<vmem>>, vector<16xf32>,
          tpu.vector_store %arg11[%swap3A_186, %swap3A_187, %swap3A_188], %exp3A {strides = array<i32>} : memref<2x400x80xf32, #tpu.memory_space<vmem>>, vector<16xf32>,
          %get3A_190 = arith.constant 1 : i32
          %get3A_191 = arith.index_cast %get3A_190 : i32 to index
          %get3A_192 = arith.index_cast %scan3A_172 : i32 to index
          %get3A_193 = arith.constant 0 : index
          %get3A_194 = tpu.vector_load %arg11[%get3A_191, %get3A_192, %get3A_193] {strides = array<i32>} : memref<2x400x80xf32, #tpu.memory_space<vmem>>, vector<16xf32>,
          %add3A_195 = arith.constant 0 : i32
          %add3A_196 = vector.broadcast %add3A_195 : i32 to vector<16xi32>
          %add3A_197 = arith.addi %select_n3A, %add3A_196 : vector<16xi32>
          %reshape3A = vector.shape_cast %add3A_197 : vector<16xi32> to vector<16x1xi32>
          %gather3A = vector.shape_cast %reshape3A : vector<16x1xi32> to vector<16xi32>
          %gather3A_198 = tpu.dynamic_gather %exp3A[%gather3A] in [0] : vector<16xf32>, vector<16xi32> -> vector<16xf32>
          %mul3A_199 = arith.mulf %get3A_194, %gather3A_198 : vector<16xf32>
          %swap3A_200 = arith.constant 1 : i32
          %swap3A_201 = arith.index_cast %swap3A_200 : i32 to index
          %swap3A_202 = arith.index_cast %scan3A_172 : i32 to index
          %swap3A_203 = arith.constant 0 : index
          %swap3A_204 = tpu.vector_load %arg11[%swap3A_201, %swap3A_202, %swap3A_203] {strides = array<i32>} : memref<2x400x80xf32, #tpu.memory_space<vmem>>, vector<16xf32>,
          tpu.vector_store %arg11[%swap3A_201, %swap3A_202, %swap3A_203], %mul3A_199 {strides = array<i32>} : memref<2x400x80xf32, #tpu.memory_space<vmem>>, vector<16xf32>,
          %get3A_205 = arith.constant 1 : i32
          %get3A_206 = arith.index_cast %get3A_205 : i32 to index
          %get3A_207 = arith.index_cast %scan3A_172 : i32 to index
          %get3A_208 = arith.constant 16 : index
          %get3A_209 = tpu.vector_load %arg11[%get3A_206, %get3A_207, %get3A_208] {strides = array<i32>} : memref<2x400x80xf32, #tpu.memory_space<vmem>>, vector<16xf32>,
          %add3A_210 = arith.constant 2 : i32
          %add3A_211 = vector.broadcast %add3A_210 : i32 to vector<16xi32>
          %add3A_212 = arith.addi %select_n3A, %add3A_211 : vector<16xi32>
          %reshape3A_213 = vector.shape_cast %add3A_212 : vector<16xi32> to vector<16x1xi32>
          %gather3A_214 = vector.shape_cast %reshape3A_213 : vector<16x1xi32> to vector<16xi32>
          %gather3A_215 = tpu.dynamic_gather %exp3A[%gather3A_214] in [0] : vector<16xf32>, vector<16xi32> -> vector<16xf32>
          %mul3A_216 = arith.mulf %get3A_209, %gather3A_215 : vector<16xf32>
          %swap3A_217 = arith.constant 1 : i32
          %swap3A_218 = arith.index_cast %swap3A_217 : i32 to index
          %swap3A_219 = arith.index_cast %scan3A_172 : i32 to index
          %swap3A_220 = arith.constant 16 : index
          %swap3A_221 = tpu.vector_load %arg11[%swap3A_218, %swap3A_219, %swap3A_220] {strides = array<i32>} : memref<2x400x80xf32, #tpu.memory_space<vmem>>, vector<16xf32>,
          tpu.vector_store %arg11[%swap3A_218, %swap3A_219, %swap3A_220], %mul3A_216 {strides = array<i32>} : memref<2x400x80xf32, #tpu.memory_space<vmem>>, vector<16xf32>,
          %get3A_222 = arith.constant 1 : i32
          %get3A_223 = arith.index_cast %get3A_222 : i32 to index
          %get3A_224 = arith.index_cast %scan3A_172 : i32 to index
          %get3A_225 = arith.constant 32 : index
          %get3A_226 = tpu.vector_load %arg11[%get3A_223, %get3A_224, %get3A_225] {strides = array<i32>} : memref<2x400x80xf32, #tpu.memory_space<vmem>>, vector<16xf32>,
          %add3A_227 = arith.constant 4 : i32
          %add3A_228 = vector.broadcast %add3A_227 : i32 to vector<16xi32>
          %add3A_229 = arith.addi %select_n3A, %add3A_228 : vector<16xi32>
          %reshape3A_230 = vector.shape_cast %add3A_229 : vector<16xi32> to vector<16x1xi32>
          %gather3A_231 = vector.shape_cast %reshape3A_230 : vector<16x1xi32> to vector<16xi32>
          %gather3A_232 = tpu.dynamic_gather %exp3A[%gather3A_231] in [0] : vector<16xf32>, vector<16xi32> -> vector<16xf32>
          %mul3A_233 = arith.mulf %get3A_226, %gather3A_232 : vector<16xf32>
          %swap3A_234 = arith.constant 1 : i32
          %swap3A_235 = arith.index_cast %swap3A_234 : i32 to index
          %swap3A_236 = arith.index_cast %scan3A_172 : i32 to index
          %swap3A_237 = arith.constant 32 : index
          %swap3A_238 = tpu.vector_load %arg11[%swap3A_235, %swap3A_236, %swap3A_237] {strides = array<i32>} : memref<2x400x80xf32, #tpu.memory_space<vmem>>, vector<16xf32>,
          tpu.vector_store %arg11[%swap3A_235, %swap3A_236, %swap3A_237], %mul3A_233 {strides = array<i32>} : memref<2x400x80xf32, #tpu.memory_space<vmem>>, vector<16xf32>,
          %get3A_239 = arith.constant 1 : i32
          %get3A_240 = arith.index_cast %get3A_239 : i32 to index
          %get3A_241 = arith.index_cast %scan3A_172 : i32 to index
          %get3A_242 = arith.constant 48 : index
          %get3A_243 = tpu.vector_load %arg11[%get3A_240, %get3A_241, %get3A_242] {strides = array<i32>} : memref<2x400x80xf32, #tpu.memory_space<vmem>>, vector<16xf32>,
          %add3A_244 = arith.constant 6 : i32
          %add3A_245 = vector.broadcast %add3A_244 : i32 to vector<16xi32>
          %add3A_246 = arith.addi %select_n3A, %add3A_245 : vector<16xi32>
          %reshape3A_247 = vector.shape_cast %add3A_246 : vector<16xi32> to vector<16x1xi32>
          %gather3A_248 = vector.shape_cast %reshape3A_247 : vector<16x1xi32> to vector<16xi32>
          %gather3A_249 = tpu.dynamic_gather %exp3A[%gather3A_248] in [0] : vector<16xf32>, vector<16xi32> -> vector<16xf32>
          %mul3A_250 = arith.mulf %get3A_243, %gather3A_249 : vector<16xf32>
          %swap3A_251 = arith.constant 1 : i32
          %swap3A_252 = arith.index_cast %swap3A_251 : i32 to index
          %swap3A_253 = arith.index_cast %scan3A_172 : i32 to index
          %swap3A_254 = arith.constant 48 : index
          %swap3A_255 = tpu.vector_load %arg11[%swap3A_252, %swap3A_253, %swap3A_254] {strides = array<i32>} : memref<2x400x80xf32, #tpu.memory_space<vmem>>, vector<16xf32>,
          tpu.vector_store %arg11[%swap3A_252, %swap3A_253, %swap3A_254], %mul3A_250 {strides = array<i32>} : memref<2x400x80xf32, #tpu.memory_space<vmem>>, vector<16xf32>,
          %scan3A_256 = arith.constant 1 : i32
          %scan3A_257 = arith.addi %scan3A_172, %scan3A_256 : i32
          %get3A_258 = arith.constant 1 : i32
          %get3A_259 = arith.index_cast %get3A_258 : i32 to index
          %get3A_260 = arith.index_cast %scan3A_257 : i32 to index
          %get3A_261 = arith.constant 64 : index
          %get3A_262 = tpu.vector_load %arg11[%get3A_259, %get3A_260, %get3A_261] {strides = array<i32>} : memref<2x400x80xf32, #tpu.memory_space<vmem>>, vector<16xf32>,
          %get3A_263 = arith.constant 1 : i32
          %get3A_264 = arith.index_cast %get3A_263 : i32 to index
          %get3A_265 = arith.index_cast %scan3A_257 : i32 to index
          %get3A_266 = arith.constant 0 : index
          %get3A_267 = tpu.vector_load %arg10[%get3A_264, %get3A_265, %get3A_266] {strides = array<i32>} : memref<2x400x16xf32, #tpu.memory_space<vmem>>, vector<16xf32>,
          %add3A_268 = arith.addf %get3A_262, %get3A_267 : vector<16xf32>
          %mul3A_269 = arith.constant 2.000000e-01 : f32
          %mul3A_270 = vector.broadcast %mul3A_269 : f32 to vector<16xf32>
          %mul3A_271 = arith.mulf %mul3A_270, %add3A_268 : vector<16xf32>
          %max3A_272 = arith.maximumf %add3A_268, %mul3A_271 : vector<16xf32>
          %exp3A_273 = math.exp %max3A_272 : vector<16xf32>
          %swap3A_274 = arith.constant 1 : i32
          %swap3A_275 = arith.index_cast %swap3A_274 : i32 to index
          %swap3A_276 = arith.index_cast %scan3A_257 : i32 to index
          %swap3A_277 = arith.constant 64 : index
          %swap3A_278 = tpu.vector_load %arg11[%swap3A_275, %swap3A_276, %swap3A_277] {strides = array<i32>} : memref<2x400x80xf32, #tpu.memory_space<vmem>>, vector<16xf32>,
          tpu.vector_store %arg11[%swap3A_275, %swap3A_276, %swap3A_277], %exp3A_273 {strides = array<i32>} : memref<2x400x80xf32, #tpu.memory_space<vmem>>, vector<16xf32>,
          %get3A_279 = arith.constant 1 : i32
          %get3A_280 = arith.index_cast %get3A_279 : i32 to index
          %get3A_281 = arith.index_cast %scan3A_257 : i32 to index
          %get3A_282 = arith.constant 0 : index
          %get3A_283 = tpu.vector_load %arg11[%get3A_280, %get3A_281, %get3A_282] {strides = array<i32>} : memref<2x400x80xf32, #tpu.memory_space<vmem>>, vector<16xf32>,
          %add3A_284 = arith.constant 0 : i32
          %add3A_285 = vector.broadcast %add3A_284 : i32 to vector<16xi32>
          %add3A_286 = arith.addi %select_n3A, %add3A_285 : vector<16xi32>
          %reshape3A_287 = vector.shape_cast %add3A_286 : vector<16xi32> to vector<16x1xi32>
          %gather3A_288 = vector.shape_cast %reshape3A_287 : vector<16x1xi32> to vector<16xi32>
          %gather3A_289 = tpu.dynamic_gather %exp3A_273[%gather3A_288] in [0] : vector<16xf32>, vector<16xi32> -> vector<16xf32>
          %mul3A_290 = arith.mulf %get3A_283, %gather3A_289 : vector<16xf32>
          %swap3A_291 = arith.constant 1 : i32
          %swap3A_292 = arith.index_cast %swap3A_291 : i32 to index
          %swap3A_293 = arith.index_cast %scan3A_257 : i32 to index
          %swap3A_294 = arith.constant 0 : index
          %swap3A_295 = tpu.vector_load %arg11[%swap3A_292, %swap3A_293, %swap3A_294] {strides = array<i32>} : memref<2x400x80xf32, #tpu.memory_space<vmem>>, vector<16xf32>,
          tpu.vector_store %arg11[%swap3A_292, %swap3A_293, %swap3A_294], %mul3A_290 {strides = array<i32>} : memref<2x400x80xf32, #tpu.memory_space<vmem>>, vector<16xf32>,
          %get3A_296 = arith.constant 1 : i32
          %get3A_297 = arith.index_cast %get3A_296 : i32 to index
          %get3A_298 = arith.index_cast %scan3A_257 : i32 to index
          %get3A_299 = arith.constant 16 : index
          %get3A_300 = tpu.vector_load %arg11[%get3A_297, %get3A_298, %get3A_299] {strides = array<i32>} : memref<2x400x80xf32, #tpu.memory_space<vmem>>, vector<16xf32>,
          %add3A_301 = arith.constant 2 : i32
          %add3A_302 = vector.broadcast %add3A_301 : i32 to vector<16xi32>
          %add3A_303 = arith.addi %select_n3A, %add3A_302 : vector<16xi32>
          %reshape3A_304 = vector.shape_cast %add3A_303 : vector<16xi32> to vector<16x1xi32>
          %gather3A_305 = vector.shape_cast %reshape3A_304 : vector<16x1xi32> to vector<16xi32>
          %gather3A_306 = tpu.dynamic_gather %exp3A_273[%gather3A_305] in [0] : vector<16xf32>, vector<16xi32> -> vector<16xf32>
          %mul3A_307 = arith.mulf %get3A_300, %gather3A_306 : vector<16xf32>
          %swap3A_308 = arith.constant 1 : i32
          %swap3A_309 = arith.index_cast %swap3A_308 : i32 to index
          %swap3A_310 = arith.index_cast %scan3A_257 : i32 to index
          %swap3A_311 = arith.constant 16 : index
          %swap3A_312 = tpu.vector_load %arg11[%swap3A_309, %swap3A_310, %swap3A_311] {strides = array<i32>} : memref<2x400x80xf32, #tpu.memory_space<vmem>>, vector<16xf32>,
          tpu.vector_store %arg11[%swap3A_309, %swap3A_310, %swap3A_311], %mul3A_307 {strides = array<i32>} : memref<2x400x80xf32, #tpu.memory_space<vmem>>, vector<16xf32>,
          %get3A_313 = arith.constant 1 : i32
          %get3A_314 = arith.index_cast %get3A_313 : i32 to index
          %get3A_315 = arith.index_cast %scan3A_257 : i32 to index
          %get3A_316 = arith.constant 32 : index
          %get3A_317 = tpu.vector_load %arg11[%get3A_314, %get3A_315, %get3A_316] {strides = array<i32>} : memref<2x400x80xf32, #tpu.memory_space<vmem>>, vector<16xf32>,
          %add3A_318 = arith.constant 4 : i32
          %add3A_319 = vector.broadcast %add3A_318 : i32 to vector<16xi32>
          %add3A_320 = arith.addi %select_n3A, %add3A_319 : vector<16xi32>
          %reshape3A_321 = vector.shape_cast %add3A_320 : vector<16xi32> to vector<16x1xi32>
          %gather3A_322 = vector.shape_cast %reshape3A_321 : vector<16x1xi32> to vector<16xi32>
          %gather3A_323 = tpu.dynamic_gather %exp3A_273[%gather3A_322] in [0] : vector<16xf32>, vector<16xi32> -> vector<16xf32>
          %mul3A_324 = arith.mulf %get3A_317, %gather3A_323 : vector<16xf32>
          %swap3A_325 = arith.constant 1 : i32
          %swap3A_326 = arith.index_cast %swap3A_325 : i32 to index
          %swap3A_327 = arith.index_cast %scan3A_257 : i32 to index
          %swap3A_328 = arith.constant 32 : index
          %swap3A_329 = tpu.vector_load %arg11[%swap3A_326, %swap3A_327, %swap3A_328] {strides = array<i32>} : memref<2x400x80xf32, #tpu.memory_space<vmem>>, vector<16xf32>,
          tpu.vector_store %arg11[%swap3A_326, %swap3A_327, %swap3A_328], %mul3A_324 {strides = array<i32>} : memref<2x400x80xf32, #tpu.memory_space<vmem>>, vector<16xf32>,
          %get3A_330 = arith.constant 1 : i32
          %get3A_331 = arith.index_cast %get3A_330 : i32 to index
          %get3A_332 = arith.index_cast %scan3A_257 : i32 to index
          %get3A_333 = arith.constant 48 : index
          %get3A_334 = tpu.vector_load %arg11[%get3A_331, %get3A_332, %get3A_333] {strides = array<i32>} : memref<2x400x80xf32, #tpu.memory_space<vmem>>, vector<16xf32>,
          %add3A_335 = arith.constant 6 : i32
          %add3A_336 = vector.broadcast %add3A_335 : i32 to vector<16xi32>
          %add3A_337 = arith.addi %select_n3A, %add3A_336 : vector<16xi32>
          %reshape3A_338 = vector.shape_cast %add3A_337 : vector<16xi32> to vector<16x1xi32>
          %gather3A_339 = vector.shape_cast %reshape3A_338 : vector<16x1xi32> to vector<16xi32>
          %gather3A_340 = tpu.dynamic_gather %exp3A_273[%gather3A_339] in [0] : vector<16xf32>, vector<16xi32> -> vector<16xf32>
          %mul3A_341 = arith.mulf %get3A_334, %gather3A_340 : vector<16xf32>
          %swap3A_342 = arith.constant 1 : i32
          %swap3A_343 = arith.index_cast %swap3A_342 : i32 to index
          %swap3A_344 = arith.index_cast %scan3A_257 : i32 to index
          %swap3A_345 = arith.constant 48 : index
          %swap3A_346 = tpu.vector_load %arg11[%swap3A_343, %swap3A_344, %swap3A_345] {strides = array<i32>} : memref<2x400x80xf32, #tpu.memory_space<vmem>>, vector<16xf32>,
          tpu.vector_store %arg11[%swap3A_343, %swap3A_344, %swap3A_345], %mul3A_341 {strides = array<i32>} : memref<2x400x80xf32, #tpu.memory_space<vmem>>, vector<16xf32>,
          %scan3A_347 = arith.constant 2 : i32
          %scan3A_348 = arith.addi %scan3A_172, %scan3A_347 : i32
          %get3A_349 = arith.constant 1 : i32
          %get3A_350 = arith.index_cast %get3A_349 : i32 to index
          %get3A_351 = arith.index_cast %scan3A_348 : i32 to index
          %get3A_352 = arith.constant 64 : index
          %get3A_353 = tpu.vector_load %arg11[%get3A_350, %get3A_351, %get3A_352] {strides = array<i32>} : memref<2x400x80xf32, #tpu.memory_space<vmem>>, vector<16xf32>,
          %get3A_354 = arith.constant 1 : i32
          %get3A_355 = arith.index_cast %get3A_354 : i32 to index
          %get3A_356 = arith.index_cast %scan3A_348 : i32 to index
          %get3A_357 = arith.constant 0 : index
          %get3A_358 = tpu.vector_load %arg10[%get3A_355, %get3A_356, %get3A_357] {strides = array<i32>} : memref<2x400x16xf32, #tpu.memory_space<vmem>>, vector<16xf32>,
          %add3A_359 = arith.addf %get3A_353, %get3A_358 : vector<16xf32>
          %mul3A_360 = arith.constant 2.000000e-01 : f32
          %mul3A_361 = vector.broadcast %mul3A_360 : f32 to vector<16xf32>
          %mul3A_362 = arith.mulf %mul3A_361, %add3A_359 : vector<16xf32>
          %max3A_363 = arith.maximumf %add3A_359, %mul3A_362 : vector<16xf32>
          %exp3A_364 = math.exp %max3A_363 : vector<16xf32>
          %swap3A_365 = arith.constant 1 : i32
          %swap3A_366 = arith.index_cast %swap3A_365 : i32 to index
          %swap3A_367 = arith.index_cast %scan3A_348 : i32 to index
          %swap3A_368 = arith.constant 64 : index
          %swap3A_369 = tpu.vector_load %arg11[%swap3A_366, %swap3A_367, %swap3A_368] {strides = array<i32>} : memref<2x400x80xf32, #tpu.memory_space<vmem>>, vector<16xf32>,
          tpu.vector_store %arg11[%swap3A_366, %swap3A_367, %swap3A_368], %exp3A_364 {strides = array<i32>} : memref<2x400x80xf32, #tpu.memory_space<vmem>>, vector<16xf32>,
          %get3A_370 = arith.constant 1 : i32
          %get3A_371 = arith.index_cast %get3A_370 : i32 to index
          %get3A_372 = arith.index_cast %scan3A_348 : i32 to index
          %get3A_373 = arith.constant 0 : index
          %get3A_374 = tpu.vector_load %arg11[%get3A_371, %get3A_372, %get3A_373] {strides = array<i32>} : memref<2x400x80xf32, #tpu.memory_space<vmem>>, vector<16xf32>,
          %add3A_375 = arith.constant 0 : i32
          %add3A_376 = vector.broadcast %add3A_375 : i32 to vector<16xi32>
          %add3A_377 = arith.addi %select_n3A, %add3A_376 : vector<16xi32>
          %reshape3A_378 = vector.shape_cast %add3A_377 : vector<16xi32> to vector<16x1xi32>
          %gather3A_379 = vector.shape_cast %reshape3A_378 : vector<16x1xi32> to vector<16xi32>
          %gather3A_380 = tpu.dynamic_gather %exp3A_364[%gather3A_379] in [0] : vector<16xf32>, vector<16xi32> -> vector<16xf32>
          %mul3A_381 = arith.mulf %get3A_374, %gather3A_380 : vector<16xf32>
          %swap3A_382 = arith.constant 1 : i32
          %swap3A_383 = arith.index_cast %swap3A_382 : i32 to index
          %swap3A_384 = arith.index_cast %scan3A_348 : i32 to index
          %swap3A_385 = arith.constant 0 : index
          %swap3A_386 = tpu.vector_load %arg11[%swap3A_383, %swap3A_384, %swap3A_385] {strides = array<i32>} : memref<2x400x80xf32, #tpu.memory_space<vmem>>, vector<16xf32>,
          tpu.vector_store %arg11[%swap3A_383, %swap3A_384, %swap3A_385], %mul3A_381 {strides = array<i32>} : memref<2x400x80xf32, #tpu.memory_space<vmem>>, vector<16xf32>,
          %get3A_387 = arith.constant 1 : i32
          %get3A_388 = arith.index_cast %get3A_387 : i32 to index
          %get3A_389 = arith.index_cast %scan3A_348 : i32 to index
          %get3A_390 = arith.constant 16 : index
          %get3A_391 = tpu.vector_load %arg11[%get3A_388, %get3A_389, %get3A_390] {strides = array<i32>} : memref<2x400x80xf32, #tpu.memory_space<vmem>>, vector<16xf32>,
          %add3A_392 = arith.constant 2 : i32
          %add3A_393 = vector.broadcast %add3A_392 : i32 to vector<16xi32>
          %add3A_394 = arith.addi %select_n3A, %add3A_393 : vector<16xi32>
          %reshape3A_395 = vector.shape_cast %add3A_394 : vector<16xi32> to vector<16x1xi32>
          %gather3A_396 = vector.shape_cast %reshape3A_395 : vector<16x1xi32> to vector<16xi32>
          %gather3A_397 = tpu.dynamic_gather %exp3A_364[%gather3A_396] in [0] : vector<16xf32>, vector<16xi32> -> vector<16xf32>
          %mul3A_398 = arith.mulf %get3A_391, %gather3A_397 : vector<16xf32>
          %swap3A_399 = arith.constant 1 : i32
          %swap3A_400 = arith.index_cast %swap3A_399 : i32 to index
          %swap3A_401 = arith.index_cast %scan3A_348 : i32 to index
          %swap3A_402 = arith.constant 16 : index
          %swap3A_403 = tpu.vector_load %arg11[%swap3A_400, %swap3A_401, %swap3A_402] {strides = array<i32>} : memref<2x400x80xf32, #tpu.memory_space<vmem>>, vector<16xf32>,
          tpu.vector_store %arg11[%swap3A_400, %swap3A_401, %swap3A_402], %mul3A_398 {strides = array<i32>} : memref<2x400x80xf32, #tpu.memory_space<vmem>>, vector<16xf32>,
          %get3A_404 = arith.constant 1 : i32
          %get3A_405 = arith.index_cast %get3A_404 : i32 to index
          %get3A_406 = arith.index_cast %scan3A_348 : i32 to index
          %get3A_407 = arith.constant 32 : index
          %get3A_408 = tpu.vector_load %arg11[%get3A_405, %get3A_406, %get3A_407] {strides = array<i32>} : memref<2x400x80xf32, #tpu.memory_space<vmem>>, vector<16xf32>,
          %add3A_409 = arith.constant 4 : i32
          %add3A_410 = vector.broadcast %add3A_409 : i32 to vector<16xi32>
          %add3A_411 = arith.addi %select_n3A, %add3A_410 : vector<16xi32>
          %reshape3A_412 = vector.shape_cast %add3A_411 : vector<16xi32> to vector<16x1xi32>
          %gather3A_413 = vector.shape_cast %reshape3A_412 : vector<16x1xi32> to vector<16xi32>
          %gather3A_414 = tpu.dynamic_gather %exp3A_364[%gather3A_413] in [0] : vector<16xf32>, vector<16xi32> -> vector<16xf32>
          %mul3A_415 = arith.mulf %get3A_408, %gather3A_414 : vector<16xf32>
          %swap3A_416 = arith.constant 1 : i32
          %swap3A_417 = arith.index_cast %swap3A_416 : i32 to index
          %swap3A_418 = arith.index_cast %scan3A_348 : i32 to index
          %swap3A_419 = arith.constant 32 : index
          %swap3A_420 = tpu.vector_load %arg11[%swap3A_417, %swap3A_418, %swap3A_419] {strides = array<i32>} : memref<2x400x80xf32, #tpu.memory_space<vmem>>, vector<16xf32>,
          tpu.vector_store %arg11[%swap3A_417, %swap3A_418, %swap3A_419], %mul3A_415 {strides = array<i32>} : memref<2x400x80xf32, #tpu.memory_space<vmem>>, vector<16xf32>,
          %get3A_421 = arith.constant 1 : i32
          %get3A_422 = arith.index_cast %get3A_421 : i32 to index
          %get3A_423 = arith.index_cast %scan3A_348 : i32 to index
          %get3A_424 = arith.constant 48 : index
          %get3A_425 = tpu.vector_load %arg11[%get3A_422, %get3A_423, %get3A_424] {strides = array<i32>} : memref<2x400x80xf32, #tpu.memory_space<vmem>>, vector<16xf32>,
          %add3A_426 = arith.constant 6 : i32
          %add3A_427 = vector.broadcast %add3A_426 : i32 to vector<16xi32>
          %add3A_428 = arith.addi %select_n3A, %add3A_427 : vector<16xi32>
          %reshape3A_429 = vector.shape_cast %add3A_428 : vector<16xi32> to vector<16x1xi32>
          %gather3A_430 = vector.shape_cast %reshape3A_429 : vector<16x1xi32> to vector<16xi32>
          %gather3A_431 = tpu.dynamic_gather %exp3A_364[%gather3A_430] in [0] : vector<16xf32>, vector<16xi32> -> vector<16xf32>
          %mul3A_432 = arith.mulf %get3A_425, %gather3A_431 : vector<16xf32>
          %swap3A_433 = arith.constant 1 : i32
          %swap3A_434 = arith.index_cast %swap3A_433 : i32 to index
          %swap3A_435 = arith.index_cast %scan3A_348 : i32 to index
          %swap3A_436 = arith.constant 48 : index
          %swap3A_437 = tpu.vector_load %arg11[%swap3A_434, %swap3A_435, %swap3A_436] {strides = array<i32>} : memref<2x400x80xf32, #tpu.memory_space<vmem>>, vector<16xf32>,
          tpu.vector_store %arg11[%swap3A_434, %swap3A_435, %swap3A_436], %mul3A_432 {strides = array<i32>} : memref<2x400x80xf32, #tpu.memory_space<vmem>>, vector<16xf32>,
          %scan3A_438 = arith.constant 3 : i32
          %scan3A_439 = arith.addi %scan3A_172, %scan3A_438 : i32
          %get3A_440 = arith.constant 1 : i32
          %get3A_441 = arith.index_cast %get3A_440 : i32 to index
          %get3A_442 = arith.index_cast %scan3A_439 : i32 to index
          %get3A_443 = arith.constant 64 : index
          %get3A_444 = tpu.vector_load %arg11[%get3A_441, %get3A_442, %get3A_443] {strides = array<i32>} : memref<2x400x80xf32, #tpu.memory_space<vmem>>, vector<16xf32>,
          %get3A_445 = arith.constant 1 : i32
          %get3A_446 = arith.index_cast %get3A_445 : i32 to index
          %get3A_447 = arith.index_cast %scan3A_439 : i32 to index
          %get3A_448 = arith.constant 0 : index
          %get3A_449 = tpu.vector_load %arg10[%get3A_446, %get3A_447, %get3A_448] {strides = array<i32>} : memref<2x400x16xf32, #tpu.memory_space<vmem>>, vector<16xf32>,
          %add3A_450 = arith.addf %get3A_444, %get3A_449 : vector<16xf32>
          %mul3A_451 = arith.constant 2.000000e-01 : f32
          %mul3A_452 = vector.broadcast %mul3A_451 : f32 to vector<16xf32>
          %mul3A_453 = arith.mulf %mul3A_452, %add3A_450 : vector<16xf32>
          %max3A_454 = arith.maximumf %add3A_450, %mul3A_453 : vector<16xf32>
          %exp3A_455 = math.exp %max3A_454 : vector<16xf32>
          %swap3A_456 = arith.constant 1 : i32
          %swap3A_457 = arith.index_cast %swap3A_456 : i32 to index
          %swap3A_458 = arith.index_cast %scan3A_439 : i32 to index
          %swap3A_459 = arith.constant 64 : index
          %swap3A_460 = tpu.vector_load %arg11[%swap3A_457, %swap3A_458, %swap3A_459] {strides = array<i32>} : memref<2x400x80xf32, #tpu.memory_space<vmem>>, vector<16xf32>,
          tpu.vector_store %arg11[%swap3A_457, %swap3A_458, %swap3A_459], %exp3A_455 {strides = array<i32>} : memref<2x400x80xf32, #tpu.memory_space<vmem>>, vector<16xf32>,
          %get3A_461 = arith.constant 1 : i32
          %get3A_462 = arith.index_cast %get3A_461 : i32 to index
          %get3A_463 = arith.index_cast %scan3A_439 : i32 to index
          %get3A_464 = arith.constant 0 : index
          %get3A_465 = tpu.vector_load %arg11[%get3A_462, %get3A_463, %get3A_464] {strides = array<i32>} : memref<2x400x80xf32, #tpu.memory_space<vmem>>, vector<16xf32>,
          %add3A_466 = arith.constant 0 : i32
          %add3A_467 = vector.broadcast %add3A_466 : i32 to vector<16xi32>
          %add3A_468 = arith.addi %select_n3A, %add3A_467 : vector<16xi32>
          %reshape3A_469 = vector.shape_cast %add3A_468 : vector<16xi32> to vector<16x1xi32>
          %gather3A_470 = vector.shape_cast %reshape3A_469 : vector<16x1xi32> to vector<16xi32>
          %gather3A_471 = tpu.dynamic_gather %exp3A_455[%gather3A_470] in [0] : vector<16xf32>, vector<16xi32> -> vector<16xf32>
          %mul3A_472 = arith.mulf %get3A_465, %gather3A_471 : vector<16xf32>
          %swap3A_473 = arith.constant 1 : i32
          %swap3A_474 = arith.index_cast %swap3A_473 : i32 to index
          %swap3A_475 = arith.index_cast %scan3A_439 : i32 to index
          %swap3A_476 = arith.constant 0 : index
          %swap3A_477 = tpu.vector_load %arg11[%swap3A_474, %swap3A_475, %swap3A_476] {strides = array<i32>} : memref<2x400x80xf32, #tpu.memory_space<vmem>>, vector<16xf32>,
          tpu.vector_store %arg11[%swap3A_474, %swap3A_475, %swap3A_476], %mul3A_472 {strides = array<i32>} : memref<2x400x80xf32, #tpu.memory_space<vmem>>, vector<16xf32>,
          %get3A_478 = arith.constant 1 : i32
          %get3A_479 = arith.index_cast %get3A_478 : i32 to index
          %get3A_480 = arith.index_cast %scan3A_439 : i32 to index
          %get3A_481 = arith.constant 16 : index
          %get3A_482 = tpu.vector_load %arg11[%get3A_479, %get3A_480, %get3A_481] {strides = array<i32>} : memref<2x400x80xf32, #tpu.memory_space<vmem>>, vector<16xf32>,
          %add3A_483 = arith.constant 2 : i32
          %add3A_484 = vector.broadcast %add3A_483 : i32 to vector<16xi32>
          %add3A_485 = arith.addi %select_n3A, %add3A_484 : vector<16xi32>
          %reshape3A_486 = vector.shape_cast %add3A_485 : vector<16xi32> to vector<16x1xi32>
          %gather3A_487 = vector.shape_cast %reshape3A_486 : vector<16x1xi32> to vector<16xi32>
          %gather3A_488 = tpu.dynamic_gather %exp3A_455[%gather3A_487] in [0] : vector<16xf32>, vector<16xi32> -> vector<16xf32>
          %mul3A_489 = arith.mulf %get3A_482, %gather3A_488 : vector<16xf32>
          %swap3A_490 = arith.constant 1 : i32
          %swap3A_491 = arith.index_cast %swap3A_490 : i32 to index
          %swap3A_492 = arith.index_cast %scan3A_439 : i32 to index
          %swap3A_493 = arith.constant 16 : index
          %swap3A_494 = tpu.vector_load %arg11[%swap3A_491, %swap3A_492, %swap3A_493] {strides = array<i32>} : memref<2x400x80xf32, #tpu.memory_space<vmem>>, vector<16xf32>,
          tpu.vector_store %arg11[%swap3A_491, %swap3A_492, %swap3A_493], %mul3A_489 {strides = array<i32>} : memref<2x400x80xf32, #tpu.memory_space<vmem>>, vector<16xf32>,
          %get3A_495 = arith.constant 1 : i32
          %get3A_496 = arith.index_cast %get3A_495 : i32 to index
          %get3A_497 = arith.index_cast %scan3A_439 : i32 to index
          %get3A_498 = arith.constant 32 : index
          %get3A_499 = tpu.vector_load %arg11[%get3A_496, %get3A_497, %get3A_498] {strides = array<i32>} : memref<2x400x80xf32, #tpu.memory_space<vmem>>, vector<16xf32>,
          %add3A_500 = arith.constant 4 : i32
          %add3A_501 = vector.broadcast %add3A_500 : i32 to vector<16xi32>
          %add3A_502 = arith.addi %select_n3A, %add3A_501 : vector<16xi32>
          %reshape3A_503 = vector.shape_cast %add3A_502 : vector<16xi32> to vector<16x1xi32>
          %gather3A_504 = vector.shape_cast %reshape3A_503 : vector<16x1xi32> to vector<16xi32>
          %gather3A_505 = tpu.dynamic_gather %exp3A_455[%gather3A_504] in [0] : vector<16xf32>, vector<16xi32> -> vector<16xf32>
          %mul3A_506 = arith.mulf %get3A_499, %gather3A_505 : vector<16xf32>
          %swap3A_507 = arith.constant 1 : i32
          %swap3A_508 = arith.index_cast %swap3A_507 : i32 to index
          %swap3A_509 = arith.index_cast %scan3A_439 : i32 to index
          %swap3A_510 = arith.constant 32 : index
          %swap3A_511 = tpu.vector_load %arg11[%swap3A_508, %swap3A_509, %swap3A_510] {strides = array<i32>} : memref<2x400x80xf32, #tpu.memory_space<vmem>>, vector<16xf32>,
          tpu.vector_store %arg11[%swap3A_508, %swap3A_509, %swap3A_510], %mul3A_506 {strides = array<i32>} : memref<2x400x80xf32, #tpu.memory_space<vmem>>, vector<16xf32>,
          %get3A_512 = arith.constant 1 : i32
          %get3A_513 = arith.index_cast %get3A_512 : i32 to index
          %get3A_514 = arith.index_cast %scan3A_439 : i32 to index
          %get3A_515 = arith.constant 48 : index
          %get3A_516 = tpu.vector_load %arg11[%get3A_513, %get3A_514, %get3A_515] {strides = array<i32>} : memref<2x400x80xf32, #tpu.memory_space<vmem>>, vector<16xf32>,
          %add3A_517 = arith.constant 6 : i32
          %add3A_518 = vector.broadcast %add3A_517 : i32 to vector<16xi32>
          %add3A_519 = arith.addi %select_n3A, %add3A_518 : vector<16xi32>
          %reshape3A_520 = vector.shape_cast %add3A_519 : vector<16xi32> to vector<16x1xi32>
          %gather3A_521 = vector.shape_cast %reshape3A_520 : vector<16x1xi32> to vector<16xi32>
          %gather3A_522 = tpu.dynamic_gather %exp3A_455[%gather3A_521] in [0] : vector<16xf32>, vector<16xi32> -> vector<16xf32>
          %mul3A_523 = arith.mulf %get3A_516, %gather3A_522 : vector<16xf32>
          %swap3A_524 = arith.constant 1 : i32
          %swap3A_525 = arith.index_cast %swap3A_524 : i32 to index
          %swap3A_526 = arith.index_cast %scan3A_439 : i32 to index
          %swap3A_527 = arith.constant 48 : index
          %swap3A_528 = tpu.vector_load %arg11[%swap3A_525, %swap3A_526, %swap3A_527] {strides = array<i32>} : memref<2x400x80xf32, #tpu.memory_space<vmem>>, vector<16xf32>,
          tpu.vector_store %arg11[%swap3A_525, %swap3A_526, %swap3A_527], %mul3A_523 {strides = array<i32>} : memref<2x400x80xf32, #tpu.memory_space<vmem>>, vector<16xf32>,
        }
        %scan3A_156 = arith.constant 400 : i32
        %dma_start3A_157 = arith.constant 1 : i32
        %dma_start3A_158 = arith.constant 1 : i32
        %dma_start3A_159 = arith.constant 1 : i32
        %dma_start3A_160 = arith.constant 0 : i32
        %dma_start3A_161 = arith.constant 0 : i32
        %dma_start3A_162 = tpu.memref_slice %arg11[%dma_start3A_157, %dma_start3A_160, %dma_start3A_161] : memref<2x400x80xf32, #tpu.memory_space<vmem>> -> memref<1x400x80xf32, #tpu.memory_space<vmem>>
        %dma_start3A_163 = tpu.memref_squeeze %dma_start3A_162 : memref<1x400x80xf32, #tpu.memory_space<vmem>> -> memref<400x80xf32, #tpu.memory_space<vmem>>
        %dma_start3A_164 = arith.constant 0 : i32
        %dma_start3A_165 = tpu.memref_slice %arg9[%dma_start3A_158, %dma_start3A_164] : memref<2x400xi32, #tpu.memory_space<vmem>> -> memref<1x400xi32, #tpu.memory_space<vmem>>
        %dma_start3A_166 = tpu.memref_squeeze %dma_start3A_165 : memref<1x400xi32, #tpu.memory_space<vmem>> -> memref<400xi32, #tpu.memory_space<vmem>>
        %dma_start3A_167 = arith.constant 0 : i32
        %dma_start3A_168 = arith.constant 0 : i32
        %dma_start3A_169 = tpu.memref_slice %arg14[%dma_start3A_167, %dma_start3A_168] : memref<10000x80xf32, #tpu.memory_space<vmem_shared>> -> memref<10000x80xf32, #tpu.memory_space<vmem_shared>>
        %dma_start3A_170 = tpu.memref_slice %arg13[%dma_start3A_159] : memref<2x!tpu.dma_semaphore, #tpu.memory_space<semaphore_mem>> -> memref<1x!tpu.dma_semaphore, #tpu.memory_space<semaphore_mem>>
        %dma_start3A_171 = tpu.memref_squeeze %dma_start3A_170 : memref<1x!tpu.dma_semaphore, #tpu.memory_space<semaphore_mem>> -> memref<!tpu.dma_semaphore, #tpu.memory_space<semaphore_mem>>
        tpu.enqueue_indirect_dma source(%dma_start3A_163 : memref<400x80xf32, #tpu.memory_space<vmem>>) target(%dma_start3A_169 : memref<10000x80xf32, #tpu.memory_space<vmem_shared>>) offsets(%dma_start3A_166 : memref<400xi32, #tpu.memory_space<vmem>>) semaphore(%dma_start3A_171 : memref<!tpu.dma_semaphore, #tpu.memory_space<semaphore_mem>>) {add = true}
      } else {
      }
      %scan3A_116 = arith.constant 0 : i32
      scf.yield %scan3A_116 : i32
    }
    %scan3A_42 = arith.constant 13 : i32
    %dma_wait3A = arith.constant 1 : i32
    %dma_wait3A_43 = arith.constant 1 : i32
    %dma_wait3A_44 = arith.constant 0 : i32
    %dma_wait3A_45 = arith.constant 0 : i32
    %dma_wait3A_46 = tpu.memref_slice %arg11[%dma_wait3A, %dma_wait3A_44, %dma_wait3A_45] : memref<2x400x80xf32, #tpu.memory_space<vmem>> -> memref<1x400x80xf32, #tpu.memory_space<vmem>>
    %dma_wait3A_47 = tpu.memref_squeeze %dma_wait3A_46 : memref<1x400x80xf32, #tpu.memory_space<vmem>> -> memref<400x80xf32, #tpu.memory_space<vmem>>
    %dma_wait3A_48 = arith.constant 0 : i32
    %dma_wait3A_49 = arith.constant 0 : i32
    %dma_wait3A_50 = tpu.memref_slice %arg14[%dma_wait3A_48, %dma_wait3A_49] : memref<10000x80xf32, #tpu.memory_space<vmem_shared>> -> memref<400x80xf32, #tpu.memory_space<vmem_shared>>
    %dma_wait3A_51 = tpu.memref_slice %arg13[%dma_wait3A_43] : memref<2x!tpu.dma_semaphore, #tpu.memory_space<semaphore_mem>> -> memref<1x!tpu.dma_semaphore, #tpu.memory_space<semaphore_mem>>
    %dma_wait3A_52 = tpu.memref_squeeze %dma_wait3A_51 : memref<1x!tpu.dma_semaphore, #tpu.memory_space<semaphore_mem>> -> memref<!tpu.dma_semaphore, #tpu.memory_space<semaphore_mem>>
    %dma_wait3A_53 = arith.constant 0 : i32
    %dma_wait3A_54 = arith.constant 0 : i32
    %dma_wait3A_55 = tpu.memref_slice %arg14[%dma_wait3A_53, %dma_wait3A_54] : memref<10000x80xf32, #tpu.memory_space<vmem_shared>> -> memref<400x80xf32, #tpu.memory_space<vmem_shared>>
    %dma_wait3A_56 = arith.constant 0 : i32
    %dma_wait3A_57 = arith.constant 0 : i32
    %dma_wait3A_58 = tpu.memref_slice %arg11[%dma_wait3A, %dma_wait3A_56, %dma_wait3A_57] : memref<2x400x80xf32, #tpu.memory_space<vmem>> -> memref<1x400x80xf32, #tpu.memory_space<vmem>>
    %dma_wait3A_59 = tpu.memref_squeeze %dma_wait3A_58 : memref<1x400x80xf32, #tpu.memory_space<vmem>> -> memref<400x80xf32, #tpu.memory_space<vmem>>
    tpu.wait_dma2 semaphore(%dma_wait3A_52 : memref<!tpu.dma_semaphore, #tpu.memory_space<semaphore_mem>>) src(%dma_wait3A_59 : memref<400x80xf32, #tpu.memory_space<vmem>>) dst(%dma_wait3A_55 : memref<400x80xf32, #tpu.memory_space<vmem_shared>>)
    %dma_wait3A_60 = arith.constant 0 : i32
    %dma_wait3A_61 = arith.constant 0 : i32
    %dma_wait3A_62 = arith.constant 0 : i32
    %dma_wait3A_63 = arith.constant 0 : i32
    %dma_wait3A_64 = tpu.memref_slice %arg11[%dma_wait3A_60, %dma_wait3A_62, %dma_wait3A_63] : memref<2x400x80xf32, #tpu.memory_space<vmem>> -> memref<1x400x80xf32, #tpu.memory_space<vmem>>
    %dma_wait3A_65 = tpu.memref_squeeze %dma_wait3A_64 : memref<1x400x80xf32, #tpu.memory_space<vmem>> -> memref<400x80xf32, #tpu.memory_space<vmem>>
    %dma_wait3A_66 = arith.constant 0 : i32
    %dma_wait3A_67 = arith.constant 0 : i32
    %dma_wait3A_68 = tpu.memref_slice %arg14[%dma_wait3A_66, %dma_wait3A_67] : memref<10000x80xf32, #tpu.memory_space<vmem_shared>> -> memref<400x80xf32, #tpu.memory_space<vmem_shared>>
    %dma_wait3A_69 = tpu.memref_slice %arg13[%dma_wait3A_61] : memref<2x!tpu.dma_semaphore, #tpu.memory_space<semaphore_mem>> -> memref<1x!tpu.dma_semaphore, #tpu.memory_space<semaphore_mem>>
    %dma_wait3A_70 = tpu.memref_squeeze %dma_wait3A_69 : memref<1x!tpu.dma_semaphore, #tpu.memory_space<semaphore_mem>> -> memref<!tpu.dma_semaphore, #tpu.memory_space<semaphore_mem>>
    %dma_wait3A_71 = arith.constant 0 : i32
    %dma_wait3A_72 = arith.constant 0 : i32
    %dma_wait3A_73 = tpu.memref_slice %arg14[%dma_wait3A_71, %dma_wait3A_72] : memref<10000x80xf32, #tpu.memory_space<vmem_shared>> -> memref<400x80xf32, #tpu.memory_space<vmem_shared>>
    %dma_wait3A_74 = arith.constant 0 : i32
    %dma_wait3A_75 = arith.constant 0 : i32
    %dma_wait3A_76 = tpu.memref_slice %arg11[%dma_wait3A_60, %dma_wait3A_74, %dma_wait3A_75] : memref<2x400x80xf32, #tpu.memory_space<vmem>> -> memref<1x400x80xf32, #tpu.memory_space<vmem>>
    %dma_wait3A_77 = tpu.memref_squeeze %dma_wait3A_76 : memref<1x400x80xf32, #tpu.memory_space<vmem>> -> memref<400x80xf32, #tpu.memory_space<vmem>>
    tpu.wait_dma2 semaphore(%dma_wait3A_70 : memref<!tpu.dma_semaphore, #tpu.memory_space<semaphore_mem>>) src(%dma_wait3A_77 : memref<400x80xf32, #tpu.memory_space<vmem>>) dst(%dma_wait3A_73 : memref<400x80xf32, #tpu.memory_space<vmem_shared>>)
    %barrier3A_78 = arith.constant 0 : index
    tpu.barrier barrier_id(%barrier3A_78)
    %lt3A_79 = arith.constant 10 : i32
    %lt3A_80 = arith.cmpi slt, %arg1, %lt3A_79 : i32
    %convert_element_type3A_81 = arith.extui %lt3A_80 : i1 to i32
    %cond3A_82 = arith.constant 0 : i32
    %cond3A_83 = arith.cmpi ne, %convert_element_type3A_81, %cond3A_82 : i32
    scf.if %cond3A_83 {
      %mul3A_84 = arith.constant 1000 : i32
      %mul3A_85 = arith.muli %arg1, %mul3A_84 : i32
      "tpu.region"() ({
        %run_scoped3A_86 = tpu.sem_alloc : memref<!tpu.dma_semaphore, #tpu.memory_space<semaphore_mem>>
        %dma_start3A_87 = arith.constant 0 : i32
        %dma_start3A_88 = tpu.memref_slice %arg7[%arg0, %mul3A_85, %dma_start3A_87] : memref<2x10000x80xf32, #tpu.memory_space<hbm>> -> memref<1x1000x80xf32, #tpu.memory_space<hbm>>
        %dma_start3A_89 = tpu.memref_squeeze %dma_start3A_88 : memref<1x1000x80xf32, #tpu.memory_space<hbm>> -> memref<1000x80xf32, #tpu.memory_space<hbm>>
        %dma_start3A_90 = arith.constant 0 : i32
        %dma_start3A_91 = tpu.memref_slice %arg14[%mul3A_85, %dma_start3A_90] : memref<10000x80xf32, #tpu.memory_space<vmem_shared>> -> memref<1000x80xf32, #tpu.memory_space<vmem_shared>>
        tpu.enqueue_dma source(%dma_start3A_91 : memref<1000x80xf32, #tpu.memory_space<vmem_shared>>) target(%dma_start3A_89 : memref<1000x80xf32, #tpu.memory_space<hbm>>) target_semaphore(%run_scoped3A_86 : memref<!tpu.dma_semaphore, #tpu.memory_space<semaphore_mem>>)
        %dma_wait3A_92 = arith.constant 0 : i32
        %dma_wait3A_93 = tpu.memref_slice %arg7[%arg0, %mul3A_85, %dma_wait3A_92] : memref<2x10000x80xf32, #tpu.memory_space<hbm>> -> memref<1x1000x80xf32, #tpu.memory_space<hbm>>
        %dma_wait3A_94 = tpu.memref_squeeze %dma_wait3A_93 : memref<1x1000x80xf32, #tpu.memory_space<hbm>> -> memref<1000x80xf32, #tpu.memory_space<hbm>>
        %dma_wait3A_95 = arith.constant 0 : i32
        %dma_wait3A_96 = tpu.memref_slice %arg14[%mul3A_85, %dma_wait3A_95] : memref<10000x80xf32, #tpu.memory_space<vmem_shared>> -> memref<1000x80xf32, #tpu.memory_space<vmem_shared>>
        tpu.wait_dma2 semaphore(%run_scoped3A_86 : memref<!tpu.dma_semaphore, #tpu.memory_space<semaphore_mem>>) src(%dma_wait3A_96 : memref<1000x80xf32, #tpu.memory_space<vmem_shared>>) dst(%dma_wait3A_94 : memref<1000x80xf32, #tpu.memory_space<hbm>>)
        tpu.yield
      }) : () -> ()
    } else {
    }
    return
  }
}

#map = affine_map<(d0, d1) -> (0)>
#map1 = affine_map<(d0, d1) -> (0, 0)>
#map2 = affine_map<(d0, d1) -> (0, 0, 0)>
module attributes {stable_mosaic.version = 14 : i64} {
  func.func @_l2_body(%arg0: i32, %arg1: i32, %arg2: memref<320000xi32, #tpu.memory_space<hbm>>, %arg3: memref<320000xi32, #tpu.memory_space<hbm>>, %arg4: memref<1x10000xf32, #tpu.memory_space<hbm>>, %arg5: memref<1x10000xf32, #tpu.memory_space<hbm>>, %arg6: memref<10000x16xf32, #tpu.memory_space<hbm>>, %arg7: memref<10000xf32, #tpu.memory_space<hbm>>, %arg8: memref<10000x16xf32, #tpu.memory_space<hbm>>, %arg9: memref<2x10000xf32, #tpu.memory_space<hbm>>, %arg10: memref<2x10000x16xf32, #tpu.memory_space<hbm>>, %arg11: memref<10000xf32, #tpu.memory_space<vmem>>, %arg12: memref<10000xf32, #tpu.memory_space<vmem>>, %arg13: memref<2x1000xi32, #tpu.memory_space<vmem>>, %arg14: memref<2x1000xi32, #tpu.memory_space<vmem>>, %arg15: memref<2x1000x16xf32, #tpu.memory_space<vmem>>, %arg16: memref<2x1000xf32, #tpu.memory_space<vmem>>, %arg17: memref<2x!tpu.dma_semaphore, #tpu.memory_space<semaphore_mem>>, %arg18: memref<2x!tpu.dma_semaphore, #tpu.memory_space<semaphore_mem>>, %arg19: memref<10000xf32, #tpu.memory_space<vmem_shared>>, %arg20: memref<10000x16xf32, #tpu.memory_space<vmem_shared>>) attributes {dimension_semantics = [#tpu.dimension_semantics<core_parallel>, #tpu.dimension_semantics<subcore_parallel>], iteration_bounds = array<i64: 2, 16>, scalar_prefetch = 0 : i64, scratch_operands = 10 : i64, tpu.core_type = #tpu.core_type<sc_vector_subcore>, window_params = [{transform_indices = #map}, {transform_indices = #map}, {transform_indices = #map1}, {transform_indices = #map1}, {transform_indices = #map1}, {transform_indices = #map}, {transform_indices = #map1}, {transform_indices = #map1}, {transform_indices = #map2}]} {
    %mul3A = arith.constant 2 : i32
    %mul3A_0 = arith.muli %arg1, %mul3A : i32
    %add3A = arith.addi %mul3A_0, %arg0 : i32
    %mul3A_1 = arith.constant 10000 : i32
    %mul3A_2 = arith.muli %add3A, %mul3A_1 : i32
    %run_scoped3A = arith.constant 0 : i32
    "tpu.region"() ({
      %run_scoped3A_109 = tpu.sem_alloc : memref<!tpu.dma_semaphore, #tpu.memory_space<semaphore_mem>>
      %dma_start3A_110 = arith.constant 0 : i32
      %dma_start3A_111 = tpu.memref_slice %arg4[%run_scoped3A, %dma_start3A_110] : memref<1x10000xf32, #tpu.memory_space<hbm>> -> memref<1x10000xf32, #tpu.memory_space<hbm>>
      %dma_start3A_112 = tpu.memref_squeeze %dma_start3A_111 : memref<1x10000xf32, #tpu.memory_space<hbm>> -> memref<10000xf32, #tpu.memory_space<hbm>>
      %dma_start3A_113 = arith.constant 0 : i32
      %dma_start3A_114 = tpu.memref_slice %arg4[%run_scoped3A, %dma_start3A_113] : memref<1x10000xf32, #tpu.memory_space<hbm>> -> memref<1x10000xf32, #tpu.memory_space<hbm>>
      %dma_start3A_115 = tpu.memref_squeeze %dma_start3A_114 : memref<1x10000xf32, #tpu.memory_space<hbm>> -> memref<10000xf32, #tpu.memory_space<hbm>>
      tpu.enqueue_dma source(%dma_start3A_115 : memref<10000xf32, #tpu.memory_space<hbm>>) target(%arg11 : memref<10000xf32, #tpu.memory_space<vmem>>) target_semaphore(%run_scoped3A_109 : memref<!tpu.dma_semaphore, #tpu.memory_space<semaphore_mem>>)
      %dma_wait3A_116 = arith.constant 0 : i32
      %dma_wait3A_117 = tpu.memref_slice %arg4[%run_scoped3A, %dma_wait3A_116] : memref<1x10000xf32, #tpu.memory_space<hbm>> -> memref<1x10000xf32, #tpu.memory_space<hbm>>
      %dma_wait3A_118 = tpu.memref_squeeze %dma_wait3A_117 : memref<1x10000xf32, #tpu.memory_space<hbm>> -> memref<10000xf32, #tpu.memory_space<hbm>>
      %dma_wait3A_119 = arith.constant 0 : i32
      %dma_wait3A_120 = tpu.memref_slice %arg4[%run_scoped3A, %dma_wait3A_119] : memref<1x10000xf32, #tpu.memory_space<hbm>> -> memref<1x10000xf32, #tpu.memory_space<hbm>>
      %dma_wait3A_121 = tpu.memref_squeeze %dma_wait3A_120 : memref<1x10000xf32, #tpu.memory_space<hbm>> -> memref<10000xf32, #tpu.memory_space<hbm>>
      tpu.wait_dma2 semaphore(%run_scoped3A_109 : memref<!tpu.dma_semaphore, #tpu.memory_space<semaphore_mem>>) src(%dma_wait3A_121 : memref<10000xf32, #tpu.memory_space<hbm>>) dst(%arg11 : memref<10000xf32, #tpu.memory_space<vmem>>)
      tpu.yield
    }) : () -> ()
    %run_scoped3A_3 = arith.constant 0 : i32
    "tpu.region"() ({
      %run_scoped3A_109 = tpu.sem_alloc : memref<!tpu.dma_semaphore, #tpu.memory_space<semaphore_mem>>
      %dma_start3A_110 = arith.constant 0 : i32
      %dma_start3A_111 = tpu.memref_slice %arg5[%run_scoped3A_3, %dma_start3A_110] : memref<1x10000xf32, #tpu.memory_space<hbm>> -> memref<1x10000xf32, #tpu.memory_space<hbm>>
      %dma_start3A_112 = tpu.memref_squeeze %dma_start3A_111 : memref<1x10000xf32, #tpu.memory_space<hbm>> -> memref<10000xf32, #tpu.memory_space<hbm>>
      %dma_start3A_113 = arith.constant 0 : i32
      %dma_start3A_114 = tpu.memref_slice %arg5[%run_scoped3A_3, %dma_start3A_113] : memref<1x10000xf32, #tpu.memory_space<hbm>> -> memref<1x10000xf32, #tpu.memory_space<hbm>>
      %dma_start3A_115 = tpu.memref_squeeze %dma_start3A_114 : memref<1x10000xf32, #tpu.memory_space<hbm>> -> memref<10000xf32, #tpu.memory_space<hbm>>
      tpu.enqueue_dma source(%dma_start3A_115 : memref<10000xf32, #tpu.memory_space<hbm>>) target(%arg12 : memref<10000xf32, #tpu.memory_space<vmem>>) target_semaphore(%run_scoped3A_109 : memref<!tpu.dma_semaphore, #tpu.memory_space<semaphore_mem>>)
      %dma_wait3A_116 = arith.constant 0 : i32
      %dma_wait3A_117 = tpu.memref_slice %arg5[%run_scoped3A_3, %dma_wait3A_116] : memref<1x10000xf32, #tpu.memory_space<hbm>> -> memref<1x10000xf32, #tpu.memory_space<hbm>>
      %dma_wait3A_118 = tpu.memref_squeeze %dma_wait3A_117 : memref<1x10000xf32, #tpu.memory_space<hbm>> -> memref<10000xf32, #tpu.memory_space<hbm>>
      %dma_wait3A_119 = arith.constant 0 : i32
      %dma_wait3A_120 = tpu.memref_slice %arg5[%run_scoped3A_3, %dma_wait3A_119] : memref<1x10000xf32, #tpu.memory_space<hbm>> -> memref<1x10000xf32, #tpu.memory_space<hbm>>
      %dma_wait3A_121 = tpu.memref_squeeze %dma_wait3A_120 : memref<1x10000xf32, #tpu.memory_space<hbm>> -> memref<10000xf32, #tpu.memory_space<hbm>>
      tpu.wait_dma2 semaphore(%run_scoped3A_109 : memref<!tpu.dma_semaphore, #tpu.memory_space<semaphore_mem>>) src(%dma_wait3A_121 : memref<10000xf32, #tpu.memory_space<hbm>>) dst(%arg12 : memref<10000xf32, #tpu.memory_space<vmem>>)
      tpu.yield
    }) : () -> ()
    %lt3A = arith.constant 10 : i32
    %lt3A_4 = arith.cmpi slt, %arg1, %lt3A : i32
    %convert_element_type3A = arith.extui %lt3A_4 : i1 to i32
    %cond3A = arith.constant 0 : i32
    %cond3A_5 = arith.cmpi ne, %convert_element_type3A, %cond3A : i32
    scf.if %cond3A_5 {
      %mul3A_109 = arith.constant 1000 : i32
      %mul3A_110 = arith.muli %arg1, %mul3A_109 : i32
      "tpu.region"() ({
        %run_scoped3A_111 = tpu.sem_alloc : memref<!tpu.dma_semaphore, #tpu.memory_space<semaphore_mem>>
        %dma_start3A_112 = tpu.memref_slice %arg19[%mul3A_110] : memref<10000xf32, #tpu.memory_space<vmem_shared>> -> memref<1000xf32, #tpu.memory_space<vmem_shared>>
        %dma_start3A_113 = tpu.memref_slice %arg7[%mul3A_110] : memref<10000xf32, #tpu.memory_space<hbm>> -> memref<1000xf32, #tpu.memory_space<hbm>>
        tpu.enqueue_dma source(%dma_start3A_113 : memref<1000xf32, #tpu.memory_space<hbm>>) target(%dma_start3A_112 : memref<1000xf32, #tpu.memory_space<vmem_shared>>) target_semaphore(%run_scoped3A_111 : memref<!tpu.dma_semaphore, #tpu.memory_space<semaphore_mem>>)
        %dma_wait3A_114 = tpu.memref_slice %arg19[%mul3A_110] : memref<10000xf32, #tpu.memory_space<vmem_shared>> -> memref<1000xf32, #tpu.memory_space<vmem_shared>>
        %dma_wait3A_115 = tpu.memref_slice %arg7[%mul3A_110] : memref<10000xf32, #tpu.memory_space<hbm>> -> memref<1000xf32, #tpu.memory_space<hbm>>
        tpu.wait_dma2 semaphore(%run_scoped3A_111 : memref<!tpu.dma_semaphore, #tpu.memory_space<semaphore_mem>>) src(%dma_wait3A_115 : memref<1000xf32, #tpu.memory_space<hbm>>) dst(%dma_wait3A_114 : memref<1000xf32, #tpu.memory_space<vmem_shared>>)
        tpu.yield
      }) : () -> ()
    } else {
    }
    %lt3A_6 = arith.constant 10 : i32
    %lt3A_7 = arith.cmpi slt, %arg1, %lt3A_6 : i32
    %convert_element_type3A_8 = arith.extui %lt3A_7 : i1 to i32
    %cond3A_9 = arith.constant 0 : i32
    %cond3A_10 = arith.cmpi ne, %convert_element_type3A_8, %cond3A_9 : i32
    scf.if %cond3A_10 {
      %mul3A_109 = arith.constant 1000 : i32
      %mul3A_110 = arith.muli %arg1, %mul3A_109 : i32
      "tpu.region"() ({
        %run_scoped3A_111 = tpu.sem_alloc : memref<!tpu.dma_semaphore, #tpu.memory_space<semaphore_mem>>
        %dma_start3A_112 = arith.constant 0 : i32
        %dma_start3A_113 = tpu.memref_slice %arg20[%mul3A_110, %dma_start3A_112] : memref<10000x16xf32, #tpu.memory_space<vmem_shared>> -> memref<1000x16xf32, #tpu.memory_space<vmem_shared>>
        %dma_start3A_114 = arith.constant 0 : i32
        %dma_start3A_115 = tpu.memref_slice %arg8[%mul3A_110, %dma_start3A_114] : memref<10000x16xf32, #tpu.memory_space<hbm>> -> memref<1000x16xf32, #tpu.memory_space<hbm>>
        tpu.enqueue_dma source(%dma_start3A_115 : memref<1000x16xf32, #tpu.memory_space<hbm>>) target(%dma_start3A_113 : memref<1000x16xf32, #tpu.memory_space<vmem_shared>>) target_semaphore(%run_scoped3A_111 : memref<!tpu.dma_semaphore, #tpu.memory_space<semaphore_mem>>)
        %dma_wait3A_116 = arith.constant 0 : i32
        %dma_wait3A_117 = tpu.memref_slice %arg20[%mul3A_110, %dma_wait3A_116] : memref<10000x16xf32, #tpu.memory_space<vmem_shared>> -> memref<1000x16xf32, #tpu.memory_space<vmem_shared>>
        %dma_wait3A_118 = arith.constant 0 : i32
        %dma_wait3A_119 = tpu.memref_slice %arg8[%mul3A_110, %dma_wait3A_118] : memref<10000x16xf32, #tpu.memory_space<hbm>> -> memref<1000x16xf32, #tpu.memory_space<hbm>>
        tpu.wait_dma2 semaphore(%run_scoped3A_111 : memref<!tpu.dma_semaphore, #tpu.memory_space<semaphore_mem>>) src(%dma_wait3A_119 : memref<1000x16xf32, #tpu.memory_space<hbm>>) dst(%dma_wait3A_117 : memref<1000x16xf32, #tpu.memory_space<vmem_shared>>)
        tpu.yield
      }) : () -> ()
    } else {
    }
    %barrier3A = arith.constant 0 : index
    tpu.barrier barrier_id(%barrier3A)
    %add3A_11 = arith.constant 0 : i32
    %add3A_12 = arith.addi %mul3A_2, %add3A_11 : i32
    %run_scoped3A_13 = arith.constant 0 : i32
    "tpu.region"() ({
      %run_scoped3A_109 = tpu.sem_alloc : memref<!tpu.dma_semaphore, #tpu.memory_space<semaphore_mem>>
      %dma_start3A_110 = arith.constant 0 : i32
      %dma_start3A_111 = tpu.memref_slice %arg13[%run_scoped3A_13, %dma_start3A_110] : memref<2x1000xi32, #tpu.memory_space<vmem>> -> memref<1x1000xi32, #tpu.memory_space<vmem>>
      %dma_start3A_112 = tpu.memref_squeeze %dma_start3A_111 : memref<1x1000xi32, #tpu.memory_space<vmem>> -> memref<1000xi32, #tpu.memory_space<vmem>>
      %dma_start3A_113 = tpu.memref_slice %arg2[%add3A_12] : memref<320000xi32, #tpu.memory_space<hbm>> -> memref<1000xi32, #tpu.memory_space<hbm>>
      %dma_start3A_114 = arith.constant 0 : i32
      %dma_start3A_115 = tpu.memref_slice %arg13[%run_scoped3A_13, %dma_start3A_114] : memref<2x1000xi32, #tpu.memory_space<vmem>> -> memref<1x1000xi32, #tpu.memory_space<vmem>>
      %dma_start3A_116 = tpu.memref_squeeze %dma_start3A_115 : memref<1x1000xi32, #tpu.memory_space<vmem>> -> memref<1000xi32, #tpu.memory_space<vmem>>
      %dma_start3A_117 = tpu.memref_slice %arg2[%add3A_12] : memref<320000xi32, #tpu.memory_space<hbm>> -> memref<1000xi32, #tpu.memory_space<hbm>>
      tpu.enqueue_dma source(%dma_start3A_117 : memref<1000xi32, #tpu.memory_space<hbm>>) target(%dma_start3A_116 : memref<1000xi32, #tpu.memory_space<vmem>>) target_semaphore(%run_scoped3A_109 : memref<!tpu.dma_semaphore, #tpu.memory_space<semaphore_mem>>)
      %dma_wait3A_118 = arith.constant 0 : i32
      %dma_wait3A_119 = tpu.memref_slice %arg13[%run_scoped3A_13, %dma_wait3A_118] : memref<2x1000xi32, #tpu.memory_space<vmem>> -> memref<1x1000xi32, #tpu.memory_space<vmem>>
      %dma_wait3A_120 = tpu.memref_squeeze %dma_wait3A_119 : memref<1x1000xi32, #tpu.memory_space<vmem>> -> memref<1000xi32, #tpu.memory_space<vmem>>
      %dma_wait3A_121 = tpu.memref_slice %arg2[%add3A_12] : memref<320000xi32, #tpu.memory_space<hbm>> -> memref<1000xi32, #tpu.memory_space<hbm>>
      %dma_wait3A_122 = arith.constant 0 : i32
      %dma_wait3A_123 = tpu.memref_slice %arg13[%run_scoped3A_13, %dma_wait3A_122] : memref<2x1000xi32, #tpu.memory_space<vmem>> -> memref<1x1000xi32, #tpu.memory_space<vmem>>
      %dma_wait3A_124 = tpu.memref_squeeze %dma_wait3A_123 : memref<1x1000xi32, #tpu.memory_space<vmem>> -> memref<1000xi32, #tpu.memory_space<vmem>>
      %dma_wait3A_125 = tpu.memref_slice %arg2[%add3A_12] : memref<320000xi32, #tpu.memory_space<hbm>> -> memref<1000xi32, #tpu.memory_space<hbm>>
      tpu.wait_dma2 semaphore(%run_scoped3A_109 : memref<!tpu.dma_semaphore, #tpu.memory_space<semaphore_mem>>) src(%dma_wait3A_125 : memref<1000xi32, #tpu.memory_space<hbm>>) dst(%dma_wait3A_124 : memref<1000xi32, #tpu.memory_space<vmem>>)
      tpu.yield
    }) : () -> ()
    %run_scoped3A_14 = arith.constant 0 : i32
    "tpu.region"() ({
      %run_scoped3A_109 = tpu.sem_alloc : memref<!tpu.dma_semaphore, #tpu.memory_space<semaphore_mem>>
      %dma_start3A_110 = arith.constant 0 : i32
      %dma_start3A_111 = tpu.memref_slice %arg14[%run_scoped3A_14, %dma_start3A_110] : memref<2x1000xi32, #tpu.memory_space<vmem>> -> memref<1x1000xi32, #tpu.memory_space<vmem>>
      %dma_start3A_112 = tpu.memref_squeeze %dma_start3A_111 : memref<1x1000xi32, #tpu.memory_space<vmem>> -> memref<1000xi32, #tpu.memory_space<vmem>>
      %dma_start3A_113 = tpu.memref_slice %arg3[%add3A_12] : memref<320000xi32, #tpu.memory_space<hbm>> -> memref<1000xi32, #tpu.memory_space<hbm>>
      %dma_start3A_114 = arith.constant 0 : i32
      %dma_start3A_115 = tpu.memref_slice %arg14[%run_scoped3A_14, %dma_start3A_114] : memref<2x1000xi32, #tpu.memory_space<vmem>> -> memref<1x1000xi32, #tpu.memory_space<vmem>>
      %dma_start3A_116 = tpu.memref_squeeze %dma_start3A_115 : memref<1x1000xi32, #tpu.memory_space<vmem>> -> memref<1000xi32, #tpu.memory_space<vmem>>
      %dma_start3A_117 = tpu.memref_slice %arg3[%add3A_12] : memref<320000xi32, #tpu.memory_space<hbm>> -> memref<1000xi32, #tpu.memory_space<hbm>>
      tpu.enqueue_dma source(%dma_start3A_117 : memref<1000xi32, #tpu.memory_space<hbm>>) target(%dma_start3A_116 : memref<1000xi32, #tpu.memory_space<vmem>>) target_semaphore(%run_scoped3A_109 : memref<!tpu.dma_semaphore, #tpu.memory_space<semaphore_mem>>)
      %dma_wait3A_118 = arith.constant 0 : i32
      %dma_wait3A_119 = tpu.memref_slice %arg14[%run_scoped3A_14, %dma_wait3A_118] : memref<2x1000xi32, #tpu.memory_space<vmem>> -> memref<1x1000xi32, #tpu.memory_space<vmem>>
      %dma_wait3A_120 = tpu.memref_squeeze %dma_wait3A_119 : memref<1x1000xi32, #tpu.memory_space<vmem>> -> memref<1000xi32, #tpu.memory_space<vmem>>
      %dma_wait3A_121 = tpu.memref_slice %arg3[%add3A_12] : memref<320000xi32, #tpu.memory_space<hbm>> -> memref<1000xi32, #tpu.memory_space<hbm>>
      %dma_wait3A_122 = arith.constant 0 : i32
      %dma_wait3A_123 = tpu.memref_slice %arg14[%run_scoped3A_14, %dma_wait3A_122] : memref<2x1000xi32, #tpu.memory_space<vmem>> -> memref<1x1000xi32, #tpu.memory_space<vmem>>
      %dma_wait3A_124 = tpu.memref_squeeze %dma_wait3A_123 : memref<1x1000xi32, #tpu.memory_space<vmem>> -> memref<1000xi32, #tpu.memory_space<vmem>>
      %dma_wait3A_125 = tpu.memref_slice %arg3[%add3A_12] : memref<320000xi32, #tpu.memory_space<hbm>> -> memref<1000xi32, #tpu.memory_space<hbm>>
      tpu.wait_dma2 semaphore(%run_scoped3A_109 : memref<!tpu.dma_semaphore, #tpu.memory_space<semaphore_mem>>) src(%dma_wait3A_125 : memref<1000xi32, #tpu.memory_space<hbm>>) dst(%dma_wait3A_124 : memref<1000xi32, #tpu.memory_space<vmem>>)
      tpu.yield
    }) : () -> ()
    %dma_start3A = arith.constant 0 : i32
    %dma_start3A_15 = arith.constant 0 : i32
    %dma_start3A_16 = arith.constant 0 : i32
    %dma_start3A_17 = arith.constant 0 : i32
    %dma_start3A_18 = arith.constant 0 : i32
    %dma_start3A_19 = tpu.memref_slice %arg15[%dma_start3A_15, %dma_start3A_17, %dma_start3A_18] : memref<2x1000x16xf32, #tpu.memory_space<vmem>> -> memref<1x1000x16xf32, #tpu.memory_space<vmem>>
    %dma_start3A_20 = tpu.memref_squeeze %dma_start3A_19 : memref<1x1000x16xf32, #tpu.memory_space<vmem>> -> memref<1000x16xf32, #tpu.memory_space<vmem>>
    %dma_start3A_21 = arith.constant 0 : i32
    %dma_start3A_22 = tpu.memref_slice %arg13[%dma_start3A, %dma_start3A_21] : memref<2x1000xi32, #tpu.memory_space<vmem>> -> memref<1x1000xi32, #tpu.memory_space<vmem>>
    %dma_start3A_23 = tpu.memref_squeeze %dma_start3A_22 : memref<1x1000xi32, #tpu.memory_space<vmem>> -> memref<1000xi32, #tpu.memory_space<vmem>>
    %dma_start3A_24 = arith.constant 0 : i32
    %dma_start3A_25 = arith.constant 0 : i32
    %dma_start3A_26 = tpu.memref_slice %arg6[%dma_start3A_24, %dma_start3A_25] : memref<10000x16xf32, #tpu.memory_space<hbm>> -> memref<10000x16xf32, #tpu.memory_space<hbm>>
    %dma_start3A_27 = tpu.memref_slice %arg17[%dma_start3A_16] : memref<2x!tpu.dma_semaphore, #tpu.memory_space<semaphore_mem>> -> memref<1x!tpu.dma_semaphore, #tpu.memory_space<semaphore_mem>>
    %dma_start3A_28 = tpu.memref_squeeze %dma_start3A_27 : memref<1x!tpu.dma_semaphore, #tpu.memory_space<semaphore_mem>> -> memref<!tpu.dma_semaphore, #tpu.memory_space<semaphore_mem>>
    tpu.enqueue_indirect_dma source(%dma_start3A_26 : memref<10000x16xf32, #tpu.memory_space<hbm>>) target(%dma_start3A_20 : memref<1000x16xf32, #tpu.memory_space<vmem>>) offsets(%dma_start3A_23 : memref<1000xi32, #tpu.memory_space<vmem>>) semaphore(%dma_start3A_28 : memref<!tpu.dma_semaphore, #tpu.memory_space<semaphore_mem>>)
    %scan3A = arith.constant 0 : i32
    %scan3A_29 = arith.constant 0 : i32
    %scan3A_30 = arith.constant 5 : i32
    %scan3A_31 = arith.addi %scan3A_29, %scan3A_30 : i32
    %scan3A_32 = arith.constant 1 : i32
    %scan3A_33 = scf.for %scan3A_109 = %scan3A_29 to %scan3A_31 step %scan3A_32 iter_args(%scan3A_110 = %scan3A) -> (i32)  : i32 {
      %mul3A_111 = arith.constant 2 : i32
      %mul3A_112 = arith.muli %mul3A_111, %scan3A_109 : i32
      %add3A_113 = arith.constant 1 : i32
      %add3A_114 = arith.addi %mul3A_112, %add3A_113 : i32
      %lt3A_115 = arith.constant 10 : i32
      %lt3A_116 = arith.cmpi slt, %add3A_114, %lt3A_115 : i32
      %convert_element_type3A_117 = arith.extui %lt3A_116 : i1 to i32
      %cond3A_118 = arith.constant 0 : i32
      %cond3A_119 = arith.cmpi ne, %convert_element_type3A_117, %cond3A_118 : i32
      scf.if %cond3A_119 {
        %ge3A = arith.constant 2 : i32
        %ge3A_142 = arith.cmpi sge, %add3A_114, %ge3A : i32
        %convert_element_type3A_143 = arith.extui %ge3A_142 : i1 to i32
        %cond3A_144 = arith.constant 0 : i32
        %cond3A_145 = arith.cmpi ne, %convert_element_type3A_143, %cond3A_144 : i32
        scf.if %cond3A_145 {
          %dma_wait3A_166 = arith.constant 1 : i32
          %dma_wait3A_167 = arith.constant 1 : i32
          %dma_wait3A_168 = arith.constant 0 : i32
          %dma_wait3A_169 = tpu.memref_slice %arg16[%dma_wait3A_166, %dma_wait3A_168] : memref<2x1000xf32, #tpu.memory_space<vmem>> -> memref<1x1000xf32, #tpu.memory_space<vmem>>
          %dma_wait3A_170 = tpu.memref_squeeze %dma_wait3A_169 : memref<1x1000xf32, #tpu.memory_space<vmem>> -> memref<1000xf32, #tpu.memory_space<vmem>>
          %dma_wait3A_171 = arith.constant 0 : i32
          %dma_wait3A_172 = tpu.memref_slice %arg19[%dma_wait3A_171] : memref<10000xf32, #tpu.memory_space<vmem_shared>> -> memref<1000xf32, #tpu.memory_space<vmem_shared>>
          %dma_wait3A_173 = tpu.memref_slice %arg18[%dma_wait3A_167] : memref<2x!tpu.dma_semaphore, #tpu.memory_space<semaphore_mem>> -> memref<1x!tpu.dma_semaphore, #tpu.memory_space<semaphore_mem>>
          %dma_wait3A_174 = tpu.memref_squeeze %dma_wait3A_173 : memref<1x!tpu.dma_semaphore, #tpu.memory_space<semaphore_mem>> -> memref<!tpu.dma_semaphore, #tpu.memory_space<semaphore_mem>>
          %dma_wait3A_175 = arith.constant 0 : i32
          %dma_wait3A_176 = tpu.memref_slice %arg19[%dma_wait3A_175] : memref<10000xf32, #tpu.memory_space<vmem_shared>> -> memref<1000xf32, #tpu.memory_space<vmem_shared>>
          %dma_wait3A_177 = arith.constant 0 : i32
          %dma_wait3A_178 = tpu.memref_slice %arg16[%dma_wait3A_166, %dma_wait3A_177] : memref<2x1000xf32, #tpu.memory_space<vmem>> -> memref<1x1000xf32, #tpu.memory_space<vmem>>
          %dma_wait3A_179 = tpu.memref_squeeze %dma_wait3A_178 : memref<1x1000xf32, #tpu.memory_space<vmem>> -> memref<1000xf32, #tpu.memory_space<vmem>>
          tpu.wait_dma2 semaphore(%dma_wait3A_174 : memref<!tpu.dma_semaphore, #tpu.memory_space<semaphore_mem>>) src(%dma_wait3A_179 : memref<1000xf32, #tpu.memory_space<vmem>>) dst(%dma_wait3A_176 : memref<1000xf32, #tpu.memory_space<vmem_shared>>)
          %dma_wait3A_180 = arith.constant 1 : i32
          %dma_wait3A_181 = arith.constant 1 : i32
          %dma_wait3A_182 = arith.constant 0 : i32
          %dma_wait3A_183 = arith.constant 0 : i32
          %dma_wait3A_184 = tpu.memref_slice %arg15[%dma_wait3A_180, %dma_wait3A_182, %dma_wait3A_183] : memref<2x1000x16xf32, #tpu.memory_space<vmem>> -> memref<1x1000x16xf32, #tpu.memory_space<vmem>>
          %dma_wait3A_185 = tpu.memref_squeeze %dma_wait3A_184 : memref<1x1000x16xf32, #tpu.memory_space<vmem>> -> memref<1000x16xf32, #tpu.memory_space<vmem>>
          %dma_wait3A_186 = arith.constant 0 : i32
          %dma_wait3A_187 = arith.constant 0 : i32
          %dma_wait3A_188 = tpu.memref_slice %arg20[%dma_wait3A_186, %dma_wait3A_187] : memref<10000x16xf32, #tpu.memory_space<vmem_shared>> -> memref<1000x16xf32, #tpu.memory_space<vmem_shared>>
          %dma_wait3A_189 = tpu.memref_slice %arg18[%dma_wait3A_181] : memref<2x!tpu.dma_semaphore, #tpu.memory_space<semaphore_mem>> -> memref<1x!tpu.dma_semaphore, #tpu.memory_space<semaphore_mem>>
          %dma_wait3A_190 = tpu.memref_squeeze %dma_wait3A_189 : memref<1x!tpu.dma_semaphore, #tpu.memory_space<semaphore_mem>> -> memref<!tpu.dma_semaphore, #tpu.memory_space<semaphore_mem>>
          %dma_wait3A_191 = arith.constant 0 : i32
          %dma_wait3A_192 = arith.constant 0 : i32
          %dma_wait3A_193 = tpu.memref_slice %arg20[%dma_wait3A_191, %dma_wait3A_192] : memref<10000x16xf32, #tpu.memory_space<vmem_shared>> -> memref<1000x16xf32, #tpu.memory_space<vmem_shared>>
          %dma_wait3A_194 = arith.constant 0 : i32
          %dma_wait3A_195 = arith.constant 0 : i32
          %dma_wait3A_196 = tpu.memref_slice %arg15[%dma_wait3A_180, %dma_wait3A_194, %dma_wait3A_195] : memref<2x1000x16xf32, #tpu.memory_space<vmem>> -> memref<1x1000x16xf32, #tpu.memory_space<vmem>>
          %dma_wait3A_197 = tpu.memref_squeeze %dma_wait3A_196 : memref<1x1000x16xf32, #tpu.memory_space<vmem>> -> memref<1000x16xf32, #tpu.memory_space<vmem>>
          tpu.wait_dma2 semaphore(%dma_wait3A_190 : memref<!tpu.dma_semaphore, #tpu.memory_space<semaphore_mem>>) src(%dma_wait3A_197 : memref<1000x16xf32, #tpu.memory_space<vmem>>) dst(%dma_wait3A_193 : memref<1000x16xf32, #tpu.memory_space<vmem_shared>>)
        } else {
        }
        %mul3A_146 = arith.constant 1000 : i32
        %mul3A_147 = arith.muli %add3A_114, %mul3A_146 : i32
        %add3A_148 = arith.addi %mul3A_2, %mul3A_147 : i32
        %run_scoped3A_149 = arith.constant 1 : i32
        "tpu.region"() ({
          %run_scoped3A_166 = tpu.sem_alloc : memref<!tpu.dma_semaphore, #tpu.memory_space<semaphore_mem>>
          %dma_start3A_167 = arith.constant 0 : i32
          %dma_start3A_168 = tpu.memref_slice %arg13[%run_scoped3A_149, %dma_start3A_167] : memref<2x1000xi32, #tpu.memory_space<vmem>> -> memref<1x1000xi32, #tpu.memory_space<vmem>>
          %dma_start3A_169 = tpu.memref_squeeze %dma_start3A_168 : memref<1x1000xi32, #tpu.memory_space<vmem>> -> memref<1000xi32, #tpu.memory_space<vmem>>
          %dma_start3A_170 = tpu.memref_slice %arg2[%add3A_148] : memref<320000xi32, #tpu.memory_space<hbm>> -> memref<1000xi32, #tpu.memory_space<hbm>>
          %dma_start3A_171 = arith.constant 0 : i32
          %dma_start3A_172 = tpu.memref_slice %arg13[%run_scoped3A_149, %dma_start3A_171] : memref<2x1000xi32, #tpu.memory_space<vmem>> -> memref<1x1000xi32, #tpu.memory_space<vmem>>
          %dma_start3A_173 = tpu.memref_squeeze %dma_start3A_172 : memref<1x1000xi32, #tpu.memory_space<vmem>> -> memref<1000xi32, #tpu.memory_space<vmem>>
          %dma_start3A_174 = tpu.memref_slice %arg2[%add3A_148] : memref<320000xi32, #tpu.memory_space<hbm>> -> memref<1000xi32, #tpu.memory_space<hbm>>
          tpu.enqueue_dma source(%dma_start3A_174 : memref<1000xi32, #tpu.memory_space<hbm>>) target(%dma_start3A_173 : memref<1000xi32, #tpu.memory_space<vmem>>) target_semaphore(%run_scoped3A_166 : memref<!tpu.dma_semaphore, #tpu.memory_space<semaphore_mem>>)
          %dma_wait3A_175 = arith.constant 0 : i32
          %dma_wait3A_176 = tpu.memref_slice %arg13[%run_scoped3A_149, %dma_wait3A_175] : memref<2x1000xi32, #tpu.memory_space<vmem>> -> memref<1x1000xi32, #tpu.memory_space<vmem>>
          %dma_wait3A_177 = tpu.memref_squeeze %dma_wait3A_176 : memref<1x1000xi32, #tpu.memory_space<vmem>> -> memref<1000xi32, #tpu.memory_space<vmem>>
          %dma_wait3A_178 = tpu.memref_slice %arg2[%add3A_148] : memref<320000xi32, #tpu.memory_space<hbm>> -> memref<1000xi32, #tpu.memory_space<hbm>>
          %dma_wait3A_179 = arith.constant 0 : i32
          %dma_wait3A_180 = tpu.memref_slice %arg13[%run_scoped3A_149, %dma_wait3A_179] : memref<2x1000xi32, #tpu.memory_space<vmem>> -> memref<1x1000xi32, #tpu.memory_space<vmem>>
          %dma_wait3A_181 = tpu.memref_squeeze %dma_wait3A_180 : memref<1x1000xi32, #tpu.memory_space<vmem>> -> memref<1000xi32, #tpu.memory_space<vmem>>
          %dma_wait3A_182 = tpu.memref_slice %arg2[%add3A_148] : memref<320000xi32, #tpu.memory_space<hbm>> -> memref<1000xi32, #tpu.memory_space<hbm>>
          tpu.wait_dma2 semaphore(%run_scoped3A_166 : memref<!tpu.dma_semaphore, #tpu.memory_space<semaphore_mem>>) src(%dma_wait3A_182 : memref<1000xi32, #tpu.memory_space<hbm>>) dst(%dma_wait3A_181 : memref<1000xi32, #tpu.memory_space<vmem>>)
          tpu.yield
        }) : () -> ()
        %run_scoped3A_150 = arith.constant 1 : i32
        "tpu.region"() ({
          %run_scoped3A_166 = tpu.sem_alloc : memref<!tpu.dma_semaphore, #tpu.memory_space<semaphore_mem>>
          %dma_start3A_167 = arith.constant 0 : i32
          %dma_start3A_168 = tpu.memref_slice %arg14[%run_scoped3A_150, %dma_start3A_167] : memref<2x1000xi32, #tpu.memory_space<vmem>> -> memref<1x1000xi32, #tpu.memory_space<vmem>>
          %dma_start3A_169 = tpu.memref_squeeze %dma_start3A_168 : memref<1x1000xi32, #tpu.memory_space<vmem>> -> memref<1000xi32, #tpu.memory_space<vmem>>
          %dma_start3A_170 = tpu.memref_slice %arg3[%add3A_148] : memref<320000xi32, #tpu.memory_space<hbm>> -> memref<1000xi32, #tpu.memory_space<hbm>>
          %dma_start3A_171 = arith.constant 0 : i32
          %dma_start3A_172 = tpu.memref_slice %arg14[%run_scoped3A_150, %dma_start3A_171] : memref<2x1000xi32, #tpu.memory_space<vmem>> -> memref<1x1000xi32, #tpu.memory_space<vmem>>
          %dma_start3A_173 = tpu.memref_squeeze %dma_start3A_172 : memref<1x1000xi32, #tpu.memory_space<vmem>> -> memref<1000xi32, #tpu.memory_space<vmem>>
          %dma_start3A_174 = tpu.memref_slice %arg3[%add3A_148] : memref<320000xi32, #tpu.memory_space<hbm>> -> memref<1000xi32, #tpu.memory_space<hbm>>
          tpu.enqueue_dma source(%dma_start3A_174 : memref<1000xi32, #tpu.memory_space<hbm>>) target(%dma_start3A_173 : memref<1000xi32, #tpu.memory_space<vmem>>) target_semaphore(%run_scoped3A_166 : memref<!tpu.dma_semaphore, #tpu.memory_space<semaphore_mem>>)
          %dma_wait3A_175 = arith.constant 0 : i32
          %dma_wait3A_176 = tpu.memref_slice %arg14[%run_scoped3A_150, %dma_wait3A_175] : memref<2x1000xi32, #tpu.memory_space<vmem>> -> memref<1x1000xi32, #tpu.memory_space<vmem>>
          %dma_wait3A_177 = tpu.memref_squeeze %dma_wait3A_176 : memref<1x1000xi32, #tpu.memory_space<vmem>> -> memref<1000xi32, #tpu.memory_space<vmem>>
          %dma_wait3A_178 = tpu.memref_slice %arg3[%add3A_148] : memref<320000xi32, #tpu.memory_space<hbm>> -> memref<1000xi32, #tpu.memory_space<hbm>>
          %dma_wait3A_179 = arith.constant 0 : i32
          %dma_wait3A_180 = tpu.memref_slice %arg14[%run_scoped3A_150, %dma_wait3A_179] : memref<2x1000xi32, #tpu.memory_space<vmem>> -> memref<1x1000xi32, #tpu.memory_space<vmem>>
          %dma_wait3A_181 = tpu.memref_squeeze %dma_wait3A_180 : memref<1x1000xi32, #tpu.memory_space<vmem>> -> memref<1000xi32, #tpu.memory_space<vmem>>
          %dma_wait3A_182 = tpu.memref_slice %arg3[%add3A_148] : memref<320000xi32, #tpu.memory_space<hbm>> -> memref<1000xi32, #tpu.memory_space<hbm>>
          tpu.wait_dma2 semaphore(%run_scoped3A_166 : memref<!tpu.dma_semaphore, #tpu.memory_space<semaphore_mem>>) src(%dma_wait3A_182 : memref<1000xi32, #tpu.memory_space<hbm>>) dst(%dma_wait3A_181 : memref<1000xi32, #tpu.memory_space<vmem>>)
          tpu.yield
        }) : () -> ()
        %dma_start3A_151 = arith.constant 1 : i32
        %dma_start3A_152 = arith.constant 1 : i32
        %dma_start3A_153 = arith.constant 1 : i32
        %dma_start3A_154 = arith.constant 0 : i32
        %dma_start3A_155 = arith.constant 0 : i32
        %dma_start3A_156 = tpu.memref_slice %arg15[%dma_start3A_152, %dma_start3A_154, %dma_start3A_155] : memref<2x1000x16xf32, #tpu.memory_space<vmem>> -> memref<1x1000x16xf32, #tpu.memory_space<vmem>>
        %dma_start3A_157 = tpu.memref_squeeze %dma_start3A_156 : memref<1x1000x16xf32, #tpu.memory_space<vmem>> -> memref<1000x16xf32, #tpu.memory_space<vmem>>
        %dma_start3A_158 = arith.constant 0 : i32
        %dma_start3A_159 = tpu.memref_slice %arg13[%dma_start3A_151, %dma_start3A_158] : memref<2x1000xi32, #tpu.memory_space<vmem>> -> memref<1x1000xi32, #tpu.memory_space<vmem>>
        %dma_start3A_160 = tpu.memref_squeeze %dma_start3A_159 : memref<1x1000xi32, #tpu.memory_space<vmem>> -> memref<1000xi32, #tpu.memory_space<vmem>>
        %dma_start3A_161 = arith.constant 0 : i32
        %dma_start3A_162 = arith.constant 0 : i32
        %dma_start3A_163 = tpu.memref_slice %arg6[%dma_start3A_161, %dma_start3A_162] : memref<10000x16xf32, #tpu.memory_space<hbm>> -> memref<10000x16xf32, #tpu.memory_space<hbm>>
        %dma_start3A_164 = tpu.memref_slice %arg17[%dma_start3A_153] : memref<2x!tpu.dma_semaphore, #tpu.memory_space<semaphore_mem>> -> memref<1x!tpu.dma_semaphore, #tpu.memory_space<semaphore_mem>>
        %dma_start3A_165 = tpu.memref_squeeze %dma_start3A_164 : memref<1x!tpu.dma_semaphore, #tpu.memory_space<semaphore_mem>> -> memref<!tpu.dma_semaphore, #tpu.memory_space<semaphore_mem>>
        tpu.enqueue_indirect_dma source(%dma_start3A_163 : memref<10000x16xf32, #tpu.memory_space<hbm>>) target(%dma_start3A_157 : memref<1000x16xf32, #tpu.memory_space<vmem>>) offsets(%dma_start3A_160 : memref<1000xi32, #tpu.memory_space<vmem>>) semaphore(%dma_start3A_165 : memref<!tpu.dma_semaphore, #tpu.memory_space<semaphore_mem>>)
      } else {
      }
      %lt3A_120 = arith.constant 10 : i32
      %lt3A_121 = arith.cmpi slt, %mul3A_112, %lt3A_120 : i32
      %convert_element_type3A_122 = arith.extui %lt3A_121 : i1 to i32
      %cond3A_123 = arith.constant 0 : i32
      %cond3A_124 = arith.cmpi ne, %convert_element_type3A_122, %cond3A_123 : i32
      scf.if %cond3A_124 {
        %dma_wait3A_142 = arith.constant 0 : i32
        %dma_wait3A_143 = arith.constant 0 : i32
        %dma_wait3A_144 = arith.constant 0 : i32
        %dma_wait3A_145 = arith.constant 0 : i32
        %dma_wait3A_146 = arith.constant 0 : i32
        %dma_wait3A_147 = tpu.memref_slice %arg15[%dma_wait3A_143, %dma_wait3A_145, %dma_wait3A_146] : memref<2x1000x16xf32, #tpu.memory_space<vmem>> -> memref<1x1000x16xf32, #tpu.memory_space<vmem>>
        %dma_wait3A_148 = tpu.memref_squeeze %dma_wait3A_147 : memref<1x1000x16xf32, #tpu.memory_space<vmem>> -> memref<1000x16xf32, #tpu.memory_space<vmem>>
        %dma_wait3A_149 = arith.constant 0 : i32
        %dma_wait3A_150 = tpu.memref_slice %arg13[%dma_wait3A_142, %dma_wait3A_149] : memref<2x1000xi32, #tpu.memory_space<vmem>> -> memref<1x1000xi32, #tpu.memory_space<vmem>>
        %dma_wait3A_151 = tpu.memref_squeeze %dma_wait3A_150 : memref<1x1000xi32, #tpu.memory_space<vmem>> -> memref<1000xi32, #tpu.memory_space<vmem>>
        %dma_wait3A_152 = arith.constant 0 : i32
        %dma_wait3A_153 = arith.constant 0 : i32
        %dma_wait3A_154 = tpu.memref_slice %arg6[%dma_wait3A_152, %dma_wait3A_153] : memref<10000x16xf32, #tpu.memory_space<hbm>> -> memref<10000x16xf32, #tpu.memory_space<hbm>>
        %dma_wait3A_155 = tpu.memref_slice %arg17[%dma_wait3A_144] : memref<2x!tpu.dma_semaphore, #tpu.memory_space<semaphore_mem>> -> memref<1x!tpu.dma_semaphore, #tpu.memory_space<semaphore_mem>>
        %dma_wait3A_156 = tpu.memref_squeeze %dma_wait3A_155 : memref<1x!tpu.dma_semaphore, #tpu.memory_space<semaphore_mem>> -> memref<!tpu.dma_semaphore, #tpu.memory_space<semaphore_mem>>
        tpu.wait_indirect_dma semaphore(%dma_wait3A_156 : memref<!tpu.dma_semaphore, #tpu.memory_space<semaphore_mem>>) src(%dma_wait3A_154 : memref<10000x16xf32, #tpu.memory_space<hbm>>) dst(%dma_wait3A_148 : memref<1000x16xf32, #tpu.memory_space<vmem>>)
        %iota3A = tpu.iota {dimensions = array<i32: 0>} : vector<16xi32>
        %ge3A = arith.constant 16 : i32
        %ge3A_157 = vector.broadcast %ge3A : i32 to vector<16xi32>
        %ge3A_158 = arith.cmpi sge, %iota3A, %ge3A_157 : vector<16xi32>
        %jit3A = arith.constant 1 : i32
        %jit3A_159 = arith.constant 0 : i32
        %broadcast_in_dim3A = vector.broadcast %jit3A : i32 to vector<16xi32>
        %broadcast_in_dim3A_160 = vector.broadcast %jit3A_159 : i32 to vector<16xi32>
        %select_n3A = arith.select %ge3A_158, %broadcast_in_dim3A, %broadcast_in_dim3A_160 : vector<16xi1>, vector<16xi32>
        %scan3A_161 = arith.constant 0 : i32
        %scan3A_162 = arith.constant 0 : i32
        %scan3A_163 = arith.constant 62 : i32
        %scan3A_164 = arith.addi %scan3A_162, %scan3A_163 : i32
        %scan3A_165 = arith.constant 1 : i32
        scf.for %scan3A_195 = %scan3A_162 to %scan3A_164 step %scan3A_165  : i32 {
          %mul3A_196 = arith.constant 16 : i32
          %mul3A_197 = arith.muli %scan3A_195, %mul3A_196 : i32
          %get3A = arith.constant 0 : i32
          %get3A_198 = arith.index_cast %get3A : i32 to index
          %get3A_199 = arith.index_cast %mul3A_197 : i32 to index
          %get3A_200 = tpu.vector_load %arg13[%get3A_198, %get3A_199] {strides = array<i32>} : memref<2x1000xi32, #tpu.memory_space<vmem>>, vector<16xi32>,
          %mul3A_201 = arith.constant 16 : i32
          %mul3A_202 = arith.muli %scan3A_195, %mul3A_201 : i32
          %get3A_203 = arith.constant 0 : i32
          %get3A_204 = arith.index_cast %get3A_203 : i32 to index
          %get3A_205 = arith.index_cast %mul3A_202 : i32 to index
          %get3A_206 = tpu.vector_load %arg14[%get3A_204, %get3A_205] {strides = array<i32>} : memref<2x1000xi32, #tpu.memory_space<vmem>>, vector<16xi32>,
          %gather3A = tpu.vector_load_idx %arg11[%get3A_200] : memref<10000xf32, #tpu.memory_space<vmem>>[vector<16xi32>], vector<16xf32>,
          %gather3A_207 = tpu.vector_load_idx %arg12[%get3A_206] : memref<10000xf32, #tpu.memory_space<vmem>>[vector<16xi32>], vector<16xf32>,
          %add3A_208 = arith.addf %gather3A, %gather3A_207 : vector<16xf32>
          %mul3A_209 = arith.constant 2.000000e-01 : f32
          %mul3A_210 = vector.broadcast %mul3A_209 : f32 to vector<16xf32>
          %mul3A_211 = arith.mulf %mul3A_210, %add3A_208 : vector<16xf32>
          %max3A = arith.maximumf %add3A_208, %mul3A_211 : vector<16xf32>
          %exp3A = math.exp %max3A : vector<16xf32>
          %mul3A_212 = arith.constant 16 : i32
          %mul3A_213 = arith.muli %scan3A_195, %mul3A_212 : i32
          %swap3A = arith.constant 0 : i32
          %swap3A_214 = arith.index_cast %swap3A : i32 to index
          %swap3A_215 = arith.index_cast %mul3A_213 : i32 to index
          %swap3A_216 = tpu.vector_load %arg16[%swap3A_214, %swap3A_215] {strides = array<i32>} : memref<2x1000xf32, #tpu.memory_space<vmem>>, vector<16xf32>,
          tpu.vector_store %arg16[%swap3A_214, %swap3A_215], %exp3A {strides = array<i32>} : memref<2x1000xf32, #tpu.memory_space<vmem>>, vector<16xf32>,
          %mul3A_217 = arith.constant 16 : i32
          %mul3A_218 = arith.muli %scan3A_195, %mul3A_217 : i32
          %add3A_219 = arith.constant 0 : i32
          %add3A_220 = arith.addi %mul3A_218, %add3A_219 : i32
          %add3A_221 = arith.constant 0 : i32
          %add3A_222 = vector.broadcast %add3A_221 : i32 to vector<16xi32>
          %add3A_223 = arith.addi %select_n3A, %add3A_222 : vector<16xi32>
          %reshape3A = vector.shape_cast %add3A_223 : vector<16xi32> to vector<16x1xi32>
          %gather3A_224 = vector.shape_cast %reshape3A : vector<16x1xi32> to vector<16xi32>
          %gather3A_225 = tpu.dynamic_gather %exp3A[%gather3A_224] in [0] : vector<16xf32>, vector<16xi32> -> vector<16xf32>
          %get3A_226 = arith.constant 0 : i32
          %get3A_227 = arith.index_cast %get3A_226 : i32 to index
          %get3A_228 = arith.index_cast %add3A_220 : i32 to index
          %get3A_229 = arith.constant 0 : index
          %get3A_230 = tpu.vector_load %arg15[%get3A_227, %get3A_228, %get3A_229] {strides = array<i32>} : memref<2x1000x16xf32, #tpu.memory_space<vmem>>, vector<16xf32>,
          %mul3A_231 = arith.mulf %get3A_230, %gather3A_225 : vector<16xf32>
          %swap3A_232 = arith.constant 0 : i32
          %swap3A_233 = arith.index_cast %swap3A_232 : i32 to index
          %swap3A_234 = arith.index_cast %add3A_220 : i32 to index
          %swap3A_235 = arith.constant 0 : index
          %swap3A_236 = tpu.vector_load %arg15[%swap3A_233, %swap3A_234, %swap3A_235] {strides = array<i32>} : memref<2x1000x16xf32, #tpu.memory_space<vmem>>, vector<16xf32>,
          tpu.vector_store %arg15[%swap3A_233, %swap3A_234, %swap3A_235], %mul3A_231 {strides = array<i32>} : memref<2x1000x16xf32, #tpu.memory_space<vmem>>, vector<16xf32>,
          %mul3A_237 = arith.constant 16 : i32
          %mul3A_238 = arith.muli %scan3A_195, %mul3A_237 : i32
          %add3A_239 = arith.constant 1 : i32
          %add3A_240 = arith.addi %mul3A_238, %add3A_239 : i32
          %add3A_241 = arith.constant 1 : i32
          %add3A_242 = vector.broadcast %add3A_241 : i32 to vector<16xi32>
          %add3A_243 = arith.addi %select_n3A, %add3A_242 : vector<16xi32>
          %reshape3A_244 = vector.shape_cast %add3A_243 : vector<16xi32> to vector<16x1xi32>
          %gather3A_245 = vector.shape_cast %reshape3A_244 : vector<16x1xi32> to vector<16xi32>
          %gather3A_246 = tpu.dynamic_gather %exp3A[%gather3A_245] in [0] : vector<16xf32>, vector<16xi32> -> vector<16xf32>
          %get3A_247 = arith.constant 0 : i32
          %get3A_248 = arith.index_cast %get3A_247 : i32 to index
          %get3A_249 = arith.index_cast %add3A_240 : i32 to index
          %get3A_250 = arith.constant 0 : index
          %get3A_251 = tpu.vector_load %arg15[%get3A_248, %get3A_249, %get3A_250] {strides = array<i32>} : memref<2x1000x16xf32, #tpu.memory_space<vmem>>, vector<16xf32>,
          %mul3A_252 = arith.mulf %get3A_251, %gather3A_246 : vector<16xf32>
          %swap3A_253 = arith.constant 0 : i32
          %swap3A_254 = arith.index_cast %swap3A_253 : i32 to index
          %swap3A_255 = arith.index_cast %add3A_240 : i32 to index
          %swap3A_256 = arith.constant 0 : index
          %swap3A_257 = tpu.vector_load %arg15[%swap3A_254, %swap3A_255, %swap3A_256] {strides = array<i32>} : memref<2x1000x16xf32, #tpu.memory_space<vmem>>, vector<16xf32>,
          tpu.vector_store %arg15[%swap3A_254, %swap3A_255, %swap3A_256], %mul3A_252 {strides = array<i32>} : memref<2x1000x16xf32, #tpu.memory_space<vmem>>, vector<16xf32>,
          %mul3A_258 = arith.constant 16 : i32
          %mul3A_259 = arith.muli %scan3A_195, %mul3A_258 : i32
          %add3A_260 = arith.constant 2 : i32
          %add3A_261 = arith.addi %mul3A_259, %add3A_260 : i32
          %add3A_262 = arith.constant 2 : i32
          %add3A_263 = vector.broadcast %add3A_262 : i32 to vector<16xi32>
          %add3A_264 = arith.addi %select_n3A, %add3A_263 : vector<16xi32>
          %reshape3A_265 = vector.shape_cast %add3A_264 : vector<16xi32> to vector<16x1xi32>
          %gather3A_266 = vector.shape_cast %reshape3A_265 : vector<16x1xi32> to vector<16xi32>
          %gather3A_267 = tpu.dynamic_gather %exp3A[%gather3A_266] in [0] : vector<16xf32>, vector<16xi32> -> vector<16xf32>
          %get3A_268 = arith.constant 0 : i32
          %get3A_269 = arith.index_cast %get3A_268 : i32 to index
          %get3A_270 = arith.index_cast %add3A_261 : i32 to index
          %get3A_271 = arith.constant 0 : index
          %get3A_272 = tpu.vector_load %arg15[%get3A_269, %get3A_270, %get3A_271] {strides = array<i32>} : memref<2x1000x16xf32, #tpu.memory_space<vmem>>, vector<16xf32>,
          %mul3A_273 = arith.mulf %get3A_272, %gather3A_267 : vector<16xf32>
          %swap3A_274 = arith.constant 0 : i32
          %swap3A_275 = arith.index_cast %swap3A_274 : i32 to index
          %swap3A_276 = arith.index_cast %add3A_261 : i32 to index
          %swap3A_277 = arith.constant 0 : index
          %swap3A_278 = tpu.vector_load %arg15[%swap3A_275, %swap3A_276, %swap3A_277] {strides = array<i32>} : memref<2x1000x16xf32, #tpu.memory_space<vmem>>, vector<16xf32>,
          tpu.vector_store %arg15[%swap3A_275, %swap3A_276, %swap3A_277], %mul3A_273 {strides = array<i32>} : memref<2x1000x16xf32, #tpu.memory_space<vmem>>, vector<16xf32>,
          %mul3A_279 = arith.constant 16 : i32
          %mul3A_280 = arith.muli %scan3A_195, %mul3A_279 : i32
          %add3A_281 = arith.constant 3 : i32
          %add3A_282 = arith.addi %mul3A_280, %add3A_281 : i32
          %add3A_283 = arith.constant 3 : i32
          %add3A_284 = vector.broadcast %add3A_283 : i32 to vector<16xi32>
          %add3A_285 = arith.addi %select_n3A, %add3A_284 : vector<16xi32>
          %reshape3A_286 = vector.shape_cast %add3A_285 : vector<16xi32> to vector<16x1xi32>
          %gather3A_287 = vector.shape_cast %reshape3A_286 : vector<16x1xi32> to vector<16xi32>
          %gather3A_288 = tpu.dynamic_gather %exp3A[%gather3A_287] in [0] : vector<16xf32>, vector<16xi32> -> vector<16xf32>
          %get3A_289 = arith.constant 0 : i32
          %get3A_290 = arith.index_cast %get3A_289 : i32 to index
          %get3A_291 = arith.index_cast %add3A_282 : i32 to index
          %get3A_292 = arith.constant 0 : index
          %get3A_293 = tpu.vector_load %arg15[%get3A_290, %get3A_291, %get3A_292] {strides = array<i32>} : memref<2x1000x16xf32, #tpu.memory_space<vmem>>, vector<16xf32>,
          %mul3A_294 = arith.mulf %get3A_293, %gather3A_288 : vector<16xf32>
          %swap3A_295 = arith.constant 0 : i32
          %swap3A_296 = arith.index_cast %swap3A_295 : i32 to index
          %swap3A_297 = arith.index_cast %add3A_282 : i32 to index
          %swap3A_298 = arith.constant 0 : index
          %swap3A_299 = tpu.vector_load %arg15[%swap3A_296, %swap3A_297, %swap3A_298] {strides = array<i32>} : memref<2x1000x16xf32, #tpu.memory_space<vmem>>, vector<16xf32>,
          tpu.vector_store %arg15[%swap3A_296, %swap3A_297, %swap3A_298], %mul3A_294 {strides = array<i32>} : memref<2x1000x16xf32, #tpu.memory_space<vmem>>, vector<16xf32>,
          %mul3A_300 = arith.constant 16 : i32
          %mul3A_301 = arith.muli %scan3A_195, %mul3A_300 : i32
          %add3A_302 = arith.constant 4 : i32
          %add3A_303 = arith.addi %mul3A_301, %add3A_302 : i32
          %add3A_304 = arith.constant 4 : i32
          %add3A_305 = vector.broadcast %add3A_304 : i32 to vector<16xi32>
          %add3A_306 = arith.addi %select_n3A, %add3A_305 : vector<16xi32>
          %reshape3A_307 = vector.shape_cast %add3A_306 : vector<16xi32> to vector<16x1xi32>
          %gather3A_308 = vector.shape_cast %reshape3A_307 : vector<16x1xi32> to vector<16xi32>
          %gather3A_309 = tpu.dynamic_gather %exp3A[%gather3A_308] in [0] : vector<16xf32>, vector<16xi32> -> vector<16xf32>
          %get3A_310 = arith.constant 0 : i32
          %get3A_311 = arith.index_cast %get3A_310 : i32 to index
          %get3A_312 = arith.index_cast %add3A_303 : i32 to index
          %get3A_313 = arith.constant 0 : index
          %get3A_314 = tpu.vector_load %arg15[%get3A_311, %get3A_312, %get3A_313] {strides = array<i32>} : memref<2x1000x16xf32, #tpu.memory_space<vmem>>, vector<16xf32>,
          %mul3A_315 = arith.mulf %get3A_314, %gather3A_309 : vector<16xf32>
          %swap3A_316 = arith.constant 0 : i32
          %swap3A_317 = arith.index_cast %swap3A_316 : i32 to index
          %swap3A_318 = arith.index_cast %add3A_303 : i32 to index
          %swap3A_319 = arith.constant 0 : index
          %swap3A_320 = tpu.vector_load %arg15[%swap3A_317, %swap3A_318, %swap3A_319] {strides = array<i32>} : memref<2x1000x16xf32, #tpu.memory_space<vmem>>, vector<16xf32>,
          tpu.vector_store %arg15[%swap3A_317, %swap3A_318, %swap3A_319], %mul3A_315 {strides = array<i32>} : memref<2x1000x16xf32, #tpu.memory_space<vmem>>, vector<16xf32>,
          %mul3A_321 = arith.constant 16 : i32
          %mul3A_322 = arith.muli %scan3A_195, %mul3A_321 : i32
          %add3A_323 = arith.constant 5 : i32
          %add3A_324 = arith.addi %mul3A_322, %add3A_323 : i32
          %add3A_325 = arith.constant 5 : i32
          %add3A_326 = vector.broadcast %add3A_325 : i32 to vector<16xi32>
          %add3A_327 = arith.addi %select_n3A, %add3A_326 : vector<16xi32>
          %reshape3A_328 = vector.shape_cast %add3A_327 : vector<16xi32> to vector<16x1xi32>
          %gather3A_329 = vector.shape_cast %reshape3A_328 : vector<16x1xi32> to vector<16xi32>
          %gather3A_330 = tpu.dynamic_gather %exp3A[%gather3A_329] in [0] : vector<16xf32>, vector<16xi32> -> vector<16xf32>
          %get3A_331 = arith.constant 0 : i32
          %get3A_332 = arith.index_cast %get3A_331 : i32 to index
          %get3A_333 = arith.index_cast %add3A_324 : i32 to index
          %get3A_334 = arith.constant 0 : index
          %get3A_335 = tpu.vector_load %arg15[%get3A_332, %get3A_333, %get3A_334] {strides = array<i32>} : memref<2x1000x16xf32, #tpu.memory_space<vmem>>, vector<16xf32>,
          %mul3A_336 = arith.mulf %get3A_335, %gather3A_330 : vector<16xf32>
          %swap3A_337 = arith.constant 0 : i32
          %swap3A_338 = arith.index_cast %swap3A_337 : i32 to index
          %swap3A_339 = arith.index_cast %add3A_324 : i32 to index
          %swap3A_340 = arith.constant 0 : index
          %swap3A_341 = tpu.vector_load %arg15[%swap3A_338, %swap3A_339, %swap3A_340] {strides = array<i32>} : memref<2x1000x16xf32, #tpu.memory_space<vmem>>, vector<16xf32>,
          tpu.vector_store %arg15[%swap3A_338, %swap3A_339, %swap3A_340], %mul3A_336 {strides = array<i32>} : memref<2x1000x16xf32, #tpu.memory_space<vmem>>, vector<16xf32>,
          %mul3A_342 = arith.constant 16 : i32
          %mul3A_343 = arith.muli %scan3A_195, %mul3A_342 : i32
          %add3A_344 = arith.constant 6 : i32
          %add3A_345 = arith.addi %mul3A_343, %add3A_344 : i32
          %add3A_346 = arith.constant 6 : i32
          %add3A_347 = vector.broadcast %add3A_346 : i32 to vector<16xi32>
          %add3A_348 = arith.addi %select_n3A, %add3A_347 : vector<16xi32>
          %reshape3A_349 = vector.shape_cast %add3A_348 : vector<16xi32> to vector<16x1xi32>
          %gather3A_350 = vector.shape_cast %reshape3A_349 : vector<16x1xi32> to vector<16xi32>
          %gather3A_351 = tpu.dynamic_gather %exp3A[%gather3A_350] in [0] : vector<16xf32>, vector<16xi32> -> vector<16xf32>
          %get3A_352 = arith.constant 0 : i32
          %get3A_353 = arith.index_cast %get3A_352 : i32 to index
          %get3A_354 = arith.index_cast %add3A_345 : i32 to index
          %get3A_355 = arith.constant 0 : index
          %get3A_356 = tpu.vector_load %arg15[%get3A_353, %get3A_354, %get3A_355] {strides = array<i32>} : memref<2x1000x16xf32, #tpu.memory_space<vmem>>, vector<16xf32>,
          %mul3A_357 = arith.mulf %get3A_356, %gather3A_351 : vector<16xf32>
          %swap3A_358 = arith.constant 0 : i32
          %swap3A_359 = arith.index_cast %swap3A_358 : i32 to index
          %swap3A_360 = arith.index_cast %add3A_345 : i32 to index
          %swap3A_361 = arith.constant 0 : index
          %swap3A_362 = tpu.vector_load %arg15[%swap3A_359, %swap3A_360, %swap3A_361] {strides = array<i32>} : memref<2x1000x16xf32, #tpu.memory_space<vmem>>, vector<16xf32>,
          tpu.vector_store %arg15[%swap3A_359, %swap3A_360, %swap3A_361], %mul3A_357 {strides = array<i32>} : memref<2x1000x16xf32, #tpu.memory_space<vmem>>, vector<16xf32>,
          %mul3A_363 = arith.constant 16 : i32
          %mul3A_364 = arith.muli %scan3A_195, %mul3A_363 : i32
          %add3A_365 = arith.constant 7 : i32
          %add3A_366 = arith.addi %mul3A_364, %add3A_365 : i32
          %add3A_367 = arith.constant 7 : i32
          %add3A_368 = vector.broadcast %add3A_367 : i32 to vector<16xi32>
          %add3A_369 = arith.addi %select_n3A, %add3A_368 : vector<16xi32>
          %reshape3A_370 = vector.shape_cast %add3A_369 : vector<16xi32> to vector<16x1xi32>
          %gather3A_371 = vector.shape_cast %reshape3A_370 : vector<16x1xi32> to vector<16xi32>
          %gather3A_372 = tpu.dynamic_gather %exp3A[%gather3A_371] in [0] : vector<16xf32>, vector<16xi32> -> vector<16xf32>
          %get3A_373 = arith.constant 0 : i32
          %get3A_374 = arith.index_cast %get3A_373 : i32 to index
          %get3A_375 = arith.index_cast %add3A_366 : i32 to index
          %get3A_376 = arith.constant 0 : index
          %get3A_377 = tpu.vector_load %arg15[%get3A_374, %get3A_375, %get3A_376] {strides = array<i32>} : memref<2x1000x16xf32, #tpu.memory_space<vmem>>, vector<16xf32>,
          %mul3A_378 = arith.mulf %get3A_377, %gather3A_372 : vector<16xf32>
          %swap3A_379 = arith.constant 0 : i32
          %swap3A_380 = arith.index_cast %swap3A_379 : i32 to index
          %swap3A_381 = arith.index_cast %add3A_366 : i32 to index
          %swap3A_382 = arith.constant 0 : index
          %swap3A_383 = tpu.vector_load %arg15[%swap3A_380, %swap3A_381, %swap3A_382] {strides = array<i32>} : memref<2x1000x16xf32, #tpu.memory_space<vmem>>, vector<16xf32>,
          tpu.vector_store %arg15[%swap3A_380, %swap3A_381, %swap3A_382], %mul3A_378 {strides = array<i32>} : memref<2x1000x16xf32, #tpu.memory_space<vmem>>, vector<16xf32>,
          %mul3A_384 = arith.constant 16 : i32
          %mul3A_385 = arith.muli %scan3A_195, %mul3A_384 : i32
          %add3A_386 = arith.constant 8 : i32
          %add3A_387 = arith.addi %mul3A_385, %add3A_386 : i32
          %add3A_388 = arith.constant 8 : i32
          %add3A_389 = vector.broadcast %add3A_388 : i32 to vector<16xi32>
          %add3A_390 = arith.addi %select_n3A, %add3A_389 : vector<16xi32>
          %reshape3A_391 = vector.shape_cast %add3A_390 : vector<16xi32> to vector<16x1xi32>
          %gather3A_392 = vector.shape_cast %reshape3A_391 : vector<16x1xi32> to vector<16xi32>
          %gather3A_393 = tpu.dynamic_gather %exp3A[%gather3A_392] in [0] : vector<16xf32>, vector<16xi32> -> vector<16xf32>
          %get3A_394 = arith.constant 0 : i32
          %get3A_395 = arith.index_cast %get3A_394 : i32 to index
          %get3A_396 = arith.index_cast %add3A_387 : i32 to index
          %get3A_397 = arith.constant 0 : index
          %get3A_398 = tpu.vector_load %arg15[%get3A_395, %get3A_396, %get3A_397] {strides = array<i32>} : memref<2x1000x16xf32, #tpu.memory_space<vmem>>, vector<16xf32>,
          %mul3A_399 = arith.mulf %get3A_398, %gather3A_393 : vector<16xf32>
          %swap3A_400 = arith.constant 0 : i32
          %swap3A_401 = arith.index_cast %swap3A_400 : i32 to index
          %swap3A_402 = arith.index_cast %add3A_387 : i32 to index
          %swap3A_403 = arith.constant 0 : index
          %swap3A_404 = tpu.vector_load %arg15[%swap3A_401, %swap3A_402, %swap3A_403] {strides = array<i32>} : memref<2x1000x16xf32, #tpu.memory_space<vmem>>, vector<16xf32>,
          tpu.vector_store %arg15[%swap3A_401, %swap3A_402, %swap3A_403], %mul3A_399 {strides = array<i32>} : memref<2x1000x16xf32, #tpu.memory_space<vmem>>, vector<16xf32>,
          %mul3A_405 = arith.constant 16 : i32
          %mul3A_406 = arith.muli %scan3A_195, %mul3A_405 : i32
          %add3A_407 = arith.constant 9 : i32
          %add3A_408 = arith.addi %mul3A_406, %add3A_407 : i32
          %add3A_409 = arith.constant 9 : i32
          %add3A_410 = vector.broadcast %add3A_409 : i32 to vector<16xi32>
          %add3A_411 = arith.addi %select_n3A, %add3A_410 : vector<16xi32>
          %reshape3A_412 = vector.shape_cast %add3A_411 : vector<16xi32> to vector<16x1xi32>
          %gather3A_413 = vector.shape_cast %reshape3A_412 : vector<16x1xi32> to vector<16xi32>
          %gather3A_414 = tpu.dynamic_gather %exp3A[%gather3A_413] in [0] : vector<16xf32>, vector<16xi32> -> vector<16xf32>
          %get3A_415 = arith.constant 0 : i32
          %get3A_416 = arith.index_cast %get3A_415 : i32 to index
          %get3A_417 = arith.index_cast %add3A_408 : i32 to index
          %get3A_418 = arith.constant 0 : index
          %get3A_419 = tpu.vector_load %arg15[%get3A_416, %get3A_417, %get3A_418] {strides = array<i32>} : memref<2x1000x16xf32, #tpu.memory_space<vmem>>, vector<16xf32>,
          %mul3A_420 = arith.mulf %get3A_419, %gather3A_414 : vector<16xf32>
          %swap3A_421 = arith.constant 0 : i32
          %swap3A_422 = arith.index_cast %swap3A_421 : i32 to index
          %swap3A_423 = arith.index_cast %add3A_408 : i32 to index
          %swap3A_424 = arith.constant 0 : index
          %swap3A_425 = tpu.vector_load %arg15[%swap3A_422, %swap3A_423, %swap3A_424] {strides = array<i32>} : memref<2x1000x16xf32, #tpu.memory_space<vmem>>, vector<16xf32>,
          tpu.vector_store %arg15[%swap3A_422, %swap3A_423, %swap3A_424], %mul3A_420 {strides = array<i32>} : memref<2x1000x16xf32, #tpu.memory_space<vmem>>, vector<16xf32>,
          %mul3A_426 = arith.constant 16 : i32
          %mul3A_427 = arith.muli %scan3A_195, %mul3A_426 : i32
          %add3A_428 = arith.constant 10 : i32
          %add3A_429 = arith.addi %mul3A_427, %add3A_428 : i32
          %add3A_430 = arith.constant 10 : i32
          %add3A_431 = vector.broadcast %add3A_430 : i32 to vector<16xi32>
          %add3A_432 = arith.addi %select_n3A, %add3A_431 : vector<16xi32>
          %reshape3A_433 = vector.shape_cast %add3A_432 : vector<16xi32> to vector<16x1xi32>
          %gather3A_434 = vector.shape_cast %reshape3A_433 : vector<16x1xi32> to vector<16xi32>
          %gather3A_435 = tpu.dynamic_gather %exp3A[%gather3A_434] in [0] : vector<16xf32>, vector<16xi32> -> vector<16xf32>
          %get3A_436 = arith.constant 0 : i32
          %get3A_437 = arith.index_cast %get3A_436 : i32 to index
          %get3A_438 = arith.index_cast %add3A_429 : i32 to index
          %get3A_439 = arith.constant 0 : index
          %get3A_440 = tpu.vector_load %arg15[%get3A_437, %get3A_438, %get3A_439] {strides = array<i32>} : memref<2x1000x16xf32, #tpu.memory_space<vmem>>, vector<16xf32>,
          %mul3A_441 = arith.mulf %get3A_440, %gather3A_435 : vector<16xf32>
          %swap3A_442 = arith.constant 0 : i32
          %swap3A_443 = arith.index_cast %swap3A_442 : i32 to index
          %swap3A_444 = arith.index_cast %add3A_429 : i32 to index
          %swap3A_445 = arith.constant 0 : index
          %swap3A_446 = tpu.vector_load %arg15[%swap3A_443, %swap3A_444, %swap3A_445] {strides = array<i32>} : memref<2x1000x16xf32, #tpu.memory_space<vmem>>, vector<16xf32>,
          tpu.vector_store %arg15[%swap3A_443, %swap3A_444, %swap3A_445], %mul3A_441 {strides = array<i32>} : memref<2x1000x16xf32, #tpu.memory_space<vmem>>, vector<16xf32>,
          %mul3A_447 = arith.constant 16 : i32
          %mul3A_448 = arith.muli %scan3A_195, %mul3A_447 : i32
          %add3A_449 = arith.constant 11 : i32
          %add3A_450 = arith.addi %mul3A_448, %add3A_449 : i32
          %add3A_451 = arith.constant 11 : i32
          %add3A_452 = vector.broadcast %add3A_451 : i32 to vector<16xi32>
          %add3A_453 = arith.addi %select_n3A, %add3A_452 : vector<16xi32>
          %reshape3A_454 = vector.shape_cast %add3A_453 : vector<16xi32> to vector<16x1xi32>
          %gather3A_455 = vector.shape_cast %reshape3A_454 : vector<16x1xi32> to vector<16xi32>
          %gather3A_456 = tpu.dynamic_gather %exp3A[%gather3A_455] in [0] : vector<16xf32>, vector<16xi32> -> vector<16xf32>
          %get3A_457 = arith.constant 0 : i32
          %get3A_458 = arith.index_cast %get3A_457 : i32 to index
          %get3A_459 = arith.index_cast %add3A_450 : i32 to index
          %get3A_460 = arith.constant 0 : index
          %get3A_461 = tpu.vector_load %arg15[%get3A_458, %get3A_459, %get3A_460] {strides = array<i32>} : memref<2x1000x16xf32, #tpu.memory_space<vmem>>, vector<16xf32>,
          %mul3A_462 = arith.mulf %get3A_461, %gather3A_456 : vector<16xf32>
          %swap3A_463 = arith.constant 0 : i32
          %swap3A_464 = arith.index_cast %swap3A_463 : i32 to index
          %swap3A_465 = arith.index_cast %add3A_450 : i32 to index
          %swap3A_466 = arith.constant 0 : index
          %swap3A_467 = tpu.vector_load %arg15[%swap3A_464, %swap3A_465, %swap3A_466] {strides = array<i32>} : memref<2x1000x16xf32, #tpu.memory_space<vmem>>, vector<16xf32>,
          tpu.vector_store %arg15[%swap3A_464, %swap3A_465, %swap3A_466], %mul3A_462 {strides = array<i32>} : memref<2x1000x16xf32, #tpu.memory_space<vmem>>, vector<16xf32>,
          %mul3A_468 = arith.constant 16 : i32
          %mul3A_469 = arith.muli %scan3A_195, %mul3A_468 : i32
          %add3A_470 = arith.constant 12 : i32
          %add3A_471 = arith.addi %mul3A_469, %add3A_470 : i32
          %add3A_472 = arith.constant 12 : i32
          %add3A_473 = vector.broadcast %add3A_472 : i32 to vector<16xi32>
          %add3A_474 = arith.addi %select_n3A, %add3A_473 : vector<16xi32>
          %reshape3A_475 = vector.shape_cast %add3A_474 : vector<16xi32> to vector<16x1xi32>
          %gather3A_476 = vector.shape_cast %reshape3A_475 : vector<16x1xi32> to vector<16xi32>
          %gather3A_477 = tpu.dynamic_gather %exp3A[%gather3A_476] in [0] : vector<16xf32>, vector<16xi32> -> vector<16xf32>
          %get3A_478 = arith.constant 0 : i32
          %get3A_479 = arith.index_cast %get3A_478 : i32 to index
          %get3A_480 = arith.index_cast %add3A_471 : i32 to index
          %get3A_481 = arith.constant 0 : index
          %get3A_482 = tpu.vector_load %arg15[%get3A_479, %get3A_480, %get3A_481] {strides = array<i32>} : memref<2x1000x16xf32, #tpu.memory_space<vmem>>, vector<16xf32>,
          %mul3A_483 = arith.mulf %get3A_482, %gather3A_477 : vector<16xf32>
          %swap3A_484 = arith.constant 0 : i32
          %swap3A_485 = arith.index_cast %swap3A_484 : i32 to index
          %swap3A_486 = arith.index_cast %add3A_471 : i32 to index
          %swap3A_487 = arith.constant 0 : index
          %swap3A_488 = tpu.vector_load %arg15[%swap3A_485, %swap3A_486, %swap3A_487] {strides = array<i32>} : memref<2x1000x16xf32, #tpu.memory_space<vmem>>, vector<16xf32>,
          tpu.vector_store %arg15[%swap3A_485, %swap3A_486, %swap3A_487], %mul3A_483 {strides = array<i32>} : memref<2x1000x16xf32, #tpu.memory_space<vmem>>, vector<16xf32>,
          %mul3A_489 = arith.constant 16 : i32
          %mul3A_490 = arith.muli %scan3A_195, %mul3A_489 : i32
          %add3A_491 = arith.constant 13 : i32
          %add3A_492 = arith.addi %mul3A_490, %add3A_491 : i32
          %add3A_493 = arith.constant 13 : i32
          %add3A_494 = vector.broadcast %add3A_493 : i32 to vector<16xi32>
          %add3A_495 = arith.addi %select_n3A, %add3A_494 : vector<16xi32>
          %reshape3A_496 = vector.shape_cast %add3A_495 : vector<16xi32> to vector<16x1xi32>
          %gather3A_497 = vector.shape_cast %reshape3A_496 : vector<16x1xi32> to vector<16xi32>
          %gather3A_498 = tpu.dynamic_gather %exp3A[%gather3A_497] in [0] : vector<16xf32>, vector<16xi32> -> vector<16xf32>
          %get3A_499 = arith.constant 0 : i32
          %get3A_500 = arith.index_cast %get3A_499 : i32 to index
          %get3A_501 = arith.index_cast %add3A_492 : i32 to index
          %get3A_502 = arith.constant 0 : index
          %get3A_503 = tpu.vector_load %arg15[%get3A_500, %get3A_501, %get3A_502] {strides = array<i32>} : memref<2x1000x16xf32, #tpu.memory_space<vmem>>, vector<16xf32>,
          %mul3A_504 = arith.mulf %get3A_503, %gather3A_498 : vector<16xf32>
          %swap3A_505 = arith.constant 0 : i32
          %swap3A_506 = arith.index_cast %swap3A_505 : i32 to index
          %swap3A_507 = arith.index_cast %add3A_492 : i32 to index
          %swap3A_508 = arith.constant 0 : index
          %swap3A_509 = tpu.vector_load %arg15[%swap3A_506, %swap3A_507, %swap3A_508] {strides = array<i32>} : memref<2x1000x16xf32, #tpu.memory_space<vmem>>, vector<16xf32>,
          tpu.vector_store %arg15[%swap3A_506, %swap3A_507, %swap3A_508], %mul3A_504 {strides = array<i32>} : memref<2x1000x16xf32, #tpu.memory_space<vmem>>, vector<16xf32>,
          %mul3A_510 = arith.constant 16 : i32
          %mul3A_511 = arith.muli %scan3A_195, %mul3A_510 : i32
          %add3A_512 = arith.constant 14 : i32
          %add3A_513 = arith.addi %mul3A_511, %add3A_512 : i32
          %add3A_514 = arith.constant 14 : i32
          %add3A_515 = vector.broadcast %add3A_514 : i32 to vector<16xi32>
          %add3A_516 = arith.addi %select_n3A, %add3A_515 : vector<16xi32>
          %reshape3A_517 = vector.shape_cast %add3A_516 : vector<16xi32> to vector<16x1xi32>
          %gather3A_518 = vector.shape_cast %reshape3A_517 : vector<16x1xi32> to vector<16xi32>
          %gather3A_519 = tpu.dynamic_gather %exp3A[%gather3A_518] in [0] : vector<16xf32>, vector<16xi32> -> vector<16xf32>
          %get3A_520 = arith.constant 0 : i32
          %get3A_521 = arith.index_cast %get3A_520 : i32 to index
          %get3A_522 = arith.index_cast %add3A_513 : i32 to index
          %get3A_523 = arith.constant 0 : index
          %get3A_524 = tpu.vector_load %arg15[%get3A_521, %get3A_522, %get3A_523] {strides = array<i32>} : memref<2x1000x16xf32, #tpu.memory_space<vmem>>, vector<16xf32>,
          %mul3A_525 = arith.mulf %get3A_524, %gather3A_519 : vector<16xf32>
          %swap3A_526 = arith.constant 0 : i32
          %swap3A_527 = arith.index_cast %swap3A_526 : i32 to index
          %swap3A_528 = arith.index_cast %add3A_513 : i32 to index
          %swap3A_529 = arith.constant 0 : index
          %swap3A_530 = tpu.vector_load %arg15[%swap3A_527, %swap3A_528, %swap3A_529] {strides = array<i32>} : memref<2x1000x16xf32, #tpu.memory_space<vmem>>, vector<16xf32>,
          tpu.vector_store %arg15[%swap3A_527, %swap3A_528, %swap3A_529], %mul3A_525 {strides = array<i32>} : memref<2x1000x16xf32, #tpu.memory_space<vmem>>, vector<16xf32>,
          %mul3A_531 = arith.constant 16 : i32
          %mul3A_532 = arith.muli %scan3A_195, %mul3A_531 : i32
          %add3A_533 = arith.constant 15 : i32
          %add3A_534 = arith.addi %mul3A_532, %add3A_533 : i32
          %add3A_535 = arith.constant 15 : i32
          %add3A_536 = vector.broadcast %add3A_535 : i32 to vector<16xi32>
          %add3A_537 = arith.addi %select_n3A, %add3A_536 : vector<16xi32>
          %reshape3A_538 = vector.shape_cast %add3A_537 : vector<16xi32> to vector<16x1xi32>
          %gather3A_539 = vector.shape_cast %reshape3A_538 : vector<16x1xi32> to vector<16xi32>
          %gather3A_540 = tpu.dynamic_gather %exp3A[%gather3A_539] in [0] : vector<16xf32>, vector<16xi32> -> vector<16xf32>
          %get3A_541 = arith.constant 0 : i32
          %get3A_542 = arith.index_cast %get3A_541 : i32 to index
          %get3A_543 = arith.index_cast %add3A_534 : i32 to index
          %get3A_544 = arith.constant 0 : index
          %get3A_545 = tpu.vector_load %arg15[%get3A_542, %get3A_543, %get3A_544] {strides = array<i32>} : memref<2x1000x16xf32, #tpu.memory_space<vmem>>, vector<16xf32>,
          %mul3A_546 = arith.mulf %get3A_545, %gather3A_540 : vector<16xf32>
          %swap3A_547 = arith.constant 0 : i32
          %swap3A_548 = arith.index_cast %swap3A_547 : i32 to index
          %swap3A_549 = arith.index_cast %add3A_534 : i32 to index
          %swap3A_550 = arith.constant 0 : index
          %swap3A_551 = tpu.vector_load %arg15[%swap3A_548, %swap3A_549, %swap3A_550] {strides = array<i32>} : memref<2x1000x16xf32, #tpu.memory_space<vmem>>, vector<16xf32>,
          tpu.vector_store %arg15[%swap3A_548, %swap3A_549, %swap3A_550], %mul3A_546 {strides = array<i32>} : memref<2x1000x16xf32, #tpu.memory_space<vmem>>, vector<16xf32>,
        }
        %scan3A_166 = arith.constant 62 : i32
        %dma_start3A_167 = arith.constant 0 : i32
        %dma_start3A_168 = arith.constant 0 : i32
        %dma_start3A_169 = arith.constant 0 : i32
        %dma_start3A_170 = arith.constant 0 : i32
        %dma_start3A_171 = tpu.memref_slice %arg16[%dma_start3A_167, %dma_start3A_170] : memref<2x1000xf32, #tpu.memory_space<vmem>> -> memref<1x1000xf32, #tpu.memory_space<vmem>>
        %dma_start3A_172 = tpu.memref_squeeze %dma_start3A_171 : memref<1x1000xf32, #tpu.memory_space<vmem>> -> memref<1000xf32, #tpu.memory_space<vmem>>
        %dma_start3A_173 = arith.constant 0 : i32
        %dma_start3A_174 = tpu.memref_slice %arg14[%dma_start3A_168, %dma_start3A_173] : memref<2x1000xi32, #tpu.memory_space<vmem>> -> memref<1x1000xi32, #tpu.memory_space<vmem>>
        %dma_start3A_175 = tpu.memref_squeeze %dma_start3A_174 : memref<1x1000xi32, #tpu.memory_space<vmem>> -> memref<1000xi32, #tpu.memory_space<vmem>>
        %dma_start3A_176 = arith.constant 0 : i32
        %dma_start3A_177 = tpu.memref_slice %arg19[%dma_start3A_176] : memref<10000xf32, #tpu.memory_space<vmem_shared>> -> memref<10000xf32, #tpu.memory_space<vmem_shared>>
        %dma_start3A_178 = tpu.memref_slice %arg18[%dma_start3A_169] : memref<2x!tpu.dma_semaphore, #tpu.memory_space<semaphore_mem>> -> memref<1x!tpu.dma_semaphore, #tpu.memory_space<semaphore_mem>>
        %dma_start3A_179 = tpu.memref_squeeze %dma_start3A_178 : memref<1x!tpu.dma_semaphore, #tpu.memory_space<semaphore_mem>> -> memref<!tpu.dma_semaphore, #tpu.memory_space<semaphore_mem>>
        tpu.enqueue_indirect_dma source(%dma_start3A_172 : memref<1000xf32, #tpu.memory_space<vmem>>) target(%dma_start3A_177 : memref<10000xf32, #tpu.memory_space<vmem_shared>>) offsets(%dma_start3A_175 : memref<1000xi32, #tpu.memory_space<vmem>>) semaphore(%dma_start3A_179 : memref<!tpu.dma_semaphore, #tpu.memory_space<semaphore_mem>>) {add = true}
        %dma_start3A_180 = arith.constant 0 : i32
        %dma_start3A_181 = arith.constant 0 : i32
        %dma_start3A_182 = arith.constant 0 : i32
        %dma_start3A_183 = arith.constant 0 : i32
        %dma_start3A_184 = arith.constant 0 : i32
        %dma_start3A_185 = tpu.memref_slice %arg15[%dma_start3A_180, %dma_start3A_183, %dma_start3A_184] : memref<2x1000x16xf32, #tpu.memory_space<vmem>> -> memref<1x1000x16xf32, #tpu.memory_space<vmem>>
        %dma_start3A_186 = tpu.memref_squeeze %dma_start3A_185 : memref<1x1000x16xf32, #tpu.memory_space<vmem>> -> memref<1000x16xf32, #tpu.memory_space<vmem>>
        %dma_start3A_187 = arith.constant 0 : i32
        %dma_start3A_188 = tpu.memref_slice %arg14[%dma_start3A_181, %dma_start3A_187] : memref<2x1000xi32, #tpu.memory_space<vmem>> -> memref<1x1000xi32, #tpu.memory_space<vmem>>
        %dma_start3A_189 = tpu.memref_squeeze %dma_start3A_188 : memref<1x1000xi32, #tpu.memory_space<vmem>> -> memref<1000xi32, #tpu.memory_space<vmem>>
        %dma_start3A_190 = arith.constant 0 : i32
        %dma_start3A_191 = arith.constant 0 : i32
        %dma_start3A_192 = tpu.memref_slice %arg20[%dma_start3A_190, %dma_start3A_191] : memref<10000x16xf32, #tpu.memory_space<vmem_shared>> -> memref<10000x16xf32, #tpu.memory_space<vmem_shared>>
        %dma_start3A_193 = tpu.memref_slice %arg18[%dma_start3A_182] : memref<2x!tpu.dma_semaphore, #tpu.memory_space<semaphore_mem>> -> memref<1x!tpu.dma_semaphore, #tpu.memory_space<semaphore_mem>>
        %dma_start3A_194 = tpu.memref_squeeze %dma_start3A_193 : memref<1x!tpu.dma_semaphore, #tpu.memory_space<semaphore_mem>> -> memref<!tpu.dma_semaphore, #tpu.memory_space<semaphore_mem>>
        tpu.enqueue_indirect_dma source(%dma_start3A_186 : memref<1000x16xf32, #tpu.memory_space<vmem>>) target(%dma_start3A_192 : memref<10000x16xf32, #tpu.memory_space<vmem_shared>>) offsets(%dma_start3A_189 : memref<1000xi32, #tpu.memory_space<vmem>>) semaphore(%dma_start3A_194 : memref<!tpu.dma_semaphore, #tpu.memory_space<semaphore_mem>>) {add = true}
      } else {
      }
      %mul3A_125 = arith.constant 2 : i32
      %mul3A_126 = arith.muli %mul3A_125, %scan3A_109 : i32
      %add3A_127 = arith.constant 1 : i32
      %add3A_128 = arith.addi %mul3A_126, %add3A_127 : i32
      %add3A_129 = arith.constant 1 : i32
      %add3A_130 = arith.addi %add3A_128, %add3A_129 : i32
      %lt3A_131 = arith.constant 10 : i32
      %lt3A_132 = arith.cmpi slt, %add3A_130, %lt3A_131 : i32
      %convert_element_type3A_133 = arith.extui %lt3A_132 : i1 to i32
      %cond3A_134 = arith.constant 0 : i32
      %cond3A_135 = arith.cmpi ne, %convert_element_type3A_133, %cond3A_134 : i32
      scf.if %cond3A_135 {
        %ge3A = arith.constant 2 : i32
        %ge3A_142 = arith.cmpi sge, %add3A_130, %ge3A : i32
        %convert_element_type3A_143 = arith.extui %ge3A_142 : i1 to i32
        %cond3A_144 = arith.constant 0 : i32
        %cond3A_145 = arith.cmpi ne, %convert_element_type3A_143, %cond3A_144 : i32
        scf.if %cond3A_145 {
          %dma_wait3A_166 = arith.constant 0 : i32
          %dma_wait3A_167 = arith.constant 0 : i32
          %dma_wait3A_168 = arith.constant 0 : i32
          %dma_wait3A_169 = tpu.memref_slice %arg16[%dma_wait3A_166, %dma_wait3A_168] : memref<2x1000xf32, #tpu.memory_space<vmem>> -> memref<1x1000xf32, #tpu.memory_space<vmem>>
          %dma_wait3A_170 = tpu.memref_squeeze %dma_wait3A_169 : memref<1x1000xf32, #tpu.memory_space<vmem>> -> memref<1000xf32, #tpu.memory_space<vmem>>
          %dma_wait3A_171 = arith.constant 0 : i32
          %dma_wait3A_172 = tpu.memref_slice %arg19[%dma_wait3A_171] : memref<10000xf32, #tpu.memory_space<vmem_shared>> -> memref<1000xf32, #tpu.memory_space<vmem_shared>>
          %dma_wait3A_173 = tpu.memref_slice %arg18[%dma_wait3A_167] : memref<2x!tpu.dma_semaphore, #tpu.memory_space<semaphore_mem>> -> memref<1x!tpu.dma_semaphore, #tpu.memory_space<semaphore_mem>>
          %dma_wait3A_174 = tpu.memref_squeeze %dma_wait3A_173 : memref<1x!tpu.dma_semaphore, #tpu.memory_space<semaphore_mem>> -> memref<!tpu.dma_semaphore, #tpu.memory_space<semaphore_mem>>
          %dma_wait3A_175 = arith.constant 0 : i32
          %dma_wait3A_176 = tpu.memref_slice %arg19[%dma_wait3A_175] : memref<10000xf32, #tpu.memory_space<vmem_shared>> -> memref<1000xf32, #tpu.memory_space<vmem_shared>>
          %dma_wait3A_177 = arith.constant 0 : i32
          %dma_wait3A_178 = tpu.memref_slice %arg16[%dma_wait3A_166, %dma_wait3A_177] : memref<2x1000xf32, #tpu.memory_space<vmem>> -> memref<1x1000xf32, #tpu.memory_space<vmem>>
          %dma_wait3A_179 = tpu.memref_squeeze %dma_wait3A_178 : memref<1x1000xf32, #tpu.memory_space<vmem>> -> memref<1000xf32, #tpu.memory_space<vmem>>
          tpu.wait_dma2 semaphore(%dma_wait3A_174 : memref<!tpu.dma_semaphore, #tpu.memory_space<semaphore_mem>>) src(%dma_wait3A_179 : memref<1000xf32, #tpu.memory_space<vmem>>) dst(%dma_wait3A_176 : memref<1000xf32, #tpu.memory_space<vmem_shared>>)
          %dma_wait3A_180 = arith.constant 0 : i32
          %dma_wait3A_181 = arith.constant 0 : i32
          %dma_wait3A_182 = arith.constant 0 : i32
          %dma_wait3A_183 = arith.constant 0 : i32
          %dma_wait3A_184 = tpu.memref_slice %arg15[%dma_wait3A_180, %dma_wait3A_182, %dma_wait3A_183] : memref<2x1000x16xf32, #tpu.memory_space<vmem>> -> memref<1x1000x16xf32, #tpu.memory_space<vmem>>
          %dma_wait3A_185 = tpu.memref_squeeze %dma_wait3A_184 : memref<1x1000x16xf32, #tpu.memory_space<vmem>> -> memref<1000x16xf32, #tpu.memory_space<vmem>>
          %dma_wait3A_186 = arith.constant 0 : i32
          %dma_wait3A_187 = arith.constant 0 : i32
          %dma_wait3A_188 = tpu.memref_slice %arg20[%dma_wait3A_186, %dma_wait3A_187] : memref<10000x16xf32, #tpu.memory_space<vmem_shared>> -> memref<1000x16xf32, #tpu.memory_space<vmem_shared>>
          %dma_wait3A_189 = tpu.memref_slice %arg18[%dma_wait3A_181] : memref<2x!tpu.dma_semaphore, #tpu.memory_space<semaphore_mem>> -> memref<1x!tpu.dma_semaphore, #tpu.memory_space<semaphore_mem>>
          %dma_wait3A_190 = tpu.memref_squeeze %dma_wait3A_189 : memref<1x!tpu.dma_semaphore, #tpu.memory_space<semaphore_mem>> -> memref<!tpu.dma_semaphore, #tpu.memory_space<semaphore_mem>>
          %dma_wait3A_191 = arith.constant 0 : i32
          %dma_wait3A_192 = arith.constant 0 : i32
          %dma_wait3A_193 = tpu.memref_slice %arg20[%dma_wait3A_191, %dma_wait3A_192] : memref<10000x16xf32, #tpu.memory_space<vmem_shared>> -> memref<1000x16xf32, #tpu.memory_space<vmem_shared>>
          %dma_wait3A_194 = arith.constant 0 : i32
          %dma_wait3A_195 = arith.constant 0 : i32
          %dma_wait3A_196 = tpu.memref_slice %arg15[%dma_wait3A_180, %dma_wait3A_194, %dma_wait3A_195] : memref<2x1000x16xf32, #tpu.memory_space<vmem>> -> memref<1x1000x16xf32, #tpu.memory_space<vmem>>
          %dma_wait3A_197 = tpu.memref_squeeze %dma_wait3A_196 : memref<1x1000x16xf32, #tpu.memory_space<vmem>> -> memref<1000x16xf32, #tpu.memory_space<vmem>>
          tpu.wait_dma2 semaphore(%dma_wait3A_190 : memref<!tpu.dma_semaphore, #tpu.memory_space<semaphore_mem>>) src(%dma_wait3A_197 : memref<1000x16xf32, #tpu.memory_space<vmem>>) dst(%dma_wait3A_193 : memref<1000x16xf32, #tpu.memory_space<vmem_shared>>)
        } else {
        }
        %mul3A_146 = arith.constant 1000 : i32
        %mul3A_147 = arith.muli %add3A_130, %mul3A_146 : i32
        %add3A_148 = arith.addi %mul3A_2, %mul3A_147 : i32
        %run_scoped3A_149 = arith.constant 0 : i32
        "tpu.region"() ({
          %run_scoped3A_166 = tpu.sem_alloc : memref<!tpu.dma_semaphore, #tpu.memory_space<semaphore_mem>>
          %dma_start3A_167 = arith.constant 0 : i32
          %dma_start3A_168 = tpu.memref_slice %arg13[%run_scoped3A_149, %dma_start3A_167] : memref<2x1000xi32, #tpu.memory_space<vmem>> -> memref<1x1000xi32, #tpu.memory_space<vmem>>
          %dma_start3A_169 = tpu.memref_squeeze %dma_start3A_168 : memref<1x1000xi32, #tpu.memory_space<vmem>> -> memref<1000xi32, #tpu.memory_space<vmem>>
          %dma_start3A_170 = tpu.memref_slice %arg2[%add3A_148] : memref<320000xi32, #tpu.memory_space<hbm>> -> memref<1000xi32, #tpu.memory_space<hbm>>
          %dma_start3A_171 = arith.constant 0 : i32
          %dma_start3A_172 = tpu.memref_slice %arg13[%run_scoped3A_149, %dma_start3A_171] : memref<2x1000xi32, #tpu.memory_space<vmem>> -> memref<1x1000xi32, #tpu.memory_space<vmem>>
          %dma_start3A_173 = tpu.memref_squeeze %dma_start3A_172 : memref<1x1000xi32, #tpu.memory_space<vmem>> -> memref<1000xi32, #tpu.memory_space<vmem>>
          %dma_start3A_174 = tpu.memref_slice %arg2[%add3A_148] : memref<320000xi32, #tpu.memory_space<hbm>> -> memref<1000xi32, #tpu.memory_space<hbm>>
          tpu.enqueue_dma source(%dma_start3A_174 : memref<1000xi32, #tpu.memory_space<hbm>>) target(%dma_start3A_173 : memref<1000xi32, #tpu.memory_space<vmem>>) target_semaphore(%run_scoped3A_166 : memref<!tpu.dma_semaphore, #tpu.memory_space<semaphore_mem>>)
          %dma_wait3A_175 = arith.constant 0 : i32
          %dma_wait3A_176 = tpu.memref_slice %arg13[%run_scoped3A_149, %dma_wait3A_175] : memref<2x1000xi32, #tpu.memory_space<vmem>> -> memref<1x1000xi32, #tpu.memory_space<vmem>>
          %dma_wait3A_177 = tpu.memref_squeeze %dma_wait3A_176 : memref<1x1000xi32, #tpu.memory_space<vmem>> -> memref<1000xi32, #tpu.memory_space<vmem>>
          %dma_wait3A_178 = tpu.memref_slice %arg2[%add3A_148] : memref<320000xi32, #tpu.memory_space<hbm>> -> memref<1000xi32, #tpu.memory_space<hbm>>
          %dma_wait3A_179 = arith.constant 0 : i32
          %dma_wait3A_180 = tpu.memref_slice %arg13[%run_scoped3A_149, %dma_wait3A_179] : memref<2x1000xi32, #tpu.memory_space<vmem>> -> memref<1x1000xi32, #tpu.memory_space<vmem>>
          %dma_wait3A_181 = tpu.memref_squeeze %dma_wait3A_180 : memref<1x1000xi32, #tpu.memory_space<vmem>> -> memref<1000xi32, #tpu.memory_space<vmem>>
          %dma_wait3A_182 = tpu.memref_slice %arg2[%add3A_148] : memref<320000xi32, #tpu.memory_space<hbm>> -> memref<1000xi32, #tpu.memory_space<hbm>>
          tpu.wait_dma2 semaphore(%run_scoped3A_166 : memref<!tpu.dma_semaphore, #tpu.memory_space<semaphore_mem>>) src(%dma_wait3A_182 : memref<1000xi32, #tpu.memory_space<hbm>>) dst(%dma_wait3A_181 : memref<1000xi32, #tpu.memory_space<vmem>>)
          tpu.yield
        }) : () -> ()
        %run_scoped3A_150 = arith.constant 0 : i32
        "tpu.region"() ({
          %run_scoped3A_166 = tpu.sem_alloc : memref<!tpu.dma_semaphore, #tpu.memory_space<semaphore_mem>>
          %dma_start3A_167 = arith.constant 0 : i32
          %dma_start3A_168 = tpu.memref_slice %arg14[%run_scoped3A_150, %dma_start3A_167] : memref<2x1000xi32, #tpu.memory_space<vmem>> -> memref<1x1000xi32, #tpu.memory_space<vmem>>
          %dma_start3A_169 = tpu.memref_squeeze %dma_start3A_168 : memref<1x1000xi32, #tpu.memory_space<vmem>> -> memref<1000xi32, #tpu.memory_space<vmem>>
          %dma_start3A_170 = tpu.memref_slice %arg3[%add3A_148] : memref<320000xi32, #tpu.memory_space<hbm>> -> memref<1000xi32, #tpu.memory_space<hbm>>
          %dma_start3A_171 = arith.constant 0 : i32
          %dma_start3A_172 = tpu.memref_slice %arg14[%run_scoped3A_150, %dma_start3A_171] : memref<2x1000xi32, #tpu.memory_space<vmem>> -> memref<1x1000xi32, #tpu.memory_space<vmem>>
          %dma_start3A_173 = tpu.memref_squeeze %dma_start3A_172 : memref<1x1000xi32, #tpu.memory_space<vmem>> -> memref<1000xi32, #tpu.memory_space<vmem>>
          %dma_start3A_174 = tpu.memref_slice %arg3[%add3A_148] : memref<320000xi32, #tpu.memory_space<hbm>> -> memref<1000xi32, #tpu.memory_space<hbm>>
          tpu.enqueue_dma source(%dma_start3A_174 : memref<1000xi32, #tpu.memory_space<hbm>>) target(%dma_start3A_173 : memref<1000xi32, #tpu.memory_space<vmem>>) target_semaphore(%run_scoped3A_166 : memref<!tpu.dma_semaphore, #tpu.memory_space<semaphore_mem>>)
          %dma_wait3A_175 = arith.constant 0 : i32
          %dma_wait3A_176 = tpu.memref_slice %arg14[%run_scoped3A_150, %dma_wait3A_175] : memref<2x1000xi32, #tpu.memory_space<vmem>> -> memref<1x1000xi32, #tpu.memory_space<vmem>>
          %dma_wait3A_177 = tpu.memref_squeeze %dma_wait3A_176 : memref<1x1000xi32, #tpu.memory_space<vmem>> -> memref<1000xi32, #tpu.memory_space<vmem>>
          %dma_wait3A_178 = tpu.memref_slice %arg3[%add3A_148] : memref<320000xi32, #tpu.memory_space<hbm>> -> memref<1000xi32, #tpu.memory_space<hbm>>
          %dma_wait3A_179 = arith.constant 0 : i32
          %dma_wait3A_180 = tpu.memref_slice %arg14[%run_scoped3A_150, %dma_wait3A_179] : memref<2x1000xi32, #tpu.memory_space<vmem>> -> memref<1x1000xi32, #tpu.memory_space<vmem>>
          %dma_wait3A_181 = tpu.memref_squeeze %dma_wait3A_180 : memref<1x1000xi32, #tpu.memory_space<vmem>> -> memref<1000xi32, #tpu.memory_space<vmem>>
          %dma_wait3A_182 = tpu.memref_slice %arg3[%add3A_148] : memref<320000xi32, #tpu.memory_space<hbm>> -> memref<1000xi32, #tpu.memory_space<hbm>>
          tpu.wait_dma2 semaphore(%run_scoped3A_166 : memref<!tpu.dma_semaphore, #tpu.memory_space<semaphore_mem>>) src(%dma_wait3A_182 : memref<1000xi32, #tpu.memory_space<hbm>>) dst(%dma_wait3A_181 : memref<1000xi32, #tpu.memory_space<vmem>>)
          tpu.yield
        }) : () -> ()
        %dma_start3A_151 = arith.constant 0 : i32
        %dma_start3A_152 = arith.constant 0 : i32
        %dma_start3A_153 = arith.constant 0 : i32
        %dma_start3A_154 = arith.constant 0 : i32
        %dma_start3A_155 = arith.constant 0 : i32
        %dma_start3A_156 = tpu.memref_slice %arg15[%dma_start3A_152, %dma_start3A_154, %dma_start3A_155] : memref<2x1000x16xf32, #tpu.memory_space<vmem>> -> memref<1x1000x16xf32, #tpu.memory_space<vmem>>
        %dma_start3A_157 = tpu.memref_squeeze %dma_start3A_156 : memref<1x1000x16xf32, #tpu.memory_space<vmem>> -> memref<1000x16xf32, #tpu.memory_space<vmem>>
        %dma_start3A_158 = arith.constant 0 : i32
        %dma_start3A_159 = tpu.memref_slice %arg13[%dma_start3A_151, %dma_start3A_158] : memref<2x1000xi32, #tpu.memory_space<vmem>> -> memref<1x1000xi32, #tpu.memory_space<vmem>>
        %dma_start3A_160 = tpu.memref_squeeze %dma_start3A_159 : memref<1x1000xi32, #tpu.memory_space<vmem>> -> memref<1000xi32, #tpu.memory_space<vmem>>
        %dma_start3A_161 = arith.constant 0 : i32
        %dma_start3A_162 = arith.constant 0 : i32
        %dma_start3A_163 = tpu.memref_slice %arg6[%dma_start3A_161, %dma_start3A_162] : memref<10000x16xf32, #tpu.memory_space<hbm>> -> memref<10000x16xf32, #tpu.memory_space<hbm>>
        %dma_start3A_164 = tpu.memref_slice %arg17[%dma_start3A_153] : memref<2x!tpu.dma_semaphore, #tpu.memory_space<semaphore_mem>> -> memref<1x!tpu.dma_semaphore, #tpu.memory_space<semaphore_mem>>
        %dma_start3A_165 = tpu.memref_squeeze %dma_start3A_164 : memref<1x!tpu.dma_semaphore, #tpu.memory_space<semaphore_mem>> -> memref<!tpu.dma_semaphore, #tpu.memory_space<semaphore_mem>>
        tpu.enqueue_indirect_dma source(%dma_start3A_163 : memref<10000x16xf32, #tpu.memory_space<hbm>>) target(%dma_start3A_157 : memref<1000x16xf32, #tpu.memory_space<vmem>>) offsets(%dma_start3A_160 : memref<1000xi32, #tpu.memory_space<vmem>>) semaphore(%dma_start3A_165 : memref<!tpu.dma_semaphore, #tpu.memory_space<semaphore_mem>>)
      } else {
      }
      %lt3A_136 = arith.constant 10 : i32
      %lt3A_137 = arith.cmpi slt, %add3A_128, %lt3A_136 : i32
      %convert_element_type3A_138 = arith.extui %lt3A_137 : i1 to i32
      %cond3A_139 = arith.constant 0 : i32
      %cond3A_140 = arith.cmpi ne, %convert_element_type3A_138, %cond3A_139 : i32
      scf.if %cond3A_140 {
        %dma_wait3A_142 = arith.constant 1 : i32
        %dma_wait3A_143 = arith.constant 1 : i32
        %dma_wait3A_144 = arith.constant 1 : i32
        %dma_wait3A_145 = arith.constant 0 : i32
        %dma_wait3A_146 = arith.constant 0 : i32
        %dma_wait3A_147 = tpu.memref_slice %arg15[%dma_wait3A_143, %dma_wait3A_145, %dma_wait3A_146] : memref<2x1000x16xf32, #tpu.memory_space<vmem>> -> memref<1x1000x16xf32, #tpu.memory_space<vmem>>
        %dma_wait3A_148 = tpu.memref_squeeze %dma_wait3A_147 : memref<1x1000x16xf32, #tpu.memory_space<vmem>> -> memref<1000x16xf32, #tpu.memory_space<vmem>>
        %dma_wait3A_149 = arith.constant 0 : i32
        %dma_wait3A_150 = tpu.memref_slice %arg13[%dma_wait3A_142, %dma_wait3A_149] : memref<2x1000xi32, #tpu.memory_space<vmem>> -> memref<1x1000xi32, #tpu.memory_space<vmem>>
        %dma_wait3A_151 = tpu.memref_squeeze %dma_wait3A_150 : memref<1x1000xi32, #tpu.memory_space<vmem>> -> memref<1000xi32, #tpu.memory_space<vmem>>
        %dma_wait3A_152 = arith.constant 0 : i32
        %dma_wait3A_153 = arith.constant 0 : i32
        %dma_wait3A_154 = tpu.memref_slice %arg6[%dma_wait3A_152, %dma_wait3A_153] : memref<10000x16xf32, #tpu.memory_space<hbm>> -> memref<10000x16xf32, #tpu.memory_space<hbm>>
        %dma_wait3A_155 = tpu.memref_slice %arg17[%dma_wait3A_144] : memref<2x!tpu.dma_semaphore, #tpu.memory_space<semaphore_mem>> -> memref<1x!tpu.dma_semaphore, #tpu.memory_space<semaphore_mem>>
        %dma_wait3A_156 = tpu.memref_squeeze %dma_wait3A_155 : memref<1x!tpu.dma_semaphore, #tpu.memory_space<semaphore_mem>> -> memref<!tpu.dma_semaphore, #tpu.memory_space<semaphore_mem>>
        tpu.wait_indirect_dma semaphore(%dma_wait3A_156 : memref<!tpu.dma_semaphore, #tpu.memory_space<semaphore_mem>>) src(%dma_wait3A_154 : memref<10000x16xf32, #tpu.memory_space<hbm>>) dst(%dma_wait3A_148 : memref<1000x16xf32, #tpu.memory_space<vmem>>)
        %iota3A = tpu.iota {dimensions = array<i32: 0>} : vector<16xi32>
        %ge3A = arith.constant 16 : i32
        %ge3A_157 = vector.broadcast %ge3A : i32 to vector<16xi32>
        %ge3A_158 = arith.cmpi sge, %iota3A, %ge3A_157 : vector<16xi32>
        %jit3A = arith.constant 1 : i32
        %jit3A_159 = arith.constant 0 : i32
        %broadcast_in_dim3A = vector.broadcast %jit3A : i32 to vector<16xi32>
        %broadcast_in_dim3A_160 = vector.broadcast %jit3A_159 : i32 to vector<16xi32>
        %select_n3A = arith.select %ge3A_158, %broadcast_in_dim3A, %broadcast_in_dim3A_160 : vector<16xi1>, vector<16xi32>
        %scan3A_161 = arith.constant 0 : i32
        %scan3A_162 = arith.constant 0 : i32
        %scan3A_163 = arith.constant 62 : i32
        %scan3A_164 = arith.addi %scan3A_162, %scan3A_163 : i32
        %scan3A_165 = arith.constant 1 : i32
        scf.for %scan3A_195 = %scan3A_162 to %scan3A_164 step %scan3A_165  : i32 {
          %mul3A_196 = arith.constant 16 : i32
          %mul3A_197 = arith.muli %scan3A_195, %mul3A_196 : i32
          %get3A = arith.constant 1 : i32
          %get3A_198 = arith.index_cast %get3A : i32 to index
          %get3A_199 = arith.index_cast %mul3A_197 : i32 to index
          %get3A_200 = tpu.vector_load %arg13[%get3A_198, %get3A_199] {strides = array<i32>} : memref<2x1000xi32, #tpu.memory_space<vmem>>, vector<16xi32>,
          %mul3A_201 = arith.constant 16 : i32
          %mul3A_202 = arith.muli %scan3A_195, %mul3A_201 : i32
          %get3A_203 = arith.constant 1 : i32
          %get3A_204 = arith.index_cast %get3A_203 : i32 to index
          %get3A_205 = arith.index_cast %mul3A_202 : i32 to index
          %get3A_206 = tpu.vector_load %arg14[%get3A_204, %get3A_205] {strides = array<i32>} : memref<2x1000xi32, #tpu.memory_space<vmem>>, vector<16xi32>,
          %gather3A = tpu.vector_load_idx %arg11[%get3A_200] : memref<10000xf32, #tpu.memory_space<vmem>>[vector<16xi32>], vector<16xf32>,
          %gather3A_207 = tpu.vector_load_idx %arg12[%get3A_206] : memref<10000xf32, #tpu.memory_space<vmem>>[vector<16xi32>], vector<16xf32>,
          %add3A_208 = arith.addf %gather3A, %gather3A_207 : vector<16xf32>
          %mul3A_209 = arith.constant 2.000000e-01 : f32
          %mul3A_210 = vector.broadcast %mul3A_209 : f32 to vector<16xf32>
          %mul3A_211 = arith.mulf %mul3A_210, %add3A_208 : vector<16xf32>
          %max3A = arith.maximumf %add3A_208, %mul3A_211 : vector<16xf32>
          %exp3A = math.exp %max3A : vector<16xf32>
          %mul3A_212 = arith.constant 16 : i32
          %mul3A_213 = arith.muli %scan3A_195, %mul3A_212 : i32
          %swap3A = arith.constant 1 : i32
          %swap3A_214 = arith.index_cast %swap3A : i32 to index
          %swap3A_215 = arith.index_cast %mul3A_213 : i32 to index
          %swap3A_216 = tpu.vector_load %arg16[%swap3A_214, %swap3A_215] {strides = array<i32>} : memref<2x1000xf32, #tpu.memory_space<vmem>>, vector<16xf32>,
          tpu.vector_store %arg16[%swap3A_214, %swap3A_215], %exp3A {strides = array<i32>} : memref<2x1000xf32, #tpu.memory_space<vmem>>, vector<16xf32>,
          %mul3A_217 = arith.constant 16 : i32
          %mul3A_218 = arith.muli %scan3A_195, %mul3A_217 : i32
          %add3A_219 = arith.constant 0 : i32
          %add3A_220 = arith.addi %mul3A_218, %add3A_219 : i32
          %add3A_221 = arith.constant 0 : i32
          %add3A_222 = vector.broadcast %add3A_221 : i32 to vector<16xi32>
          %add3A_223 = arith.addi %select_n3A, %add3A_222 : vector<16xi32>
          %reshape3A = vector.shape_cast %add3A_223 : vector<16xi32> to vector<16x1xi32>
          %gather3A_224 = vector.shape_cast %reshape3A : vector<16x1xi32> to vector<16xi32>
          %gather3A_225 = tpu.dynamic_gather %exp3A[%gather3A_224] in [0] : vector<16xf32>, vector<16xi32> -> vector<16xf32>
          %get3A_226 = arith.constant 1 : i32
          %get3A_227 = arith.index_cast %get3A_226 : i32 to index
          %get3A_228 = arith.index_cast %add3A_220 : i32 to index
          %get3A_229 = arith.constant 0 : index
          %get3A_230 = tpu.vector_load %arg15[%get3A_227, %get3A_228, %get3A_229] {strides = array<i32>} : memref<2x1000x16xf32, #tpu.memory_space<vmem>>, vector<16xf32>,
          %mul3A_231 = arith.mulf %get3A_230, %gather3A_225 : vector<16xf32>
          %swap3A_232 = arith.constant 1 : i32
          %swap3A_233 = arith.index_cast %swap3A_232 : i32 to index
          %swap3A_234 = arith.index_cast %add3A_220 : i32 to index
          %swap3A_235 = arith.constant 0 : index
          %swap3A_236 = tpu.vector_load %arg15[%swap3A_233, %swap3A_234, %swap3A_235] {strides = array<i32>} : memref<2x1000x16xf32, #tpu.memory_space<vmem>>, vector<16xf32>,
          tpu.vector_store %arg15[%swap3A_233, %swap3A_234, %swap3A_235], %mul3A_231 {strides = array<i32>} : memref<2x1000x16xf32, #tpu.memory_space<vmem>>, vector<16xf32>,
          %mul3A_237 = arith.constant 16 : i32
          %mul3A_238 = arith.muli %scan3A_195, %mul3A_237 : i32
          %add3A_239 = arith.constant 1 : i32
          %add3A_240 = arith.addi %mul3A_238, %add3A_239 : i32
          %add3A_241 = arith.constant 1 : i32
          %add3A_242 = vector.broadcast %add3A_241 : i32 to vector<16xi32>
          %add3A_243 = arith.addi %select_n3A, %add3A_242 : vector<16xi32>
          %reshape3A_244 = vector.shape_cast %add3A_243 : vector<16xi32> to vector<16x1xi32>
          %gather3A_245 = vector.shape_cast %reshape3A_244 : vector<16x1xi32> to vector<16xi32>
          %gather3A_246 = tpu.dynamic_gather %exp3A[%gather3A_245] in [0] : vector<16xf32>, vector<16xi32> -> vector<16xf32>
          %get3A_247 = arith.constant 1 : i32
          %get3A_248 = arith.index_cast %get3A_247 : i32 to index
          %get3A_249 = arith.index_cast %add3A_240 : i32 to index
          %get3A_250 = arith.constant 0 : index
          %get3A_251 = tpu.vector_load %arg15[%get3A_248, %get3A_249, %get3A_250] {strides = array<i32>} : memref<2x1000x16xf32, #tpu.memory_space<vmem>>, vector<16xf32>,
          %mul3A_252 = arith.mulf %get3A_251, %gather3A_246 : vector<16xf32>
          %swap3A_253 = arith.constant 1 : i32
          %swap3A_254 = arith.index_cast %swap3A_253 : i32 to index
          %swap3A_255 = arith.index_cast %add3A_240 : i32 to index
          %swap3A_256 = arith.constant 0 : index
          %swap3A_257 = tpu.vector_load %arg15[%swap3A_254, %swap3A_255, %swap3A_256] {strides = array<i32>} : memref<2x1000x16xf32, #tpu.memory_space<vmem>>, vector<16xf32>,
          tpu.vector_store %arg15[%swap3A_254, %swap3A_255, %swap3A_256], %mul3A_252 {strides = array<i32>} : memref<2x1000x16xf32, #tpu.memory_space<vmem>>, vector<16xf32>,
          %mul3A_258 = arith.constant 16 : i32
          %mul3A_259 = arith.muli %scan3A_195, %mul3A_258 : i32
          %add3A_260 = arith.constant 2 : i32
          %add3A_261 = arith.addi %mul3A_259, %add3A_260 : i32
          %add3A_262 = arith.constant 2 : i32
          %add3A_263 = vector.broadcast %add3A_262 : i32 to vector<16xi32>
          %add3A_264 = arith.addi %select_n3A, %add3A_263 : vector<16xi32>
          %reshape3A_265 = vector.shape_cast %add3A_264 : vector<16xi32> to vector<16x1xi32>
          %gather3A_266 = vector.shape_cast %reshape3A_265 : vector<16x1xi32> to vector<16xi32>
          %gather3A_267 = tpu.dynamic_gather %exp3A[%gather3A_266] in [0] : vector<16xf32>, vector<16xi32> -> vector<16xf32>
          %get3A_268 = arith.constant 1 : i32
          %get3A_269 = arith.index_cast %get3A_268 : i32 to index
          %get3A_270 = arith.index_cast %add3A_261 : i32 to index
          %get3A_271 = arith.constant 0 : index
          %get3A_272 = tpu.vector_load %arg15[%get3A_269, %get3A_270, %get3A_271] {strides = array<i32>} : memref<2x1000x16xf32, #tpu.memory_space<vmem>>, vector<16xf32>,
          %mul3A_273 = arith.mulf %get3A_272, %gather3A_267 : vector<16xf32>
          %swap3A_274 = arith.constant 1 : i32
          %swap3A_275 = arith.index_cast %swap3A_274 : i32 to index
          %swap3A_276 = arith.index_cast %add3A_261 : i32 to index
          %swap3A_277 = arith.constant 0 : index
          %swap3A_278 = tpu.vector_load %arg15[%swap3A_275, %swap3A_276, %swap3A_277] {strides = array<i32>} : memref<2x1000x16xf32, #tpu.memory_space<vmem>>, vector<16xf32>,
          tpu.vector_store %arg15[%swap3A_275, %swap3A_276, %swap3A_277], %mul3A_273 {strides = array<i32>} : memref<2x1000x16xf32, #tpu.memory_space<vmem>>, vector<16xf32>,
          %mul3A_279 = arith.constant 16 : i32
          %mul3A_280 = arith.muli %scan3A_195, %mul3A_279 : i32
          %add3A_281 = arith.constant 3 : i32
          %add3A_282 = arith.addi %mul3A_280, %add3A_281 : i32
          %add3A_283 = arith.constant 3 : i32
          %add3A_284 = vector.broadcast %add3A_283 : i32 to vector<16xi32>
          %add3A_285 = arith.addi %select_n3A, %add3A_284 : vector<16xi32>
          %reshape3A_286 = vector.shape_cast %add3A_285 : vector<16xi32> to vector<16x1xi32>
          %gather3A_287 = vector.shape_cast %reshape3A_286 : vector<16x1xi32> to vector<16xi32>
          %gather3A_288 = tpu.dynamic_gather %exp3A[%gather3A_287] in [0] : vector<16xf32>, vector<16xi32> -> vector<16xf32>
          %get3A_289 = arith.constant 1 : i32
          %get3A_290 = arith.index_cast %get3A_289 : i32 to index
          %get3A_291 = arith.index_cast %add3A_282 : i32 to index
          %get3A_292 = arith.constant 0 : index
          %get3A_293 = tpu.vector_load %arg15[%get3A_290, %get3A_291, %get3A_292] {strides = array<i32>} : memref<2x1000x16xf32, #tpu.memory_space<vmem>>, vector<16xf32>,
          %mul3A_294 = arith.mulf %get3A_293, %gather3A_288 : vector<16xf32>
          %swap3A_295 = arith.constant 1 : i32
          %swap3A_296 = arith.index_cast %swap3A_295 : i32 to index
          %swap3A_297 = arith.index_cast %add3A_282 : i32 to index
          %swap3A_298 = arith.constant 0 : index
          %swap3A_299 = tpu.vector_load %arg15[%swap3A_296, %swap3A_297, %swap3A_298] {strides = array<i32>} : memref<2x1000x16xf32, #tpu.memory_space<vmem>>, vector<16xf32>,
          tpu.vector_store %arg15[%swap3A_296, %swap3A_297, %swap3A_298], %mul3A_294 {strides = array<i32>} : memref<2x1000x16xf32, #tpu.memory_space<vmem>>, vector<16xf32>,
          %mul3A_300 = arith.constant 16 : i32
          %mul3A_301 = arith.muli %scan3A_195, %mul3A_300 : i32
          %add3A_302 = arith.constant 4 : i32
          %add3A_303 = arith.addi %mul3A_301, %add3A_302 : i32
          %add3A_304 = arith.constant 4 : i32
          %add3A_305 = vector.broadcast %add3A_304 : i32 to vector<16xi32>
          %add3A_306 = arith.addi %select_n3A, %add3A_305 : vector<16xi32>
          %reshape3A_307 = vector.shape_cast %add3A_306 : vector<16xi32> to vector<16x1xi32>
          %gather3A_308 = vector.shape_cast %reshape3A_307 : vector<16x1xi32> to vector<16xi32>
          %gather3A_309 = tpu.dynamic_gather %exp3A[%gather3A_308] in [0] : vector<16xf32>, vector<16xi32> -> vector<16xf32>
          %get3A_310 = arith.constant 1 : i32
          %get3A_311 = arith.index_cast %get3A_310 : i32 to index
          %get3A_312 = arith.index_cast %add3A_303 : i32 to index
          %get3A_313 = arith.constant 0 : index
          %get3A_314 = tpu.vector_load %arg15[%get3A_311, %get3A_312, %get3A_313] {strides = array<i32>} : memref<2x1000x16xf32, #tpu.memory_space<vmem>>, vector<16xf32>,
          %mul3A_315 = arith.mulf %get3A_314, %gather3A_309 : vector<16xf32>
          %swap3A_316 = arith.constant 1 : i32
          %swap3A_317 = arith.index_cast %swap3A_316 : i32 to index
          %swap3A_318 = arith.index_cast %add3A_303 : i32 to index
          %swap3A_319 = arith.constant 0 : index
          %swap3A_320 = tpu.vector_load %arg15[%swap3A_317, %swap3A_318, %swap3A_319] {strides = array<i32>} : memref<2x1000x16xf32, #tpu.memory_space<vmem>>, vector<16xf32>,
          tpu.vector_store %arg15[%swap3A_317, %swap3A_318, %swap3A_319], %mul3A_315 {strides = array<i32>} : memref<2x1000x16xf32, #tpu.memory_space<vmem>>, vector<16xf32>,
          %mul3A_321 = arith.constant 16 : i32
          %mul3A_322 = arith.muli %scan3A_195, %mul3A_321 : i32
          %add3A_323 = arith.constant 5 : i32
          %add3A_324 = arith.addi %mul3A_322, %add3A_323 : i32
          %add3A_325 = arith.constant 5 : i32
          %add3A_326 = vector.broadcast %add3A_325 : i32 to vector<16xi32>
          %add3A_327 = arith.addi %select_n3A, %add3A_326 : vector<16xi32>
          %reshape3A_328 = vector.shape_cast %add3A_327 : vector<16xi32> to vector<16x1xi32>
          %gather3A_329 = vector.shape_cast %reshape3A_328 : vector<16x1xi32> to vector<16xi32>
          %gather3A_330 = tpu.dynamic_gather %exp3A[%gather3A_329] in [0] : vector<16xf32>, vector<16xi32> -> vector<16xf32>
          %get3A_331 = arith.constant 1 : i32
          %get3A_332 = arith.index_cast %get3A_331 : i32 to index
          %get3A_333 = arith.index_cast %add3A_324 : i32 to index
          %get3A_334 = arith.constant 0 : index
          %get3A_335 = tpu.vector_load %arg15[%get3A_332, %get3A_333, %get3A_334] {strides = array<i32>} : memref<2x1000x16xf32, #tpu.memory_space<vmem>>, vector<16xf32>,
          %mul3A_336 = arith.mulf %get3A_335, %gather3A_330 : vector<16xf32>
          %swap3A_337 = arith.constant 1 : i32
          %swap3A_338 = arith.index_cast %swap3A_337 : i32 to index
          %swap3A_339 = arith.index_cast %add3A_324 : i32 to index
          %swap3A_340 = arith.constant 0 : index
          %swap3A_341 = tpu.vector_load %arg15[%swap3A_338, %swap3A_339, %swap3A_340] {strides = array<i32>} : memref<2x1000x16xf32, #tpu.memory_space<vmem>>, vector<16xf32>,
          tpu.vector_store %arg15[%swap3A_338, %swap3A_339, %swap3A_340], %mul3A_336 {strides = array<i32>} : memref<2x1000x16xf32, #tpu.memory_space<vmem>>, vector<16xf32>,
          %mul3A_342 = arith.constant 16 : i32
          %mul3A_343 = arith.muli %scan3A_195, %mul3A_342 : i32
          %add3A_344 = arith.constant 6 : i32
          %add3A_345 = arith.addi %mul3A_343, %add3A_344 : i32
          %add3A_346 = arith.constant 6 : i32
          %add3A_347 = vector.broadcast %add3A_346 : i32 to vector<16xi32>
          %add3A_348 = arith.addi %select_n3A, %add3A_347 : vector<16xi32>
          %reshape3A_349 = vector.shape_cast %add3A_348 : vector<16xi32> to vector<16x1xi32>
          %gather3A_350 = vector.shape_cast %reshape3A_349 : vector<16x1xi32> to vector<16xi32>
          %gather3A_351 = tpu.dynamic_gather %exp3A[%gather3A_350] in [0] : vector<16xf32>, vector<16xi32> -> vector<16xf32>
          %get3A_352 = arith.constant 1 : i32
          %get3A_353 = arith.index_cast %get3A_352 : i32 to index
          %get3A_354 = arith.index_cast %add3A_345 : i32 to index
          %get3A_355 = arith.constant 0 : index
          %get3A_356 = tpu.vector_load %arg15[%get3A_353, %get3A_354, %get3A_355] {strides = array<i32>} : memref<2x1000x16xf32, #tpu.memory_space<vmem>>, vector<16xf32>,
          %mul3A_357 = arith.mulf %get3A_356, %gather3A_351 : vector<16xf32>
          %swap3A_358 = arith.constant 1 : i32
          %swap3A_359 = arith.index_cast %swap3A_358 : i32 to index
          %swap3A_360 = arith.index_cast %add3A_345 : i32 to index
          %swap3A_361 = arith.constant 0 : index
          %swap3A_362 = tpu.vector_load %arg15[%swap3A_359, %swap3A_360, %swap3A_361] {strides = array<i32>} : memref<2x1000x16xf32, #tpu.memory_space<vmem>>, vector<16xf32>,
          tpu.vector_store %arg15[%swap3A_359, %swap3A_360, %swap3A_361], %mul3A_357 {strides = array<i32>} : memref<2x1000x16xf32, #tpu.memory_space<vmem>>, vector<16xf32>,
          %mul3A_363 = arith.constant 16 : i32
          %mul3A_364 = arith.muli %scan3A_195, %mul3A_363 : i32
          %add3A_365 = arith.constant 7 : i32
          %add3A_366 = arith.addi %mul3A_364, %add3A_365 : i32
          %add3A_367 = arith.constant 7 : i32
          %add3A_368 = vector.broadcast %add3A_367 : i32 to vector<16xi32>
          %add3A_369 = arith.addi %select_n3A, %add3A_368 : vector<16xi32>
          %reshape3A_370 = vector.shape_cast %add3A_369 : vector<16xi32> to vector<16x1xi32>
          %gather3A_371 = vector.shape_cast %reshape3A_370 : vector<16x1xi32> to vector<16xi32>
          %gather3A_372 = tpu.dynamic_gather %exp3A[%gather3A_371] in [0] : vector<16xf32>, vector<16xi32> -> vector<16xf32>
          %get3A_373 = arith.constant 1 : i32
          %get3A_374 = arith.index_cast %get3A_373 : i32 to index
          %get3A_375 = arith.index_cast %add3A_366 : i32 to index
          %get3A_376 = arith.constant 0 : index
          %get3A_377 = tpu.vector_load %arg15[%get3A_374, %get3A_375, %get3A_376] {strides = array<i32>} : memref<2x1000x16xf32, #tpu.memory_space<vmem>>, vector<16xf32>,
          %mul3A_378 = arith.mulf %get3A_377, %gather3A_372 : vector<16xf32>
          %swap3A_379 = arith.constant 1 : i32
          %swap3A_380 = arith.index_cast %swap3A_379 : i32 to index
          %swap3A_381 = arith.index_cast %add3A_366 : i32 to index
          %swap3A_382 = arith.constant 0 : index
          %swap3A_383 = tpu.vector_load %arg15[%swap3A_380, %swap3A_381, %swap3A_382] {strides = array<i32>} : memref<2x1000x16xf32, #tpu.memory_space<vmem>>, vector<16xf32>,
          tpu.vector_store %arg15[%swap3A_380, %swap3A_381, %swap3A_382], %mul3A_378 {strides = array<i32>} : memref<2x1000x16xf32, #tpu.memory_space<vmem>>, vector<16xf32>,
          %mul3A_384 = arith.constant 16 : i32
          %mul3A_385 = arith.muli %scan3A_195, %mul3A_384 : i32
          %add3A_386 = arith.constant 8 : i32
          %add3A_387 = arith.addi %mul3A_385, %add3A_386 : i32
          %add3A_388 = arith.constant 8 : i32
          %add3A_389 = vector.broadcast %add3A_388 : i32 to vector<16xi32>
          %add3A_390 = arith.addi %select_n3A, %add3A_389 : vector<16xi32>
          %reshape3A_391 = vector.shape_cast %add3A_390 : vector<16xi32> to vector<16x1xi32>
          %gather3A_392 = vector.shape_cast %reshape3A_391 : vector<16x1xi32> to vector<16xi32>
          %gather3A_393 = tpu.dynamic_gather %exp3A[%gather3A_392] in [0] : vector<16xf32>, vector<16xi32> -> vector<16xf32>
          %get3A_394 = arith.constant 1 : i32
          %get3A_395 = arith.index_cast %get3A_394 : i32 to index
          %get3A_396 = arith.index_cast %add3A_387 : i32 to index
          %get3A_397 = arith.constant 0 : index
          %get3A_398 = tpu.vector_load %arg15[%get3A_395, %get3A_396, %get3A_397] {strides = array<i32>} : memref<2x1000x16xf32, #tpu.memory_space<vmem>>, vector<16xf32>,
          %mul3A_399 = arith.mulf %get3A_398, %gather3A_393 : vector<16xf32>
          %swap3A_400 = arith.constant 1 : i32
          %swap3A_401 = arith.index_cast %swap3A_400 : i32 to index
          %swap3A_402 = arith.index_cast %add3A_387 : i32 to index
          %swap3A_403 = arith.constant 0 : index
          %swap3A_404 = tpu.vector_load %arg15[%swap3A_401, %swap3A_402, %swap3A_403] {strides = array<i32>} : memref<2x1000x16xf32, #tpu.memory_space<vmem>>, vector<16xf32>,
          tpu.vector_store %arg15[%swap3A_401, %swap3A_402, %swap3A_403], %mul3A_399 {strides = array<i32>} : memref<2x1000x16xf32, #tpu.memory_space<vmem>>, vector<16xf32>,
          %mul3A_405 = arith.constant 16 : i32
          %mul3A_406 = arith.muli %scan3A_195, %mul3A_405 : i32
          %add3A_407 = arith.constant 9 : i32
          %add3A_408 = arith.addi %mul3A_406, %add3A_407 : i32
          %add3A_409 = arith.constant 9 : i32
          %add3A_410 = vector.broadcast %add3A_409 : i32 to vector<16xi32>
          %add3A_411 = arith.addi %select_n3A, %add3A_410 : vector<16xi32>
          %reshape3A_412 = vector.shape_cast %add3A_411 : vector<16xi32> to vector<16x1xi32>
          %gather3A_413 = vector.shape_cast %reshape3A_412 : vector<16x1xi32> to vector<16xi32>
          %gather3A_414 = tpu.dynamic_gather %exp3A[%gather3A_413] in [0] : vector<16xf32>, vector<16xi32> -> vector<16xf32>
          %get3A_415 = arith.constant 1 : i32
          %get3A_416 = arith.index_cast %get3A_415 : i32 to index
          %get3A_417 = arith.index_cast %add3A_408 : i32 to index
          %get3A_418 = arith.constant 0 : index
          %get3A_419 = tpu.vector_load %arg15[%get3A_416, %get3A_417, %get3A_418] {strides = array<i32>} : memref<2x1000x16xf32, #tpu.memory_space<vmem>>, vector<16xf32>,
          %mul3A_420 = arith.mulf %get3A_419, %gather3A_414 : vector<16xf32>
          %swap3A_421 = arith.constant 1 : i32
          %swap3A_422 = arith.index_cast %swap3A_421 : i32 to index
          %swap3A_423 = arith.index_cast %add3A_408 : i32 to index
          %swap3A_424 = arith.constant 0 : index
          %swap3A_425 = tpu.vector_load %arg15[%swap3A_422, %swap3A_423, %swap3A_424] {strides = array<i32>} : memref<2x1000x16xf32, #tpu.memory_space<vmem>>, vector<16xf32>,
          tpu.vector_store %arg15[%swap3A_422, %swap3A_423, %swap3A_424], %mul3A_420 {strides = array<i32>} : memref<2x1000x16xf32, #tpu.memory_space<vmem>>, vector<16xf32>,
          %mul3A_426 = arith.constant 16 : i32
          %mul3A_427 = arith.muli %scan3A_195, %mul3A_426 : i32
          %add3A_428 = arith.constant 10 : i32
          %add3A_429 = arith.addi %mul3A_427, %add3A_428 : i32
          %add3A_430 = arith.constant 10 : i32
          %add3A_431 = vector.broadcast %add3A_430 : i32 to vector<16xi32>
          %add3A_432 = arith.addi %select_n3A, %add3A_431 : vector<16xi32>
          %reshape3A_433 = vector.shape_cast %add3A_432 : vector<16xi32> to vector<16x1xi32>
          %gather3A_434 = vector.shape_cast %reshape3A_433 : vector<16x1xi32> to vector<16xi32>
          %gather3A_435 = tpu.dynamic_gather %exp3A[%gather3A_434] in [0] : vector<16xf32>, vector<16xi32> -> vector<16xf32>
          %get3A_436 = arith.constant 1 : i32
          %get3A_437 = arith.index_cast %get3A_436 : i32 to index
          %get3A_438 = arith.index_cast %add3A_429 : i32 to index
          %get3A_439 = arith.constant 0 : index
          %get3A_440 = tpu.vector_load %arg15[%get3A_437, %get3A_438, %get3A_439] {strides = array<i32>} : memref<2x1000x16xf32, #tpu.memory_space<vmem>>, vector<16xf32>,
          %mul3A_441 = arith.mulf %get3A_440, %gather3A_435 : vector<16xf32>
          %swap3A_442 = arith.constant 1 : i32
          %swap3A_443 = arith.index_cast %swap3A_442 : i32 to index
          %swap3A_444 = arith.index_cast %add3A_429 : i32 to index
          %swap3A_445 = arith.constant 0 : index
          %swap3A_446 = tpu.vector_load %arg15[%swap3A_443, %swap3A_444, %swap3A_445] {strides = array<i32>} : memref<2x1000x16xf32, #tpu.memory_space<vmem>>, vector<16xf32>,
          tpu.vector_store %arg15[%swap3A_443, %swap3A_444, %swap3A_445], %mul3A_441 {strides = array<i32>} : memref<2x1000x16xf32, #tpu.memory_space<vmem>>, vector<16xf32>,
          %mul3A_447 = arith.constant 16 : i32
          %mul3A_448 = arith.muli %scan3A_195, %mul3A_447 : i32
          %add3A_449 = arith.constant 11 : i32
          %add3A_450 = arith.addi %mul3A_448, %add3A_449 : i32
          %add3A_451 = arith.constant 11 : i32
          %add3A_452 = vector.broadcast %add3A_451 : i32 to vector<16xi32>
          %add3A_453 = arith.addi %select_n3A, %add3A_452 : vector<16xi32>
          %reshape3A_454 = vector.shape_cast %add3A_453 : vector<16xi32> to vector<16x1xi32>
          %gather3A_455 = vector.shape_cast %reshape3A_454 : vector<16x1xi32> to vector<16xi32>
          %gather3A_456 = tpu.dynamic_gather %exp3A[%gather3A_455] in [0] : vector<16xf32>, vector<16xi32> -> vector<16xf32>
          %get3A_457 = arith.constant 1 : i32
          %get3A_458 = arith.index_cast %get3A_457 : i32 to index
          %get3A_459 = arith.index_cast %add3A_450 : i32 to index
          %get3A_460 = arith.constant 0 : index
          %get3A_461 = tpu.vector_load %arg15[%get3A_458, %get3A_459, %get3A_460] {strides = array<i32>} : memref<2x1000x16xf32, #tpu.memory_space<vmem>>, vector<16xf32>,
          %mul3A_462 = arith.mulf %get3A_461, %gather3A_456 : vector<16xf32>
          %swap3A_463 = arith.constant 1 : i32
          %swap3A_464 = arith.index_cast %swap3A_463 : i32 to index
          %swap3A_465 = arith.index_cast %add3A_450 : i32 to index
          %swap3A_466 = arith.constant 0 : index
          %swap3A_467 = tpu.vector_load %arg15[%swap3A_464, %swap3A_465, %swap3A_466] {strides = array<i32>} : memref<2x1000x16xf32, #tpu.memory_space<vmem>>, vector<16xf32>,
          tpu.vector_store %arg15[%swap3A_464, %swap3A_465, %swap3A_466], %mul3A_462 {strides = array<i32>} : memref<2x1000x16xf32, #tpu.memory_space<vmem>>, vector<16xf32>,
          %mul3A_468 = arith.constant 16 : i32
          %mul3A_469 = arith.muli %scan3A_195, %mul3A_468 : i32
          %add3A_470 = arith.constant 12 : i32
          %add3A_471 = arith.addi %mul3A_469, %add3A_470 : i32
          %add3A_472 = arith.constant 12 : i32
          %add3A_473 = vector.broadcast %add3A_472 : i32 to vector<16xi32>
          %add3A_474 = arith.addi %select_n3A, %add3A_473 : vector<16xi32>
          %reshape3A_475 = vector.shape_cast %add3A_474 : vector<16xi32> to vector<16x1xi32>
          %gather3A_476 = vector.shape_cast %reshape3A_475 : vector<16x1xi32> to vector<16xi32>
          %gather3A_477 = tpu.dynamic_gather %exp3A[%gather3A_476] in [0] : vector<16xf32>, vector<16xi32> -> vector<16xf32>
          %get3A_478 = arith.constant 1 : i32
          %get3A_479 = arith.index_cast %get3A_478 : i32 to index
          %get3A_480 = arith.index_cast %add3A_471 : i32 to index
          %get3A_481 = arith.constant 0 : index
          %get3A_482 = tpu.vector_load %arg15[%get3A_479, %get3A_480, %get3A_481] {strides = array<i32>} : memref<2x1000x16xf32, #tpu.memory_space<vmem>>, vector<16xf32>,
          %mul3A_483 = arith.mulf %get3A_482, %gather3A_477 : vector<16xf32>
          %swap3A_484 = arith.constant 1 : i32
          %swap3A_485 = arith.index_cast %swap3A_484 : i32 to index
          %swap3A_486 = arith.index_cast %add3A_471 : i32 to index
          %swap3A_487 = arith.constant 0 : index
          %swap3A_488 = tpu.vector_load %arg15[%swap3A_485, %swap3A_486, %swap3A_487] {strides = array<i32>} : memref<2x1000x16xf32, #tpu.memory_space<vmem>>, vector<16xf32>,
          tpu.vector_store %arg15[%swap3A_485, %swap3A_486, %swap3A_487], %mul3A_483 {strides = array<i32>} : memref<2x1000x16xf32, #tpu.memory_space<vmem>>, vector<16xf32>,
          %mul3A_489 = arith.constant 16 : i32
          %mul3A_490 = arith.muli %scan3A_195, %mul3A_489 : i32
          %add3A_491 = arith.constant 13 : i32
          %add3A_492 = arith.addi %mul3A_490, %add3A_491 : i32
          %add3A_493 = arith.constant 13 : i32
          %add3A_494 = vector.broadcast %add3A_493 : i32 to vector<16xi32>
          %add3A_495 = arith.addi %select_n3A, %add3A_494 : vector<16xi32>
          %reshape3A_496 = vector.shape_cast %add3A_495 : vector<16xi32> to vector<16x1xi32>
          %gather3A_497 = vector.shape_cast %reshape3A_496 : vector<16x1xi32> to vector<16xi32>
          %gather3A_498 = tpu.dynamic_gather %exp3A[%gather3A_497] in [0] : vector<16xf32>, vector<16xi32> -> vector<16xf32>
          %get3A_499 = arith.constant 1 : i32
          %get3A_500 = arith.index_cast %get3A_499 : i32 to index
          %get3A_501 = arith.index_cast %add3A_492 : i32 to index
          %get3A_502 = arith.constant 0 : index
          %get3A_503 = tpu.vector_load %arg15[%get3A_500, %get3A_501, %get3A_502] {strides = array<i32>} : memref<2x1000x16xf32, #tpu.memory_space<vmem>>, vector<16xf32>,
          %mul3A_504 = arith.mulf %get3A_503, %gather3A_498 : vector<16xf32>
          %swap3A_505 = arith.constant 1 : i32
          %swap3A_506 = arith.index_cast %swap3A_505 : i32 to index
          %swap3A_507 = arith.index_cast %add3A_492 : i32 to index
          %swap3A_508 = arith.constant 0 : index
          %swap3A_509 = tpu.vector_load %arg15[%swap3A_506, %swap3A_507, %swap3A_508] {strides = array<i32>} : memref<2x1000x16xf32, #tpu.memory_space<vmem>>, vector<16xf32>,
          tpu.vector_store %arg15[%swap3A_506, %swap3A_507, %swap3A_508], %mul3A_504 {strides = array<i32>} : memref<2x1000x16xf32, #tpu.memory_space<vmem>>, vector<16xf32>,
          %mul3A_510 = arith.constant 16 : i32
          %mul3A_511 = arith.muli %scan3A_195, %mul3A_510 : i32
          %add3A_512 = arith.constant 14 : i32
          %add3A_513 = arith.addi %mul3A_511, %add3A_512 : i32
          %add3A_514 = arith.constant 14 : i32
          %add3A_515 = vector.broadcast %add3A_514 : i32 to vector<16xi32>
          %add3A_516 = arith.addi %select_n3A, %add3A_515 : vector<16xi32>
          %reshape3A_517 = vector.shape_cast %add3A_516 : vector<16xi32> to vector<16x1xi32>
          %gather3A_518 = vector.shape_cast %reshape3A_517 : vector<16x1xi32> to vector<16xi32>
          %gather3A_519 = tpu.dynamic_gather %exp3A[%gather3A_518] in [0] : vector<16xf32>, vector<16xi32> -> vector<16xf32>
          %get3A_520 = arith.constant 1 : i32
          %get3A_521 = arith.index_cast %get3A_520 : i32 to index
          %get3A_522 = arith.index_cast %add3A_513 : i32 to index
          %get3A_523 = arith.constant 0 : index
          %get3A_524 = tpu.vector_load %arg15[%get3A_521, %get3A_522, %get3A_523] {strides = array<i32>} : memref<2x1000x16xf32, #tpu.memory_space<vmem>>, vector<16xf32>,
          %mul3A_525 = arith.mulf %get3A_524, %gather3A_519 : vector<16xf32>
          %swap3A_526 = arith.constant 1 : i32
          %swap3A_527 = arith.index_cast %swap3A_526 : i32 to index
          %swap3A_528 = arith.index_cast %add3A_513 : i32 to index
          %swap3A_529 = arith.constant 0 : index
          %swap3A_530 = tpu.vector_load %arg15[%swap3A_527, %swap3A_528, %swap3A_529] {strides = array<i32>} : memref<2x1000x16xf32, #tpu.memory_space<vmem>>, vector<16xf32>,
          tpu.vector_store %arg15[%swap3A_527, %swap3A_528, %swap3A_529], %mul3A_525 {strides = array<i32>} : memref<2x1000x16xf32, #tpu.memory_space<vmem>>, vector<16xf32>,
          %mul3A_531 = arith.constant 16 : i32
          %mul3A_532 = arith.muli %scan3A_195, %mul3A_531 : i32
          %add3A_533 = arith.constant 15 : i32
          %add3A_534 = arith.addi %mul3A_532, %add3A_533 : i32
          %add3A_535 = arith.constant 15 : i32
          %add3A_536 = vector.broadcast %add3A_535 : i32 to vector<16xi32>
          %add3A_537 = arith.addi %select_n3A, %add3A_536 : vector<16xi32>
          %reshape3A_538 = vector.shape_cast %add3A_537 : vector<16xi32> to vector<16x1xi32>
          %gather3A_539 = vector.shape_cast %reshape3A_538 : vector<16x1xi32> to vector<16xi32>
          %gather3A_540 = tpu.dynamic_gather %exp3A[%gather3A_539] in [0] : vector<16xf32>, vector<16xi32> -> vector<16xf32>
          %get3A_541 = arith.constant 1 : i32
          %get3A_542 = arith.index_cast %get3A_541 : i32 to index
          %get3A_543 = arith.index_cast %add3A_534 : i32 to index
          %get3A_544 = arith.constant 0 : index
          %get3A_545 = tpu.vector_load %arg15[%get3A_542, %get3A_543, %get3A_544] {strides = array<i32>} : memref<2x1000x16xf32, #tpu.memory_space<vmem>>, vector<16xf32>,
          %mul3A_546 = arith.mulf %get3A_545, %gather3A_540 : vector<16xf32>
          %swap3A_547 = arith.constant 1 : i32
          %swap3A_548 = arith.index_cast %swap3A_547 : i32 to index
          %swap3A_549 = arith.index_cast %add3A_534 : i32 to index
          %swap3A_550 = arith.constant 0 : index
          %swap3A_551 = tpu.vector_load %arg15[%swap3A_548, %swap3A_549, %swap3A_550] {strides = array<i32>} : memref<2x1000x16xf32, #tpu.memory_space<vmem>>, vector<16xf32>,
          tpu.vector_store %arg15[%swap3A_548, %swap3A_549, %swap3A_550], %mul3A_546 {strides = array<i32>} : memref<2x1000x16xf32, #tpu.memory_space<vmem>>, vector<16xf32>,
        }
        %scan3A_166 = arith.constant 62 : i32
        %dma_start3A_167 = arith.constant 1 : i32
        %dma_start3A_168 = arith.constant 1 : i32
        %dma_start3A_169 = arith.constant 1 : i32
        %dma_start3A_170 = arith.constant 0 : i32
        %dma_start3A_171 = tpu.memref_slice %arg16[%dma_start3A_167, %dma_start3A_170] : memref<2x1000xf32, #tpu.memory_space<vmem>> -> memref<1x1000xf32, #tpu.memory_space<vmem>>
        %dma_start3A_172 = tpu.memref_squeeze %dma_start3A_171 : memref<1x1000xf32, #tpu.memory_space<vmem>> -> memref<1000xf32, #tpu.memory_space<vmem>>
        %dma_start3A_173 = arith.constant 0 : i32
        %dma_start3A_174 = tpu.memref_slice %arg14[%dma_start3A_168, %dma_start3A_173] : memref<2x1000xi32, #tpu.memory_space<vmem>> -> memref<1x1000xi32, #tpu.memory_space<vmem>>
        %dma_start3A_175 = tpu.memref_squeeze %dma_start3A_174 : memref<1x1000xi32, #tpu.memory_space<vmem>> -> memref<1000xi32, #tpu.memory_space<vmem>>
        %dma_start3A_176 = arith.constant 0 : i32
        %dma_start3A_177 = tpu.memref_slice %arg19[%dma_start3A_176] : memref<10000xf32, #tpu.memory_space<vmem_shared>> -> memref<10000xf32, #tpu.memory_space<vmem_shared>>
        %dma_start3A_178 = tpu.memref_slice %arg18[%dma_start3A_169] : memref<2x!tpu.dma_semaphore, #tpu.memory_space<semaphore_mem>> -> memref<1x!tpu.dma_semaphore, #tpu.memory_space<semaphore_mem>>
        %dma_start3A_179 = tpu.memref_squeeze %dma_start3A_178 : memref<1x!tpu.dma_semaphore, #tpu.memory_space<semaphore_mem>> -> memref<!tpu.dma_semaphore, #tpu.memory_space<semaphore_mem>>
        tpu.enqueue_indirect_dma source(%dma_start3A_172 : memref<1000xf32, #tpu.memory_space<vmem>>) target(%dma_start3A_177 : memref<10000xf32, #tpu.memory_space<vmem_shared>>) offsets(%dma_start3A_175 : memref<1000xi32, #tpu.memory_space<vmem>>) semaphore(%dma_start3A_179 : memref<!tpu.dma_semaphore, #tpu.memory_space<semaphore_mem>>) {add = true}
        %dma_start3A_180 = arith.constant 1 : i32
        %dma_start3A_181 = arith.constant 1 : i32
        %dma_start3A_182 = arith.constant 1 : i32
        %dma_start3A_183 = arith.constant 0 : i32
        %dma_start3A_184 = arith.constant 0 : i32
        %dma_start3A_185 = tpu.memref_slice %arg15[%dma_start3A_180, %dma_start3A_183, %dma_start3A_184] : memref<2x1000x16xf32, #tpu.memory_space<vmem>> -> memref<1x1000x16xf32, #tpu.memory_space<vmem>>
        %dma_start3A_186 = tpu.memref_squeeze %dma_start3A_185 : memref<1x1000x16xf32, #tpu.memory_space<vmem>> -> memref<1000x16xf32, #tpu.memory_space<vmem>>
        %dma_start3A_187 = arith.constant 0 : i32
        %dma_start3A_188 = tpu.memref_slice %arg14[%dma_start3A_181, %dma_start3A_187] : memref<2x1000xi32, #tpu.memory_space<vmem>> -> memref<1x1000xi32, #tpu.memory_space<vmem>>
        %dma_start3A_189 = tpu.memref_squeeze %dma_start3A_188 : memref<1x1000xi32, #tpu.memory_space<vmem>> -> memref<1000xi32, #tpu.memory_space<vmem>>
        %dma_start3A_190 = arith.constant 0 : i32
        %dma_start3A_191 = arith.constant 0 : i32
        %dma_start3A_192 = tpu.memref_slice %arg20[%dma_start3A_190, %dma_start3A_191] : memref<10000x16xf32, #tpu.memory_space<vmem_shared>> -> memref<10000x16xf32, #tpu.memory_space<vmem_shared>>
        %dma_start3A_193 = tpu.memref_slice %arg18[%dma_start3A_182] : memref<2x!tpu.dma_semaphore, #tpu.memory_space<semaphore_mem>> -> memref<1x!tpu.dma_semaphore, #tpu.memory_space<semaphore_mem>>
        %dma_start3A_194 = tpu.memref_squeeze %dma_start3A_193 : memref<1x!tpu.dma_semaphore, #tpu.memory_space<semaphore_mem>> -> memref<!tpu.dma_semaphore, #tpu.memory_space<semaphore_mem>>
        tpu.enqueue_indirect_dma source(%dma_start3A_186 : memref<1000x16xf32, #tpu.memory_space<vmem>>) target(%dma_start3A_192 : memref<10000x16xf32, #tpu.memory_space<vmem_shared>>) offsets(%dma_start3A_189 : memref<1000xi32, #tpu.memory_space<vmem>>) semaphore(%dma_start3A_194 : memref<!tpu.dma_semaphore, #tpu.memory_space<semaphore_mem>>) {add = true}
      } else {
      }
      %scan3A_141 = arith.constant 0 : i32
      scf.yield %scan3A_141 : i32
    }
    %scan3A_34 = arith.constant 5 : i32
    %dma_wait3A = arith.constant 0 : i32
    %dma_wait3A_35 = arith.constant 0 : i32
    %dma_wait3A_36 = arith.constant 0 : i32
    %dma_wait3A_37 = tpu.memref_slice %arg16[%dma_wait3A, %dma_wait3A_36] : memref<2x1000xf32, #tpu.memory_space<vmem>> -> memref<1x1000xf32, #tpu.memory_space<vmem>>
    %dma_wait3A_38 = tpu.memref_squeeze %dma_wait3A_37 : memref<1x1000xf32, #tpu.memory_space<vmem>> -> memref<1000xf32, #tpu.memory_space<vmem>>
    %dma_wait3A_39 = arith.constant 0 : i32
    %dma_wait3A_40 = tpu.memref_slice %arg19[%dma_wait3A_39] : memref<10000xf32, #tpu.memory_space<vmem_shared>> -> memref<1000xf32, #tpu.memory_space<vmem_shared>>
    %dma_wait3A_41 = tpu.memref_slice %arg18[%dma_wait3A_35] : memref<2x!tpu.dma_semaphore, #tpu.memory_space<semaphore_mem>> -> memref<1x!tpu.dma_semaphore, #tpu.memory_space<semaphore_mem>>
    %dma_wait3A_42 = tpu.memref_squeeze %dma_wait3A_41 : memref<1x!tpu.dma_semaphore, #tpu.memory_space<semaphore_mem>> -> memref<!tpu.dma_semaphore, #tpu.memory_space<semaphore_mem>>
    %dma_wait3A_43 = arith.constant 0 : i32
    %dma_wait3A_44 = tpu.memref_slice %arg19[%dma_wait3A_43] : memref<10000xf32, #tpu.memory_space<vmem_shared>> -> memref<1000xf32, #tpu.memory_space<vmem_shared>>
    %dma_wait3A_45 = arith.constant 0 : i32
    %dma_wait3A_46 = tpu.memref_slice %arg16[%dma_wait3A, %dma_wait3A_45] : memref<2x1000xf32, #tpu.memory_space<vmem>> -> memref<1x1000xf32, #tpu.memory_space<vmem>>
    %dma_wait3A_47 = tpu.memref_squeeze %dma_wait3A_46 : memref<1x1000xf32, #tpu.memory_space<vmem>> -> memref<1000xf32, #tpu.memory_space<vmem>>
    tpu.wait_dma2 semaphore(%dma_wait3A_42 : memref<!tpu.dma_semaphore, #tpu.memory_space<semaphore_mem>>) src(%dma_wait3A_47 : memref<1000xf32, #tpu.memory_space<vmem>>) dst(%dma_wait3A_44 : memref<1000xf32, #tpu.memory_space<vmem_shared>>)
    %dma_wait3A_48 = arith.constant 0 : i32
    %dma_wait3A_49 = arith.constant 0 : i32
    %dma_wait3A_50 = arith.constant 0 : i32
    %dma_wait3A_51 = arith.constant 0 : i32
    %dma_wait3A_52 = tpu.memref_slice %arg15[%dma_wait3A_48, %dma_wait3A_50, %dma_wait3A_51] : memref<2x1000x16xf32, #tpu.memory_space<vmem>> -> memref<1x1000x16xf32, #tpu.memory_space<vmem>>
    %dma_wait3A_53 = tpu.memref_squeeze %dma_wait3A_52 : memref<1x1000x16xf32, #tpu.memory_space<vmem>> -> memref<1000x16xf32, #tpu.memory_space<vmem>>
    %dma_wait3A_54 = arith.constant 0 : i32
    %dma_wait3A_55 = arith.constant 0 : i32
    %dma_wait3A_56 = tpu.memref_slice %arg20[%dma_wait3A_54, %dma_wait3A_55] : memref<10000x16xf32, #tpu.memory_space<vmem_shared>> -> memref<1000x16xf32, #tpu.memory_space<vmem_shared>>
    %dma_wait3A_57 = tpu.memref_slice %arg18[%dma_wait3A_49] : memref<2x!tpu.dma_semaphore, #tpu.memory_space<semaphore_mem>> -> memref<1x!tpu.dma_semaphore, #tpu.memory_space<semaphore_mem>>
    %dma_wait3A_58 = tpu.memref_squeeze %dma_wait3A_57 : memref<1x!tpu.dma_semaphore, #tpu.memory_space<semaphore_mem>> -> memref<!tpu.dma_semaphore, #tpu.memory_space<semaphore_mem>>
    %dma_wait3A_59 = arith.constant 0 : i32
    %dma_wait3A_60 = arith.constant 0 : i32
    %dma_wait3A_61 = tpu.memref_slice %arg20[%dma_wait3A_59, %dma_wait3A_60] : memref<10000x16xf32, #tpu.memory_space<vmem_shared>> -> memref<1000x16xf32, #tpu.memory_space<vmem_shared>>
    %dma_wait3A_62 = arith.constant 0 : i32
    %dma_wait3A_63 = arith.constant 0 : i32
    %dma_wait3A_64 = tpu.memref_slice %arg15[%dma_wait3A_48, %dma_wait3A_62, %dma_wait3A_63] : memref<2x1000x16xf32, #tpu.memory_space<vmem>> -> memref<1x1000x16xf32, #tpu.memory_space<vmem>>
    %dma_wait3A_65 = tpu.memref_squeeze %dma_wait3A_64 : memref<1x1000x16xf32, #tpu.memory_space<vmem>> -> memref<1000x16xf32, #tpu.memory_space<vmem>>
    tpu.wait_dma2 semaphore(%dma_wait3A_58 : memref<!tpu.dma_semaphore, #tpu.memory_space<semaphore_mem>>) src(%dma_wait3A_65 : memref<1000x16xf32, #tpu.memory_space<vmem>>) dst(%dma_wait3A_61 : memref<1000x16xf32, #tpu.memory_space<vmem_shared>>)
    %dma_wait3A_66 = arith.constant 1 : i32
    %dma_wait3A_67 = arith.constant 1 : i32
    %dma_wait3A_68 = arith.constant 0 : i32
    %dma_wait3A_69 = tpu.memref_slice %arg16[%dma_wait3A_66, %dma_wait3A_68] : memref<2x1000xf32, #tpu.memory_space<vmem>> -> memref<1x1000xf32, #tpu.memory_space<vmem>>
    %dma_wait3A_70 = tpu.memref_squeeze %dma_wait3A_69 : memref<1x1000xf32, #tpu.memory_space<vmem>> -> memref<1000xf32, #tpu.memory_space<vmem>>
    %dma_wait3A_71 = arith.constant 0 : i32
    %dma_wait3A_72 = tpu.memref_slice %arg19[%dma_wait3A_71] : memref<10000xf32, #tpu.memory_space<vmem_shared>> -> memref<1000xf32, #tpu.memory_space<vmem_shared>>
    %dma_wait3A_73 = tpu.memref_slice %arg18[%dma_wait3A_67] : memref<2x!tpu.dma_semaphore, #tpu.memory_space<semaphore_mem>> -> memref<1x!tpu.dma_semaphore, #tpu.memory_space<semaphore_mem>>
    %dma_wait3A_74 = tpu.memref_squeeze %dma_wait3A_73 : memref<1x!tpu.dma_semaphore, #tpu.memory_space<semaphore_mem>> -> memref<!tpu.dma_semaphore, #tpu.memory_space<semaphore_mem>>
    %dma_wait3A_75 = arith.constant 0 : i32
    %dma_wait3A_76 = tpu.memref_slice %arg19[%dma_wait3A_75] : memref<10000xf32, #tpu.memory_space<vmem_shared>> -> memref<1000xf32, #tpu.memory_space<vmem_shared>>
    %dma_wait3A_77 = arith.constant 0 : i32
    %dma_wait3A_78 = tpu.memref_slice %arg16[%dma_wait3A_66, %dma_wait3A_77] : memref<2x1000xf32, #tpu.memory_space<vmem>> -> memref<1x1000xf32, #tpu.memory_space<vmem>>
    %dma_wait3A_79 = tpu.memref_squeeze %dma_wait3A_78 : memref<1x1000xf32, #tpu.memory_space<vmem>> -> memref<1000xf32, #tpu.memory_space<vmem>>
    tpu.wait_dma2 semaphore(%dma_wait3A_74 : memref<!tpu.dma_semaphore, #tpu.memory_space<semaphore_mem>>) src(%dma_wait3A_79 : memref<1000xf32, #tpu.memory_space<vmem>>) dst(%dma_wait3A_76 : memref<1000xf32, #tpu.memory_space<vmem_shared>>)
    %dma_wait3A_80 = arith.constant 1 : i32
    %dma_wait3A_81 = arith.constant 1 : i32
    %dma_wait3A_82 = arith.constant 0 : i32
    %dma_wait3A_83 = arith.constant 0 : i32
    %dma_wait3A_84 = tpu.memref_slice %arg15[%dma_wait3A_80, %dma_wait3A_82, %dma_wait3A_83] : memref<2x1000x16xf32, #tpu.memory_space<vmem>> -> memref<1x1000x16xf32, #tpu.memory_space<vmem>>
    %dma_wait3A_85 = tpu.memref_squeeze %dma_wait3A_84 : memref<1x1000x16xf32, #tpu.memory_space<vmem>> -> memref<1000x16xf32, #tpu.memory_space<vmem>>
    %dma_wait3A_86 = arith.constant 0 : i32
    %dma_wait3A_87 = arith.constant 0 : i32
    %dma_wait3A_88 = tpu.memref_slice %arg20[%dma_wait3A_86, %dma_wait3A_87] : memref<10000x16xf32, #tpu.memory_space<vmem_shared>> -> memref<1000x16xf32, #tpu.memory_space<vmem_shared>>
    %dma_wait3A_89 = tpu.memref_slice %arg18[%dma_wait3A_81] : memref<2x!tpu.dma_semaphore, #tpu.memory_space<semaphore_mem>> -> memref<1x!tpu.dma_semaphore, #tpu.memory_space<semaphore_mem>>
    %dma_wait3A_90 = tpu.memref_squeeze %dma_wait3A_89 : memref<1x!tpu.dma_semaphore, #tpu.memory_space<semaphore_mem>> -> memref<!tpu.dma_semaphore, #tpu.memory_space<semaphore_mem>>
    %dma_wait3A_91 = arith.constant 0 : i32
    %dma_wait3A_92 = arith.constant 0 : i32
    %dma_wait3A_93 = tpu.memref_slice %arg20[%dma_wait3A_91, %dma_wait3A_92] : memref<10000x16xf32, #tpu.memory_space<vmem_shared>> -> memref<1000x16xf32, #tpu.memory_space<vmem_shared>>
    %dma_wait3A_94 = arith.constant 0 : i32
    %dma_wait3A_95 = arith.constant 0 : i32
    %dma_wait3A_96 = tpu.memref_slice %arg15[%dma_wait3A_80, %dma_wait3A_94, %dma_wait3A_95] : memref<2x1000x16xf32, #tpu.memory_space<vmem>> -> memref<1x1000x16xf32, #tpu.memory_space<vmem>>
    %dma_wait3A_97 = tpu.memref_squeeze %dma_wait3A_96 : memref<1x1000x16xf32, #tpu.memory_space<vmem>> -> memref<1000x16xf32, #tpu.memory_space<vmem>>
    tpu.wait_dma2 semaphore(%dma_wait3A_90 : memref<!tpu.dma_semaphore, #tpu.memory_space<semaphore_mem>>) src(%dma_wait3A_97 : memref<1000x16xf32, #tpu.memory_space<vmem>>) dst(%dma_wait3A_93 : memref<1000x16xf32, #tpu.memory_space<vmem_shared>>)
    %barrier3A_98 = arith.constant 0 : index
    tpu.barrier barrier_id(%barrier3A_98)
    %lt3A_99 = arith.constant 10 : i32
    %lt3A_100 = arith.cmpi slt, %arg1, %lt3A_99 : i32
    %convert_element_type3A_101 = arith.extui %lt3A_100 : i1 to i32
    %cond3A_102 = arith.constant 0 : i32
    %cond3A_103 = arith.cmpi ne, %convert_element_type3A_101, %cond3A_102 : i32
    scf.if %cond3A_103 {
      %mul3A_109 = arith.constant 1000 : i32
      %mul3A_110 = arith.muli %arg1, %mul3A_109 : i32
      "tpu.region"() ({
        %run_scoped3A_111 = tpu.sem_alloc : memref<!tpu.dma_semaphore, #tpu.memory_space<semaphore_mem>>
        %dma_start3A_112 = tpu.memref_slice %arg9[%arg0, %mul3A_110] : memref<2x10000xf32, #tpu.memory_space<hbm>> -> memref<1x1000xf32, #tpu.memory_space<hbm>>
        %dma_start3A_113 = tpu.memref_squeeze %dma_start3A_112 : memref<1x1000xf32, #tpu.memory_space<hbm>> -> memref<1000xf32, #tpu.memory_space<hbm>>
        %dma_start3A_114 = tpu.memref_slice %arg19[%mul3A_110] : memref<10000xf32, #tpu.memory_space<vmem_shared>> -> memref<1000xf32, #tpu.memory_space<vmem_shared>>
        tpu.enqueue_dma source(%dma_start3A_114 : memref<1000xf32, #tpu.memory_space<vmem_shared>>) target(%dma_start3A_113 : memref<1000xf32, #tpu.memory_space<hbm>>) target_semaphore(%run_scoped3A_111 : memref<!tpu.dma_semaphore, #tpu.memory_space<semaphore_mem>>)
        %dma_wait3A_115 = tpu.memref_slice %arg9[%arg0, %mul3A_110] : memref<2x10000xf32, #tpu.memory_space<hbm>> -> memref<1x1000xf32, #tpu.memory_space<hbm>>
        %dma_wait3A_116 = tpu.memref_squeeze %dma_wait3A_115 : memref<1x1000xf32, #tpu.memory_space<hbm>> -> memref<1000xf32, #tpu.memory_space<hbm>>
        %dma_wait3A_117 = tpu.memref_slice %arg19[%mul3A_110] : memref<10000xf32, #tpu.memory_space<vmem_shared>> -> memref<1000xf32, #tpu.memory_space<vmem_shared>>
        tpu.wait_dma2 semaphore(%run_scoped3A_111 : memref<!tpu.dma_semaphore, #tpu.memory_space<semaphore_mem>>) src(%dma_wait3A_117 : memref<1000xf32, #tpu.memory_space<vmem_shared>>) dst(%dma_wait3A_116 : memref<1000xf32, #tpu.memory_space<hbm>>)
        tpu.yield
      }) : () -> ()
    } else {
    }
    %lt3A_104 = arith.constant 10 : i32
    %lt3A_105 = arith.cmpi slt, %arg1, %lt3A_104 : i32
    %convert_element_type3A_106 = arith.extui %lt3A_105 : i1 to i32
    %cond3A_107 = arith.constant 0 : i32
    %cond3A_108 = arith.cmpi ne, %convert_element_type3A_106, %cond3A_107 : i32
    scf.if %cond3A_108 {
      %mul3A_109 = arith.constant 1000 : i32
      %mul3A_110 = arith.muli %arg1, %mul3A_109 : i32
      "tpu.region"() ({
        %run_scoped3A_111 = tpu.sem_alloc : memref<!tpu.dma_semaphore, #tpu.memory_space<semaphore_mem>>
        %dma_start3A_112 = arith.constant 0 : i32
        %dma_start3A_113 = tpu.memref_slice %arg10[%arg0, %mul3A_110, %dma_start3A_112] : memref<2x10000x16xf32, #tpu.memory_space<hbm>> -> memref<1x1000x16xf32, #tpu.memory_space<hbm>>
        %dma_start3A_114 = tpu.memref_squeeze %dma_start3A_113 : memref<1x1000x16xf32, #tpu.memory_space<hbm>> -> memref<1000x16xf32, #tpu.memory_space<hbm>>
        %dma_start3A_115 = arith.constant 0 : i32
        %dma_start3A_116 = tpu.memref_slice %arg20[%mul3A_110, %dma_start3A_115] : memref<10000x16xf32, #tpu.memory_space<vmem_shared>> -> memref<1000x16xf32, #tpu.memory_space<vmem_shared>>
        tpu.enqueue_dma source(%dma_start3A_116 : memref<1000x16xf32, #tpu.memory_space<vmem_shared>>) target(%dma_start3A_114 : memref<1000x16xf32, #tpu.memory_space<hbm>>) target_semaphore(%run_scoped3A_111 : memref<!tpu.dma_semaphore, #tpu.memory_space<semaphore_mem>>)
        %dma_wait3A_117 = arith.constant 0 : i32
        %dma_wait3A_118 = tpu.memref_slice %arg10[%arg0, %mul3A_110, %dma_wait3A_117] : memref<2x10000x16xf32, #tpu.memory_space<hbm>> -> memref<1x1000x16xf32, #tpu.memory_space<hbm>>
        %dma_wait3A_119 = tpu.memref_squeeze %dma_wait3A_118 : memref<1x1000x16xf32, #tpu.memory_space<hbm>> -> memref<1000x16xf32, #tpu.memory_space<hbm>>
        %dma_wait3A_120 = arith.constant 0 : i32
        %dma_wait3A_121 = tpu.memref_slice %arg20[%mul3A_110, %dma_wait3A_120] : memref<10000x16xf32, #tpu.memory_space<vmem_shared>> -> memref<1000x16xf32, #tpu.memory_space<vmem_shared>>
        tpu.wait_dma2 semaphore(%run_scoped3A_111 : memref<!tpu.dma_semaphore, #tpu.memory_space<semaphore_mem>>) src(%dma_wait3A_121 : memref<1000x16xf32, #tpu.memory_space<vmem_shared>>) dst(%dma_wait3A_119 : memref<1000x16xf32, #tpu.memory_space<hbm>>)
        tpu.yield
      }) : () -> ()
    } else {
    }
    return
  }
}

module attributes {stable_mosaic.version = 14 : i64} {
  func.func @_dense1_body(%arg0: memref<10000x128xf32, #tpu.memory_space<vmem>>, %arg1: memref<128x64xf32, #tpu.memory_space<vmem>>, %arg2: memref<64x16xf32, #tpu.memory_space<vmem>>, %arg3: memref<10000x80xf32, #tpu.memory_space<vmem>>, %arg4: memref<10000x16xf32, #tpu.memory_space<vmem>>) attributes {dimension_semantics = [], scalar_prefetch = 0 : i64, scratch_operands = 0 : i64, tpu.core_type = #tpu.core_type<tc>} {
    %get3A = arith.constant 0 : index
    %get3A_0 = arith.constant 0 : index
    %get3A_1 = vector.load %arg0[%get3A, %get3A_0] : memref<10000x128xf32, #tpu.memory_space<vmem>>, vector<10000x128xf32>
    %get3A_2 = arith.constant 0 : index
    %get3A_3 = arith.constant 0 : index
    %get3A_4 = vector.load %arg1[%get3A_2, %get3A_3] : memref<128x64xf32, #tpu.memory_space<vmem>>, vector<128x64xf32>
    %dot_general3A = arith.constant dense<0.000000e+00> : vector<10000x64xf32>
    %dot_general3A_5 = tpu.matmul %get3A_1, %get3A_4, %dot_general3A {dimension_numbers = #tpu.dot_dimension_numbers<[1], [0], [0], [1], [0, 0, 1, 1], [], []>, transpose_lhs_hint = false} : vector<10000x128xf32>, vector<128x64xf32>, vector<10000x64xf32> -> vector<10000x64xf32>
    %get3A_6 = arith.constant 0 : index
    %get3A_7 = arith.constant 0 : index
    %get3A_8 = vector.load %arg2[%get3A_6, %get3A_7] : memref<64x16xf32, #tpu.memory_space<vmem>>, vector<64x16xf32>
    %dot_general3A_9 = arith.constant dense<0.000000e+00> : vector<10000x16xf32>
    %dot_general3A_10 = tpu.matmul %dot_general3A_5, %get3A_8, %dot_general3A_9 {dimension_numbers = #tpu.dot_dimension_numbers<[1], [0], [0], [1], [0, 0, 1, 1], [], []>, transpose_lhs_hint = false} : vector<10000x64xf32>, vector<64x16xf32>, vector<10000x16xf32> -> vector<10000x16xf32>
    %concatenate3A = tpu.concatenate %dot_general3A_5, %dot_general3A_10 in 1 : vector<10000x64xf32>, vector<10000x16xf32> -> vector<10000x80xf32>
    %swap3A = arith.constant 0 : index
    %swap3A_11 = arith.constant 0 : index
    %swap3A_12 = vector.load %arg3[%swap3A, %swap3A_11] : memref<10000x80xf32, #tpu.memory_space<vmem>>, vector<10000x80xf32>
    tpu.vector_store %arg3[%swap3A, %swap3A_11], %concatenate3A {strides = array<i32>} : memref<10000x80xf32, #tpu.memory_space<vmem>>, vector<10000x80xf32>,
    %slice3A = vector.extract_strided_slice %dot_general3A_10 {offsets = [0, 8], sizes = [10000, 8], strides = [1, 1]} : vector<10000x16xf32> to vector<10000x8xf32>
    %slice3A_13 = vector.extract_strided_slice %dot_general3A_10 {offsets = [0, 0], sizes = [10000, 8], strides = [1, 1]} : vector<10000x16xf32> to vector<10000x8xf32>
    %concatenate3A_14 = tpu.concatenate %slice3A, %slice3A_13 in 1 : vector<10000x8xf32>, vector<10000x8xf32> -> vector<10000x16xf32>
    %swap3A_15 = arith.constant 0 : index
    %swap3A_16 = arith.constant 0 : index
    %swap3A_17 = vector.load %arg4[%swap3A_15, %swap3A_16] : memref<10000x16xf32, #tpu.memory_space<vmem>>, vector<10000x16xf32>
    tpu.vector_store %arg4[%swap3A_15, %swap3A_16], %concatenate3A_14 {strides = array<i32>} : memref<10000x16xf32, #tpu.memory_space<vmem>>, vector<10000x16xf32>,
    return
  }
}

module attributes {stable_mosaic.version = 14 : i64} {
  func.func @_dense2_body(%arg0: i32, %arg1: memref<2x2000x80xf32, #tpu.memory_space<vmem>>, %arg2: memref<64x16xf32, #tpu.memory_space<vmem>>, %arg3: memref<2000x16xf32, #tpu.memory_space<vmem>>) attributes {dimension_semantics = [#tpu.dimension_semantics<arbitrary>], iteration_bounds = array<i64: 5>, scalar_prefetch = 0 : i64, scratch_operands = 0 : i64, tpu.core_type = #tpu.core_type<tc>, window_params = [{transform_indices = @transform_0, window_bounds = array<i64: 2, 2000, 80>}, {pipeline_mode = #tpu.pipeline_mode<synchronous>, transform_indices = @transform_1, window_bounds = array<i64: 64, 16>}, {transform_indices = @transform_2, window_bounds = array<i64: 2000, 16>}]} {
    %get3A = arith.constant 0 : index
    %get3A_0 = arith.constant 0 : index
    %get3A_1 = arith.constant 0 : index
    %get3A_2 = vector.load %arg1[%get3A, %get3A_0, %get3A_1] : memref<2x2000x80xf32, #tpu.memory_space<vmem>>, vector<1x2000x80xf32>
    %get3A_3 = vector.shape_cast %get3A_2 : vector<1x2000x80xf32> to vector<2000x80xf32>
    %get3A_4 = arith.constant 1 : index
    %get3A_5 = arith.constant 0 : index
    %get3A_6 = arith.constant 0 : index
    %get3A_7 = vector.load %arg1[%get3A_4, %get3A_5, %get3A_6] : memref<2x2000x80xf32, #tpu.memory_space<vmem>>, vector<1x2000x80xf32>
    %get3A_8 = vector.shape_cast %get3A_7 : vector<1x2000x80xf32> to vector<2000x80xf32>
    %add3A = arith.addf %get3A_3, %get3A_8 : vector<2000x80xf32>
    %slice3A = vector.extract_strided_slice %add3A {offsets = [0, 64], sizes = [2000, 8], strides = [1, 1]} : vector<2000x80xf32> to vector<2000x8xf32>
    %add3A_9 = arith.constant 1.000000e-16 : f32
    %add3A_10 = vector.broadcast %add3A_9 : f32 to vector<2000x8xf32>
    %add3A_11 = arith.addf %slice3A, %add3A_10 : vector<2000x8xf32>
    %div3A = arith.constant 1.000000e+00 : f32
    %div3A_12 = vector.broadcast %div3A : f32 to vector<2000x8xf32>
    %div3A_13 = arith.divf %div3A_12, %add3A_11 : vector<2000x8xf32>
    %slice3A_14 = vector.extract_strided_slice %div3A_13 {offsets = [0, 0], sizes = [2000, 1], strides = [1, 1]} : vector<2000x8xf32> to vector<2000x1xf32>
    %broadcast_in_dim3A = vector.shape_cast %slice3A_14 : vector<2000x1xf32> to vector<2000x1xf32>
    %broadcast_in_dim3A_15 = vector.broadcast %broadcast_in_dim3A : vector<2000x1xf32> to vector<2000x8xf32>
    %slice3A_16 = vector.extract_strided_slice %div3A_13 {offsets = [0, 1], sizes = [2000, 1], strides = [1, 1]} : vector<2000x8xf32> to vector<2000x1xf32>
    %broadcast_in_dim3A_17 = vector.shape_cast %slice3A_16 : vector<2000x1xf32> to vector<2000x1xf32>
    %broadcast_in_dim3A_18 = vector.broadcast %broadcast_in_dim3A_17 : vector<2000x1xf32> to vector<2000x8xf32>
    %slice3A_19 = vector.extract_strided_slice %div3A_13 {offsets = [0, 2], sizes = [2000, 1], strides = [1, 1]} : vector<2000x8xf32> to vector<2000x1xf32>
    %broadcast_in_dim3A_20 = vector.shape_cast %slice3A_19 : vector<2000x1xf32> to vector<2000x1xf32>
    %broadcast_in_dim3A_21 = vector.broadcast %broadcast_in_dim3A_20 : vector<2000x1xf32> to vector<2000x8xf32>
    %slice3A_22 = vector.extract_strided_slice %div3A_13 {offsets = [0, 3], sizes = [2000, 1], strides = [1, 1]} : vector<2000x8xf32> to vector<2000x1xf32>
    %broadcast_in_dim3A_23 = vector.shape_cast %slice3A_22 : vector<2000x1xf32> to vector<2000x1xf32>
    %broadcast_in_dim3A_24 = vector.broadcast %broadcast_in_dim3A_23 : vector<2000x1xf32> to vector<2000x8xf32>
    %slice3A_25 = vector.extract_strided_slice %div3A_13 {offsets = [0, 4], sizes = [2000, 1], strides = [1, 1]} : vector<2000x8xf32> to vector<2000x1xf32>
    %broadcast_in_dim3A_26 = vector.shape_cast %slice3A_25 : vector<2000x1xf32> to vector<2000x1xf32>
    %broadcast_in_dim3A_27 = vector.broadcast %broadcast_in_dim3A_26 : vector<2000x1xf32> to vector<2000x8xf32>
    %slice3A_28 = vector.extract_strided_slice %div3A_13 {offsets = [0, 5], sizes = [2000, 1], strides = [1, 1]} : vector<2000x8xf32> to vector<2000x1xf32>
    %broadcast_in_dim3A_29 = vector.shape_cast %slice3A_28 : vector<2000x1xf32> to vector<2000x1xf32>
    %broadcast_in_dim3A_30 = vector.broadcast %broadcast_in_dim3A_29 : vector<2000x1xf32> to vector<2000x8xf32>
    %slice3A_31 = vector.extract_strided_slice %div3A_13 {offsets = [0, 6], sizes = [2000, 1], strides = [1, 1]} : vector<2000x8xf32> to vector<2000x1xf32>
    %broadcast_in_dim3A_32 = vector.shape_cast %slice3A_31 : vector<2000x1xf32> to vector<2000x1xf32>
    %broadcast_in_dim3A_33 = vector.broadcast %broadcast_in_dim3A_32 : vector<2000x1xf32> to vector<2000x8xf32>
    %slice3A_34 = vector.extract_strided_slice %div3A_13 {offsets = [0, 7], sizes = [2000, 1], strides = [1, 1]} : vector<2000x8xf32> to vector<2000x1xf32>
    %broadcast_in_dim3A_35 = vector.shape_cast %slice3A_34 : vector<2000x1xf32> to vector<2000x1xf32>
    %broadcast_in_dim3A_36 = vector.broadcast %broadcast_in_dim3A_35 : vector<2000x1xf32> to vector<2000x8xf32>
    %concatenate3A = tpu.concatenate %broadcast_in_dim3A_15, %broadcast_in_dim3A_18, %broadcast_in_dim3A_21, %broadcast_in_dim3A_24, %broadcast_in_dim3A_27, %broadcast_in_dim3A_30, %broadcast_in_dim3A_33, %broadcast_in_dim3A_36 in 1 : vector<2000x8xf32>, vector<2000x8xf32>, vector<2000x8xf32>, vector<2000x8xf32>, vector<2000x8xf32>, vector<2000x8xf32>, vector<2000x8xf32>, vector<2000x8xf32> -> vector<2000x64xf32>
    %slice3A_37 = vector.extract_strided_slice %add3A {offsets = [0, 0], sizes = [2000, 64], strides = [1, 1]} : vector<2000x80xf32> to vector<2000x64xf32>
    %mul3A = arith.mulf %slice3A_37, %concatenate3A : vector<2000x64xf32>
    %gt3A = arith.constant 0.000000e+00 : f32
    %gt3A_38 = vector.broadcast %gt3A : f32 to vector<2000x64xf32>
    %gt3A_39 = arith.cmpf ogt, %mul3A, %gt3A_38 : vector<2000x64xf32>
    %exp3A = math.exp %mul3A : vector<2000x64xf32>
    %sub3A = arith.constant 1.000000e+00 : f32
    %sub3A_40 = vector.broadcast %sub3A : f32 to vector<2000x64xf32>
    %sub3A_41 = arith.subf %exp3A, %sub3A_40 : vector<2000x64xf32>
    %select_n3A = arith.select %gt3A_39, %mul3A, %sub3A_41 : vector<2000x64xi1>, vector<2000x64xf32>
    %get3A_42 = arith.constant 0 : index
    %get3A_43 = arith.constant 0 : index
    %get3A_44 = vector.load %arg2[%get3A_42, %get3A_43] : memref<64x16xf32, #tpu.memory_space<vmem>>, vector<64x16xf32>
    %dot_general3A = arith.constant dense<0.000000e+00> : vector<2000x16xf32>
    %dot_general3A_45 = tpu.matmul %select_n3A, %get3A_44, %dot_general3A {dimension_numbers = #tpu.dot_dimension_numbers<[1], [0], [0], [1], [0, 0, 1, 1], [], []>, transpose_lhs_hint = false} : vector<2000x64xf32>, vector<64x16xf32>, vector<2000x16xf32> -> vector<2000x16xf32>
    %swap3A = arith.constant 0 : index
    %swap3A_46 = arith.constant 0 : index
    %swap3A_47 = vector.load %arg3[%swap3A, %swap3A_46] : memref<2000x16xf32, #tpu.memory_space<vmem>>, vector<2000x16xf32>
    tpu.vector_store %arg3[%swap3A, %swap3A_46], %dot_general3A_45 {strides = array<i32>} : memref<2000x16xf32, #tpu.memory_space<vmem>>, vector<2000x16xf32>,
    return
  }
  func.func @transform_0(%arg0: i32) -> (i32, i32, i32) {
    %c0_i32 = arith.constant 0 : i32
    %c0_i32_0 = arith.constant 0 : i32
    %c0_i32_1 = arith.constant 0 : i32
    return %c0_i32, %arg0, %c0_i32_0 : i32, i32, i32
  }
  func.func @transform_1(%arg0: i32) -> (i32, i32) {
    %c0_i32 = arith.constant 0 : i32
    %c0_i32_0 = arith.constant 0 : i32
    %c0_i32_1 = arith.constant 0 : i32
    return %c0_i32, %c0_i32_0 : i32, i32
  }
  func.func @transform_2(%arg0: i32) -> (i32, i32) {
    %c0_i32 = arith.constant 0 : i32
    %c0_i32_0 = arith.constant 0 : i32
    return %arg0, %c0_i32 : i32, i32
  }
}

module attributes {stable_mosaic.version = 14 : i64} {
  func.func @_logit2_body(%arg0: memref<10000x16xf32, #tpu.memory_space<vmem>>, %arg1: memref<16xf32, #tpu.memory_space<vmem>>, %arg2: memref<16xf32, #tpu.memory_space<vmem>>, %arg3: memref<1x10000xf32, #tpu.memory_space<vmem>>, %arg4: memref<1x10000xf32, #tpu.memory_space<vmem>>) attributes {dimension_semantics = [], scalar_prefetch = 0 : i64, scratch_operands = 0 : i64, tpu.core_type = #tpu.core_type<tc>} {
    %get3A = arith.constant 0 : index
    %get3A_0 = arith.constant 0 : index
    %get3A_1 = vector.load %arg0[%get3A, %get3A_0] : memref<10000x16xf32, #tpu.memory_space<vmem>>, vector<10000x16xf32>
    %get3A_2 = arith.constant 0 : index
    %get3A_3 = vector.load %arg1[%get3A_2] : memref<16xf32, #tpu.memory_space<vmem>>, vector<16xf32>
    %dot_general3A = arith.constant dense<0.000000e+00> : vector<10000xf32>
    %dot_general3A_4 = tpu.matmul %get3A_1, %get3A_3, %dot_general3A {dimension_numbers = #tpu.dot_dimension_numbers<[1], [0], [0], [], [0, 0], [], []>, transpose_lhs_hint = false} : vector<10000x16xf32>, vector<16xf32>, vector<10000xf32> -> vector<10000xf32>
    %reshape3A = vector.shape_cast %dot_general3A_4 : vector<10000xf32> to vector<1x10000xf32>
    %swap3A = arith.constant 0 : index
    %swap3A_5 = arith.constant 0 : index
    %swap3A_6 = vector.load %arg3[%swap3A, %swap3A_5] : memref<1x10000xf32, #tpu.memory_space<vmem>>, vector<1x10000xf32>
    tpu.vector_store %arg3[%swap3A, %swap3A_5], %reshape3A {strides = array<i32>} : memref<1x10000xf32, #tpu.memory_space<vmem>>, vector<1x10000xf32>,
    %get3A_7 = arith.constant 0 : index
    %get3A_8 = vector.load %arg2[%get3A_7] : memref<16xf32, #tpu.memory_space<vmem>>, vector<16xf32>
    %dot_general3A_9 = arith.constant dense<0.000000e+00> : vector<10000xf32>
    %dot_general3A_10 = tpu.matmul %get3A_1, %get3A_8, %dot_general3A_9 {dimension_numbers = #tpu.dot_dimension_numbers<[1], [0], [0], [], [0, 0], [], []>, transpose_lhs_hint = false} : vector<10000x16xf32>, vector<16xf32>, vector<10000xf32> -> vector<10000xf32>
    %reshape3A_11 = vector.shape_cast %dot_general3A_10 : vector<10000xf32> to vector<1x10000xf32>
    %swap3A_12 = arith.constant 0 : index
    %swap3A_13 = arith.constant 0 : index
    %swap3A_14 = vector.load %arg4[%swap3A_12, %swap3A_13] : memref<1x10000xf32, #tpu.memory_space<vmem>>, vector<1x10000xf32>
    tpu.vector_store %arg4[%swap3A_12, %swap3A_13], %reshape3A_11 {strides = array<i32>} : memref<1x10000xf32, #tpu.memory_space<vmem>>, vector<1x10000xf32>,
    return
  }
}

module attributes {stable_mosaic.version = 14 : i64} {
  func.func @_final_body(%arg0: memref<2x10000x16xf32, #tpu.memory_space<vmem>>, %arg1: memref<2x10000xf32, #tpu.memory_space<vmem>>, %arg2: memref<10000x16xf32, #tpu.memory_space<vmem>>) attributes {dimension_semantics = [], scalar_prefetch = 0 : i64, scratch_operands = 0 : i64, tpu.core_type = #tpu.core_type<tc>} {
    %get3A = arith.constant 0 : index
    %get3A_0 = arith.constant 0 : index
    %get3A_1 = vector.load %arg1[%get3A, %get3A_0] : memref<2x10000xf32, #tpu.memory_space<vmem>>, vector<1x10000xf32>
    %get3A_2 = vector.shape_cast %get3A_1 : vector<1x10000xf32> to vector<10000xf32>
    %get3A_3 = arith.constant 1 : index
    %get3A_4 = arith.constant 0 : index
    %get3A_5 = vector.load %arg1[%get3A_3, %get3A_4] : memref<2x10000xf32, #tpu.memory_space<vmem>>, vector<1x10000xf32>
    %get3A_6 = vector.shape_cast %get3A_5 : vector<1x10000xf32> to vector<10000xf32>
    %add3A = arith.addf %get3A_2, %get3A_6 : vector<10000xf32>
    %reshape3A = vector.shape_cast %add3A : vector<10000xf32> to vector<10000x1xf32>
    %get3A_7 = arith.constant 0 : index
    %get3A_8 = arith.constant 0 : index
    %get3A_9 = arith.constant 0 : index
    %get3A_10 = vector.load %arg0[%get3A_7, %get3A_8, %get3A_9] : memref<2x10000x16xf32, #tpu.memory_space<vmem>>, vector<1x10000x16xf32>
    %get3A_11 = vector.shape_cast %get3A_10 : vector<1x10000x16xf32> to vector<10000x16xf32>
    %get3A_12 = arith.constant 1 : index
    %get3A_13 = arith.constant 0 : index
    %get3A_14 = arith.constant 0 : index
    %get3A_15 = vector.load %arg0[%get3A_12, %get3A_13, %get3A_14] : memref<2x10000x16xf32, #tpu.memory_space<vmem>>, vector<1x10000x16xf32>
    %get3A_16 = vector.shape_cast %get3A_15 : vector<1x10000x16xf32> to vector<10000x16xf32>
    %add3A_17 = arith.addf %get3A_11, %get3A_16 : vector<10000x16xf32>
    %add3A_18 = arith.constant 1.000000e-16 : f32
    %add3A_19 = vector.broadcast %add3A_18 : f32 to vector<10000x1xf32>
    %add3A_20 = arith.addf %reshape3A, %add3A_19 : vector<10000x1xf32>
    %div3A = vector.broadcast %add3A_20 : vector<10000x1xf32> to vector<10000x16xf32>
    %div3A_21 = arith.divf %add3A_17, %div3A : vector<10000x16xf32>
    %gt3A = arith.constant 0.000000e+00 : f32
    %gt3A_22 = vector.broadcast %gt3A : f32 to vector<10000x16xf32>
    %gt3A_23 = arith.cmpf ogt, %div3A_21, %gt3A_22 : vector<10000x16xf32>
    %exp3A = math.exp %div3A_21 : vector<10000x16xf32>
    %sub3A = arith.constant 1.000000e+00 : f32
    %sub3A_24 = vector.broadcast %sub3A : f32 to vector<10000x16xf32>
    %sub3A_25 = arith.subf %exp3A, %sub3A_24 : vector<10000x16xf32>
    %select_n3A = arith.select %gt3A_23, %div3A_21, %sub3A_25 : vector<10000x16xi1>, vector<10000x16xf32>
    %reduce_max3A = arith.constant dense<0xFF800000> : vector<10000xf32>
    %reduce_max3A_26 = vector.multi_reduction <maximumf>, %select_n3A, %reduce_max3A [1] : vector<10000x16xf32> to vector<10000xf32>
    %broadcast_in_dim3A = vector.shape_cast %reduce_max3A_26 : vector<10000xf32> to vector<10000x1xf32>
    %sub3A_27 = vector.broadcast %broadcast_in_dim3A : vector<10000x1xf32> to vector<10000x16xf32>
    %sub3A_28 = arith.subf %select_n3A, %sub3A_27 : vector<10000x16xf32>
    %exp3A_29 = math.exp %sub3A_28 : vector<10000x16xf32>
    %reduce_sum3A = arith.constant dense<0.000000e+00> : vector<10000xf32>
    %reduce_sum3A_30 = vector.multi_reduction <add>, %exp3A_29, %reduce_sum3A [1] : vector<10000x16xf32> to vector<10000xf32>
    %broadcast_in_dim3A_31 = vector.shape_cast %reduce_sum3A_30 : vector<10000xf32> to vector<10000x1xf32>
    %log3A = math.log %broadcast_in_dim3A_31 : vector<10000x1xf32>
    %add3A_32 = arith.addf %broadcast_in_dim3A, %log3A : vector<10000x1xf32>
    %sub3A_33 = vector.broadcast %add3A_32 : vector<10000x1xf32> to vector<10000x16xf32>
    %sub3A_34 = arith.subf %select_n3A, %sub3A_33 : vector<10000x16xf32>
    %swap3A = arith.constant 0 : index
    %swap3A_35 = arith.constant 0 : index
    %swap3A_36 = vector.load %arg2[%swap3A, %swap3A_35] : memref<10000x16xf32, #tpu.memory_space<vmem>>, vector<10000x16xf32>
    tpu.vector_store %arg2[%swap3A, %swap3A_35], %sub3A_34 {strides = array<i32>} : memref<10000x16xf32, #tpu.memory_space<vmem>>, vector<10000x16xf32>,
    return
  }
}

</mosaic_0001>

<sc_bundles>
// kernel: _run.11.cloned.1.call-start
scs
__scs_entry_jumppad:
0x0: {  	(pc) =	sbr.rel $0x88, $3  }
0x1: {  	(tag) =	ssettag $0x0;
	lr =	simm.s32 $0x1  }
0x2: {  	[smem:$0x3F99] =	sst lr;
	_ =	strace $0xD0000000  }
0x3: {  	_ = 	snop  }
0x4: {  	_ = 	snop  }
0x5: {  	_ = 	snop  }
0x6: {  	_ = 	snop  }
0x7: {  	_ = 	snop  }
__scs_overlays_trampoline_lowered:
0x8: {  	[smem:$0x3FA8] =	sst s0  }
0x9: {  	[smem:$0x3FA9] =	sst s1  }
0xa: {  	[smem:$0x3FAA] =	sst s2  }
0xb: {  	[smem:$0x3FAB] =	sst s3  }
0xc: {  	[smem:$0x3FAC] =	sst s4  }
0xd: {  	[smem:$0x3FAD] =	sst s5  }
0xe: {  	[smem:$0x3FAE] =	sst s6  }
0xf: {  	[smem:$0x3FAF] =	sst s7  }
0x10: {  	[smem:$0x3FB0] =	sst s8  }
0x11: {  	[smem:$0x3FB1] =	sst s9;
	s0 =	simm.s32 @!p0 $0x0  }
0x12: {  	s1 =	sld [smem:$0x3F97];
	s0 =	simm.s32 @p0 $0x1  }
0x13: {  	[smem:$0x3FB2] =	sst s0;
	s0 =	simm.s32 @!p1 $0x0  }
0x14: {  	s2 =	sld [smem:$0x3F96];
	s0 =	simm.s32 @p1 $0x1  }
0x15: {  	[smem:$0x3FB3] =	sst s0;
	s0 =	simm.s32 @!p2 $0x0  }
0x16: {  	s3 =	sld [smem:$0x3FDB];
	s0 =	simm.s32 @p2 $0x1  }
0x17: {  	s4 =	simm.s32 $0x1BF5;
	[smem:$0x3FB5] =	sst s0  }
0x18: {  	s0 =	sld [smem:$0x3F98];
	_ =	swait.ge [sflag:s4], $0x0  }
0x19: {  	s7 =	sld [smem:$0x3F99]  }
0x1a: {  	s8 =	sadd.s32 $0xFFFFE003, lr  }
0x1b: {  	s9 =	sadd.s32 $0xFFFFFEF7, lr;
	s5 =	simm.s32 $0xFFFFFFFF;
	p2 =	slt.u32 s8, $0xFFFFF086  }
0x1c: {  	p1 =	slt.u32 s9, $0xF7A;
	s5 =	simm.s32 @!p2 $0x0  }
0x1d: {  	s5 =	simm.s32 @p1 $0x1;
	p0 =	seq.s32 s7, s2  }
0x1e: {  	s7 =	smul.u32 @!p0 $0xF7A, s2;
	p2 =	seq.s32 @!p0 s5, $0x0  }
0x1f: {  	s9 =	smul.u32 $0xF7A, s1;
	s8 =	simm.s32 @!p0 $0x1BF5;
	p2 =	por !p2, p0  }
0x20: {  	[sflag:s8] =	ssyncset.s32 @!p0 $0xFFFFF086;
	s6 =	sadd.s32 @!p0 s3, s7;
	s7 =	simm.s32 @!p0 $0x108  }
0x21: {  	s3 =	sadd.s32 s3, s9;
	s6 =	sadd.s32 @!p0 $0x88, s6;
	s7 =	simm.s32 @p2 $0x1082  }
0x22: {  	[simem:s7], [sflag:s8] =	dma.local @!p0 [hbm:s6], $0xF7A  }
0x23: {  	s9 =	sor.u32 $0xD0000000, s2;
	s6 =	simm.s32 $0x108;
	_ =	swait.ge @!p0 [sflag:s8], $0x0  }
0x24: {  	s3 =	sadd.s32 $0x88, s3;
	s6 =	simm.s32 @!p1 $0x1082;
	[sflag:s4] =	ssyncset.s32 $0xFFFFF086  }
0x25: {  	[simem:s6], [sflag:s4] =	dma.local [hbm:s3], $0xF7A  }
0x26: {  	[smem:$0x3F99] =	sst s1;
	(tag) =	ssettag s2;
	_ =	strace s9  }
0x27: {  	s1 =	sld [smem:$0x3FA9]  }
0x28: {  	s2 =	sld [smem:$0x3FAA]  }
0x29: {  	s4 =	sld [smem:$0x3FAC]  }
0x2a: {  	p0 =	seq.s32 s5, $0x0;
	s5 =	sld [smem:$0x3FAD]  }
0x2b: {  	s6 =	sld [smem:$0x3FAE]  }
0x2c: {  	s7 =	sld [smem:$0x3FAF]  }
0x2d: {  	s3 =	simm.s32 $0x108;
	s8 =	sld [smem:$0x3FB0]  }
0x2e: {  	s3 =	simm.s32 @!p0 $0x1082;
	s9 =	sld [smem:$0x3FB1]  }
0x2f: {  	lr =	sadd.s32 s0, s3;
	s0 =	sld [smem:$0x3FA8]  }
0x30: {  	s3 =	sld [smem:$0x3FAB]  }
0x31: {  	[smem:$0x3FB4] =	sst s10  }
0x32: {  	s10 =	sld [smem:$0x3FB2];
	_ =	sdelay $0x3  }
0x33: {  	p0 =	seq.s32 s10, $0x1;
	s10 =	sld [smem:$0x3FB4];
	_ =	sdelay $0x3  }
0x34: {  	[smem:$0x3FB4] =	sst s10  }
0x35: {  	s10 =	sld [smem:$0x3FB3];
	_ =	sdelay $0x3  }
0x36: {  	p1 =	seq.s32 s10, $0x1;
	s10 =	sld [smem:$0x3FB4];
	_ =	sdelay $0x3  }
0x37: {  	[smem:$0x3FB4] =	sst s10  }
0x38: {  	s10 =	sld [smem:$0x3FB5]  }
0x39: {  	_ = 	snop;
	(pc) =	sbr.ind lr, $3  }
0x3a: {  	_ = 	snop  }
0x3b: {  	_ = 	snop  }
0x3c: {  	p2 =	seq.s32 s10, $0x1;
	s10 =	sld [smem:$0x3FB4]  }
0x3d: {  	_ =	shalt  }
0x3e: {  	_ =	shalt  }
0x3f: {  	_ =	shalt  }
0x40: {  	_ =	shalt  }
0x41: {  	_ =	shalt  }
0x42: {  	_ =	shalt  }
0x43: {  	_ =	shalt  }
0x44: {  	_ =	shalt  }
0x45: {  	_ =	shalt  }
0x46: {  	_ =	shalt  }
0x47: {  	_ =	shalt  }
0x48: {  	_ =	shalt  }
0x49: {  	_ =	shalt  }
0x4a: {  	_ =	shalt  }
0x4b: {  	_ =	shalt  }
0x4c: {  	_ =	shalt  }
0x4d: {  	_ =	shalt  }
0x4e: {  	_ =	shalt  }
0x4f: {  	_ =	shalt  }
0x50: {  	_ =	shalt  }
0x51: {  	_ =	shalt  }
0x52: {  	_ =	shalt  }
0x53: {  	_ =	shalt  }
0x54: {  	_ =	shalt  }
0x55: {  	_ =	shalt  }
0x56: {  	_ =	shalt  }
0x57: {  	_ =	shalt  }
0x58: {  	_ =	shalt  }
0x59: {  	_ =	shalt  }
0x5a: {  	_ =	shalt  }
0x5b: {  	_ =	shalt  }
0x5c: {  	_ =	shalt  }
0x5d: {  	_ =	shalt  }
0x5e: {  	_ =	shalt  }
0x5f: {  	_ =	shalt  }
0x60: {  	_ =	shalt  }
0x61: {  	_ =	shalt  }
0x62: {  	_ =	shalt  }
0x63: {  	_ =	shalt  }
0x64: {  	_ =	shalt  }
0x65: {  	_ =	shalt  }
0x66: {  	_ =	shalt  }
0x67: {  	_ =	shalt  }
0x68: {  	_ =	shalt  }
0x69: {  	_ =	shalt  }
0x6a: {  	_ =	shalt  }
0x6b: {  	_ =	shalt  }
0x6c: {  	_ =	shalt  }
0x6d: {  	_ =	shalt  }
0x6e: {  	_ =	shalt  }
0x6f: {  	_ =	shalt  }
0x70: {  	_ =	shalt  }
0x71: {  	_ =	shalt  }
0x72: {  	_ =	shalt  }
0x73: {  	_ =	shalt  }
0x74: {  	_ =	shalt  }
0x75: {  	_ =	shalt  }
0x76: {  	_ =	shalt  }
0x77: {  	_ =	shalt  }
0x78: {  	_ =	shalt  }
0x79: {  	_ =	shalt  }
0x7a: {  	_ =	shalt  }
0x7b: {  	_ =	shalt  }
0x7c: {  	_ =	shalt  }
0x7d: {  	_ =	shalt  }
0x7e: {  	_ =	shalt  }
0x7f: {  	_ =	shalt  }
0x80: {  	_ =	shalt  }
0x81: {  	_ =	shalt  }
0x82: {  	_ =	shalt  }
0x83: {  	_ =	shalt  }
0x84: {  	_ =	shalt  }
0x85: {  	_ =	shalt  }
0x86: {  	_ =	shalt  }
0x87: {  	_ =	shalt  }
.Lfunc_end0:
.L_simem_size_0:
called_computation.1_lowered:
.L_overlay_start_0:
0x88: {  	s2 =	sld [smem:$0x3FD9]  }
0x89: {  	s3 =	sld [smem:$0x3FFE];
	_ =	sdelay $0x1  }
0x8a: {  	s1 =	srdreg.scid  }
0x8b: {  	s0 =	sand.u32 $0x1, s1  }
0x8c: {  	s17 =	sshll.u32 s0, $0xA;
	s2 =	sadd.s32 s3, s2  }
0x8d: {  	s2 =	sadd.s32 s2, s17  }
0x8e: {  	[smem:$0x3FC0] =	sst s2  }
0x8f: {  	_ = 	snop  }
0x90: {  	s2 =	sld [smem:$0x3FC8]  }
0x91: {  	s18 =	sld [smem:$0x3FC7]  }
0x92: {  	s4 =	sld [smem:$0x3FD0];
	(tm) =	ssettm $0x1  }
0x93: {  	s5 =	sld [smem:$0x3FFB];
	_ =	sdelay $0x3  }
0x94: {  	_ =	strace s5  }
0x95: {  	s5 =	sld [smem:$0x3FFC];
	_ =	sdelay $0x3  }
0x96: {  	_ =	strace s5  }
0x97: {  	s5 =	sld [smem:$0x3FFD];
	_ =	sdelay $0x3  }
0x98: {  	_ =	strace s5  }
0x99: {  	_ =	strace $0x8FFFFFFF  }
0x9a: {  	s19 =	sld [smem:$0x3FDB];
	_ =	sdelay $0x1  }
0x9b: {  	s6 =	simm.s32 $_scs_section_size  }
0x9c: {  	s7 =	simm.s32 $_size__tile_overlayer_lowered;
	s8 =	simm.s32 $_tile_overlayer_lowered  }
0x9d: {  	s22 =	simm.s32 $0x1BFF;
	s21 =	sshll.u32 s8, $0x1;
	s5 =	sadd.s32 s6, s19  }
0x9e: {  	s9 =	simm.s32 $0x0;
	s20 =	sshll.u32 s7, $0x1;
	s7 =	sadd.s32 s21, s5  }
0x9f: {  	[timem:s9], [sflag:s22] =	dma.local [hbm:s7], s20  }
0xa0: {  	_ =	swait.ge [sflag:s22], s20  }
0xa1: {  	s6 =	ssub.s32 $0x0, s20;
	[sflag:s22] =	ssyncset.done $0x0  }
0xa2: {  	[sflag:s22] =	ssyncadd.s32 s6;
	_ =	sdelay $0x1  }
0xa3: {  	s23 =	simm.s32 $0x1B8B  }
0xa4: {  	_ =	swait.ge [sflag:s23], $0x1  }
0xa5: {  	[sflag:s23] =	ssyncset.done $0x0  }
0xa6: {  	s25 =	simm.s32 $0x1B8E;
	s24 =	sld [smem:$0x3FFE];
	[sflag:s23] =	ssyncadd.s32 $0xFFFFFFFF  }
0xa7: {  	s26 =	simm.s32 $execute0_lowered;
	[smem:$0x3FD2] =	sst s25  }
0xa8: {  	s7 =	sshll.u32 s26, $0x1;
	_ =	strace $0x80000049;
	[dreg:$0x1] =	wrdreg $0xFFFFFFFF  }
0xa9: {  	s28 =	simm.s32 $_size_execute0_lowered;
	s5 =	sadd.s32 s5, s7;
	[dreg:$0x0] =	wrdreg $0x0  }
0xaa: {  	s7 =	sshll.u32 s28, $0x1;
	[dreg:$0x2] =	wrdreg s5  }
0xab: {  	[dreg:$0x3] =	wrdreg s7  }
0xac: {  	[dreg:$0x4] =	wrdreg $0xC0  }
0xad: {  	_ =	task [dreg:s9], $0x5FFFF  }
0xae: {  	[dreg:$0x1] =	wrdreg $0xFFFFFFFF  }
0xaf: {  	[dreg:$0x0] =	wrdreg $0x60  }
0xb0: {  	[dreg:$0x2] =	wrdreg s2  }
0xb1: {  	[dreg:$0x3] =	wrdreg s18  }
0xb2: {  	[dreg:$0x4] =	wrdreg s24  }
0xb3: {  	[dreg:$0x5] =	wrdreg s4  }
0xb4: {  	[dreg:$0x6] =	wrdreg $0xE2900  }
0xb5: {  	[dreg:$0x7] =	wrdreg $0xE5080  }
0xb6: {  	[dreg:$0x8] =	wrdreg $0x9  }
0xb7: {  	_ =	task.clear_ibuf [dreg:s9], $0x9FFFF;
	_ =	strace $0x90000049  }
0xb8: {  	s29 =	simm.s32 $0x9;
	_ =	strace $0x8000004B  }
0xb9: {  	_ =	swait.ge [sflag:s29], $0x1  }
0xba: {  	[sflag:s29] =	ssyncadd.s32 $0xFFFFFFFF  }
0xbb: {  	_ =	strace $0x9000004B  }
0xbc: {  	_ =	sfence  }
0xbd: {  	s30 =	sld [smem:$0x0];
	_ =	sdelay $0x2  }
0xbe: {  	s31 =	sshll.u32 s1, $0xD;
	s1 =	sshrl.u32 s1, $0x2  }
0xbf: {  	s3 =	sand.u32 $0x4000, s31;
	s1 =	sadd.s32 s1, s30  }
0xc0: {  	s0 =	sor.u32 s3, s0;
	s1 =	sshll.u32 s1, $0x11  }
0xc1: {  	s0 =	sor.u32 s1, s0  }
0xc2: {  	s0 =	sadd.s32 $0x8F2B, s0  }
0xc3: {  	[sflag:s0] =	ssyncadd.remote.s32 $0x1  }
0xc4: {  	_ =	sfence.sel $0xFFFF  }
0xc5: {  	[dreg:$0x0] =	wrdreg $0xFFFFFFFF;
	(pc) =	sbr.abs _section_cstart, $3  }
0xc6: {  	[dreg:$0x1] =	wrdreg $0xFFFFFFFF  }
0xc7: {  	_ =	task.clear_ibuf [dreg:s9], $0x2FFFF;
	_ =	strace $0x9FFFFFFF  }
0xc8: {  	(tm) =	ssettm $0x7FFFFFFF  }
0xc9: {  	_ =	shalt  }
tec
execute0_lowered:
.L_overlay_start_1:
0x0: {  	(tag) =	ssettag $0x1  }
0x1: {  	s1 =	rddreg [dreg:$0x0]  }
0x2: {  	s2 =	rddreg [dreg:$0x1]  }
0x3: {  	s0 =	rddreg [dreg:$0x2]  }
0x4: {  	s3 =	rddreg [dreg:$0x3]  }
0x5: {  	s5 =	rddreg [dreg:$0x4]  }
0x6: {  	s6 =	rddreg [dreg:$0x5];
	s7 =	simm.s32 $0x0;
	s18 =	stileid.u32  }
0x7: {  	s4 =	srdreg.scid;
	s28 =	simm.s32 $0x5DC0;
	s29 =	simm.s32 $0x5208  }
0x8: {  	s30 =	simm.s32 $0x59D8;
	s31 =	simm.s32 $0x9C40;
	[smem:$0x7FF] =	sst s7  }
0x9: {  	s8 =	smul.u32 $0x3E8, s18;
	s4 =	sand.u32 $0x1, s4;
	s10 =	sadd.s32 $0x1600, s0  }
0xa: {  	s11 =	smul.u32 $0x3E80, s18;
	s12 =	sadd.s32 $0x1000, s0;
	s14 =	sshll.u32 s18, $0x1  }
0xb: {  	_ =	strace $0x8000004A;
	s9 =	smul.u32 $0x2710, s4;
	[dreg:$0x7] =	wrdreg s10  }
0xc: {  	p0 =	sgt.u32 s18, $0x9;
	[dreg:$0x8] =	wrdreg s12;
	s13 =	smul.u32 $0x27100, s4  }
0xd: {  	s15 =	sshrl.u32 s8, $0x3;
	s16 =	sshrl.u32 s11, $0x3;
	s21 =	sadd.s32 s11, s6  }
0xe: {  	s10 =	sadd.s32 s15, s0;
	s9 =	sadd.s32 s8, s9;
	s12 =	sadd.s32 s16, s0  }
0xf: {  	s13 =	sadd.s32 s11, s13;
	s15 =	ssub.s32 $0x2, s4;
	s4 =	sor.u32 s4, s14  }
0x10: {  	s8 =	sadd.s32 s8, s5;
	[dreg:$0xb] =	wrdreg s21;
	s21 =	simm.s32 $0x5  }
0x11: {  	s11 =	simm.s32 $0x4;
	s9 =	sshrl.u32 s9, $0x3;
	s13 =	sshrl.u32 s13, $0x3  }
0x12: {  	s17 =	sshrl.u32 s15, $0x1;
	s4 =	smul.u32 $0x2710, s4;
	[dreg:$0x9] =	wrdreg s8  }
0x13: {  	s20 =	sadd.s32 $0x6C00, s10;
	s23 =	sadd.s32 $0x1C00, s12;
	s12 =	simm.s32 $0x0  }
0x14: {  	s9 =	sadd.s32 s9, s0;
	s0 =	sadd.s32 s13, s0;
	[dreg:$0xa] =	wrdreg s20  }
0x15: {  	s19 =	ssub.s32 s15, s17;
	[dreg:$0xc] =	wrdreg s23;
	s22 =	sshrl.u32 s4, $0x3  }
0x16: {  	s16 =	sadd.s32 $0x3E8, s4;
	s17 =	sadd.s32 $0x7D0, s4;
	s25 =	sadd.s32 $0x11000, s9  }
0x17: {  	v0 =	vimm.s32 $0x0;
	s0 =	sadd.s32 $0x7200, s0;
	s26 =	smax.u32 s19, $0x1;
	[dreg:$0xf] =	wrdreg s25  }
0x18: {  	v1 =	vimm.s32 $0x1;
	v2 =	vimm.s32 $0x2;
	v3 =	vimm.s32 $0x3;
	s4 =	simm.s32 $0xDAC0;
	s9 =	simm.s32 $0xDEA8;
	[dreg:$0x10] =	wrdreg s0  }
0x19: {  	v4 =	vimm.s32 $0x4;
	v5 =	vimm.s32 $0x5;
	v6 =	vimm.s32 $0x6;
	s24 =	sadd.s32 s1, s22;
	s8 =	sadd.s32 s2, s22;
	[dreg:$0x11] =	wrdreg s26  }
0x1a: {  	v7 =	vimm.s32 $0x7;
	v8 =	vimm.s32 $0x8;
	v9 =	vimm.s32 $0x9;
	s22 =	simm.s32 $0x2710;
	s0 =	sshll.u32 @!p0 s18, $0x6;
	[dreg:$0xd] =	wrdreg s24  }
0x1b: {  	v10 =	vimm.s32 $0xA;
	v11 =	vimm.s32 $0xB;
	v12 =	vimm.s32 $0xC;
	s25 =	simm.s32 $0x55F0;
	s26 =	simm.s32 $0x3E8;
	[dreg:$0xe] =	wrdreg s8  }
0x1c: {  	v13 =	vimm.s32 $0xD;
	v14 =	vimm.s32 $0xE;
	v15 =	vimm.s32 $0xF;
	s23 =	sor.u32 @!p0 $0x1C05, s0;
	s0 =	simm.s32 $0x1;
	s8 =	simm.s32 $0x2  }
.LBB2_1:
0x1d: {  	s10 =	rddreg [dreg:$0x7]  }
0x1e: {  	[tilespmem:s7], [sflag:$0x5] =	stream.linear.gather [hbm4b:s10+s7], $0x2710, $0x38;
	[tilespmem:$0x10C18] =	vst v63  }
0x1f: {  	_ =	swait.ge [sflag:s21], $0x2710  }
0x20: {  	[sflag:s21] =	ssyncset.done $0x0  }
0x21: {  	s18 =	rddreg [dreg:$0x8];
	[sflag:s21] =	ssyncadd.s32 $0xFFFFD8F0  }
0x22: {  	[tilespmem:s22], [sflag:$0x5] =	stream.linear.gather [hbm4b:s18+s7], $0x2710, $0x38;
	[tilespmem:$0x10C18] =	vst v63  }
0x23: {  	_ =	swait.ge [sflag:s21], $0x2710  }
0x24: {  	[sflag:s21] =	ssyncset.done $0x0;
	s10 =	rddreg [dreg:$0x9]  }
0x25: {  	[sflag:s21] =	ssyncadd.s32 $0xFFFFD8F0;
	s13 =	sshrl.u32 @!p0 s10, $0x3;
	s10 =	rddreg [dreg:$0xa]  }
0x26: {  	[spmem:s13], [sflag:s23] =	dma.local @!p0 [hbm:s10], $0x7D  }
0x27: {  	s10 =	simm.s32 @!p0 $0x5  }
0x28: {  	_ =	swait.ge @!p0 [sflag:s10], $0x7D  }
0x29: {  	[sflag:s10] =	ssyncset.done @!p0 $0x0;
	s14 =	rddreg [dreg:$0xb]  }
0x2a: {  	s15 =	rddreg [dreg:$0xc];
	[sflag:s10] =	ssyncadd.s32 @!p0 $0xFFFFFF83;
	s14 =	sshrl.u32 @!p0 s14, $0x3  }
0x2b: {  	[spmem:s14], [sflag:s23] =	dma.local @!p0 [hbm:s15], $0x7D0  }
0x2c: {  	_ =	swait.ge @!p0 [sflag:s10], $0x7D0  }
0x2d: {  	[sflag:s10] =	ssyncset.done @!p0 $0x0  }
0x2e: {  	[sflag:s10] =	ssyncadd.s32 @!p0 $0xFFFFF830  }
0x2f: {  	[bflag:$0x0] =	sbarrier.arrive $0xFFFF  }
0x30: {  	s20 =	simm.s32 $0x4E20;
	s19 =	rddreg [dreg:$0xd]  }
0x31: {  	[tilespmem:s20], [sflag:$0x5] =	stream.linear.gather [hbm4b:s19+s7], $0x3E8, $0x38;
	[tilespmem:$0x10C18] =	vst v63  }
0x32: {  	_ =	swait.ge [sflag:s21], $0x3E8  }
0x33: {  	[sflag:s21] =	ssyncset.done $0x0  }
0x34: {  	s24 =	rddreg [dreg:$0xe];
	[sflag:s21] =	ssyncadd.s32 $0xFFFFFC18  }
0x35: {  	[tilespmem:s25], [sflag:$0x5] =	stream.linear.gather [hbm4b:s24+s7], $0x3E8, $0x38;
	[tilespmem:$0x10C18] =	vst v63  }
0x36: {  	_ =	swait.ge [sflag:s21], $0x3E8  }
0x37: {  	[sflag:s21] =	ssyncset.done $0x0  }
0x38: {  	s15 =	simm.s32 $0x0;
	[sflag:s21] =	ssyncadd.s32 $0xFFFFFC18  }
0x39: {  	[tilespmem:s28], [sflag:$0x1] =	stream.indirect.gather [hbm4b:s3+s26], $0x10, s20, s26, $0xb8;
	[tilespmem:$0x10C18] =	vst v63  }
.LBB2_2:
0x3a: {  	p1 =	seq.s32 s15, $0x0  }
0x3b: {  	s10 =	simm.s32 @!p1 $0x4  }
0x3c: {  	_ =	swait.ge @!p1 [sflag:s10], $0x3E8  }
0x3d: {  	s24 =	smul.u32 $0x7D0, s15;
	[sflag:s10] =	ssyncset.done @!p1 $0x0  }
0x3e: {  	[sflag:s10] =	ssyncadd.s32 @!p1 $0xFFFFFC18  }
0x3f: {  	s18 =	sadd.s32 s24, s16;
	_ =	swait.ge @!p1 [sflag:s10], $0x3E80  }
0x40: {  	s18 =	sshrl.u32 s18, $0x3;
	[sflag:s10] =	ssyncset.done @!p1 $0x0  }
0x41: {  	s19 =	simm.s32 $0x0;
	s20 =	sadd.s32 s1, s18;
	[sflag:s10] =	ssyncadd.s32 @!p1 $0xFFFFC180  }
0x42: {  	[tilespmem:s29], [sflag:$0x5] =	stream.linear.gather [hbm4b:s20+s19], $0x3E8, $0x38;
	[tilespmem:$0x10C18] =	vst v63  }
0x43: {  	_ =	swait.ge [sflag:s21], $0x3E8  }
0x44: {  	[sflag:s21] =	ssyncset.done $0x0  }
0x45: {  	s18 =	sadd.s32 s2, s18;
	[sflag:s21] =	ssyncadd.s32 $0xFFFFFC18  }
0x46: {  	[tilespmem:s30], [sflag:$0x5] =	stream.linear.gather [hbm4b:s18+s19], $0x3E8, $0x38;
	[tilespmem:$0x10C18] =	vst v63  }
0x47: {  	_ =	swait.ge [sflag:s21], $0x3E8  }
0x48: {  	[sflag:s21] =	ssyncset.done $0x0  }
0x49: {  	[sflag:s21] =	ssyncadd.s32 $0xFFFFFC18  }
0x4a: {  	[tilespmem:s31], [sflag:$0x2] =	stream.indirect.gather [hbm4b:s3+s26], $0x10, s29, s26, $0xb8;
	[tilespmem:$0x10C18] =	vst v63  }
0x4b: {  	_ =	swait.ge [sflag:s0], $0x3E80  }
0x4c: {  	[sflag:s0] =	ssyncset.done $0x0  }
0x4d: {  	s20 =	simm.s32 $0x0;
	[sflag:s0] =	ssyncadd.s32 $0xFFFFC180  }
0x4e: {  	v16 =	vld [tilespmem:s20+$0x4E20]  }
0x4f: {  	v17 =	vld [tilespmem:s20+$0x55F0];
	_ =	sdelay $0x6  }
0x50: {  	v16 =	vld.idx.msk [tilespmem:v16+s7+$0x0], $0xffff  }
0x51: {  	v17 =	vld.idx.msk [tilespmem:v17+s22+$0x0], $0xffff;
	_ =	sdelay $0x4  }
0x52: {  	v16 =	vadd.f32 v17, v16;
	_ =	sdelay $0x1  }
0x53: {  	v17 =	vmul.f32 $2.000000030e-01, v16;
	_ =	sdelay $0x1  }
0x54: {  	v16 =	vmax.f32 v16, v17  }
0x55: {  	v16 =	vmul.f32 $1.442695020e+00, v16;
	_ =	sdelay $0x1  }
0x56: {  	(erf) = vpow2.f32 v16;
	_ =	sdelay $0x8  }
0x57: {  	v16 =	vpop (erf)  }
0x58: {  	s18 =	simm.s32 $0x5E40;
	[tilespmem:s20+$0xDAC0] =	vst v16  }
0x59: {  	v22 =	vld [tilespmem:s18+$0xFFFFFF80]  }
0x5a: {  	v21 =	vld [tilespmem:s18+$0xFFFFFF90]  }
0x5b: {  	v20 =	vperm.xlane v16, v1;
	v19 =	vld [tilespmem:s18+$0xFFFFFFA0]  }
0x5c: {  	s19 =	simm.s32 $0x40;
	v17 =	vperm.xlane v16, v7;
	v23 =	vperm.xlane v16, v0;
	s20 =	simm.s32 $0x5E40;
	v18 =	vld [tilespmem:s18+$0xFFFFFFB0]  }
.LBB2_3:
0x5d: {  	p1 =	sne.s32 s19, $0xF40  }
0x5e: {  	v24 =	vld [tilespmem:s18+$0xFFFFFFC0];
	s20 =	sadd.s32 $0x100, s20;
	s10 =	smov.u32 s19;
	s19 =	sadd.s32 $0x40, s19  }
0x5f: {  	v22 =	vmul.f32 v22, v23;
	v23 =	vperm.xlane v16, v2;
	v25 =	vld [tilespmem:s18+$0xFFFFFFD0]  }
0x60: {  	v20 =	vmul.f32 v21, v20;
	v21 =	vperm.xlane v16, v3;
	v26 =	vld [tilespmem:s18+$0xFFFFFFE0]  }
0x61: {  	[tilespmem:s18+$0xFFFFFF80] =	vst v22;
	v19 =	vmul.f32 v19, v23;
	v22 =	vperm.xlane v16, v4;
	v23 =	vld [tilespmem:s18+$0xFFFFFFF0]  }
0x62: {  	[tilespmem:s18+$0xFFFFFF90] =	vst v20;
	v18 =	vmul.f32 v18, v21;
	v20 =	vperm.xlane v16, v5;
	v21 =	vld [tilespmem:s18+$0x0]  }
0x63: {  	[tilespmem:s18+$0xFFFFFFA0] =	vst v19;
	v19 =	vmul.f32 v24, v22;
	v22 =	vperm.xlane v16, v6;
	v24 =	vld [tilespmem:s18+$0x10]  }
0x64: {  	[tilespmem:s18+$0xFFFFFFB0] =	vst v18;
	v18 =	vmul.f32 v25, v20;
	v20 =	vld [tilespmem:s18+$0x20]  }
0x65: {  	[tilespmem:s18+$0xFFFFFFC0] =	vst v19;
	v19 =	vmul.f32 v26, v22;
	v22 =	vperm.xlane v16, v8;
	v25 =	vld [tilespmem:s18+$0x30]  }
0x66: {  	[tilespmem:s18+$0xFFFFFFD0] =	vst v18;
	v17 =	vmul.f32 v23, v17;
	v18 =	vperm.xlane v16, v9;
	v23 =	vld [tilespmem:s18+$0x40]  }
0x67: {  	[tilespmem:s18+$0xFFFFFFE0] =	vst v19;
	v19 =	vmul.f32 v21, v22;
	v21 =	vperm.xlane v16, v10;
	v22 =	vld [tilespmem:s18+$0x50]  }
0x68: {  	[tilespmem:s18+$0xFFFFFFF0] =	vst v17;
	v17 =	vmul.f32 v24, v18;
	v18 =	vperm.xlane v16, v11;
	v24 =	vld [tilespmem:s18+$0x60]  }
0x69: {  	[tilespmem:s18+$0x0] =	vst v19;
	v19 =	vmul.f32 v20, v21;
	v20 =	vperm.xlane v16, v12;
	v21 =	vld [tilespmem:s18+$0x70]  }
0x6a: {  	[tilespmem:s18+$0x10] =	vst v17;
	v17 =	vmul.f32 v25, v18;
	v18 =	vperm.xlane v16, v13  }
0x6b: {  	[tilespmem:s18+$0x20] =	vst v19;
	v19 =	vmul.f32 v23, v20;
	v20 =	vperm.xlane v16, v14  }
0x6c: {  	v16 =	vperm.xlane v16, v15;
	[tilespmem:s18+$0x30] =	vst v17;
	v17 =	vmul.f32 v22, v18  }
0x6d: {  	[tilespmem:s18+$0x40] =	vst v19;
	v18 =	vmul.f32 v24, v20  }
0x6e: {  	s10 =	sshra.s32 s10, $0x2;
	[tilespmem:s18+$0x50] =	vst v17;
	v16 =	vmul.f32 v21, v16  }
0x6f: {  	[tilespmem:s18+$0x60] =	vst v18  }
0x70: {  	[tilespmem:s18+$0x70] =	vst v16;
	s18 =	smov.u32 s20  }
0x71: {  	v16 =	vld [tilespmem:s10+$0x4E20]  }
0x72: {  	v17 =	vld [tilespmem:s10+$0x55F0];
	_ =	sdelay $0x6  }
0x73: {  	v16 =	vld.idx.msk [tilespmem:v16+s7+$0x0], $0xffff  }
0x74: {  	v17 =	vld.idx.msk [tilespmem:v17+s22+$0x0], $0xffff;
	_ =	sdelay $0x5  }
0x75: {  	v16 =	vadd.f32 v17, v16;
	_ =	sdelay $0x1  }
0x76: {  	v17 =	vmul.f32 $2.000000030e-01, v16;
	_ =	sdelay $0x1  }
0x77: {  	v16 =	vmax.f32 v16, v17  }
0x78: {  	v16 =	vmul.f32 $1.442695020e+00, v16;
	_ =	sdelay $0x1  }
0x79: {  	(erf) = vpow2.f32 v16;
	_ =	sdelay $0x8  }
0x7a: {  	v16 =	vpop (erf)  }
.Ltmp0:
0x7b: {  	[tilespmem:s10+$0xDAC0] =	vst v16;
	v20 =	vperm.xlane v16, v1;
	v17 =	vperm.xlane v16, v7;
	(pc) =	sbr.rel @p1 .LBB2_3-.Ltmp0, $4  }
0x7c: {  	v22 =	vld [tilespmem:s20+$0xFFFFFF80]  }
0x7d: {  	v21 =	vld [tilespmem:s20+$0xFFFFFF90]  }
0x7e: {  	v19 =	vld [tilespmem:s20+$0xFFFFFFA0]  }
0x7f: {  	v23 =	vperm.xlane v16, v0;
	v18 =	vld [tilespmem:s20+$0xFFFFFFB0]  }
0x80: {  	v24 =	vld [tilespmem:s18+$0xFFFFFFC0]  }
0x81: {  	v25 =	vld [tilespmem:s18+$0xFFFFFFD0];
	v22 =	vmul.f32 v22, v23;
	v23 =	vperm.xlane v16, v2  }
0x82: {  	v26 =	vld [tilespmem:s18+$0xFFFFFFE0];
	v20 =	vmul.f32 v21, v20;
	v21 =	vperm.xlane v16, v3  }
0x83: {  	[tilespmem:s18+$0xFFFFFF80] =	vst v22;
	v19 =	vmul.f32 v19, v23;
	v22 =	vperm.xlane v16, v4;
	v23 =	vld [tilespmem:s18+$0xFFFFFFF0]  }
0x84: {  	[tilespmem:s18+$0xFFFFFF90] =	vst v20;
	v18 =	vmul.f32 v18, v21;
	v20 =	vperm.xlane v16, v5;
	v21 =	vld [tilespmem:s18+$0x0]  }
0x85: {  	v61 =	vld [tilespmem:s18+$0x10];
	[tilespmem:s18+$0xFFFFFFA0] =	vst v19;
	v19 =	vmul.f32 v24, v22;
	v22 =	vperm.xlane v16, v6  }
0x86: {  	[tilespmem:s18+$0xFFFFFFB0] =	vst v18;
	v18 =	vmul.f32 v25, v20;
	v20 =	vld [tilespmem:s18+$0x20]  }
0x87: {  	v62 =	vld [tilespmem:s18+$0x30];
	[tilespmem:s18+$0xFFFFFFC0] =	vst v19;
	v19 =	vmul.f32 v26, v22;
	v22 =	vperm.xlane v16, v8  }
0x88: {  	[tilespmem:s18+$0xFFFFFFD0] =	vst v18;
	v17 =	vmul.f32 v23, v17;
	v18 =	vperm.xlane v16, v9;
	v23 =	vld [tilespmem:s18+$0x40]  }
0x89: {  	[tilespmem:s18+$0xFFFFFFE0] =	vst v19;
	v19 =	vmul.f32 v21, v22;
	v21 =	vperm.xlane v16, v10;
	v22 =	vld [tilespmem:s18+$0x50]  }
0x8a: {  	v63 =	vld [tilespmem:s18+$0x60];
	[tilespmem:s18+$0xFFFFFFF0] =	vst v17;
	v17 =	vmul.f32 v61, v18;
	v18 =	vperm.xlane v16, v11  }
0x8b: {  	[tilespmem:s18+$0x0] =	vst v19;
	v19 =	vmul.f32 v20, v21;
	v20 =	vperm.xlane v16, v12;
	v21 =	vld [tilespmem:s18+$0x70]  }
0x8c: {  	[tilespmem:s18+$0x10] =	vst v17;
	v17 =	vmul.f32 v62, v18;
	v18 =	vperm.xlane v16, v13  }
0x8d: {  	[tilespmem:s18+$0x20] =	vst v19;
	v19 =	vmul.f32 v23, v20;
	v20 =	vperm.xlane v16, v14  }
0x8e: {  	v16 =	vperm.xlane v16, v15;
	[tilespmem:s18+$0x30] =	vst v17;
	v17 =	vmul.f32 v22, v18  }
0x8f: {  	[tilespmem:s18+$0x40] =	vst v19;
	v18 =	vmul.f32 v63, v20  }
0x90: {  	[tilespmem:s18+$0x50] =	vst v17;
	v16 =	vmul.f32 v21, v16  }
0x91: {  	[tilespmem:s18+$0x60] =	vst v18  }
0x92: {  	p1 =	seq.s32 s15, $0x4;
	[tilespmem:s18+$0x70] =	vst v16  }
0x93: {  	[spmem:s5] =	stream.indirect.scatter.add.f32 [tilespmem:s4], [sflag:$0x3], $0x1, s25, s26, $0xb8;
	[tilespmem:$0x10C18] =	vst v63  }
0x94: {  	s10 =	simm.s32 @!p1 $0x3  }
0x95: {  	[spmem:s6] =	stream.indirect.scatter.add.f32 [tilespmem:s28], [sflag:$0x3], $0x10, s25, s26, $0xb8;
	[tilespmem:$0x10C18] =	vst v63  }
0x96: {  	_ =	swait.ge @!p1 [sflag:s10], $0x3E8  }
0x97: {  	[sflag:s10] =	ssyncset.done @!p1 $0x0  }
0x98: {  	[sflag:s10] =	ssyncadd.s32 @!p1 $0xFFFFFC18  }
0x99: {  	_ =	swait.ge @!p1 [sflag:s10], $0x3E80  }
0x9a: {  	s18 =	sadd.s32 @!p1 s24, s17;
	[sflag:s10] =	ssyncset.done @!p1 $0x0  }
0x9b: {  	[sflag:s10] =	ssyncadd.s32 @!p1 $0xFFFFC180;
	s10 =	sshrl.u32 @!p1 s18, $0x3  }
0x9c: {  	s19 =	simm.s32 @!p1 $0x0;
	s20 =	simm.s32 @!p1 $0x4E20;
	s18 =	sadd.s32 @!p1 s1, s10  }
0x9d: {  	[tilespmem:s20], [sflag:$0x5] =	stream.linear.gather @!p1 [hbm4b:s18+s19], $0x3E8, $0x38;
	[tilespmem:$0x10C18] =	vst v63  }
0x9e: {  	s18 =	simm.s32 @!p1 $0x5  }
0x9f: {  	_ =	swait.ge @!p1 [sflag:s18], $0x3E8  }
0xa0: {  	[sflag:s18] =	ssyncset.done @!p1 $0x0  }
0xa1: {  	s24 =	simm.s32 @!p1 $0x55F0;
	s10 =	sadd.s32 @!p1 s2, s10;
	[sflag:s18] =	ssyncadd.s32 @!p1 $0xFFFFFC18  }
0xa2: {  	[tilespmem:s24], [sflag:$0x5] =	stream.linear.gather @!p1 [hbm4b:s10+s19], $0x3E8, $0x38;
	[tilespmem:$0x10C18] =	vst v63  }
0xa3: {  	_ =	swait.ge @!p1 [sflag:s18], $0x3E8  }
0xa4: {  	[sflag:s18] =	ssyncset.done @!p1 $0x0  }
0xa5: {  	s10 =	simm.s32 @!p1 $0x3E8;
	[sflag:s18] =	ssyncadd.s32 @!p1 $0xFFFFFC18;
	s18 =	simm.s32 @!p1 $0x5DC0  }
0xa6: {  	[tilespmem:s18], [sflag:$0x1] =	stream.indirect.gather @!p1 [hbm4b:s3+s10], $0x10, s20, s10, $0xb8;
	[tilespmem:$0x10C18] =	vst v63  }
0xa7: {  	_ =	swait.ge [sflag:s8], $0x3E80  }
0xa8: {  	[sflag:s8] =	ssyncset.done $0x0  }
0xa9: {  	s24 =	simm.s32 $0x0;
	[sflag:s8] =	ssyncadd.s32 $0xFFFFC180  }
0xaa: {  	v16 =	vld [tilespmem:s24+$0x5208]  }
0xab: {  	v17 =	vld [tilespmem:s24+$0x59D8];
	_ =	sdelay $0x6  }
0xac: {  	v16 =	vld.idx.msk [tilespmem:v16+s7+$0x0], $0xffff  }
0xad: {  	v17 =	vld.idx.msk [tilespmem:v17+s22+$0x0], $0xffff;
	_ =	sdelay $0x4  }
0xae: {  	v16 =	vadd.f32 v17, v16;
	_ =	sdelay $0x1  }
0xaf: {  	v17 =	vmul.f32 $2.000000030e-01, v16;
	_ =	sdelay $0x1  }
0xb0: {  	v16 =	vmax.f32 v16, v17  }
0xb1: {  	v16 =	vmul.f32 $1.442695020e+00, v16;
	_ =	sdelay $0x1  }
0xb2: {  	(erf) = vpow2.f32 v16;
	_ =	sdelay $0x8  }
0xb3: {  	v16 =	vpop (erf)  }
0xb4: {  	s18 =	simm.s32 $0x9D30;
	[tilespmem:s24+$0xDEA8] =	vst v16  }
0xb5: {  	v22 =	vld [tilespmem:s18+$0xFFFFFF10]  }
0xb6: {  	v21 =	vld [tilespmem:s18+$0xFFFFFF20]  }
0xb7: {  	v20 =	vperm.xlane v16, v1;
	v19 =	vld [tilespmem:s18+$0xFFFFFF30]  }
0xb8: {  	s19 =	simm.s32 $0x40;
	s20 =	simm.s32 $0x9D30;
	v17 =	vperm.xlane v16, v7;
	v23 =	vperm.xlane v16, v0;
	v18 =	vld [tilespmem:s18+$0xFFFFFF40]  }
.LBB2_5:
0xb9: {  	p1 =	sne.s32 s19, $0xF40  }
0xba: {  	v24 =	vld [tilespmem:s18+$0xFFFFFF50];
	s20 =	sadd.s32 $0x100, s20;
	s10 =	smov.u32 s19;
	s19 =	sadd.s32 $0x40, s19  }
0xbb: {  	v22 =	vmul.f32 v22, v23;
	v23 =	vperm.xlane v16, v2;
	v25 =	vld [tilespmem:s18+$0xFFFFFF60]  }
0xbc: {  	v20 =	vmul.f32 v21, v20;
	v21 =	vperm.xlane v16, v3;
	v26 =	vld [tilespmem:s18+$0xFFFFFF70]  }
0xbd: {  	[tilespmem:s18+$0xFFFFFF10] =	vst v22;
	v19 =	vmul.f32 v19, v23;
	v22 =	vperm.xlane v16, v4;
	v23 =	vld [tilespmem:s18+$0xFFFFFF80]  }
0xbe: {  	[tilespmem:s18+$0xFFFFFF20] =	vst v20;
	v18 =	vmul.f32 v18, v21;
	v20 =	vperm.xlane v16, v5;
	v21 =	vld [tilespmem:s18+$0xFFFFFF90]  }
0xbf: {  	[tilespmem:s18+$0xFFFFFF30] =	vst v19;
	v19 =	vmul.f32 v24, v22;
	v22 =	vperm.xlane v16, v6;
	v24 =	vld [tilespmem:s18+$0xFFFFFFA0]  }
0xc0: {  	[tilespmem:s18+$0xFFFFFF40] =	vst v18;
	v18 =	vmul.f32 v25, v20;
	v20 =	vld [tilespmem:s18+$0xFFFFFFB0]  }
0xc1: {  	[tilespmem:s18+$0xFFFFFF50] =	vst v19;
	v19 =	vmul.f32 v26, v22;
	v22 =	vperm.xlane v16, v8;
	v25 =	vld [tilespmem:s18+$0xFFFFFFC0]  }
0xc2: {  	[tilespmem:s18+$0xFFFFFF60] =	vst v18;
	v17 =	vmul.f32 v23, v17;
	v18 =	vperm.xlane v16, v9;
	v23 =	vld [tilespmem:s18+$0xFFFFFFD0]  }
0xc3: {  	[tilespmem:s18+$0xFFFFFF70] =	vst v19;
	v19 =	vmul.f32 v21, v22;
	v21 =	vperm.xlane v16, v10;
	v22 =	vld [tilespmem:s18+$0xFFFFFFE0]  }
0xc4: {  	[tilespmem:s18+$0xFFFFFF80] =	vst v17;
	v17 =	vmul.f32 v24, v18;
	v18 =	vperm.xlane v16, v11;
	v24 =	vld [tilespmem:s18+$0xFFFFFFF0]  }
0xc5: {  	[tilespmem:s18+$0xFFFFFF90] =	vst v19;
	v19 =	vmul.f32 v20, v21;
	v20 =	vperm.xlane v16, v12;
	v21 =	vld [tilespmem:s18+$0x0]  }
0xc6: {  	[tilespmem:s18+$0xFFFFFFA0] =	vst v17;
	v17 =	vmul.f32 v25, v18;
	v18 =	vperm.xlane v16, v13  }
0xc7: {  	[tilespmem:s18+$0xFFFFFFB0] =	vst v19;
	v19 =	vmul.f32 v23, v20;
	v20 =	vperm.xlane v16, v14  }
0xc8: {  	v16 =	vperm.xlane v16, v15;
	[tilespmem:s18+$0xFFFFFFC0] =	vst v17;
	v17 =	vmul.f32 v22, v18  }
0xc9: {  	[tilespmem:s18+$0xFFFFFFD0] =	vst v19;
	v18 =	vmul.f32 v24, v20  }
0xca: {  	s10 =	sshra.s32 s10, $0x2;
	[tilespmem:s18+$0xFFFFFFE0] =	vst v17;
	v16 =	vmul.f32 v21, v16  }
0xcb: {  	[tilespmem:s18+$0xFFFFFFF0] =	vst v18  }
0xcc: {  	[tilespmem:s18+$0x0] =	vst v16;
	s18 =	smov.u32 s20  }
0xcd: {  	v16 =	vld [tilespmem:s10+$0x5208]  }
0xce: {  	v17 =	vld [tilespmem:s10+$0x59D8];
	_ =	sdelay $0x6  }
0xcf: {  	v16 =	vld.idx.msk [tilespmem:v16+s7+$0x0], $0xffff  }
0xd0: {  	v17 =	vld.idx.msk [tilespmem:v17+s22+$0x0], $0xffff;
	_ =	sdelay $0x5  }
0xd1: {  	v16 =	vadd.f32 v17, v16;
	_ =	sdelay $0x1  }
0xd2: {  	v17 =	vmul.f32 $2.000000030e-01, v16;
	_ =	sdelay $0x1  }
0xd3: {  	v16 =	vmax.f32 v16, v17  }
0xd4: {  	v16 =	vmul.f32 $1.442695020e+00, v16;
	_ =	sdelay $0x1  }
0xd5: {  	(erf) = vpow2.f32 v16;
	_ =	sdelay $0x8  }
0xd6: {  	v16 =	vpop (erf)  }
.Ltmp1:
0xd7: {  	[tilespmem:s10+$0xDEA8] =	vst v16;
	v20 =	vperm.xlane v16, v1;
	v17 =	vperm.xlane v16, v7;
	(pc) =	sbr.rel @p1 .LBB2_5-.Ltmp1, $4  }
0xd8: {  	v22 =	vld [tilespmem:s20+$0xFFFFFF10]  }
0xd9: {  	v21 =	vld [tilespmem:s20+$0xFFFFFF20]  }
0xda: {  	v19 =	vld [tilespmem:s20+$0xFFFFFF30]  }
0xdb: {  	v23 =	vperm.xlane v16, v0;
	v18 =	vld [tilespmem:s20+$0xFFFFFF40]  }
0xdc: {  	v24 =	vld [tilespmem:s18+$0xFFFFFF50]  }
0xdd: {  	v36 =	vperm.xlane v16, v2;
	v25 =	vld [tilespmem:s18+$0xFFFFFF60];
	v22 =	vmul.f32 v22, v23  }
0xde: {  	v37 =	vperm.xlane v16, v3;
	v26 =	vld [tilespmem:s18+$0xFFFFFF70];
	v20 =	vmul.f32 v21, v20  }
0xdf: {  	v38 =	vperm.xlane v16, v4;
	v39 =	vld [tilespmem:s18+$0xFFFFFF80];
	[tilespmem:s18+$0xFFFFFF10] =	vst v22;
	v19 =	vmul.f32 v19, v36  }
0xe0: {  	v40 =	vperm.xlane v16, v5;
	v41 =	vld [tilespmem:s18+$0xFFFFFF90];
	[tilespmem:s18+$0xFFFFFF20] =	vst v20;
	v18 =	vmul.f32 v18, v37  }
0xe1: {  	v43 =	vperm.xlane v16, v6;
	v46 =	vld [tilespmem:s18+$0xFFFFFFB0];
	[tilespmem:s18+$0xFFFFFF30] =	vst v19;
	v42 =	vmul.f32 v24, v38  }
0xe2: {  	v48 =	vperm.xlane v16, v8;
	v51 =	vld [tilespmem:s18+$0xFFFFFFD0];
	v45 =	vmul.f32 v25, v40;
	[tilespmem:s18+$0xFFFFFF40] =	vst v18  }
0xe3: {  	v44 =	vld [tilespmem:s18+$0xFFFFFFA0];
	v50 =	vperm.xlane v16, v9;
	v47 =	vmul.f32 v26, v43;
	[tilespmem:s18+$0xFFFFFF50] =	vst v42  }
0xe4: {  	v53 =	vperm.xlane v16, v10;
	v56 =	vld [tilespmem:s18+$0xFFFFFFF0];
	v17 =	vmul.f32 v39, v17;
	[tilespmem:s18+$0xFFFFFF60] =	vst v45  }
0xe5: {  	v49 =	vld [tilespmem:s18+$0xFFFFFFC0];
	v58 =	vperm.xlane v16, v12;
	v52 =	vmul.f32 v41, v48;
	[tilespmem:s18+$0xFFFFFF70] =	vst v47  }
0xe6: {  	v55 =	vperm.xlane v16, v11;
	v59 =	vld [tilespmem:s18+$0x0];
	v57 =	vmul.f32 v46, v53;
	[tilespmem:s18+$0xFFFFFF80] =	vst v17  }
0xe7: {  	v54 =	vld [tilespmem:s18+$0xFFFFFFE0];
	v62 =	vperm.xlane v16, v14;
	v61 =	vmul.f32 v51, v58;
	[tilespmem:s18+$0xFFFFFF90] =	vst v52  }
0xe8: {  	v60 =	vperm.xlane v16, v13;
	v17 =	vmul.f32 v44, v50;
	[tilespmem:s18+$0xFFFFFFB0] =	vst v57  }
0xe9: {  	v16 =	vperm.xlane v16, v15;
	v63 =	vmul.f32 v56, v62;
	[tilespmem:s18+$0xFFFFFFD0] =	vst v61  }
0xea: {  	[tilespmem:s18+$0xFFFFFFA0] =	vst v17;
	v17 =	vmul.f32 v49, v55  }
0xeb: {  	s15 =	sadd.s32 $0x1, s15;
	v16 =	vmul.f32 v59, v16;
	[tilespmem:s18+$0xFFFFFFF0] =	vst v63  }
0xec: {  	p1 =	sne.s32 s15, $0x5;
	[tilespmem:s18+$0xFFFFFFC0] =	vst v17;
	v17 =	vmul.f32 v54, v60  }
.Ltmp2:
0xed: {  	[tilespmem:s18+$0x0] =	vst v16;
	(pc) =	sbr.rel @p1 .LBB2_2-.Ltmp2, $4  }
0xee: {  	[tilespmem:s18+$0xFFFFFFE0] =	vst v17  }
0xef: {  	[spmem:s5] =	stream.indirect.scatter.add.f32 [tilespmem:s9], [sflag:$0x4], $0x1, s30, s26, $0xb8;
	[tilespmem:$0x10C18] =	vst v63  }
0xf0: {  	_ = 	snop  }
0xf1: {  	[spmem:s6] =	stream.indirect.scatter.add.f32 [tilespmem:s31], [sflag:$0x4], $0x10, s30, s26, $0xb8;
	[tilespmem:$0x10C18] =	vst v63  }
0xf2: {  	s10 =	simm.s32 $0x3  }
0xf3: {  	_ =	swait.ge [sflag:s10], $0x3E8  }
0xf4: {  	[sflag:s10] =	ssyncset.done $0x0  }
0xf5: {  	[sflag:s10] =	ssyncadd.s32 $0xFFFFFC18  }
0xf6: {  	_ =	swait.ge [sflag:s10], $0x3E80  }
0xf7: {  	[sflag:s10] =	ssyncset.done $0x0  }
0xf8: {  	[sflag:s10] =	ssyncadd.s32 $0xFFFFC180  }
0xf9: {  	_ =	swait.ge [sflag:s11], $0x3E8  }
0xfa: {  	[sflag:s11] =	ssyncset.done $0x0  }
0xfb: {  	[sflag:s11] =	ssyncadd.s32 $0xFFFFFC18  }
0xfc: {  	_ =	swait.ge [sflag:s11], $0x3E80  }
0xfd: {  	[sflag:s11] =	ssyncset.done $0x0  }
0xfe: {  	[sflag:s11] =	ssyncadd.s32 $0xFFFFC180  }
0xff: {  	[bflag:$0x0] =	sbarrier.arrive $0xFFFF  }
0x100: {  	s10 =	rddreg [dreg:$0xf]  }
0x101: {  	[hbm:s10], [sflag:s23] =	dma.local @!p0 [spmem:s13], $0x7D  }
0x102: {  	s10 =	simm.s32 @!p0 $0x5  }
0x103: {  	_ =	swait.ge @!p0 [sflag:s10], $0x7D  }
0x104: {  	[sflag:s10] =	ssyncset.done @!p0 $0x0  }
0x105: {  	s13 =	rddreg [dreg:$0x10];
	[sflag:s10] =	ssyncadd.s32 @!p0 $0xFFFFFF83  }
0x106: {  	[hbm:s13], [sflag:s23] =	dma.local @!p0 [spmem:s14], $0x7D0  }
0x107: {  	_ =	swait.ge @!p0 [sflag:s10], $0x7D0  }
0x108: {  	s12 =	sadd.s32 $0x1, s12;
	s24 =	rddreg [dreg:$0x11]  }
0x109: {  	p1 =	sne.s32 s12, s24  }
.Ltmp3:
0x10a: {  	_ = 	snop;
	(pc) =	sbr.rel @p1 .LBB2_1-.Ltmp3, $3  }
0x10b: {  	_ =	sdelay $0x1  }
0x10c: {  	[sflag:s10] =	ssyncset.done @!p0 $0x0  }
0x10d: {  	[sflag:s10] =	ssyncadd.s32 @!p0 $0xFFFFF830  }
0x10e: {  	_ =	sfence.sel $0x180000  }
0x10f: {  	[bflag:$0x0] =	sbarrier.arrive $0xFFFF  }
0x110: {  	_ =	strace $0x9000004A  }
0x111: {  	s0 =	stileid.u32;
	[bflag:$0x2] =	sbarrier.arrive $0xFFFF  }
0x112: {  	p0 =	sne.s32 s0, $0x0;
	s0 =	rddreg [dreg:$0x6]  }
0x113: {  	s0 =	sadd.s32 @!p0 $0x100000, s0  }
0x114: {  	[sflag:s0] =	ssyncadd.tile.s32 @!p0 $0x1;
	_ =	shalt  }
.Lfunc_end2:
_tile_overlayer_lowered:
.L_overlay_start_2:
0x115: {  	(tag) =	ssettag $0x2  }
0x116: {  	s0 =	rddreg [dreg:$0x0];
	s2 =	stileid.u32  }
0x117: {  	s1 =	rddreg [dreg:$0x1];
	p0 =	sne.s32 s2, $0x0  }
0x118: {  	s3 =	rddreg [dreg:$0x2];
	[bflag:$0x3] =	sbarrier.arrive $0xFFFF;
	s2 =	simm.s32 @!p0 $0x1C05  }
0x119: {  	[timem:s3], [sflag:s2] =	dma.local @!p0 [hbm:s0], s1  }
0x11a: {  	s0 =	simm.s32 @!p0 $0x5  }
0x11b: {  	_ =	swait.ge @!p0 [sflag:s0], s1  }
0x11c: {  	s1 =	ssub.s32 @!p0 $0x0, s1;
	[sflag:s0] =	ssyncset.done @!p0 $0x0  }
0x11d: {  	[sflag:s0] =	ssyncadd.s32 @!p0 s1  }
0x11e: {  	[bflag:$0x3] =	sbarrier.arrive $0xFFFF  }
0x11f: {  	_ =	shalt  }

// kernel: _run.8.cloned.1.call-start
scs
__scs_entry_jumppad:
0x0: {  	(pc) =	sbr.rel $0x88, $3  }
0x1: {  	(tag) =	ssettag $0x0;
	lr =	simm.s32 $0x1  }
0x2: {  	[smem:$0x3F99] =	sst lr;
	_ =	strace $0xD0000000  }
0x3: {  	_ = 	snop  }
0x4: {  	_ = 	snop  }
0x5: {  	_ = 	snop  }
0x6: {  	_ = 	snop  }
0x7: {  	_ = 	snop  }
__scs_overlays_trampoline_lowered:
0x8: {  	[smem:$0x3FA8] =	sst s0  }
0x9: {  	[smem:$0x3FA9] =	sst s1  }
0xa: {  	[smem:$0x3FAA] =	sst s2  }
0xb: {  	[smem:$0x3FAB] =	sst s3  }
0xc: {  	[smem:$0x3FAC] =	sst s4  }
0xd: {  	[smem:$0x3FAD] =	sst s5  }
0xe: {  	[smem:$0x3FAE] =	sst s6  }
0xf: {  	[smem:$0x3FAF] =	sst s7  }
0x10: {  	[smem:$0x3FB0] =	sst s8  }
0x11: {  	[smem:$0x3FB1] =	sst s9;
	s0 =	simm.s32 @!p0 $0x0  }
0x12: {  	s1 =	sld [smem:$0x3F97];
	s0 =	simm.s32 @p0 $0x1  }
0x13: {  	[smem:$0x3FB2] =	sst s0;
	s0 =	simm.s32 @!p1 $0x0  }
0x14: {  	s2 =	sld [smem:$0x3F96];
	s0 =	simm.s32 @p1 $0x1  }
0x15: {  	[smem:$0x3FB3] =	sst s0;
	s0 =	simm.s32 @!p2 $0x0  }
0x16: {  	s3 =	sld [smem:$0x3FDB];
	s0 =	simm.s32 @p2 $0x1  }
0x17: {  	s4 =	simm.s32 $0x1BF5;
	[smem:$0x3FB5] =	sst s0  }
0x18: {  	s0 =	sld [smem:$0x3F98];
	_ =	swait.ge [sflag:s4], $0x0  }
0x19: {  	s7 =	sld [smem:$0x3F99]  }
0x1a: {  	s8 =	sadd.s32 $0xFFFFE003, lr  }
0x1b: {  	s9 =	sadd.s32 $0xFFFFFEF7, lr;
	s5 =	simm.s32 $0xFFFFFFFF;
	p2 =	slt.u32 s8, $0xFFFFF086  }
0x1c: {  	p1 =	slt.u32 s9, $0xF7A;
	s5 =	simm.s32 @!p2 $0x0  }
0x1d: {  	s5 =	simm.s32 @p1 $0x1;
	p0 =	seq.s32 s7, s2  }
0x1e: {  	s7 =	smul.u32 @!p0 $0xF7A, s2;
	p2 =	seq.s32 @!p0 s5, $0x0  }
0x1f: {  	s9 =	smul.u32 $0xF7A, s1;
	s8 =	simm.s32 @!p0 $0x1BF5;
	p2 =	por !p2, p0  }
0x20: {  	[sflag:s8] =	ssyncset.s32 @!p0 $0xFFFFF086;
	s6 =	sadd.s32 @!p0 s3, s7;
	s7 =	simm.s32 @!p0 $0x108  }
0x21: {  	s3 =	sadd.s32 s3, s9;
	s6 =	sadd.s32 @!p0 $0x88, s6;
	s7 =	simm.s32 @p2 $0x1082  }
0x22: {  	[simem:s7], [sflag:s8] =	dma.local @!p0 [hbm:s6], $0xF7A  }
0x23: {  	s9 =	sor.u32 $0xD0000000, s2;
	s6 =	simm.s32 $0x108;
	_ =	swait.ge @!p0 [sflag:s8], $0x0  }
0x24: {  	s3 =	sadd.s32 $0x88, s3;
	s6 =	simm.s32 @!p1 $0x1082;
	[sflag:s4] =	ssyncset.s32 $0xFFFFF086  }
0x25: {  	[simem:s6], [sflag:s4] =	dma.local [hbm:s3], $0xF7A  }
0x26: {  	[smem:$0x3F99] =	sst s1;
	(tag) =	ssettag s2;
	_ =	strace s9  }
0x27: {  	s1 =	sld [smem:$0x3FA9]  }
0x28: {  	s2 =	sld [smem:$0x3FAA]  }
0x29: {  	s4 =	sld [smem:$0x3FAC]  }
0x2a: {  	p0 =	seq.s32 s5, $0x0;
	s5 =	sld [smem:$0x3FAD]  }
0x2b: {  	s6 =	sld [smem:$0x3FAE]  }
0x2c: {  	s7 =	sld [smem:$0x3FAF]  }
0x2d: {  	s3 =	simm.s32 $0x108;
	s8 =	sld [smem:$0x3FB0]  }
0x2e: {  	s3 =	simm.s32 @!p0 $0x1082;
	s9 =	sld [smem:$0x3FB1]  }
0x2f: {  	lr =	sadd.s32 s0, s3;
	s0 =	sld [smem:$0x3FA8]  }
0x30: {  	s3 =	sld [smem:$0x3FAB]  }
0x31: {  	[smem:$0x3FB4] =	sst s10  }
0x32: {  	s10 =	sld [smem:$0x3FB2];
	_ =	sdelay $0x3  }
0x33: {  	p0 =	seq.s32 s10, $0x1;
	s10 =	sld [smem:$0x3FB4];
	_ =	sdelay $0x3  }
0x34: {  	[smem:$0x3FB4] =	sst s10  }
0x35: {  	s10 =	sld [smem:$0x3FB3];
	_ =	sdelay $0x3  }
0x36: {  	p1 =	seq.s32 s10, $0x1;
	s10 =	sld [smem:$0x3FB4];
	_ =	sdelay $0x3  }
0x37: {  	[smem:$0x3FB4] =	sst s10  }
0x38: {  	s10 =	sld [smem:$0x3FB5]  }
0x39: {  	_ = 	snop;
	(pc) =	sbr.ind lr, $3  }
0x3a: {  	_ = 	snop  }
0x3b: {  	_ = 	snop  }
0x3c: {  	p2 =	seq.s32 s10, $0x1;
	s10 =	sld [smem:$0x3FB4]  }
0x3d: {  	_ =	shalt  }
0x3e: {  	_ =	shalt  }
0x3f: {  	_ =	shalt  }
0x40: {  	_ =	shalt  }
0x41: {  	_ =	shalt  }
0x42: {  	_ =	shalt  }
0x43: {  	_ =	shalt  }
0x44: {  	_ =	shalt  }
0x45: {  	_ =	shalt  }
0x46: {  	_ =	shalt  }
0x47: {  	_ =	shalt  }
0x48: {  	_ =	shalt  }
0x49: {  	_ =	shalt  }
0x4a: {  	_ =	shalt  }
0x4b: {  	_ =	shalt  }
0x4c: {  	_ =	shalt  }
0x4d: {  	_ =	shalt  }
0x4e: {  	_ =	shalt  }
0x4f: {  	_ =	shalt  }
0x50: {  	_ =	shalt  }
0x51: {  	_ =	shalt  }
0x52: {  	_ =	shalt  }
0x53: {  	_ =	shalt  }
0x54: {  	_ =	shalt  }
0x55: {  	_ =	shalt  }
0x56: {  	_ =	shalt  }
0x57: {  	_ =	shalt  }
0x58: {  	_ =	shalt  }
0x59: {  	_ =	shalt  }
0x5a: {  	_ =	shalt  }
0x5b: {  	_ =	shalt  }
0x5c: {  	_ =	shalt  }
0x5d: {  	_ =	shalt  }
0x5e: {  	_ =	shalt  }
0x5f: {  	_ =	shalt  }
0x60: {  	_ =	shalt  }
0x61: {  	_ =	shalt  }
0x62: {  	_ =	shalt  }
0x63: {  	_ =	shalt  }
0x64: {  	_ =	shalt  }
0x65: {  	_ =	shalt  }
0x66: {  	_ =	shalt  }
0x67: {  	_ =	shalt  }
0x68: {  	_ =	shalt  }
0x69: {  	_ =	shalt  }
0x6a: {  	_ =	shalt  }
0x6b: {  	_ =	shalt  }
0x6c: {  	_ =	shalt  }
0x6d: {  	_ =	shalt  }
0x6e: {  	_ =	shalt  }
0x6f: {  	_ =	shalt  }
0x70: {  	_ =	shalt  }
0x71: {  	_ =	shalt  }
0x72: {  	_ =	shalt  }
0x73: {  	_ =	shalt  }
0x74: {  	_ =	shalt  }
0x75: {  	_ =	shalt  }
0x76: {  	_ =	shalt  }
0x77: {  	_ =	shalt  }
0x78: {  	_ =	shalt  }
0x79: {  	_ =	shalt  }
0x7a: {  	_ =	shalt  }
0x7b: {  	_ =	shalt  }
0x7c: {  	_ =	shalt  }
0x7d: {  	_ =	shalt  }
0x7e: {  	_ =	shalt  }
0x7f: {  	_ =	shalt  }
0x80: {  	_ =	shalt  }
0x81: {  	_ =	shalt  }
0x82: {  	_ =	shalt  }
0x83: {  	_ =	shalt  }
0x84: {  	_ =	shalt  }
0x85: {  	_ =	shalt  }
0x86: {  	_ =	shalt  }
0x87: {  	_ =	shalt  }
.Lfunc_end0:
.L_simem_size_0:
called_computation_lowered:
.L_overlay_start_0:
0x88: {  	s2 =	sld [smem:$0x3FD9]  }
0x89: {  	s3 =	sld [smem:$0x3FFE];
	_ =	sdelay $0x1  }
0x8a: {  	s1 =	srdreg.scid  }
0x8b: {  	s0 =	sand.u32 $0x1, s1  }
0x8c: {  	s17 =	sshll.u32 s0, $0xA;
	s2 =	sadd.s32 s3, s2  }
0x8d: {  	s2 =	sadd.s32 s2, s17  }
0x8e: {  	[smem:$0x3FC0] =	sst s2  }
0x8f: {  	_ = 	snop  }
0x90: {  	s2 =	sld [smem:$0x3FC8]  }
0x91: {  	s18 =	sld [smem:$0x3FC7]  }
0x92: {  	s4 =	sld [smem:$0x3FD0];
	(tm) =	ssettm $0x1  }
0x93: {  	s5 =	sld [smem:$0x3FFB];
	_ =	sdelay $0x3  }
0x94: {  	_ =	strace s5  }
0x95: {  	s5 =	sld [smem:$0x3FFC];
	_ =	sdelay $0x3  }
0x96: {  	_ =	strace s5  }
0x97: {  	s5 =	sld [smem:$0x3FFD];
	_ =	sdelay $0x3  }
0x98: {  	_ =	strace s5  }
0x99: {  	_ =	strace $0x8FFFFFFF  }
0x9a: {  	s19 =	sld [smem:$0x3FDB];
	_ =	sdelay $0x1  }
0x9b: {  	s6 =	simm.s32 $_scs_section_size  }
0x9c: {  	s7 =	simm.s32 $_size__tile_overlayer_lowered;
	s8 =	simm.s32 $_tile_overlayer_lowered  }
0x9d: {  	s22 =	simm.s32 $0x1BFF;
	s21 =	sshll.u32 s8, $0x1;
	s5 =	sadd.s32 s6, s19  }
0x9e: {  	s9 =	simm.s32 $0x0;
	s20 =	sshll.u32 s7, $0x1;
	s7 =	sadd.s32 s21, s5  }
0x9f: {  	[timem:s9], [sflag:s22] =	dma.local [hbm:s7], s20  }
0xa0: {  	_ =	swait.ge [sflag:s22], s20  }
0xa1: {  	s6 =	ssub.s32 $0x0, s20;
	[sflag:s22] =	ssyncset.done $0x0  }
0xa2: {  	[sflag:s22] =	ssyncadd.s32 s6;
	_ =	sdelay $0x1  }
0xa3: {  	s23 =	simm.s32 $0x1B8B  }
0xa4: {  	_ =	swait.ge [sflag:s23], $0x1  }
0xa5: {  	[sflag:s23] =	ssyncset.done $0x0  }
0xa6: {  	s25 =	simm.s32 $0x1B8E;
	s24 =	sld [smem:$0x3FFE];
	[sflag:s23] =	ssyncadd.s32 $0xFFFFFFFF  }
0xa7: {  	s26 =	simm.s32 $execute0_lowered;
	[smem:$0x3FD2] =	sst s25  }
0xa8: {  	s7 =	sshll.u32 s26, $0x1;
	_ =	strace $0x80000046;
	[dreg:$0x1] =	wrdreg $0xFFFFFFFF  }
0xa9: {  	s28 =	simm.s32 $_size_execute0_lowered;
	s5 =	sadd.s32 s5, s7;
	[dreg:$0x0] =	wrdreg $0x0  }
0xaa: {  	s7 =	sshll.u32 s28, $0x1;
	[dreg:$0x2] =	wrdreg s5  }
0xab: {  	[dreg:$0x3] =	wrdreg s7  }
0xac: {  	[dreg:$0x4] =	wrdreg $0xC0  }
0xad: {  	_ =	task [dreg:s9], $0x5FFFF  }
0xae: {  	[dreg:$0x1] =	wrdreg $0xFFFFFFFF  }
0xaf: {  	[dreg:$0x0] =	wrdreg $0x60  }
0xb0: {  	[dreg:$0x2] =	wrdreg s2  }
0xb1: {  	[dreg:$0x3] =	wrdreg s18  }
0xb2: {  	[dreg:$0x4] =	wrdreg s24  }
0xb3: {  	[dreg:$0x5] =	wrdreg s4  }
0xb4: {  	[dreg:$0x6] =	wrdreg $0x132400  }
0xb5: {  	[dreg:$0x7] =	wrdreg $0x9  }
0xb6: {  	_ =	task.clear_ibuf [dreg:s9], $0x8FFFF;
	_ =	strace $0x90000046  }
0xb7: {  	s29 =	simm.s32 $0x9;
	_ =	strace $0x80000048  }
0xb8: {  	_ =	swait.ge [sflag:s29], $0x1  }
0xb9: {  	[sflag:s29] =	ssyncadd.s32 $0xFFFFFFFF  }
0xba: {  	_ =	strace $0x90000048  }
0xbb: {  	_ =	sfence  }
0xbc: {  	s30 =	sld [smem:$0x0];
	_ =	sdelay $0x2  }
0xbd: {  	s31 =	sshll.u32 s1, $0xD;
	s1 =	sshrl.u32 s1, $0x2  }
0xbe: {  	s3 =	sand.u32 $0x4000, s31;
	s1 =	sadd.s32 s1, s30  }
0xbf: {  	s0 =	sor.u32 s3, s0;
	s1 =	sshll.u32 s1, $0x11  }
0xc0: {  	s0 =	sor.u32 s1, s0  }
0xc1: {  	s0 =	sadd.s32 $0x8F2B, s0  }
0xc2: {  	[sflag:s0] =	ssyncadd.remote.s32 $0x1  }
0xc3: {  	_ =	sfence.sel $0xFFFF  }
0xc4: {  	[dreg:$0x0] =	wrdreg $0xFFFFFFFF;
	(pc) =	sbr.abs _section_cstart, $3  }
0xc5: {  	[dreg:$0x1] =	wrdreg $0xFFFFFFFF  }
0xc6: {  	_ =	task.clear_ibuf [dreg:s9], $0x2FFFF;
	_ =	strace $0x9FFFFFFF  }
0xc7: {  	(tm) =	ssettm $0x7FFFFFFF  }
tec
execute0_lowered:
.L_overlay_start_1:
0x0: {  	(tag) =	ssettag $0x1  }
0x1: {  	s1 =	rddreg [dreg:$0x0]  }
0x2: {  	s2 =	rddreg [dreg:$0x1]  }
0x3: {  	s0 =	rddreg [dreg:$0x2]  }
0x4: {  	s4 =	rddreg [dreg:$0x3]  }
0x5: {  	s5 =	rddreg [dreg:$0x4]  }
0x6: {  	s6 =	simm.s32 $0x0;
	s15 =	stileid.u32;
	s3 =	srdreg.scid  }
0x7: {  	s17 =	simm.s32 $0x5;
	s18 =	simm.s32 $0x320;
	s19 =	simm.s32 $0x190  }
0x8: {  	s21 =	simm.s32 $0x3840;
	s22 =	simm.s32 $0x1;
	s23 =	simm.s32 $0x2  }
0x9: {  	s24 =	simm.s32 $0x4B0;
	s25 =	simm.s32 $0xB540;
	s28 =	simm.s32 $0x3  }
0xa: {  	s29 =	simm.s32 $0x0;
	[smem:$0x7FF] =	sst s6;
	s9 =	smul.u32 $0x13880, s15  }
0xb: {  	s3 =	sand.u32 $0x1, s3;
	s7 =	sadd.s32 $0x1000, s0;
	s11 =	sshll.u32 s15, $0x1  }
0xc: {  	p0 =	sgt.u32 s15, $0x9;
	_ =	strace $0x80000047;
	s8 =	smul.u32 $0xC3500, s3  }
0xd: {  	s12 =	ssub.s32 $0x2, s3;
	s3 =	sor.u32 s3, s11;
	s10 =	sshrl.u32 s9, $0x3  }
0xe: {  	s13 =	sshrl.u32 s12, $0x1;
	s16 =	sadd.s32 s9, s5;
	s8 =	sadd.s32 s9, s8  }
0xf: {  	s30 =	sadd.s32 s10, s0;
	s26 =	sshrl.u32 s8, $0x3;
	s8 =	smul.u32 $0x2710, s3  }
.Ltmp0:
0x10: {  	s14 =	ssub.s32 s12, s13;
	s16 =	sshrl.u32 @!p0 s16, $0x3;
	(pc) =	sbr.rel .LBB2_1-.Ltmp0, $4  }
0x11: {  	s3 =	sadd.s32 $0x19800, s30;
	s14 =	smax.u32 s14, $0x1;
	s0 =	sadd.s32 s26, s0  }
0x12: {  	v0 =	vlaneseq.u32;
	[dreg:$0x6] =	wrdreg s3;
	s26 =	simm.s32 $0x4;
	s31 =	sshrl.u32 s8, $0x3  }
0x13: {  	v0 =	vshrl.u32 v0, $0x3;
	s12 =	sadd.s32 $0x320, s8;
	s13 =	sadd.s32 $0x32000, s0;
	s0 =	sshll.u32 @!p0 s15, $0x6  }
0x14: {  	v1 =	vor.u32 $0x2, v0;
	v2 =	vor.u32 $0x4, v0;
	v3 =	vor.u32 $0x6, v0;
	s10 =	sadd.s32 s1, s31;
	s11 =	sadd.s32 s2, s31;
	s15 =	sor.u32 @!p0 $0x1C05, s0  }
.LBB2_9:
0x15: {  	_ =	swait.ge [sflag:s26], $0x7D00  }
0x16: {  	[sflag:s26] =	ssyncset.done $0x0  }
0x17: {  	[sflag:s26] =	ssyncadd.s32 $0xFFFF8300  }
0x18: {  	_ =	swait.ge [sflag:s28], $0x7D00  }
0x19: {  	s29 =	sadd.s32 $0x1, s29;
	[sflag:s28] =	ssyncset.done $0x0  }
0x1a: {  	p1 =	sne.s32 s29, s14;
	[sflag:s28] =	ssyncadd.s32 $0xFFFF8300  }
.Ltmp1:
0x1b: {  	s0 =	simm.s32 @!p0 $0x5;
	[bflag:$0x0] =	sbarrier.arrive $0xFFFF;
	(pc) =	sbr.rel @!p1 .LBB2_10-.Ltmp1, $4  }
0x1c: {  	[hbm:s13], [sflag:s15] =	dma.local @!p0 [spmem:s16], $0x2710  }
0x1d: {  	_ =	swait.ge @!p0 [sflag:s0], $0x2710  }
0x1e: {  	[sflag:s0] =	ssyncset.done @!p0 $0x0  }
0x1f: {  	[sflag:s0] =	ssyncadd.s32 @!p0 $0xFFFFD8F0  }
.LBB2_1:
0x20: {  	s0 =	rddreg [dreg:$0x6]  }
0x21: {  	[spmem:s16], [sflag:s15] =	dma.local @!p0 [hbm:s0], $0x2710  }
0x22: {  	s0 =	simm.s32 @!p0 $0x5  }
0x23: {  	_ =	swait.ge @!p0 [sflag:s0], $0x2710  }
0x24: {  	[sflag:s0] =	ssyncset.done @!p0 $0x0  }
0x25: {  	[sflag:s0] =	ssyncadd.s32 @!p0 $0xFFFFD8F0  }
0x26: {  	[bflag:$0x0] =	sbarrier.arrive $0xFFFF  }
0x27: {  	[tilespmem:s6], [sflag:$0x5] =	stream.linear.gather [hbm4b:s10+s6], $0x190, $0x38;
	[tilespmem:$0x1F590] =	vst v63  }
0x28: {  	_ =	swait.ge [sflag:s17], $0x190  }
0x29: {  	[sflag:s17] =	ssyncset.done $0x0  }
0x2a: {  	[sflag:s17] =	ssyncadd.s32 $0xFFFFFE70  }
0x2b: {  	[tilespmem:s18], [sflag:$0x5] =	stream.linear.gather [hbm4b:s11+s6], $0x190, $0x38;
	[tilespmem:$0x1F590] =	vst v63  }
0x2c: {  	_ =	swait.ge [sflag:s17], $0x190  }
.Ltmp2:
0x2d: {  	[sflag:s17] =	ssyncset.done $0x0;
	(pc) =	sbr.rel .LBB2_2-.Ltmp2, $4  }
0x2e: {  	s31 =	simm.s32 $0x640;
	[sflag:s17] =	ssyncadd.s32 $0xFFFFFE70  }
0x2f: {  	[tilespmem:s31], [sflag:$0x1] =	stream.indirect.gather [hbm4b:s4+s19], $0x10, s18, s19, $0xb8;
	[tilespmem:$0x1F590] =	vst v63  }
0x30: {  	s30 =	simm.s32 $0x0  }
0x31: {  	[tilespmem:s21], [sflag:$0x1] =	stream.indirect.gather [hbm4b:s7+s19], $0x50, s6, s19, $0xb8;
	[tilespmem:$0x1F590] =	vst v63  }
.LBB2_8:
0x32: {  	s30 =	sadd.s32 $0x1, s30  }
0x33: {  	p1 =	sne.s32 s30, $0xD  }
.Ltmp3:
0x34: {  	_ = 	snop;
	(pc) =	sbr.rel @!p1 .LBB2_9-.Ltmp3, $1  }
0x35: {  	_ =	sdelay $0x3  }
.LBB2_2:
0x36: {  	s0 =	sshllo.u32 s30, $0x1  }
0x37: {  	p1 =	sgt.u32 s0, $0x18  }
0x38: {  	p2 =	seq.s32 @!p1 s30, $0x0  }
0x39: {  	s0 =	smul.u32 @!p1 $0x190, s0;
	p2 =	por p2, p1  }
0x3a: {  	s3 =	simm.s32 @!p2 $0x4  }
0x3b: {  	s0 =	sadd.s32 @!p1 s8, s0;
	_ =	swait.ge @!p2 [sflag:s3], $0x7D00  }
0x3c: {  	s20 =	simm.s32 @!p1 $0x0;
	s0 =	sshrl.u32 @!p1 s0, $0x3;
	[sflag:s3] =	ssyncset.done @!p2 $0x0  }
0x3d: {  	s31 =	simm.s32 @!p1 $0x190;
	[sflag:s3] =	ssyncadd.s32 @!p2 $0xFFFF8300;
	s3 =	sadd.s32 @!p1 s1, s0  }
0x3e: {  	[tilespmem:s31], [sflag:$0x5] =	stream.linear.gather @!p1 [hbm4b:s3+s20], $0x190, $0x38;
	[tilespmem:$0x1F590] =	vst v63  }
0x3f: {  	s3 =	simm.s32 @!p1 $0x5  }
0x40: {  	_ =	swait.ge @!p1 [sflag:s3], $0x190  }
0x41: {  	[sflag:s3] =	ssyncset.done @!p1 $0x0  }
0x42: {  	s9 =	simm.s32 @!p1 $0x4B0;
	s0 =	sadd.s32 @!p1 s2, s0;
	[sflag:s3] =	ssyncadd.s32 @!p1 $0xFFFFFE70  }
0x43: {  	[tilespmem:s9], [sflag:$0x5] =	stream.linear.gather @!p1 [hbm4b:s0+s20], $0x190, $0x38;
	[tilespmem:$0x1F590] =	vst v63  }
0x44: {  	_ =	swait.ge @!p1 [sflag:s3], $0x190  }
0x45: {  	[sflag:s3] =	ssyncset.done @!p1 $0x0  }
0x46: {  	s0 =	simm.s32 @!p1 $0x1F40;
	[sflag:s3] =	ssyncadd.s32 @!p1 $0xFFFFFE70  }
0x47: {  	[tilespmem:s0], [sflag:$0x2] =	stream.indirect.gather @!p1 [hbm4b:s4+s31], $0x10, s9, s31, $0xb8;
	[tilespmem:$0x1F590] =	vst v63  }
0x48: {  	s0 =	simm.s32 @!p1 $0xB540  }
0x49: {  	[tilespmem:s0], [sflag:$0x2] =	stream.indirect.gather @!p1 [hbm4b:s7+s31], $0x50, s31, s31, $0xb8;
	[tilespmem:$0x1F590] =	vst v63  }
0x4a: {  	_ =	swait.ge [sflag:s22], $0x1900  }
0x4b: {  	[sflag:s22] =	ssyncset.done $0x0  }
0x4c: {  	[sflag:s22] =	ssyncadd.s32 $0xFFFFE700  }
0x4d: {  	_ =	swait.ge [sflag:s22], $0x7D00  }
0x4e: {  	[sflag:s22] =	ssyncset.done $0x0  }
0x4f: {  	s31 =	simm.s32 $0x38E0;
	[sflag:s22] =	ssyncadd.s32 $0xFFFF8300  }
0x50: {  	s0 =	simm.s32 $0x660;
	v4 =	vld [tilespmem:s31+$0xFFFFFFA0]  }
0x51: {  	v5 =	vld [tilespmem:s0+$0xFFFFFFE0];
	_ =	sdelay $0x4  }
0x52: {  	v4 =	vadd.f32 v5, v4;
	_ =	sdelay $0x1  }
0x53: {  	v5 =	vmul.f32 $2.000000030e-01, v4;
	_ =	sdelay $0x1  }
0x54: {  	v4 =	vmax.f32 v4, v5  }
0x55: {  	v4 =	vmul.f32 $1.442695020e+00, v4;
	_ =	sdelay $0x1  }
0x56: {  	(erf) = vpow2.f32 v4;
	_ =	sdelay $0x6  }
0x57: {  	v4 =	vld [tilespmem:s31+$0xFFFFFF70]  }
0x58: {  	v5 =	vld [tilespmem:s31+$0xFFFFFF90]  }
0x59: {  	v6 =	vld [tilespmem:s31+$0xFFFFFF60];
	v7 =	vpop (erf)  }
0x5a: {  	v8 =	vld [tilespmem:s31+$0xFFFFFF80];
	v9 =	vperm.xlane v7, v1  }
0x5b: {  	v10 =	vperm.xlane v7, v3  }
0x5c: {  	v11 =	vperm.xlane v7, v0;
	v4 =	vmul.f32 v9, v4  }
0x5d: {  	v51 =	vperm.xlane v7, v2;
	[tilespmem:s31+$0xFFFFFFA0] =	vst v7;
	v5 =	vmul.f32 v10, v5  }
0x5e: {  	v6 =	vmul.f32 v11, v6;
	[tilespmem:s31+$0xFFFFFF70] =	vst v4  }
0x5f: {  	v4 =	vmul.f32 v51, v8;
	[tilespmem:s31+$0xFFFFFF90] =	vst v5  }
0x60: {  	[tilespmem:s31+$0xFFFFFF60] =	vst v6  }
0x61: {  	[tilespmem:s31+$0xFFFFFF80] =	vst v4;
	v4 =	vld [tilespmem:s31+$0xFFFFFFF0]  }
0x62: {  	v5 =	vld [tilespmem:s0+$0xFFFFFFF0];
	_ =	sdelay $0x4  }
0x63: {  	v4 =	vadd.f32 v5, v4;
	_ =	sdelay $0x1  }
0x64: {  	v5 =	vmul.f32 $2.000000030e-01, v4;
	_ =	sdelay $0x1  }
0x65: {  	v4 =	vmax.f32 v4, v5  }
0x66: {  	v4 =	vmul.f32 $1.442695020e+00, v4;
	_ =	sdelay $0x1  }
0x67: {  	(erf) = vpow2.f32 v4;
	_ =	sdelay $0x6  }
0x68: {  	v4 =	vld [tilespmem:s31+$0xFFFFFFB0]  }
0x69: {  	v5 =	vld [tilespmem:s31+$0xFFFFFFC0]  }
0x6a: {  	v52 =	vld [tilespmem:s31+$0xFFFFFFE0];
	v53 =	vpop (erf)  }
0x6b: {  	v54 =	vld [tilespmem:s31+$0xFFFFFFD0];
	v55 =	vperm.xlane v53, v0  }
0x6c: {  	v56 =	vperm.xlane v53, v1  }
0x6d: {  	v57 =	vperm.xlane v53, v3;
	v4 =	vmul.f32 v55, v4  }
0x6e: {  	[tilespmem:s31+$0xFFFFFFF0] =	vst v53;
	v7 =	vperm.xlane v53, v2;
	v5 =	vmul.f32 v56, v5  }
0x6f: {  	v6 =	vmul.f32 v57, v52;
	[tilespmem:s31+$0xFFFFFFB0] =	vst v4  }
0x70: {  	v4 =	vmul.f32 v7, v54;
	[tilespmem:s31+$0xFFFFFFC0] =	vst v5  }
0x71: {  	[tilespmem:s31+$0xFFFFFFE0] =	vst v6  }
0x72: {  	[tilespmem:s31+$0xFFFFFFD0] =	vst v4;
	v4 =	vld [tilespmem:s31+$0x40]  }
0x73: {  	v5 =	vld [tilespmem:s0+$0x0];
	_ =	sdelay $0x4  }
0x74: {  	v4 =	vadd.f32 v5, v4;
	_ =	sdelay $0x1  }
0x75: {  	v5 =	vmul.f32 $2.000000030e-01, v4;
	_ =	sdelay $0x1  }
0x76: {  	v4 =	vmax.f32 v4, v5  }
0x77: {  	v4 =	vmul.f32 $1.442695020e+00, v4;
	_ =	sdelay $0x1  }
0x78: {  	(erf) = vpow2.f32 v4;
	_ =	sdelay $0x6  }
0x79: {  	v4 =	vld [tilespmem:s31+$0x0]  }
0x7a: {  	v5 =	vld [tilespmem:s31+$0x30]  }
0x7b: {  	v58 =	vld [tilespmem:s31+$0x20];
	v59 =	vpop (erf)  }
0x7c: {  	v60 =	vld [tilespmem:s31+$0x10];
	v61 =	vperm.xlane v59, v0  }
0x7d: {  	v62 =	vperm.xlane v59, v3  }
0x7e: {  	v63 =	vperm.xlane v59, v2;
	v4 =	vmul.f32 v61, v4  }
0x7f: {  	[tilespmem:s31+$0x40] =	vst v59;
	v7 =	vperm.xlane v59, v1;
	v5 =	vmul.f32 v62, v5  }
0x80: {  	v6 =	vmul.f32 v63, v58;
	[tilespmem:s31+$0x0] =	vst v4  }
0x81: {  	v4 =	vmul.f32 v7, v60;
	[tilespmem:s31+$0x30] =	vst v5  }
0x82: {  	[tilespmem:s31+$0x20] =	vst v6  }
0x83: {  	[tilespmem:s31+$0x10] =	vst v4;
	v4 =	vld [tilespmem:s31+$0x90]  }
0x84: {  	v5 =	vld [tilespmem:s0+$0x10];
	_ =	sdelay $0x4  }
0x85: {  	v4 =	vadd.f32 v5, v4;
	_ =	sdelay $0x1  }
0x86: {  	v5 =	vmul.f32 $2.000000030e-01, v4;
	_ =	sdelay $0x1  }
0x87: {  	v4 =	vmax.f32 v4, v5  }
0x88: {  	v4 =	vmul.f32 $1.442695020e+00, v4;
	_ =	sdelay $0x1  }
0x89: {  	s20 =	simm.s32 $0x38E0;
	s3 =	simm.s32 $0x0;
	(erf) = vpow2.f32 v4  }
.LBB2_3:
0x8a: {  	_ =	sdelay $0x3  }
0x8b: {  	s3 =	sadd.s32 $0x4, s3;
	v4 =	vld [tilespmem:s31+$0x50];
	s20 =	sadd.s32 $0x140, s20;
	s0 =	sadd.s32 $0x40, s0  }
0x8c: {  	p2 =	slt.u32 s3, $0x18C;
	v5 =	vld [tilespmem:s31+$0x80]  }
0x8d: {  	v6 =	vld [tilespmem:s31+$0x60]  }
0x8e: {  	v7 =	vld [tilespmem:s31+$0x70]  }
0x8f: {  	v8 =	vpop (erf)  }
0x90: {  	[tilespmem:s31+$0x90] =	vst v8;
	v9 =	vperm.xlane v8, v0;
	v10 =	vperm.xlane v8, v1  }
0x91: {  	v11 =	vperm.xlane v8, v2;
	v8 =	vperm.xlane v8, v3  }
0x92: {  	v4 =	vmul.f32 v9, v4;
	v6 =	vmul.f32 v10, v6  }
0x93: {  	v7 =	vmul.f32 v11, v7;
	v5 =	vmul.f32 v8, v5  }
0x94: {  	[tilespmem:s31+$0x50] =	vst v4  }
0x95: {  	[tilespmem:s31+$0x60] =	vst v6  }
0x96: {  	[tilespmem:s31+$0x80] =	vst v5  }
0x97: {  	v4 =	vld [tilespmem:s20+$0xFFFFFFA0];
	[tilespmem:s31+$0x70] =	vst v7;
	s31 =	smov.u32 s20  }
0x98: {  	v5 =	vld [tilespmem:s0+$0xFFFFFFE0];
	_ =	sdelay $0x4  }
0x99: {  	v4 =	vadd.f32 v5, v4;
	_ =	sdelay $0x1  }
0x9a: {  	v5 =	vmul.f32 $2.000000030e-01, v4;
	_ =	sdelay $0x1  }
0x9b: {  	v4 =	vmax.f32 v4, v5  }
0x9c: {  	v4 =	vmul.f32 $1.442695020e+00, v4;
	_ =	sdelay $0x1  }
0x9d: {  	(erf) = vpow2.f32 v4;
	_ =	sdelay $0x4  }
0x9e: {  	v4 =	vld [tilespmem:s20+$0xFFFFFF80]  }
0x9f: {  	v5 =	vld [tilespmem:s20+$0xFFFFFF90]  }
0xa0: {  	v6 =	vld [tilespmem:s20+$0xFFFFFF70]  }
0xa1: {  	v7 =	vld [tilespmem:s20+$0xFFFFFF60]  }
0xa2: {  	v8 =	vpop (erf)  }
0xa3: {  	v9 =	vperm.xlane v8, v1;
	v10 =	vperm.xlane v8, v3  }
0xa4: {  	v11 =	vperm.xlane v8, v0;
	v12 =	vperm.xlane v8, v2  }
0xa5: {  	v6 =	vmul.f32 v9, v6;
	v5 =	vmul.f32 v10, v5  }
0xa6: {  	v4 =	vmul.f32 v12, v4;
	[tilespmem:s20+$0xFFFFFFA0] =	vst v8;
	v7 =	vmul.f32 v11, v7  }
0xa7: {  	[tilespmem:s20+$0xFFFFFF70] =	vst v6  }
0xa8: {  	[tilespmem:s20+$0xFFFFFF90] =	vst v5  }
0xa9: {  	[tilespmem:s20+$0xFFFFFF60] =	vst v7  }
0xaa: {  	[tilespmem:s20+$0xFFFFFF80] =	vst v4;
	v4 =	vld [tilespmem:s20+$0xFFFFFFF0]  }
0xab: {  	v5 =	vld [tilespmem:s0+$0xFFFFFFF0];
	_ =	sdelay $0x4  }
0xac: {  	v4 =	vadd.f32 v5, v4;
	_ =	sdelay $0x1  }
0xad: {  	v5 =	vmul.f32 $2.000000030e-01, v4;
	_ =	sdelay $0x1  }
0xae: {  	v4 =	vmax.f32 v4, v5  }
0xaf: {  	v4 =	vmul.f32 $1.442695020e+00, v4;
	_ =	sdelay $0x1  }
0xb0: {  	(erf) = vpow2.f32 v4;
	_ =	sdelay $0x4  }
0xb1: {  	v4 =	vld [tilespmem:s20+$0xFFFFFFE0]  }
0xb2: {  	v5 =	vld [tilespmem:s20+$0xFFFFFFC0]  }
0xb3: {  	v6 =	vld [tilespmem:s20+$0xFFFFFFB0]  }
0xb4: {  	v7 =	vld [tilespmem:s20+$0xFFFFFFD0]  }
0xb5: {  	v8 =	vpop (erf)  }
0xb6: {  	[tilespmem:s20+$0xFFFFFFF0] =	vst v8;
	v9 =	vperm.xlane v8, v0;
	v10 =	vperm.xlane v8, v1  }
0xb7: {  	v11 =	vperm.xlane v8, v2;
	v8 =	vperm.xlane v8, v3  }
0xb8: {  	v6 =	vmul.f32 v9, v6;
	v5 =	vmul.f32 v10, v5  }
0xb9: {  	v4 =	vmul.f32 v8, v4;
	v7 =	vmul.f32 v11, v7  }
0xba: {  	[tilespmem:s20+$0xFFFFFFB0] =	vst v6  }
0xbb: {  	[tilespmem:s20+$0xFFFFFFC0] =	vst v5  }
0xbc: {  	[tilespmem:s20+$0xFFFFFFE0] =	vst v4  }
0xbd: {  	[tilespmem:s20+$0xFFFFFFD0] =	vst v7;
	v4 =	vld [tilespmem:s20+$0x40]  }
0xbe: {  	v5 =	vld [tilespmem:s0+$0x0];
	_ =	sdelay $0x4  }
0xbf: {  	v4 =	vadd.f32 v5, v4;
	_ =	sdelay $0x1  }
0xc0: {  	v5 =	vmul.f32 $2.000000030e-01, v4;
	_ =	sdelay $0x1  }
0xc1: {  	v4 =	vmax.f32 v4, v5  }
0xc2: {  	v4 =	vmul.f32 $1.442695020e+00, v4;
	_ =	sdelay $0x1  }
0xc3: {  	(erf) = vpow2.f32 v4;
	_ =	sdelay $0x4  }
0xc4: {  	v4 =	vld [tilespmem:s20+$0x30]  }
0xc5: {  	v5 =	vld [tilespmem:s20+$0x10]  }
0xc6: {  	v6 =	vld [tilespmem:s20+$0x0]  }
0xc7: {  	v7 =	vld [tilespmem:s20+$0x20]  }
0xc8: {  	v8 =	vpop (erf)  }
0xc9: {  	[tilespmem:s20+$0x40] =	vst v8;
	v9 =	vperm.xlane v8, v0;
	v10 =	vperm.xlane v8, v1  }
0xca: {  	v11 =	vperm.xlane v8, v2;
	v8 =	vperm.xlane v8, v3  }
0xcb: {  	v6 =	vmul.f32 v9, v6;
	v5 =	vmul.f32 v10, v5  }
0xcc: {  	v4 =	vmul.f32 v8, v4;
	v7 =	vmul.f32 v11, v7  }
0xcd: {  	[tilespmem:s20+$0x0] =	vst v6  }
0xce: {  	[tilespmem:s20+$0x30] =	vst v4  }
0xcf: {  	[tilespmem:s20+$0x20] =	vst v7  }
0xd0: {  	[tilespmem:s20+$0x10] =	vst v5;
	v4 =	vld [tilespmem:s20+$0x90]  }
0xd1: {  	v5 =	vld [tilespmem:s0+$0x10];
	_ =	sdelay $0x4  }
0xd2: {  	v4 =	vadd.f32 v5, v4;
	_ =	sdelay $0x1  }
0xd3: {  	v5 =	vmul.f32 $2.000000030e-01, v4  }
.Ltmp4:
0xd4: {  	(pc) =	sbr.rel @p2 .LBB2_3-.Ltmp4, $3  }
0xd5: {  	v4 =	vmax.f32 v4, v5  }
0xd6: {  	v4 =	vmul.f32 $1.442695020e+00, v4;
	_ =	sdelay $0x1  }
0xd7: {  	(erf) = vpow2.f32 v4  }
0xd8: {  	_ =	sdelay $0x5  }
0xd9: {  	v4 =	vld [tilespmem:s31+$0x50]  }
0xda: {  	v5 =	vld [tilespmem:s31+$0x60]  }
0xdb: {  	v6 =	vld [tilespmem:s31+$0x80];
	v7 =	vpop (erf)  }
0xdc: {  	v8 =	vld [tilespmem:s31+$0x70];
	v9 =	vperm.xlane v7, v0  }
0xdd: {  	v10 =	vperm.xlane v7, v1  }
0xde: {  	v11 =	vperm.xlane v7, v3;
	v4 =	vmul.f32 v9, v4  }
0xdf: {  	[tilespmem:s31+$0x90] =	vst v7;
	v7 =	vperm.xlane v7, v2;
	v5 =	vmul.f32 v10, v5  }
0xe0: {  	v6 =	vmul.f32 v11, v6;
	[tilespmem:s31+$0x50] =	vst v4  }
0xe1: {  	v4 =	vmul.f32 v7, v8;
	[tilespmem:s31+$0x60] =	vst v5  }
0xe2: {  	p2 =	seq.s32 s30, $0xC;
	[tilespmem:s31+$0x80] =	vst v6  }
0xe3: {  	s0 =	smul.u32 @!p2 $0x320, s30;
	s3 =	simm.s32 @!p2 $0x3;
	[tilespmem:s31+$0x70] =	vst v4  }
0xe4: {  	[spmem:s5] =	stream.indirect.scatter.add.f32 [tilespmem:s21], [sflag:$0x3], $0x50, s18, s19, $0xb8;
	[tilespmem:$0x1F590] =	vst v63  }
0xe5: {  	s0 =	sadd.s32 @!p2 s0, s12;
	_ =	swait.ge @!p2 [sflag:s3], $0x7D00  }
0xe6: {  	s0 =	sshrl.u32 @!p2 s0, $0x3;
	[sflag:s3] =	ssyncset.done @!p2 $0x0  }
0xe7: {  	s9 =	simm.s32 @!p2 $0x0;
	[sflag:s3] =	ssyncadd.s32 @!p2 $0xFFFF8300;
	s3 =	sadd.s32 @!p2 s1, s0  }
0xe8: {  	[tilespmem:s9], [sflag:$0x5] =	stream.linear.gather @!p2 [hbm4b:s3+s9], $0x190, $0x38;
	[tilespmem:$0x1F590] =	vst v63  }
0xe9: {  	s3 =	simm.s32 @!p2 $0x5  }
0xea: {  	_ =	swait.ge @!p2 [sflag:s3], $0x190  }
0xeb: {  	[sflag:s3] =	ssyncset.done @!p2 $0x0  }
0xec: {  	s20 =	simm.s32 @!p2 $0x320;
	s0 =	sadd.s32 @!p2 s2, s0;
	[sflag:s3] =	ssyncadd.s32 @!p2 $0xFFFFFE70  }
0xed: {  	[tilespmem:s20], [sflag:$0x5] =	stream.linear.gather @!p2 [hbm4b:s0+s9], $0x190, $0x38;
	[tilespmem:$0x1F590] =	vst v63  }
0xee: {  	_ =	swait.ge @!p2 [sflag:s3], $0x190  }
.Ltmp5:
0xef: {  	[sflag:s3] =	ssyncset.done @!p2 $0x0;
	(pc) =	sbr.rel @p1 .LBB2_8-.Ltmp5, $4  }
0xf0: {  	s0 =	simm.s32 @!p2 $0x190;
	[sflag:s3] =	ssyncadd.s32 @!p2 $0xFFFFFE70;
	s3 =	simm.s32 @!p2 $0x640  }
0xf1: {  	[tilespmem:s3], [sflag:$0x1] =	stream.indirect.gather @!p2 [hbm4b:s4+s0], $0x10, s20, s0, $0xb8;
	[tilespmem:$0x1F590] =	vst v63  }
0xf2: {  	s3 =	simm.s32 @!p2 $0x3840  }
0xf3: {  	[tilespmem:s3], [sflag:$0x1] =	stream.indirect.gather @!p2 [hbm4b:s7+s0], $0x50, s9, s0, $0xb8;
	[tilespmem:$0x1F590] =	vst v63  }
0xf4: {  	_ =	swait.ge [sflag:s23], $0x1900  }
0xf5: {  	[sflag:s23] =	ssyncset.done $0x0  }
0xf6: {  	[sflag:s23] =	ssyncadd.s32 $0xFFFFE700  }
0xf7: {  	_ =	swait.ge [sflag:s23], $0x7D00  }
0xf8: {  	[sflag:s23] =	ssyncset.done $0x0  }
0xf9: {  	s31 =	simm.s32 $0xB670;
	[sflag:s23] =	ssyncadd.s32 $0xFFFF8300  }
0xfa: {  	s0 =	simm.s32 $0x1F70;
	v4 =	vld [tilespmem:s31+$0xFFFFFF10]  }
0xfb: {  	v5 =	vld [tilespmem:s0+$0xFFFFFFD0];
	_ =	sdelay $0x4  }
0xfc: {  	v4 =	vadd.f32 v5, v4;
	_ =	sdelay $0x1  }
0xfd: {  	v5 =	vmul.f32 $2.000000030e-01, v4;
	_ =	sdelay $0x1  }
0xfe: {  	v4 =	vmax.f32 v4, v5  }
0xff: {  	v4 =	vmul.f32 $1.442695020e+00, v4;
	_ =	sdelay $0x1  }
0x100: {  	(erf) = vpow2.f32 v4;
	_ =	sdelay $0x6  }
0x101: {  	v4 =	vld [tilespmem:s31+$0xFFFFFEE0]  }
0x102: {  	v5 =	vld [tilespmem:s31+$0xFFFFFF00]  }
0x103: {  	v6 =	vld [tilespmem:s31+$0xFFFFFED0];
	v7 =	vpop (erf)  }
0x104: {  	v8 =	vld [tilespmem:s31+$0xFFFFFEF0];
	v9 =	vperm.xlane v7, v1  }
0x105: {  	v10 =	vperm.xlane v7, v3  }
0x106: {  	v11 =	vperm.xlane v7, v0;
	v4 =	vmul.f32 v9, v4  }
0x107: {  	v51 =	vperm.xlane v7, v2;
	[tilespmem:s31+$0xFFFFFF10] =	vst v7;
	v5 =	vmul.f32 v10, v5  }
0x108: {  	v6 =	vmul.f32 v11, v6;
	[tilespmem:s31+$0xFFFFFEE0] =	vst v4  }
0x109: {  	v4 =	vmul.f32 v51, v8;
	[tilespmem:s31+$0xFFFFFF00] =	vst v5  }
0x10a: {  	[tilespmem:s31+$0xFFFFFED0] =	vst v6  }
0x10b: {  	[tilespmem:s31+$0xFFFFFEF0] =	vst v4;
	v4 =	vld [tilespmem:s31+$0xFFFFFF60]  }
0x10c: {  	v5 =	vld [tilespmem:s0+$0xFFFFFFE0];
	_ =	sdelay $0x4  }
0x10d: {  	v4 =	vadd.f32 v5, v4;
	_ =	sdelay $0x1  }
0x10e: {  	v5 =	vmul.f32 $2.000000030e-01, v4;
	_ =	sdelay $0x1  }
0x10f: {  	v4 =	vmax.f32 v4, v5  }
0x110: {  	v4 =	vmul.f32 $1.442695020e+00, v4;
	_ =	sdelay $0x1  }
0x111: {  	(erf) = vpow2.f32 v4;
	_ =	sdelay $0x6  }
0x112: {  	v4 =	vld [tilespmem:s31+$0xFFFFFF20]  }
0x113: {  	v5 =	vld [tilespmem:s31+$0xFFFFFF30]  }
0x114: {  	v52 =	vld [tilespmem:s31+$0xFFFFFF50];
	v53 =	vpop (erf)  }
0x115: {  	v54 =	vld [tilespmem:s31+$0xFFFFFF40];
	v55 =	vperm.xlane v53, v0  }
0x116: {  	v56 =	vperm.xlane v53, v1  }
0x117: {  	v57 =	vperm.xlane v53, v3;
	v4 =	vmul.f32 v55, v4  }
0x118: {  	[tilespmem:s31+$0xFFFFFF60] =	vst v53;
	v7 =	vperm.xlane v53, v2;
	v5 =	vmul.f32 v56, v5  }
0x119: {  	v6 =	vmul.f32 v57, v52;
	[tilespmem:s31+$0xFFFFFF20] =	vst v4  }
0x11a: {  	v4 =	vmul.f32 v7, v54;
	[tilespmem:s31+$0xFFFFFF30] =	vst v5  }
0x11b: {  	[tilespmem:s31+$0xFFFFFF50] =	vst v6  }
0x11c: {  	[tilespmem:s31+$0xFFFFFF40] =	vst v4;
	v4 =	vld [tilespmem:s31+$0xFFFFFFB0]  }
0x11d: {  	v5 =	vld [tilespmem:s0+$0xFFFFFFF0];
	_ =	sdelay $0x4  }
0x11e: {  	v4 =	vadd.f32 v5, v4;
	_ =	sdelay $0x1  }
0x11f: {  	v5 =	vmul.f32 $2.000000030e-01, v4;
	_ =	sdelay $0x1  }
0x120: {  	v4 =	vmax.f32 v4, v5  }
0x121: {  	v4 =	vmul.f32 $1.442695020e+00, v4;
	_ =	sdelay $0x1  }
0x122: {  	(erf) = vpow2.f32 v4;
	_ =	sdelay $0x6  }
0x123: {  	v4 =	vld [tilespmem:s31+$0xFFFFFF70]  }
0x124: {  	v5 =	vld [tilespmem:s31+$0xFFFFFFA0]  }
0x125: {  	v58 =	vld [tilespmem:s31+$0xFFFFFF90];
	v59 =	vpop (erf)  }
0x126: {  	v60 =	vld [tilespmem:s31+$0xFFFFFF80];
	v61 =	vperm.xlane v59, v0  }
0x127: {  	v62 =	vperm.xlane v59, v3  }
0x128: {  	v63 =	vperm.xlane v59, v2;
	v4 =	vmul.f32 v61, v4  }
0x129: {  	[tilespmem:s31+$0xFFFFFFB0] =	vst v59;
	v7 =	vperm.xlane v59, v1;
	v5 =	vmul.f32 v62, v5  }
0x12a: {  	v6 =	vmul.f32 v63, v58;
	[tilespmem:s31+$0xFFFFFF70] =	vst v4  }
0x12b: {  	v4 =	vmul.f32 v7, v60;
	[tilespmem:s31+$0xFFFFFFA0] =	vst v5  }
0x12c: {  	[tilespmem:s31+$0xFFFFFF90] =	vst v6  }
0x12d: {  	[tilespmem:s31+$0xFFFFFF80] =	vst v4;
	v4 =	vld [tilespmem:s31+$0x0]  }
0x12e: {  	v5 =	vld [tilespmem:s0+$0x0];
	_ =	sdelay $0x4  }
0x12f: {  	v4 =	vadd.f32 v5, v4;
	_ =	sdelay $0x1  }
0x130: {  	v5 =	vmul.f32 $2.000000030e-01, v4;
	_ =	sdelay $0x1  }
0x131: {  	v4 =	vmax.f32 v4, v5  }
0x132: {  	v4 =	vmul.f32 $1.442695020e+00, v4;
	_ =	sdelay $0x1  }
0x133: {  	s3 =	simm.s32 $0x0;
	s20 =	simm.s32 $0xB670;
	(erf) = vpow2.f32 v4  }
.LBB2_6:
0x134: {  	_ =	sdelay $0x3  }
0x135: {  	s3 =	sadd.s32 $0x4, s3;
	v4 =	vld [tilespmem:s31+$0xFFFFFFF0];
	s20 =	sadd.s32 $0x140, s20;
	s0 =	sadd.s32 $0x40, s0  }
0x136: {  	p1 =	slt.u32 s3, $0x18C;
	v5 =	vld [tilespmem:s31+$0xFFFFFFC0]  }
0x137: {  	v6 =	vld [tilespmem:s31+$0xFFFFFFD0]  }
0x138: {  	v7 =	vld [tilespmem:s31+$0xFFFFFFE0]  }
0x139: {  	v8 =	vpop (erf)  }
0x13a: {  	[tilespmem:s31+$0x0] =	vst v8;
	v9 =	vperm.xlane v8, v0;
	v10 =	vperm.xlane v8, v1  }
0x13b: {  	v11 =	vperm.xlane v8, v2;
	v8 =	vperm.xlane v8, v3  }
0x13c: {  	v5 =	vmul.f32 v9, v5;
	v6 =	vmul.f32 v10, v6  }
0x13d: {  	v7 =	vmul.f32 v11, v7;
	v4 =	vmul.f32 v8, v4  }
0x13e: {  	[tilespmem:s31+$0xFFFFFFC0] =	vst v5  }
0x13f: {  	[tilespmem:s31+$0xFFFFFFD0] =	vst v6  }
0x140: {  	[tilespmem:s31+$0xFFFFFFF0] =	vst v4  }
0x141: {  	v4 =	vld [tilespmem:s20+$0xFFFFFF10];
	[tilespmem:s31+$0xFFFFFFE0] =	vst v7;
	s31 =	smov.u32 s20  }
0x142: {  	v5 =	vld [tilespmem:s0+$0xFFFFFFD0];
	_ =	sdelay $0x4  }
0x143: {  	v4 =	vadd.f32 v5, v4;
	_ =	sdelay $0x1  }
0x144: {  	v5 =	vmul.f32 $2.000000030e-01, v4;
	_ =	sdelay $0x1  }
0x145: {  	v4 =	vmax.f32 v4, v5  }
0x146: {  	v4 =	vmul.f32 $1.442695020e+00, v4;
	_ =	sdelay $0x1  }
0x147: {  	(erf) = vpow2.f32 v4;
	_ =	sdelay $0x4  }
0x148: {  	v4 =	vld [tilespmem:s20+$0xFFFFFEF0]  }
0x149: {  	v5 =	vld [tilespmem:s20+$0xFFFFFF00]  }
0x14a: {  	v6 =	vld [tilespmem:s20+$0xFFFFFEE0]  }
0x14b: {  	v7 =	vld [tilespmem:s20+$0xFFFFFED0]  }
0x14c: {  	v8 =	vpop (erf)  }
0x14d: {  	v9 =	vperm.xlane v8, v1;
	v10 =	vperm.xlane v8, v3  }
0x14e: {  	v11 =	vperm.xlane v8, v0;
	v12 =	vperm.xlane v8, v2  }
0x14f: {  	v6 =	vmul.f32 v9, v6;
	v5 =	vmul.f32 v10, v5  }
0x150: {  	v4 =	vmul.f32 v12, v4;
	[tilespmem:s20+$0xFFFFFF10] =	vst v8;
	v7 =	vmul.f32 v11, v7  }
0x151: {  	[tilespmem:s20+$0xFFFFFEE0] =	vst v6  }
0x152: {  	[tilespmem:s20+$0xFFFFFF00] =	vst v5  }
0x153: {  	[tilespmem:s20+$0xFFFFFED0] =	vst v7  }
0x154: {  	[tilespmem:s20+$0xFFFFFEF0] =	vst v4;
	v4 =	vld [tilespmem:s20+$0xFFFFFF60]  }
0x155: {  	v5 =	vld [tilespmem:s0+$0xFFFFFFE0];
	_ =	sdelay $0x4  }
0x156: {  	v4 =	vadd.f32 v5, v4;
	_ =	sdelay $0x1  }
0x157: {  	v5 =	vmul.f32 $2.000000030e-01, v4;
	_ =	sdelay $0x1  }
0x158: {  	v4 =	vmax.f32 v4, v5  }
0x159: {  	v4 =	vmul.f32 $1.442695020e+00, v4;
	_ =	sdelay $0x1  }
0x15a: {  	(erf) = vpow2.f32 v4;
	_ =	sdelay $0x4  }
0x15b: {  	v4 =	vld [tilespmem:s20+$0xFFFFFF50]  }
0x15c: {  	v5 =	vld [tilespmem:s20+$0xFFFFFF30]  }
0x15d: {  	v6 =	vld [tilespmem:s20+$0xFFFFFF20]  }
0x15e: {  	v7 =	vld [tilespmem:s20+$0xFFFFFF40]  }
0x15f: {  	v8 =	vpop (erf)  }
0x160: {  	[tilespmem:s20+$0xFFFFFF60] =	vst v8;
	v9 =	vperm.xlane v8, v0;
	v10 =	vperm.xlane v8, v1  }
0x161: {  	v11 =	vperm.xlane v8, v2;
	v8 =	vperm.xlane v8, v3  }
0x162: {  	v6 =	vmul.f32 v9, v6;
	v5 =	vmul.f32 v10, v5  }
0x163: {  	v4 =	vmul.f32 v8, v4;
	v7 =	vmul.f32 v11, v7  }
0x164: {  	[tilespmem:s20+$0xFFFFFF20] =	vst v6  }
0x165: {  	[tilespmem:s20+$0xFFFFFF30] =	vst v5  }
0x166: {  	[tilespmem:s20+$0xFFFFFF50] =	vst v4  }
0x167: {  	[tilespmem:s20+$0xFFFFFF40] =	vst v7;
	v4 =	vld [tilespmem:s20+$0xFFFFFFB0]  }
0x168: {  	v5 =	vld [tilespmem:s0+$0xFFFFFFF0];
	_ =	sdelay $0x4  }
0x169: {  	v4 =	vadd.f32 v5, v4;
	_ =	sdelay $0x1  }
0x16a: {  	v5 =	vmul.f32 $2.000000030e-01, v4;
	_ =	sdelay $0x1  }
0x16b: {  	v4 =	vmax.f32 v4, v5  }
0x16c: {  	v4 =	vmul.f32 $1.442695020e+00, v4;
	_ =	sdelay $0x1  }
0x16d: {  	(erf) = vpow2.f32 v4;
	_ =	sdelay $0x4  }
0x16e: {  	v4 =	vld [tilespmem:s20+$0xFFFFFFA0]  }
0x16f: {  	v5 =	vld [tilespmem:s20+$0xFFFFFF80]  }
0x170: {  	v6 =	vld [tilespmem:s20+$0xFFFFFF70]  }
0x171: {  	v7 =	vld [tilespmem:s20+$0xFFFFFF90]  }
0x172: {  	v8 =	vpop (erf)  }
0x173: {  	[tilespmem:s20+$0xFFFFFFB0] =	vst v8;
	v9 =	vperm.xlane v8, v0;
	v10 =	vperm.xlane v8, v1  }
0x174: {  	v11 =	vperm.xlane v8, v2;
	v8 =	vperm.xlane v8, v3  }
0x175: {  	v6 =	vmul.f32 v9, v6;
	v5 =	vmul.f32 v10, v5  }
0x176: {  	v4 =	vmul.f32 v8, v4;
	v7 =	vmul.f32 v11, v7  }
0x177: {  	[tilespmem:s20+$0xFFFFFF70] =	vst v6  }
0x178: {  	[tilespmem:s20+$0xFFFFFFA0] =	vst v4  }
0x179: {  	[tilespmem:s20+$0xFFFFFF90] =	vst v7  }
0x17a: {  	[tilespmem:s20+$0xFFFFFF80] =	vst v5;
	v4 =	vld [tilespmem:s20+$0x0]  }
0x17b: {  	v5 =	vld [tilespmem:s0+$0x0];
	_ =	sdelay $0x4  }
0x17c: {  	v4 =	vadd.f32 v5, v4;
	_ =	sdelay $0x1  }
0x17d: {  	v5 =	vmul.f32 $2.000000030e-01, v4  }
.Ltmp6:
0x17e: {  	(pc) =	sbr.rel @p1 .LBB2_6-.Ltmp6, $3  }
0x17f: {  	v4 =	vmax.f32 v4, v5  }
0x180: {  	v4 =	vmul.f32 $1.442695020e+00, v4;
	_ =	sdelay $0x1  }
0x181: {  	(erf) = vpow2.f32 v4  }
0x182: {  	_ =	sdelay $0x5  }
0x183: {  	v4 =	vld [tilespmem:s31+$0xFFFFFFC0]  }
0x184: {  	v5 =	vld [tilespmem:s31+$0xFFFFFFD0]  }
0x185: {  	v6 =	vld [tilespmem:s31+$0xFFFFFFF0];
	v7 =	vpop (erf)  }
0x186: {  	v8 =	vld [tilespmem:s31+$0xFFFFFFE0];
	v9 =	vperm.xlane v7, v0  }
0x187: {  	v10 =	vperm.xlane v7, v1  }
0x188: {  	v11 =	vperm.xlane v7, v3;
	v4 =	vmul.f32 v9, v4  }
0x189: {  	[tilespmem:s31+$0x0] =	vst v7;
	v7 =	vperm.xlane v7, v2;
	v5 =	vmul.f32 v10, v5  }
.Ltmp7:
0x18a: {  	v6 =	vmul.f32 v11, v6;
	[tilespmem:s31+$0xFFFFFFC0] =	vst v4;
	(pc) =	sbr.rel .LBB2_8-.Ltmp7, $4  }
0x18b: {  	v4 =	vmul.f32 v7, v8;
	[tilespmem:s31+$0xFFFFFFD0] =	vst v5  }
0x18c: {  	[tilespmem:s31+$0xFFFFFFF0] =	vst v6  }
0x18d: {  	[tilespmem:s31+$0xFFFFFFE0] =	vst v4  }
0x18e: {  	[spmem:s5] =	stream.indirect.scatter.add.f32 [tilespmem:s25], [sflag:$0x4], $0x50, s24, s19, $0xb8;
	[tilespmem:$0x1F590] =	vst v63  }
.LBB2_10:
0x18f: {  	_ =	sfence.sel $0x180000  }
0x190: {  	[bflag:$0x0] =	sbarrier.arrive $0xFFFF  }
0x191: {  	_ =	strace $0x90000047  }
0x192: {  	s0 =	stileid.u32;
	[bflag:$0x2] =	sbarrier.arrive $0xFFFF  }
0x193: {  	p0 =	sne.s32 s0, $0x0;
	s0 =	rddreg [dreg:$0x5]  }
0x194: {  	s0 =	sadd.s32 @!p0 $0x100000, s0  }
0x195: {  	[sflag:s0] =	ssyncadd.tile.s32 @!p0 $0x1;
	_ =	shalt  }
.Lfunc_end2:
_tile_overlayer_lowered:
.L_overlay_start_2:
0x196: {  	(tag) =	ssettag $0x2  }
0x197: {  	s0 =	rddreg [dreg:$0x0];
	s2 =	stileid.u32  }
0x198: {  	s1 =	rddreg [dreg:$0x1];
	p0 =	sne.s32 s2, $0x0  }
0x199: {  	s3 =	rddreg [dreg:$0x2];
	[bflag:$0x3] =	sbarrier.arrive $0xFFFF;
	s2 =	simm.s32 @!p0 $0x1C05  }
0x19a: {  	[timem:s3], [sflag:s2] =	dma.local @!p0 [hbm:s0], s1  }
0x19b: {  	s0 =	simm.s32 @!p0 $0x5  }
0x19c: {  	_ =	swait.ge @!p0 [sflag:s0], s1  }
0x19d: {  	s1 =	ssub.s32 @!p0 $0x0, s1;
	[sflag:s0] =	ssyncset.done @!p0 $0x0  }
0x19e: {  	[sflag:s0] =	ssyncadd.s32 @!p0 s1  }
0x19f: {  	[bflag:$0x3] =	sbarrier.arrive $0xFFFF  }
0x1a0: {  	_ =	shalt  }

</sc_bundles>
